<compile_context>
chip_gen: v7x
topology: tpu7x:2x2x1
jax: 0.10.2.dev20260603
libtpu: 0.0.44.dev20260713+nightly
codegen_flags: <defaults>
</compile_context>

<pallas_src>
import functools

import jax
import jax.numpy as jnp
import numpy as np
from jax import lax
from jax.experimental import pallas as pl
from jax.experimental.pallas import tpu as pltpu
from jax.experimental.pallas import tpu_sc as plsc

LAT_MIN, LAT_MAX = -90.0, 90.0
LON_MIN, LON_MAX = -180.0, 180.0
BINS = 100
EMBED_DIM = 64
BATCH = 16384

NC, NS, L = 2, 16, 16
NW = NC * NS
CHUNK = BATCH // NW
GATHER = 128
NGATHER = 2 * CHUNK // GATHER
GROUPS_PER_GATHER = GATHER // (2 * L)
NPAIR = NGATHER // 2

_PAD = 112


def _buckets(lo, hi):
    b = np.linspace(lo, hi, BINS - 1).astype(np.float32)
    return np.pad(b, (0, _PAD - (BINS - 1)), constant_values=b[-1])


BKS = np.stack([_buckets(LAT_MIN, LAT_MAX), _buckets(LON_MIN, LON_MAX)])


def _digitize(x, bk_ref, lo, hi):
    scale = float(BINS - 2) / (hi - lo)
    t = (x - lo) * scale
    t = jnp.minimum(jnp.maximum(t, -1.0), float(BINS + 1))
    i = t.astype(jnp.int32) + 1
    i = jnp.clip(i, 0, BINS - 1)
    for _ in range(1):
        b_lo = plsc.load_gather(bk_ref, [jnp.clip(i - 1, 0, BINS - 2)])
        b_hi = plsc.load_gather(bk_ref, [jnp.clip(i, 0, BINS - 2)])
        dec = (i > 0) & (b_lo > x)
        inc = (i < BINS - 1) & (b_hi <= x)
        i = jnp.where(dec, i - 1, jnp.where(inc, i + 1, i))
    return i


@functools.partial(
    pl.kernel,
    out_type=jax.ShapeDtypeStruct((2 * BATCH, EMBED_DIM), jnp.float32),
    mesh=plsc.VectorSubcoreMesh(
        core_axis_name="c", subcore_axis_name="s", num_cores=NC, num_subcores=NS
    ),
    compiler_params=pltpu.CompilerParams(
        needs_layout_passes=False, use_tc_tiling_on_sc=False
    ),
    scratch_types=[
        pltpu.VMEM((CHUNK,), jnp.float32),
        pltpu.VMEM((CHUNK,), jnp.float32),
        pltpu.VMEM((2, _PAD), jnp.float32),
        pltpu.VMEM((NGATHER, GATHER), jnp.int32),
        pltpu.VMEM((2 * CHUNK, EMBED_DIM), jnp.float32),
        pltpu.VMEM_SHARED((2 * BINS, EMBED_DIM), jnp.float32),
        pltpu.SemaphoreType.DMA,
        pltpu.SemaphoreType.DMA,
        pltpu.SemaphoreType.DMA,
        pltpu.SemaphoreType.DMA,
        pltpu.SemaphoreType.DMA,
        pltpu.SemaphoreType.DMA,
        pltpu.SemaphoreType.DMA,
    ],
)
def _embed_sc(lat, lon, lat_table, lon_table, bks, out,
              lat_v, lon_v, bk_v, idx_v, rows_v, table_v,
              in_sem, tbl_sem, g0, g1, g2, g3, out_sem):
    sid = lax.axis_index("s")
    wid = sid * NC + lax.axis_index("c")
    base = wid * CHUNK
    gsems = [g0, g1, g2, g3]

    tbl_cps = [
        pltpu.make_async_copy(lat_table, table_v.at[pl.ds(0, BINS)], tbl_sem),
        pltpu.make_async_copy(lon_table, table_v.at[pl.ds(BINS, BINS)], tbl_sem),
    ]

    @pl.when(sid == 0)
    def _stage_table():
        for cp in tbl_cps:
            cp.start()

    in_cps = [
        pltpu.make_async_copy(lat.at[pl.ds(base, CHUNK)], lat_v, in_sem),
        pltpu.make_async_copy(lon.at[pl.ds(base, CHUNK)], lon_v, in_sem),
        pltpu.make_async_copy(bks, bk_v, in_sem),
    ]
    for cp in in_cps:
        cp.start()
    for cp in in_cps:
        cp.wait()

    lane2 = 2 * lax.iota(jnp.int32, L)

    def _digitize_chunk(j):
        for k in range(GROUPS_PER_GATHER):
            g = GROUPS_PER_GATHER * j + k
            x_lat = lat_v[pl.ds(g * L, L)]
            x_lon = lon_v[pl.ds(g * L, L)]
            i_lat = _digitize(x_lat, bk_v.at[0], LAT_MIN, LAT_MAX)
            i_lon = _digitize(x_lon, bk_v.at[1], LON_MIN, LON_MAX) + BINS
            col = 2 * L * k + lane2
            plsc.store_scatter(idx_v.at[j], [col], i_lat)
            plsc.store_scatter(idx_v.at[j], [col + 1], i_lon)

    _digitize_chunk(0)

    @pl.when(sid == 0)
    def _wait_table():
        for cp in tbl_cps:
            cp.wait()

    plsc.subcore_barrier()

    gather_cps = []
    for j in range(NGATHER):
        cp = pltpu.make_async_copy(
            table_v.at[idx_v.at[j]],
            rows_v.at[pl.ds(j * GATHER, GATHER)],
            gsems[j // 2],
        )
        cp.start()
        gather_cps.append(cp)
        if j + 1 < NGATHER:
            _digitize_chunk(j + 1)

    out_cps = []
    for p in range(NPAIR):
        gather_cps[2 * p].wait()
        gather_cps[2 * p + 1].wait()
        cp = pltpu.make_async_copy(
            rows_v.at[pl.ds(p * 2 * GATHER, 2 * GATHER)],
            out.at[pl.ds(2 * base + p * 2 * GATHER, 2 * GATHER)],
            out_sem,
        )
        cp.start()
        out_cps.append(cp)
    for cp in out_cps:
        cp.wait()


def kernel(lat, lon, lat_table, lon_table):
    out = _embed_sc(lat, lon, lat_table, lon_table, jnp.asarray(BKS))
    return out.reshape(BATCH, 2 * EMBED_DIM)

# --- scband reference (transcript-rebuilt; emitter-appended) ---
"""Pipeline reference for scband-embedding-layer-38208029066061 (READ-ONLY COPY).

The authoritative reference and input builder live on the scoring server;
editing this copy changes nothing except your own understanding.
"""

import jax, jax.numpy as jnp
import numpy as np

LAT_MIN, LAT_MAX = -90.0, 90.0
LON_MIN, LON_MAX = -180.0, 180.0
BINS = 100
EMBED_DIM = 64
BATCH = 16384


def setup_inputs(seed: int = 0) -> dict:
    key = jax.random.key(seed)
    k1, k2, k3, k4 = jax.random.split(key, 4)
    lat = jax.random.uniform(k1, (BATCH,), dtype=jnp.float32)
    lon = jax.random.uniform(k2, (BATCH,), dtype=jnp.float32)
    lat_table = jax.random.normal(k3, (BINS, EMBED_DIM), dtype=jnp.float32)
    lon_table = jax.random.normal(k4, (BINS, EMBED_DIM), dtype=jnp.float32)
    return {"lat": lat, "lon": lon, "lat_table": lat_table, "lon_table": lon_table}


def reference(lat, lon, lat_table, lon_table):
    # input_fn: digitize lat/lon into bins (np.digitize(x, b) == searchsorted(b, x, side='right'))
    lat_buckets = jnp.asarray(np.linspace(LAT_MIN, LAT_MAX, BINS - 1), dtype=jnp.float32)
    lon_buckets = jnp.asarray(np.linspace(LON_MIN, LON_MAX, BINS - 1), dtype=jnp.float32)
    lat_idx = jnp.searchsorted(lat_buckets, lat, side='right')
    lon_idx = jnp.searchsorted(lon_buckets, lon, side='right')
    # LatLongEmbedding: two embedding lookups + concat on last dim
    lat_embeds = jnp.take(lat_table, lat_idx, axis=0)
    lon_embeds = jnp.take(lon_table, lon_idx, axis=0)
    combined = jnp.concatenate([lat_embeds, lon_embeds], axis=-1)
    return combined

if __name__ == "__main__":
    import jax
    _d = setup_inputs()
    print(jax.jit(kernel)(*tuple(_d.values())))

</pallas_src>

<mosaic_0001>
#map = affine_map<(d0, d1) -> (0)>
#map1 = affine_map<(d0, d1) -> (0, 0)>
module attributes {stable_mosaic.version = 14 : i64} {
  func.func @_embed_sc(%arg0: i32, %arg1: i32, %arg2: memref<16384xf32, #tpu.memory_space<hbm>>, %arg3: memref<16384xf32, #tpu.memory_space<hbm>>, %arg4: memref<100x64xf32, #tpu.memory_space<hbm>>, %arg5: memref<100x64xf32, #tpu.memory_space<hbm>>, %arg6: memref<2x112xf32, #tpu.memory_space<hbm>>, %arg7: memref<32768x64xf32, #tpu.memory_space<hbm>>, %arg8: memref<512xf32, #tpu.memory_space<vmem>>, %arg9: memref<512xf32, #tpu.memory_space<vmem>>, %arg10: memref<2x112xf32, #tpu.memory_space<vmem>>, %arg11: memref<8x128xi32, #tpu.memory_space<vmem>>, %arg12: memref<1024x64xf32, #tpu.memory_space<vmem>>, %arg13: memref<200x64xf32, #tpu.memory_space<vmem_shared>>, %arg14: memref<!tpu.dma_semaphore, #tpu.memory_space<semaphore_mem>>, %arg15: memref<!tpu.dma_semaphore, #tpu.memory_space<semaphore_mem>>, %arg16: memref<!tpu.dma_semaphore, #tpu.memory_space<semaphore_mem>>, %arg17: memref<!tpu.dma_semaphore, #tpu.memory_space<semaphore_mem>>, %arg18: memref<!tpu.dma_semaphore, #tpu.memory_space<semaphore_mem>>, %arg19: memref<!tpu.dma_semaphore, #tpu.memory_space<semaphore_mem>>, %arg20: memref<!tpu.dma_semaphore, #tpu.memory_space<semaphore_mem>>) attributes {dimension_semantics = [#tpu.dimension_semantics<core_parallel>, #tpu.dimension_semantics<subcore_parallel>], iteration_bounds = array<i64: 2, 16>, scalar_prefetch = 0 : i64, scratch_operands = 13 : i64, tpu.core_type = #tpu.core_type<sc_vector_subcore>, window_params = [{transform_indices = #map}, {transform_indices = #map}, {transform_indices = #map1}, {transform_indices = #map1}, {transform_indices = #map1}, {transform_indices = #map1}]} {
    %mul3A = arith.constant 2 : i32
    %mul3A_0 = arith.muli %arg1, %mul3A : i32
    %add3A = arith.addi %mul3A_0, %arg0 : i32
    %mul3A_1 = arith.constant 512 : i32
    %mul3A_2 = arith.muli %add3A, %mul3A_1 : i32
    %eq3A = arith.constant 0 : i32
    %eq3A_3 = arith.cmpi eq, %arg1, %eq3A : i32
    %convert_element_type3A = arith.extui %eq3A_3 : i1 to i32
    %cond3A = arith.constant 0 : i32
    %cond3A_4 = arith.cmpi ne, %convert_element_type3A, %cond3A : i32
    scf.if %cond3A_4 {
      %dma_start3A_5095 = arith.constant 0 : i32
      %dma_start3A_5096 = arith.constant 0 : i32
      %dma_start3A_5097 = tpu.memref_slice %arg13[%dma_start3A_5095, %dma_start3A_5096] : memref<200x64xf32, #tpu.memory_space<vmem_shared>> -> memref<100x64xf32, #tpu.memory_space<vmem_shared>>
      tpu.enqueue_dma source(%arg4 : memref<100x64xf32, #tpu.memory_space<hbm>>) target(%dma_start3A_5097 : memref<100x64xf32, #tpu.memory_space<vmem_shared>>) target_semaphore(%arg15 : memref<!tpu.dma_semaphore, #tpu.memory_space<semaphore_mem>>)
      %dma_start3A_5098 = arith.constant 100 : i32
      %dma_start3A_5099 = arith.constant 0 : i32
      %dma_start3A_5100 = tpu.memref_slice %arg13[%dma_start3A_5098, %dma_start3A_5099] : memref<200x64xf32, #tpu.memory_space<vmem_shared>> -> memref<100x64xf32, #tpu.memory_space<vmem_shared>>
      tpu.enqueue_dma source(%arg5 : memref<100x64xf32, #tpu.memory_space<hbm>>) target(%dma_start3A_5100 : memref<100x64xf32, #tpu.memory_space<vmem_shared>>) target_semaphore(%arg15 : memref<!tpu.dma_semaphore, #tpu.memory_space<semaphore_mem>>)
    } else {
    }
    %dma_start3A = tpu.memref_slice %arg2[%mul3A_2] : memref<16384xf32, #tpu.memory_space<hbm>> -> memref<512xf32, #tpu.memory_space<hbm>>
    %dma_start3A_5 = tpu.memref_slice %arg2[%mul3A_2] : memref<16384xf32, #tpu.memory_space<hbm>> -> memref<512xf32, #tpu.memory_space<hbm>>
    tpu.enqueue_dma source(%dma_start3A_5 : memref<512xf32, #tpu.memory_space<hbm>>) target(%arg8 : memref<512xf32, #tpu.memory_space<vmem>>) target_semaphore(%arg14 : memref<!tpu.dma_semaphore, #tpu.memory_space<semaphore_mem>>)
    %dma_start3A_6 = tpu.memref_slice %arg3[%mul3A_2] : memref<16384xf32, #tpu.memory_space<hbm>> -> memref<512xf32, #tpu.memory_space<hbm>>
    %dma_start3A_7 = tpu.memref_slice %arg3[%mul3A_2] : memref<16384xf32, #tpu.memory_space<hbm>> -> memref<512xf32, #tpu.memory_space<hbm>>
    tpu.enqueue_dma source(%dma_start3A_7 : memref<512xf32, #tpu.memory_space<hbm>>) target(%arg9 : memref<512xf32, #tpu.memory_space<vmem>>) target_semaphore(%arg14 : memref<!tpu.dma_semaphore, #tpu.memory_space<semaphore_mem>>)
    tpu.enqueue_dma source(%arg6 : memref<2x112xf32, #tpu.memory_space<hbm>>) target(%arg10 : memref<2x112xf32, #tpu.memory_space<vmem>>) target_semaphore(%arg14 : memref<!tpu.dma_semaphore, #tpu.memory_space<semaphore_mem>>)
    %dma_wait3A = tpu.memref_slice %arg2[%mul3A_2] : memref<16384xf32, #tpu.memory_space<hbm>> -> memref<512xf32, #tpu.memory_space<hbm>>
    %dma_wait3A_8 = tpu.memref_slice %arg2[%mul3A_2] : memref<16384xf32, #tpu.memory_space<hbm>> -> memref<512xf32, #tpu.memory_space<hbm>>
    tpu.wait_dma2 semaphore(%arg14 : memref<!tpu.dma_semaphore, #tpu.memory_space<semaphore_mem>>) src(%dma_wait3A_8 : memref<512xf32, #tpu.memory_space<hbm>>) dst(%arg8 : memref<512xf32, #tpu.memory_space<vmem>>)
    %dma_wait3A_9 = tpu.memref_slice %arg3[%mul3A_2] : memref<16384xf32, #tpu.memory_space<hbm>> -> memref<512xf32, #tpu.memory_space<hbm>>
    %dma_wait3A_10 = tpu.memref_slice %arg3[%mul3A_2] : memref<16384xf32, #tpu.memory_space<hbm>> -> memref<512xf32, #tpu.memory_space<hbm>>
    tpu.wait_dma2 semaphore(%arg14 : memref<!tpu.dma_semaphore, #tpu.memory_space<semaphore_mem>>) src(%dma_wait3A_10 : memref<512xf32, #tpu.memory_space<hbm>>) dst(%arg9 : memref<512xf32, #tpu.memory_space<vmem>>)
    tpu.wait_dma2 semaphore(%arg14 : memref<!tpu.dma_semaphore, #tpu.memory_space<semaphore_mem>>) src(%arg6 : memref<2x112xf32, #tpu.memory_space<hbm>>) dst(%arg10 : memref<2x112xf32, #tpu.memory_space<vmem>>)
    %iota3A = tpu.iota {dimensions = array<i32: 0>} : vector<16xi32>
    %mul3A_11 = arith.constant 2 : i32
    %mul3A_12 = vector.broadcast %mul3A_11 : i32 to vector<16xi32>
    %mul3A_13 = arith.muli %mul3A_12, %iota3A : vector<16xi32>
    %get3A = arith.constant 0 : index
    %get3A_14 = tpu.vector_load %arg8[%get3A] {strides = array<i32>} : memref<512xf32, #tpu.memory_space<vmem>>, vector<16xf32>,
    %get3A_15 = arith.constant 0 : index
    %get3A_16 = tpu.vector_load %arg9[%get3A_15] {strides = array<i32>} : memref<512xf32, #tpu.memory_space<vmem>>, vector<16xf32>,
    %sub3A = arith.constant -9.000000e+01 : f32
    %sub3A_17 = vector.broadcast %sub3A : f32 to vector<16xf32>
    %sub3A_18 = arith.subf %get3A_14, %sub3A_17 : vector<16xf32>
    %mul3A_19 = arith.constant 0.544444442 : f32
    %mul3A_20 = vector.broadcast %mul3A_19 : f32 to vector<16xf32>
    %mul3A_21 = arith.mulf %sub3A_18, %mul3A_20 : vector<16xf32>
    %max3A = arith.constant -1.000000e+00 : f32
    %max3A_22 = vector.broadcast %max3A : f32 to vector<16xf32>
    %max3A_23 = arith.maximumf %mul3A_21, %max3A_22 : vector<16xf32>
    %min3A = arith.constant 1.010000e+02 : f32
    %min3A_24 = vector.broadcast %min3A : f32 to vector<16xf32>
    %min3A_25 = arith.minimumf %max3A_23, %min3A_24 : vector<16xf32>
    %convert_element_type3A_26 = arith.fptosi %min3A_25 : vector<16xf32> to vector<16xi32>
    %add3A_27 = arith.constant 1 : i32
    %add3A_28 = vector.broadcast %add3A_27 : i32 to vector<16xi32>
    %add3A_29 = arith.addi %convert_element_type3A_26, %add3A_28 : vector<16xi32>
    %jit3A = arith.constant 0 : i32
    %jit3A_30 = arith.constant 99 : i32
    %max3A_31 = vector.broadcast %jit3A : i32 to vector<16xi32>
    %max3A_32 = arith.maxsi %max3A_31, %add3A_29 : vector<16xi32>
    %min3A_33 = vector.broadcast %jit3A_30 : i32 to vector<16xi32>
    %min3A_34 = arith.minsi %min3A_33, %max3A_32 : vector<16xi32>
    %sub3A_35 = arith.constant 1 : i32
    %sub3A_36 = vector.broadcast %sub3A_35 : i32 to vector<16xi32>
    %sub3A_37 = arith.subi %min3A_34, %sub3A_36 : vector<16xi32>
    %jit3A_38 = arith.constant 0 : i32
    %jit3A_39 = arith.constant 98 : i32
    %max3A_40 = vector.broadcast %jit3A_38 : i32 to vector<16xi32>
    %max3A_41 = arith.maxsi %max3A_40, %sub3A_37 : vector<16xi32>
    %min3A_42 = vector.broadcast %jit3A_39 : i32 to vector<16xi32>
    %min3A_43 = arith.minsi %min3A_42, %max3A_41 : vector<16xi32>
    %gather3A = arith.constant 0 : i32
    %gather3A_44 = arith.constant 0 : i32
    %gather3A_45 = tpu.memref_slice %arg10[%gather3A, %gather3A_44] : memref<2x112xf32, #tpu.memory_space<vmem>> -> memref<1x112xf32, #tpu.memory_space<vmem>>
    %gather3A_46 = tpu.memref_squeeze %gather3A_45 : memref<1x112xf32, #tpu.memory_space<vmem>> -> memref<112xf32, #tpu.memory_space<vmem>>
    %gather3A_47 = tpu.vector_load_idx %gather3A_46[%min3A_43] : memref<112xf32, #tpu.memory_space<vmem>>[vector<16xi32>], vector<16xf32>,
    %jit3A_48 = arith.constant 0 : i32
    %jit3A_49 = arith.constant 98 : i32
    %max3A_50 = vector.broadcast %jit3A_48 : i32 to vector<16xi32>
    %max3A_51 = arith.maxsi %max3A_50, %min3A_34 : vector<16xi32>
    %min3A_52 = vector.broadcast %jit3A_49 : i32 to vector<16xi32>
    %min3A_53 = arith.minsi %min3A_52, %max3A_51 : vector<16xi32>
    %gather3A_54 = arith.constant 0 : i32
    %gather3A_55 = arith.constant 0 : i32
    %gather3A_56 = tpu.memref_slice %arg10[%gather3A_54, %gather3A_55] : memref<2x112xf32, #tpu.memory_space<vmem>> -> memref<1x112xf32, #tpu.memory_space<vmem>>
    %gather3A_57 = tpu.memref_squeeze %gather3A_56 : memref<1x112xf32, #tpu.memory_space<vmem>> -> memref<112xf32, #tpu.memory_space<vmem>>
    %gather3A_58 = tpu.vector_load_idx %gather3A_57[%min3A_53] : memref<112xf32, #tpu.memory_space<vmem>>[vector<16xi32>], vector<16xf32>,
    %gt3A = arith.constant 0 : i32
    %gt3A_59 = vector.broadcast %gt3A : i32 to vector<16xi32>
    %gt3A_60 = arith.cmpi sgt, %min3A_34, %gt3A_59 : vector<16xi32>
    %gt3A_61 = arith.cmpf ogt, %gather3A_47, %get3A_14 : vector<16xf32>
    %and3A = arith.andi %gt3A_60, %gt3A_61 : vector<16xi1>
    %lt3A = arith.constant 99 : i32
    %lt3A_62 = vector.broadcast %lt3A : i32 to vector<16xi32>
    %lt3A_63 = arith.cmpi slt, %min3A_34, %lt3A_62 : vector<16xi32>
    %le3A = arith.cmpf ole, %gather3A_58, %get3A_14 : vector<16xf32>
    %and3A_64 = arith.andi %lt3A_63, %le3A : vector<16xi1>
    %sub3A_65 = arith.constant 1 : i32
    %sub3A_66 = vector.broadcast %sub3A_65 : i32 to vector<16xi32>
    %sub3A_67 = arith.subi %min3A_34, %sub3A_66 : vector<16xi32>
    %add3A_68 = arith.constant 1 : i32
    %add3A_69 = vector.broadcast %add3A_68 : i32 to vector<16xi32>
    %add3A_70 = arith.addi %min3A_34, %add3A_69 : vector<16xi32>
    %select_n3A = arith.select %and3A_64, %add3A_70, %min3A_34 : vector<16xi1>, vector<16xi32>
    %select_n3A_71 = arith.select %and3A, %sub3A_67, %select_n3A : vector<16xi1>, vector<16xi32>
    %sub3A_72 = arith.constant -1.800000e+02 : f32
    %sub3A_73 = vector.broadcast %sub3A_72 : f32 to vector<16xf32>
    %sub3A_74 = arith.subf %get3A_16, %sub3A_73 : vector<16xf32>
    %mul3A_75 = arith.constant 0.272222221 : f32
    %mul3A_76 = vector.broadcast %mul3A_75 : f32 to vector<16xf32>
    %mul3A_77 = arith.mulf %sub3A_74, %mul3A_76 : vector<16xf32>
    %max3A_78 = arith.constant -1.000000e+00 : f32
    %max3A_79 = vector.broadcast %max3A_78 : f32 to vector<16xf32>
    %max3A_80 = arith.maximumf %mul3A_77, %max3A_79 : vector<16xf32>
    %min3A_81 = arith.constant 1.010000e+02 : f32
    %min3A_82 = vector.broadcast %min3A_81 : f32 to vector<16xf32>
    %min3A_83 = arith.minimumf %max3A_80, %min3A_82 : vector<16xf32>
    %convert_element_type3A_84 = arith.fptosi %min3A_83 : vector<16xf32> to vector<16xi32>
    %add3A_85 = arith.constant 1 : i32
    %add3A_86 = vector.broadcast %add3A_85 : i32 to vector<16xi32>
    %add3A_87 = arith.addi %convert_element_type3A_84, %add3A_86 : vector<16xi32>
    %jit3A_88 = arith.constant 0 : i32
    %jit3A_89 = arith.constant 99 : i32
    %max3A_90 = vector.broadcast %jit3A_88 : i32 to vector<16xi32>
    %max3A_91 = arith.maxsi %max3A_90, %add3A_87 : vector<16xi32>
    %min3A_92 = vector.broadcast %jit3A_89 : i32 to vector<16xi32>
    %min3A_93 = arith.minsi %min3A_92, %max3A_91 : vector<16xi32>
    %sub3A_94 = arith.constant 1 : i32
    %sub3A_95 = vector.broadcast %sub3A_94 : i32 to vector<16xi32>
    %sub3A_96 = arith.subi %min3A_93, %sub3A_95 : vector<16xi32>
    %jit3A_97 = arith.constant 0 : i32
    %jit3A_98 = arith.constant 98 : i32
    %max3A_99 = vector.broadcast %jit3A_97 : i32 to vector<16xi32>
    %max3A_100 = arith.maxsi %max3A_99, %sub3A_96 : vector<16xi32>
    %min3A_101 = vector.broadcast %jit3A_98 : i32 to vector<16xi32>
    %min3A_102 = arith.minsi %min3A_101, %max3A_100 : vector<16xi32>
    %gather3A_103 = arith.constant 1 : i32
    %gather3A_104 = arith.constant 0 : i32
    %gather3A_105 = tpu.memref_slice %arg10[%gather3A_103, %gather3A_104] : memref<2x112xf32, #tpu.memory_space<vmem>> -> memref<1x112xf32, #tpu.memory_space<vmem>>
    %gather3A_106 = tpu.memref_squeeze %gather3A_105 : memref<1x112xf32, #tpu.memory_space<vmem>> -> memref<112xf32, #tpu.memory_space<vmem>>
    %gather3A_107 = tpu.vector_load_idx %gather3A_106[%min3A_102] : memref<112xf32, #tpu.memory_space<vmem>>[vector<16xi32>], vector<16xf32>,
    %jit3A_108 = arith.constant 0 : i32
    %jit3A_109 = arith.constant 98 : i32
    %max3A_110 = vector.broadcast %jit3A_108 : i32 to vector<16xi32>
    %max3A_111 = arith.maxsi %max3A_110, %min3A_93 : vector<16xi32>
    %min3A_112 = vector.broadcast %jit3A_109 : i32 to vector<16xi32>
    %min3A_113 = arith.minsi %min3A_112, %max3A_111 : vector<16xi32>
    %gather3A_114 = arith.constant 1 : i32
    %gather3A_115 = arith.constant 0 : i32
    %gather3A_116 = tpu.memref_slice %arg10[%gather3A_114, %gather3A_115] : memref<2x112xf32, #tpu.memory_space<vmem>> -> memref<1x112xf32, #tpu.memory_space<vmem>>
    %gather3A_117 = tpu.memref_squeeze %gather3A_116 : memref<1x112xf32, #tpu.memory_space<vmem>> -> memref<112xf32, #tpu.memory_space<vmem>>
    %gather3A_118 = tpu.vector_load_idx %gather3A_117[%min3A_113] : memref<112xf32, #tpu.memory_space<vmem>>[vector<16xi32>], vector<16xf32>,
    %gt3A_119 = arith.constant 0 : i32
    %gt3A_120 = vector.broadcast %gt3A_119 : i32 to vector<16xi32>
    %gt3A_121 = arith.cmpi sgt, %min3A_93, %gt3A_120 : vector<16xi32>
    %gt3A_122 = arith.cmpf ogt, %gather3A_107, %get3A_16 : vector<16xf32>
    %and3A_123 = arith.andi %gt3A_121, %gt3A_122 : vector<16xi1>
    %lt3A_124 = arith.constant 99 : i32
    %lt3A_125 = vector.broadcast %lt3A_124 : i32 to vector<16xi32>
    %lt3A_126 = arith.cmpi slt, %min3A_93, %lt3A_125 : vector<16xi32>
    %le3A_127 = arith.cmpf ole, %gather3A_118, %get3A_16 : vector<16xf32>
    %and3A_128 = arith.andi %lt3A_126, %le3A_127 : vector<16xi1>
    %sub3A_129 = arith.constant 1 : i32
    %sub3A_130 = vector.broadcast %sub3A_129 : i32 to vector<16xi32>
    %sub3A_131 = arith.subi %min3A_93, %sub3A_130 : vector<16xi32>
    %add3A_132 = arith.constant 1 : i32
    %add3A_133 = vector.broadcast %add3A_132 : i32 to vector<16xi32>
    %add3A_134 = arith.addi %min3A_93, %add3A_133 : vector<16xi32>
    %select_n3A_135 = arith.select %and3A_128, %add3A_134, %min3A_93 : vector<16xi1>, vector<16xi32>
    %select_n3A_136 = arith.select %and3A_123, %sub3A_131, %select_n3A_135 : vector<16xi1>, vector<16xi32>
    %add3A_137 = arith.constant 100 : i32
    %add3A_138 = vector.broadcast %add3A_137 : i32 to vector<16xi32>
    %add3A_139 = arith.addi %select_n3A_136, %add3A_138 : vector<16xi32>
    %add3A_140 = arith.constant 0 : i32
    %add3A_141 = vector.broadcast %add3A_140 : i32 to vector<16xi32>
    %add3A_142 = arith.addi %add3A_141, %mul3A_13 : vector<16xi32>
    %scatter3A = arith.constant 0 : i32
    %scatter3A_143 = arith.constant 0 : i32
    %scatter3A_144 = tpu.memref_slice %arg11[%scatter3A, %scatter3A_143] : memref<8x128xi32, #tpu.memory_space<vmem>> -> memref<1x128xi32, #tpu.memory_space<vmem>>
    %scatter3A_145 = tpu.memref_squeeze %scatter3A_144 : memref<1x128xi32, #tpu.memory_space<vmem>> -> memref<128xi32, #tpu.memory_space<vmem>>
    tpu.vector_store_idx %scatter3A_145[%add3A_142], %select_n3A_71 : memref<128xi32, #tpu.memory_space<vmem>>[vector<16xi32>], vector<16xi32>,
    %add3A_146 = arith.constant 1 : i32
    %add3A_147 = vector.broadcast %add3A_146 : i32 to vector<16xi32>
    %add3A_148 = arith.addi %add3A_142, %add3A_147 : vector<16xi32>
    %scatter3A_149 = arith.constant 0 : i32
    %scatter3A_150 = arith.constant 0 : i32
    %scatter3A_151 = tpu.memref_slice %arg11[%scatter3A_149, %scatter3A_150] : memref<8x128xi32, #tpu.memory_space<vmem>> -> memref<1x128xi32, #tpu.memory_space<vmem>>
    %scatter3A_152 = tpu.memref_squeeze %scatter3A_151 : memref<1x128xi32, #tpu.memory_space<vmem>> -> memref<128xi32, #tpu.memory_space<vmem>>
    tpu.vector_store_idx %scatter3A_152[%add3A_148], %add3A_139 : memref<128xi32, #tpu.memory_space<vmem>>[vector<16xi32>], vector<16xi32>,
    %get3A_153 = arith.constant 16 : index
    %get3A_154 = tpu.vector_load %arg8[%get3A_153] {strides = array<i32>} : memref<512xf32, #tpu.memory_space<vmem>>, vector<16xf32>,
    %get3A_155 = arith.constant 16 : index
    %get3A_156 = tpu.vector_load %arg9[%get3A_155] {strides = array<i32>} : memref<512xf32, #tpu.memory_space<vmem>>, vector<16xf32>,
    %sub3A_157 = arith.constant -9.000000e+01 : f32
    %sub3A_158 = vector.broadcast %sub3A_157 : f32 to vector<16xf32>
    %sub3A_159 = arith.subf %get3A_154, %sub3A_158 : vector<16xf32>
    %mul3A_160 = arith.constant 0.544444442 : f32
    %mul3A_161 = vector.broadcast %mul3A_160 : f32 to vector<16xf32>
    %mul3A_162 = arith.mulf %sub3A_159, %mul3A_161 : vector<16xf32>
    %max3A_163 = arith.constant -1.000000e+00 : f32
    %max3A_164 = vector.broadcast %max3A_163 : f32 to vector<16xf32>
    %max3A_165 = arith.maximumf %mul3A_162, %max3A_164 : vector<16xf32>
    %min3A_166 = arith.constant 1.010000e+02 : f32
    %min3A_167 = vector.broadcast %min3A_166 : f32 to vector<16xf32>
    %min3A_168 = arith.minimumf %max3A_165, %min3A_167 : vector<16xf32>
    %convert_element_type3A_169 = arith.fptosi %min3A_168 : vector<16xf32> to vector<16xi32>
    %add3A_170 = arith.constant 1 : i32
    %add3A_171 = vector.broadcast %add3A_170 : i32 to vector<16xi32>
    %add3A_172 = arith.addi %convert_element_type3A_169, %add3A_171 : vector<16xi32>
    %jit3A_173 = arith.constant 0 : i32
    %jit3A_174 = arith.constant 99 : i32
    %max3A_175 = vector.broadcast %jit3A_173 : i32 to vector<16xi32>
    %max3A_176 = arith.maxsi %max3A_175, %add3A_172 : vector<16xi32>
    %min3A_177 = vector.broadcast %jit3A_174 : i32 to vector<16xi32>
    %min3A_178 = arith.minsi %min3A_177, %max3A_176 : vector<16xi32>
    %sub3A_179 = arith.constant 1 : i32
    %sub3A_180 = vector.broadcast %sub3A_179 : i32 to vector<16xi32>
    %sub3A_181 = arith.subi %min3A_178, %sub3A_180 : vector<16xi32>
    %jit3A_182 = arith.constant 0 : i32
    %jit3A_183 = arith.constant 98 : i32
    %max3A_184 = vector.broadcast %jit3A_182 : i32 to vector<16xi32>
    %max3A_185 = arith.maxsi %max3A_184, %sub3A_181 : vector<16xi32>
    %min3A_186 = vector.broadcast %jit3A_183 : i32 to vector<16xi32>
    %min3A_187 = arith.minsi %min3A_186, %max3A_185 : vector<16xi32>
    %gather3A_188 = arith.constant 0 : i32
    %gather3A_189 = arith.constant 0 : i32
    %gather3A_190 = tpu.memref_slice %arg10[%gather3A_188, %gather3A_189] : memref<2x112xf32, #tpu.memory_space<vmem>> -> memref<1x112xf32, #tpu.memory_space<vmem>>
    %gather3A_191 = tpu.memref_squeeze %gather3A_190 : memref<1x112xf32, #tpu.memory_space<vmem>> -> memref<112xf32, #tpu.memory_space<vmem>>
    %gather3A_192 = tpu.vector_load_idx %gather3A_191[%min3A_187] : memref<112xf32, #tpu.memory_space<vmem>>[vector<16xi32>], vector<16xf32>,
    %jit3A_193 = arith.constant 0 : i32
    %jit3A_194 = arith.constant 98 : i32
    %max3A_195 = vector.broadcast %jit3A_193 : i32 to vector<16xi32>
    %max3A_196 = arith.maxsi %max3A_195, %min3A_178 : vector<16xi32>
    %min3A_197 = vector.broadcast %jit3A_194 : i32 to vector<16xi32>
    %min3A_198 = arith.minsi %min3A_197, %max3A_196 : vector<16xi32>
    %gather3A_199 = arith.constant 0 : i32
    %gather3A_200 = arith.constant 0 : i32
    %gather3A_201 = tpu.memref_slice %arg10[%gather3A_199, %gather3A_200] : memref<2x112xf32, #tpu.memory_space<vmem>> -> memref<1x112xf32, #tpu.memory_space<vmem>>
    %gather3A_202 = tpu.memref_squeeze %gather3A_201 : memref<1x112xf32, #tpu.memory_space<vmem>> -> memref<112xf32, #tpu.memory_space<vmem>>
    %gather3A_203 = tpu.vector_load_idx %gather3A_202[%min3A_198] : memref<112xf32, #tpu.memory_space<vmem>>[vector<16xi32>], vector<16xf32>,
    %gt3A_204 = arith.constant 0 : i32
    %gt3A_205 = vector.broadcast %gt3A_204 : i32 to vector<16xi32>
    %gt3A_206 = arith.cmpi sgt, %min3A_178, %gt3A_205 : vector<16xi32>
    %gt3A_207 = arith.cmpf ogt, %gather3A_192, %get3A_154 : vector<16xf32>
    %and3A_208 = arith.andi %gt3A_206, %gt3A_207 : vector<16xi1>
    %lt3A_209 = arith.constant 99 : i32
    %lt3A_210 = vector.broadcast %lt3A_209 : i32 to vector<16xi32>
    %lt3A_211 = arith.cmpi slt, %min3A_178, %lt3A_210 : vector<16xi32>
    %le3A_212 = arith.cmpf ole, %gather3A_203, %get3A_154 : vector<16xf32>
    %and3A_213 = arith.andi %lt3A_211, %le3A_212 : vector<16xi1>
    %sub3A_214 = arith.constant 1 : i32
    %sub3A_215 = vector.broadcast %sub3A_214 : i32 to vector<16xi32>
    %sub3A_216 = arith.subi %min3A_178, %sub3A_215 : vector<16xi32>
    %add3A_217 = arith.constant 1 : i32
    %add3A_218 = vector.broadcast %add3A_217 : i32 to vector<16xi32>
    %add3A_219 = arith.addi %min3A_178, %add3A_218 : vector<16xi32>
    %select_n3A_220 = arith.select %and3A_213, %add3A_219, %min3A_178 : vector<16xi1>, vector<16xi32>
    %select_n3A_221 = arith.select %and3A_208, %sub3A_216, %select_n3A_220 : vector<16xi1>, vector<16xi32>
    %sub3A_222 = arith.constant -1.800000e+02 : f32
    %sub3A_223 = vector.broadcast %sub3A_222 : f32 to vector<16xf32>
    %sub3A_224 = arith.subf %get3A_156, %sub3A_223 : vector<16xf32>
    %mul3A_225 = arith.constant 0.272222221 : f32
    %mul3A_226 = vector.broadcast %mul3A_225 : f32 to vector<16xf32>
    %mul3A_227 = arith.mulf %sub3A_224, %mul3A_226 : vector<16xf32>
    %max3A_228 = arith.constant -1.000000e+00 : f32
    %max3A_229 = vector.broadcast %max3A_228 : f32 to vector<16xf32>
    %max3A_230 = arith.maximumf %mul3A_227, %max3A_229 : vector<16xf32>
    %min3A_231 = arith.constant 1.010000e+02 : f32
    %min3A_232 = vector.broadcast %min3A_231 : f32 to vector<16xf32>
    %min3A_233 = arith.minimumf %max3A_230, %min3A_232 : vector<16xf32>
    %convert_element_type3A_234 = arith.fptosi %min3A_233 : vector<16xf32> to vector<16xi32>
    %add3A_235 = arith.constant 1 : i32
    %add3A_236 = vector.broadcast %add3A_235 : i32 to vector<16xi32>
    %add3A_237 = arith.addi %convert_element_type3A_234, %add3A_236 : vector<16xi32>
    %jit3A_238 = arith.constant 0 : i32
    %jit3A_239 = arith.constant 99 : i32
    %max3A_240 = vector.broadcast %jit3A_238 : i32 to vector<16xi32>
    %max3A_241 = arith.maxsi %max3A_240, %add3A_237 : vector<16xi32>
    %min3A_242 = vector.broadcast %jit3A_239 : i32 to vector<16xi32>
    %min3A_243 = arith.minsi %min3A_242, %max3A_241 : vector<16xi32>
    %sub3A_244 = arith.constant 1 : i32
    %sub3A_245 = vector.broadcast %sub3A_244 : i32 to vector<16xi32>
    %sub3A_246 = arith.subi %min3A_243, %sub3A_245 : vector<16xi32>
    %jit3A_247 = arith.constant 0 : i32
    %jit3A_248 = arith.constant 98 : i32
    %max3A_249 = vector.broadcast %jit3A_247 : i32 to vector<16xi32>
    %max3A_250 = arith.maxsi %max3A_249, %sub3A_246 : vector<16xi32>
    %min3A_251 = vector.broadcast %jit3A_248 : i32 to vector<16xi32>
    %min3A_252 = arith.minsi %min3A_251, %max3A_250 : vector<16xi32>
    %gather3A_253 = arith.constant 1 : i32
    %gather3A_254 = arith.constant 0 : i32
    %gather3A_255 = tpu.memref_slice %arg10[%gather3A_253, %gather3A_254] : memref<2x112xf32, #tpu.memory_space<vmem>> -> memref<1x112xf32, #tpu.memory_space<vmem>>
    %gather3A_256 = tpu.memref_squeeze %gather3A_255 : memref<1x112xf32, #tpu.memory_space<vmem>> -> memref<112xf32, #tpu.memory_space<vmem>>
    %gather3A_257 = tpu.vector_load_idx %gather3A_256[%min3A_252] : memref<112xf32, #tpu.memory_space<vmem>>[vector<16xi32>], vector<16xf32>,
    %jit3A_258 = arith.constant 0 : i32
    %jit3A_259 = arith.constant 98 : i32
    %max3A_260 = vector.broadcast %jit3A_258 : i32 to vector<16xi32>
    %max3A_261 = arith.maxsi %max3A_260, %min3A_243 : vector<16xi32>
    %min3A_262 = vector.broadcast %jit3A_259 : i32 to vector<16xi32>
    %min3A_263 = arith.minsi %min3A_262, %max3A_261 : vector<16xi32>
    %gather3A_264 = arith.constant 1 : i32
    %gather3A_265 = arith.constant 0 : i32
    %gather3A_266 = tpu.memref_slice %arg10[%gather3A_264, %gather3A_265] : memref<2x112xf32, #tpu.memory_space<vmem>> -> memref<1x112xf32, #tpu.memory_space<vmem>>
    %gather3A_267 = tpu.memref_squeeze %gather3A_266 : memref<1x112xf32, #tpu.memory_space<vmem>> -> memref<112xf32, #tpu.memory_space<vmem>>
    %gather3A_268 = tpu.vector_load_idx %gather3A_267[%min3A_263] : memref<112xf32, #tpu.memory_space<vmem>>[vector<16xi32>], vector<16xf32>,
    %gt3A_269 = arith.constant 0 : i32
    %gt3A_270 = vector.broadcast %gt3A_269 : i32 to vector<16xi32>
    %gt3A_271 = arith.cmpi sgt, %min3A_243, %gt3A_270 : vector<16xi32>
    %gt3A_272 = arith.cmpf ogt, %gather3A_257, %get3A_156 : vector<16xf32>
    %and3A_273 = arith.andi %gt3A_271, %gt3A_272 : vector<16xi1>
    %lt3A_274 = arith.constant 99 : i32
    %lt3A_275 = vector.broadcast %lt3A_274 : i32 to vector<16xi32>
    %lt3A_276 = arith.cmpi slt, %min3A_243, %lt3A_275 : vector<16xi32>
    %le3A_277 = arith.cmpf ole, %gather3A_268, %get3A_156 : vector<16xf32>
    %and3A_278 = arith.andi %lt3A_276, %le3A_277 : vector<16xi1>
    %sub3A_279 = arith.constant 1 : i32
    %sub3A_280 = vector.broadcast %sub3A_279 : i32 to vector<16xi32>
    %sub3A_281 = arith.subi %min3A_243, %sub3A_280 : vector<16xi32>
    %add3A_282 = arith.constant 1 : i32
    %add3A_283 = vector.broadcast %add3A_282 : i32 to vector<16xi32>
    %add3A_284 = arith.addi %min3A_243, %add3A_283 : vector<16xi32>
    %select_n3A_285 = arith.select %and3A_278, %add3A_284, %min3A_243 : vector<16xi1>, vector<16xi32>
    %select_n3A_286 = arith.select %and3A_273, %sub3A_281, %select_n3A_285 : vector<16xi1>, vector<16xi32>
    %add3A_287 = arith.constant 100 : i32
    %add3A_288 = vector.broadcast %add3A_287 : i32 to vector<16xi32>
    %add3A_289 = arith.addi %select_n3A_286, %add3A_288 : vector<16xi32>
    %add3A_290 = arith.constant 32 : i32
    %add3A_291 = vector.broadcast %add3A_290 : i32 to vector<16xi32>
    %add3A_292 = arith.addi %add3A_291, %mul3A_13 : vector<16xi32>
    %scatter3A_293 = arith.constant 0 : i32
    %scatter3A_294 = arith.constant 0 : i32
    %scatter3A_295 = tpu.memref_slice %arg11[%scatter3A_293, %scatter3A_294] : memref<8x128xi32, #tpu.memory_space<vmem>> -> memref<1x128xi32, #tpu.memory_space<vmem>>
    %scatter3A_296 = tpu.memref_squeeze %scatter3A_295 : memref<1x128xi32, #tpu.memory_space<vmem>> -> memref<128xi32, #tpu.memory_space<vmem>>
    tpu.vector_store_idx %scatter3A_296[%add3A_292], %select_n3A_221 : memref<128xi32, #tpu.memory_space<vmem>>[vector<16xi32>], vector<16xi32>,
    %add3A_297 = arith.constant 1 : i32
    %add3A_298 = vector.broadcast %add3A_297 : i32 to vector<16xi32>
    %add3A_299 = arith.addi %add3A_292, %add3A_298 : vector<16xi32>
    %scatter3A_300 = arith.constant 0 : i32
    %scatter3A_301 = arith.constant 0 : i32
    %scatter3A_302 = tpu.memref_slice %arg11[%scatter3A_300, %scatter3A_301] : memref<8x128xi32, #tpu.memory_space<vmem>> -> memref<1x128xi32, #tpu.memory_space<vmem>>
    %scatter3A_303 = tpu.memref_squeeze %scatter3A_302 : memref<1x128xi32, #tpu.memory_space<vmem>> -> memref<128xi32, #tpu.memory_space<vmem>>
    tpu.vector_store_idx %scatter3A_303[%add3A_299], %add3A_289 : memref<128xi32, #tpu.memory_space<vmem>>[vector<16xi32>], vector<16xi32>,
    %get3A_304 = arith.constant 32 : index
    %get3A_305 = tpu.vector_load %arg8[%get3A_304] {strides = array<i32>} : memref<512xf32, #tpu.memory_space<vmem>>, vector<16xf32>,
    %get3A_306 = arith.constant 32 : index
    %get3A_307 = tpu.vector_load %arg9[%get3A_306] {strides = array<i32>} : memref<512xf32, #tpu.memory_space<vmem>>, vector<16xf32>,
    %sub3A_308 = arith.constant -9.000000e+01 : f32
    %sub3A_309 = vector.broadcast %sub3A_308 : f32 to vector<16xf32>
    %sub3A_310 = arith.subf %get3A_305, %sub3A_309 : vector<16xf32>
    %mul3A_311 = arith.constant 0.544444442 : f32
    %mul3A_312 = vector.broadcast %mul3A_311 : f32 to vector<16xf32>
    %mul3A_313 = arith.mulf %sub3A_310, %mul3A_312 : vector<16xf32>
    %max3A_314 = arith.constant -1.000000e+00 : f32
    %max3A_315 = vector.broadcast %max3A_314 : f32 to vector<16xf32>
    %max3A_316 = arith.maximumf %mul3A_313, %max3A_315 : vector<16xf32>
    %min3A_317 = arith.constant 1.010000e+02 : f32
    %min3A_318 = vector.broadcast %min3A_317 : f32 to vector<16xf32>
    %min3A_319 = arith.minimumf %max3A_316, %min3A_318 : vector<16xf32>
    %convert_element_type3A_320 = arith.fptosi %min3A_319 : vector<16xf32> to vector<16xi32>
    %add3A_321 = arith.constant 1 : i32
    %add3A_322 = vector.broadcast %add3A_321 : i32 to vector<16xi32>
    %add3A_323 = arith.addi %convert_element_type3A_320, %add3A_322 : vector<16xi32>
    %jit3A_324 = arith.constant 0 : i32
    %jit3A_325 = arith.constant 99 : i32
    %max3A_326 = vector.broadcast %jit3A_324 : i32 to vector<16xi32>
    %max3A_327 = arith.maxsi %max3A_326, %add3A_323 : vector<16xi32>
    %min3A_328 = vector.broadcast %jit3A_325 : i32 to vector<16xi32>
    %min3A_329 = arith.minsi %min3A_328, %max3A_327 : vector<16xi32>
    %sub3A_330 = arith.constant 1 : i32
    %sub3A_331 = vector.broadcast %sub3A_330 : i32 to vector<16xi32>
    %sub3A_332 = arith.subi %min3A_329, %sub3A_331 : vector<16xi32>
    %jit3A_333 = arith.constant 0 : i32
    %jit3A_334 = arith.constant 98 : i32
    %max3A_335 = vector.broadcast %jit3A_333 : i32 to vector<16xi32>
    %max3A_336 = arith.maxsi %max3A_335, %sub3A_332 : vector<16xi32>
    %min3A_337 = vector.broadcast %jit3A_334 : i32 to vector<16xi32>
    %min3A_338 = arith.minsi %min3A_337, %max3A_336 : vector<16xi32>
    %gather3A_339 = arith.constant 0 : i32
    %gather3A_340 = arith.constant 0 : i32
    %gather3A_341 = tpu.memref_slice %arg10[%gather3A_339, %gather3A_340] : memref<2x112xf32, #tpu.memory_space<vmem>> -> memref<1x112xf32, #tpu.memory_space<vmem>>
    %gather3A_342 = tpu.memref_squeeze %gather3A_341 : memref<1x112xf32, #tpu.memory_space<vmem>> -> memref<112xf32, #tpu.memory_space<vmem>>
    %gather3A_343 = tpu.vector_load_idx %gather3A_342[%min3A_338] : memref<112xf32, #tpu.memory_space<vmem>>[vector<16xi32>], vector<16xf32>,
    %jit3A_344 = arith.constant 0 : i32
    %jit3A_345 = arith.constant 98 : i32
    %max3A_346 = vector.broadcast %jit3A_344 : i32 to vector<16xi32>
    %max3A_347 = arith.maxsi %max3A_346, %min3A_329 : vector<16xi32>
    %min3A_348 = vector.broadcast %jit3A_345 : i32 to vector<16xi32>
    %min3A_349 = arith.minsi %min3A_348, %max3A_347 : vector<16xi32>
    %gather3A_350 = arith.constant 0 : i32
    %gather3A_351 = arith.constant 0 : i32
    %gather3A_352 = tpu.memref_slice %arg10[%gather3A_350, %gather3A_351] : memref<2x112xf32, #tpu.memory_space<vmem>> -> memref<1x112xf32, #tpu.memory_space<vmem>>
    %gather3A_353 = tpu.memref_squeeze %gather3A_352 : memref<1x112xf32, #tpu.memory_space<vmem>> -> memref<112xf32, #tpu.memory_space<vmem>>
    %gather3A_354 = tpu.vector_load_idx %gather3A_353[%min3A_349] : memref<112xf32, #tpu.memory_space<vmem>>[vector<16xi32>], vector<16xf32>,
    %gt3A_355 = arith.constant 0 : i32
    %gt3A_356 = vector.broadcast %gt3A_355 : i32 to vector<16xi32>
    %gt3A_357 = arith.cmpi sgt, %min3A_329, %gt3A_356 : vector<16xi32>
    %gt3A_358 = arith.cmpf ogt, %gather3A_343, %get3A_305 : vector<16xf32>
    %and3A_359 = arith.andi %gt3A_357, %gt3A_358 : vector<16xi1>
    %lt3A_360 = arith.constant 99 : i32
    %lt3A_361 = vector.broadcast %lt3A_360 : i32 to vector<16xi32>
    %lt3A_362 = arith.cmpi slt, %min3A_329, %lt3A_361 : vector<16xi32>
    %le3A_363 = arith.cmpf ole, %gather3A_354, %get3A_305 : vector<16xf32>
    %and3A_364 = arith.andi %lt3A_362, %le3A_363 : vector<16xi1>
    %sub3A_365 = arith.constant 1 : i32
    %sub3A_366 = vector.broadcast %sub3A_365 : i32 to vector<16xi32>
    %sub3A_367 = arith.subi %min3A_329, %sub3A_366 : vector<16xi32>
    %add3A_368 = arith.constant 1 : i32
    %add3A_369 = vector.broadcast %add3A_368 : i32 to vector<16xi32>
    %add3A_370 = arith.addi %min3A_329, %add3A_369 : vector<16xi32>
    %select_n3A_371 = arith.select %and3A_364, %add3A_370, %min3A_329 : vector<16xi1>, vector<16xi32>
    %select_n3A_372 = arith.select %and3A_359, %sub3A_367, %select_n3A_371 : vector<16xi1>, vector<16xi32>
    %sub3A_373 = arith.constant -1.800000e+02 : f32
    %sub3A_374 = vector.broadcast %sub3A_373 : f32 to vector<16xf32>
    %sub3A_375 = arith.subf %get3A_307, %sub3A_374 : vector<16xf32>
    %mul3A_376 = arith.constant 0.272222221 : f32
    %mul3A_377 = vector.broadcast %mul3A_376 : f32 to vector<16xf32>
    %mul3A_378 = arith.mulf %sub3A_375, %mul3A_377 : vector<16xf32>
    %max3A_379 = arith.constant -1.000000e+00 : f32
    %max3A_380 = vector.broadcast %max3A_379 : f32 to vector<16xf32>
    %max3A_381 = arith.maximumf %mul3A_378, %max3A_380 : vector<16xf32>
    %min3A_382 = arith.constant 1.010000e+02 : f32
    %min3A_383 = vector.broadcast %min3A_382 : f32 to vector<16xf32>
    %min3A_384 = arith.minimumf %max3A_381, %min3A_383 : vector<16xf32>
    %convert_element_type3A_385 = arith.fptosi %min3A_384 : vector<16xf32> to vector<16xi32>
    %add3A_386 = arith.constant 1 : i32
    %add3A_387 = vector.broadcast %add3A_386 : i32 to vector<16xi32>
    %add3A_388 = arith.addi %convert_element_type3A_385, %add3A_387 : vector<16xi32>
    %jit3A_389 = arith.constant 0 : i32
    %jit3A_390 = arith.constant 99 : i32
    %max3A_391 = vector.broadcast %jit3A_389 : i32 to vector<16xi32>
    %max3A_392 = arith.maxsi %max3A_391, %add3A_388 : vector<16xi32>
    %min3A_393 = vector.broadcast %jit3A_390 : i32 to vector<16xi32>
    %min3A_394 = arith.minsi %min3A_393, %max3A_392 : vector<16xi32>
    %sub3A_395 = arith.constant 1 : i32
    %sub3A_396 = vector.broadcast %sub3A_395 : i32 to vector<16xi32>
    %sub3A_397 = arith.subi %min3A_394, %sub3A_396 : vector<16xi32>
    %jit3A_398 = arith.constant 0 : i32
    %jit3A_399 = arith.constant 98 : i32
    %max3A_400 = vector.broadcast %jit3A_398 : i32 to vector<16xi32>
    %max3A_401 = arith.maxsi %max3A_400, %sub3A_397 : vector<16xi32>
    %min3A_402 = vector.broadcast %jit3A_399 : i32 to vector<16xi32>
    %min3A_403 = arith.minsi %min3A_402, %max3A_401 : vector<16xi32>
    %gather3A_404 = arith.constant 1 : i32
    %gather3A_405 = arith.constant 0 : i32
    %gather3A_406 = tpu.memref_slice %arg10[%gather3A_404, %gather3A_405] : memref<2x112xf32, #tpu.memory_space<vmem>> -> memref<1x112xf32, #tpu.memory_space<vmem>>
    %gather3A_407 = tpu.memref_squeeze %gather3A_406 : memref<1x112xf32, #tpu.memory_space<vmem>> -> memref<112xf32, #tpu.memory_space<vmem>>
    %gather3A_408 = tpu.vector_load_idx %gather3A_407[%min3A_403] : memref<112xf32, #tpu.memory_space<vmem>>[vector<16xi32>], vector<16xf32>,
    %jit3A_409 = arith.constant 0 : i32
    %jit3A_410 = arith.constant 98 : i32
    %max3A_411 = vector.broadcast %jit3A_409 : i32 to vector<16xi32>
    %max3A_412 = arith.maxsi %max3A_411, %min3A_394 : vector<16xi32>
    %min3A_413 = vector.broadcast %jit3A_410 : i32 to vector<16xi32>
    %min3A_414 = arith.minsi %min3A_413, %max3A_412 : vector<16xi32>
    %gather3A_415 = arith.constant 1 : i32
    %gather3A_416 = arith.constant 0 : i32
    %gather3A_417 = tpu.memref_slice %arg10[%gather3A_415, %gather3A_416] : memref<2x112xf32, #tpu.memory_space<vmem>> -> memref<1x112xf32, #tpu.memory_space<vmem>>
    %gather3A_418 = tpu.memref_squeeze %gather3A_417 : memref<1x112xf32, #tpu.memory_space<vmem>> -> memref<112xf32, #tpu.memory_space<vmem>>
    %gather3A_419 = tpu.vector_load_idx %gather3A_418[%min3A_414] : memref<112xf32, #tpu.memory_space<vmem>>[vector<16xi32>], vector<16xf32>,
    %gt3A_420 = arith.constant 0 : i32
    %gt3A_421 = vector.broadcast %gt3A_420 : i32 to vector<16xi32>
    %gt3A_422 = arith.cmpi sgt, %min3A_394, %gt3A_421 : vector<16xi32>
    %gt3A_423 = arith.cmpf ogt, %gather3A_408, %get3A_307 : vector<16xf32>
    %and3A_424 = arith.andi %gt3A_422, %gt3A_423 : vector<16xi1>
    %lt3A_425 = arith.constant 99 : i32
    %lt3A_426 = vector.broadcast %lt3A_425 : i32 to vector<16xi32>
    %lt3A_427 = arith.cmpi slt, %min3A_394, %lt3A_426 : vector<16xi32>
    %le3A_428 = arith.cmpf ole, %gather3A_419, %get3A_307 : vector<16xf32>
    %and3A_429 = arith.andi %lt3A_427, %le3A_428 : vector<16xi1>
    %sub3A_430 = arith.constant 1 : i32
    %sub3A_431 = vector.broadcast %sub3A_430 : i32 to vector<16xi32>
    %sub3A_432 = arith.subi %min3A_394, %sub3A_431 : vector<16xi32>
    %add3A_433 = arith.constant 1 : i32
    %add3A_434 = vector.broadcast %add3A_433 : i32 to vector<16xi32>
    %add3A_435 = arith.addi %min3A_394, %add3A_434 : vector<16xi32>
    %select_n3A_436 = arith.select %and3A_429, %add3A_435, %min3A_394 : vector<16xi1>, vector<16xi32>
    %select_n3A_437 = arith.select %and3A_424, %sub3A_432, %select_n3A_436 : vector<16xi1>, vector<16xi32>
    %add3A_438 = arith.constant 100 : i32
    %add3A_439 = vector.broadcast %add3A_438 : i32 to vector<16xi32>
    %add3A_440 = arith.addi %select_n3A_437, %add3A_439 : vector<16xi32>
    %add3A_441 = arith.constant 64 : i32
    %add3A_442 = vector.broadcast %add3A_441 : i32 to vector<16xi32>
    %add3A_443 = arith.addi %add3A_442, %mul3A_13 : vector<16xi32>
    %scatter3A_444 = arith.constant 0 : i32
    %scatter3A_445 = arith.constant 0 : i32
    %scatter3A_446 = tpu.memref_slice %arg11[%scatter3A_444, %scatter3A_445] : memref<8x128xi32, #tpu.memory_space<vmem>> -> memref<1x128xi32, #tpu.memory_space<vmem>>
    %scatter3A_447 = tpu.memref_squeeze %scatter3A_446 : memref<1x128xi32, #tpu.memory_space<vmem>> -> memref<128xi32, #tpu.memory_space<vmem>>
    tpu.vector_store_idx %scatter3A_447[%add3A_443], %select_n3A_372 : memref<128xi32, #tpu.memory_space<vmem>>[vector<16xi32>], vector<16xi32>,
    %add3A_448 = arith.constant 1 : i32
    %add3A_449 = vector.broadcast %add3A_448 : i32 to vector<16xi32>
    %add3A_450 = arith.addi %add3A_443, %add3A_449 : vector<16xi32>
    %scatter3A_451 = arith.constant 0 : i32
    %scatter3A_452 = arith.constant 0 : i32
    %scatter3A_453 = tpu.memref_slice %arg11[%scatter3A_451, %scatter3A_452] : memref<8x128xi32, #tpu.memory_space<vmem>> -> memref<1x128xi32, #tpu.memory_space<vmem>>
    %scatter3A_454 = tpu.memref_squeeze %scatter3A_453 : memref<1x128xi32, #tpu.memory_space<vmem>> -> memref<128xi32, #tpu.memory_space<vmem>>
    tpu.vector_store_idx %scatter3A_454[%add3A_450], %add3A_440 : memref<128xi32, #tpu.memory_space<vmem>>[vector<16xi32>], vector<16xi32>,
    %get3A_455 = arith.constant 48 : index
    %get3A_456 = tpu.vector_load %arg8[%get3A_455] {strides = array<i32>} : memref<512xf32, #tpu.memory_space<vmem>>, vector<16xf32>,
    %get3A_457 = arith.constant 48 : index
    %get3A_458 = tpu.vector_load %arg9[%get3A_457] {strides = array<i32>} : memref<512xf32, #tpu.memory_space<vmem>>, vector<16xf32>,
    %sub3A_459 = arith.constant -9.000000e+01 : f32
    %sub3A_460 = vector.broadcast %sub3A_459 : f32 to vector<16xf32>
    %sub3A_461 = arith.subf %get3A_456, %sub3A_460 : vector<16xf32>
    %mul3A_462 = arith.constant 0.544444442 : f32
    %mul3A_463 = vector.broadcast %mul3A_462 : f32 to vector<16xf32>
    %mul3A_464 = arith.mulf %sub3A_461, %mul3A_463 : vector<16xf32>
    %max3A_465 = arith.constant -1.000000e+00 : f32
    %max3A_466 = vector.broadcast %max3A_465 : f32 to vector<16xf32>
    %max3A_467 = arith.maximumf %mul3A_464, %max3A_466 : vector<16xf32>
    %min3A_468 = arith.constant 1.010000e+02 : f32
    %min3A_469 = vector.broadcast %min3A_468 : f32 to vector<16xf32>
    %min3A_470 = arith.minimumf %max3A_467, %min3A_469 : vector<16xf32>
    %convert_element_type3A_471 = arith.fptosi %min3A_470 : vector<16xf32> to vector<16xi32>
    %add3A_472 = arith.constant 1 : i32
    %add3A_473 = vector.broadcast %add3A_472 : i32 to vector<16xi32>
    %add3A_474 = arith.addi %convert_element_type3A_471, %add3A_473 : vector<16xi32>
    %jit3A_475 = arith.constant 0 : i32
    %jit3A_476 = arith.constant 99 : i32
    %max3A_477 = vector.broadcast %jit3A_475 : i32 to vector<16xi32>
    %max3A_478 = arith.maxsi %max3A_477, %add3A_474 : vector<16xi32>
    %min3A_479 = vector.broadcast %jit3A_476 : i32 to vector<16xi32>
    %min3A_480 = arith.minsi %min3A_479, %max3A_478 : vector<16xi32>
    %sub3A_481 = arith.constant 1 : i32
    %sub3A_482 = vector.broadcast %sub3A_481 : i32 to vector<16xi32>
    %sub3A_483 = arith.subi %min3A_480, %sub3A_482 : vector<16xi32>
    %jit3A_484 = arith.constant 0 : i32
    %jit3A_485 = arith.constant 98 : i32
    %max3A_486 = vector.broadcast %jit3A_484 : i32 to vector<16xi32>
    %max3A_487 = arith.maxsi %max3A_486, %sub3A_483 : vector<16xi32>
    %min3A_488 = vector.broadcast %jit3A_485 : i32 to vector<16xi32>
    %min3A_489 = arith.minsi %min3A_488, %max3A_487 : vector<16xi32>
    %gather3A_490 = arith.constant 0 : i32
    %gather3A_491 = arith.constant 0 : i32
    %gather3A_492 = tpu.memref_slice %arg10[%gather3A_490, %gather3A_491] : memref<2x112xf32, #tpu.memory_space<vmem>> -> memref<1x112xf32, #tpu.memory_space<vmem>>
    %gather3A_493 = tpu.memref_squeeze %gather3A_492 : memref<1x112xf32, #tpu.memory_space<vmem>> -> memref<112xf32, #tpu.memory_space<vmem>>
    %gather3A_494 = tpu.vector_load_idx %gather3A_493[%min3A_489] : memref<112xf32, #tpu.memory_space<vmem>>[vector<16xi32>], vector<16xf32>,
    %jit3A_495 = arith.constant 0 : i32
    %jit3A_496 = arith.constant 98 : i32
    %max3A_497 = vector.broadcast %jit3A_495 : i32 to vector<16xi32>
    %max3A_498 = arith.maxsi %max3A_497, %min3A_480 : vector<16xi32>
    %min3A_499 = vector.broadcast %jit3A_496 : i32 to vector<16xi32>
    %min3A_500 = arith.minsi %min3A_499, %max3A_498 : vector<16xi32>
    %gather3A_501 = arith.constant 0 : i32
    %gather3A_502 = arith.constant 0 : i32
    %gather3A_503 = tpu.memref_slice %arg10[%gather3A_501, %gather3A_502] : memref<2x112xf32, #tpu.memory_space<vmem>> -> memref<1x112xf32, #tpu.memory_space<vmem>>
    %gather3A_504 = tpu.memref_squeeze %gather3A_503 : memref<1x112xf32, #tpu.memory_space<vmem>> -> memref<112xf32, #tpu.memory_space<vmem>>
    %gather3A_505 = tpu.vector_load_idx %gather3A_504[%min3A_500] : memref<112xf32, #tpu.memory_space<vmem>>[vector<16xi32>], vector<16xf32>,
    %gt3A_506 = arith.constant 0 : i32
    %gt3A_507 = vector.broadcast %gt3A_506 : i32 to vector<16xi32>
    %gt3A_508 = arith.cmpi sgt, %min3A_480, %gt3A_507 : vector<16xi32>
    %gt3A_509 = arith.cmpf ogt, %gather3A_494, %get3A_456 : vector<16xf32>
    %and3A_510 = arith.andi %gt3A_508, %gt3A_509 : vector<16xi1>
    %lt3A_511 = arith.constant 99 : i32
    %lt3A_512 = vector.broadcast %lt3A_511 : i32 to vector<16xi32>
    %lt3A_513 = arith.cmpi slt, %min3A_480, %lt3A_512 : vector<16xi32>
    %le3A_514 = arith.cmpf ole, %gather3A_505, %get3A_456 : vector<16xf32>
    %and3A_515 = arith.andi %lt3A_513, %le3A_514 : vector<16xi1>
    %sub3A_516 = arith.constant 1 : i32
    %sub3A_517 = vector.broadcast %sub3A_516 : i32 to vector<16xi32>
    %sub3A_518 = arith.subi %min3A_480, %sub3A_517 : vector<16xi32>
    %add3A_519 = arith.constant 1 : i32
    %add3A_520 = vector.broadcast %add3A_519 : i32 to vector<16xi32>
    %add3A_521 = arith.addi %min3A_480, %add3A_520 : vector<16xi32>
    %select_n3A_522 = arith.select %and3A_515, %add3A_521, %min3A_480 : vector<16xi1>, vector<16xi32>
    %select_n3A_523 = arith.select %and3A_510, %sub3A_518, %select_n3A_522 : vector<16xi1>, vector<16xi32>
    %sub3A_524 = arith.constant -1.800000e+02 : f32
    %sub3A_525 = vector.broadcast %sub3A_524 : f32 to vector<16xf32>
    %sub3A_526 = arith.subf %get3A_458, %sub3A_525 : vector<16xf32>
    %mul3A_527 = arith.constant 0.272222221 : f32
    %mul3A_528 = vector.broadcast %mul3A_527 : f32 to vector<16xf32>
    %mul3A_529 = arith.mulf %sub3A_526, %mul3A_528 : vector<16xf32>
    %max3A_530 = arith.constant -1.000000e+00 : f32
    %max3A_531 = vector.broadcast %max3A_530 : f32 to vector<16xf32>
    %max3A_532 = arith.maximumf %mul3A_529, %max3A_531 : vector<16xf32>
    %min3A_533 = arith.constant 1.010000e+02 : f32
    %min3A_534 = vector.broadcast %min3A_533 : f32 to vector<16xf32>
    %min3A_535 = arith.minimumf %max3A_532, %min3A_534 : vector<16xf32>
    %convert_element_type3A_536 = arith.fptosi %min3A_535 : vector<16xf32> to vector<16xi32>
    %add3A_537 = arith.constant 1 : i32
    %add3A_538 = vector.broadcast %add3A_537 : i32 to vector<16xi32>
    %add3A_539 = arith.addi %convert_element_type3A_536, %add3A_538 : vector<16xi32>
    %jit3A_540 = arith.constant 0 : i32
    %jit3A_541 = arith.constant 99 : i32
    %max3A_542 = vector.broadcast %jit3A_540 : i32 to vector<16xi32>
    %max3A_543 = arith.maxsi %max3A_542, %add3A_539 : vector<16xi32>
    %min3A_544 = vector.broadcast %jit3A_541 : i32 to vector<16xi32>
    %min3A_545 = arith.minsi %min3A_544, %max3A_543 : vector<16xi32>
    %sub3A_546 = arith.constant 1 : i32
    %sub3A_547 = vector.broadcast %sub3A_546 : i32 to vector<16xi32>
    %sub3A_548 = arith.subi %min3A_545, %sub3A_547 : vector<16xi32>
    %jit3A_549 = arith.constant 0 : i32
    %jit3A_550 = arith.constant 98 : i32
    %max3A_551 = vector.broadcast %jit3A_549 : i32 to vector<16xi32>
    %max3A_552 = arith.maxsi %max3A_551, %sub3A_548 : vector<16xi32>
    %min3A_553 = vector.broadcast %jit3A_550 : i32 to vector<16xi32>
    %min3A_554 = arith.minsi %min3A_553, %max3A_552 : vector<16xi32>
    %gather3A_555 = arith.constant 1 : i32
    %gather3A_556 = arith.constant 0 : i32
    %gather3A_557 = tpu.memref_slice %arg10[%gather3A_555, %gather3A_556] : memref<2x112xf32, #tpu.memory_space<vmem>> -> memref<1x112xf32, #tpu.memory_space<vmem>>
    %gather3A_558 = tpu.memref_squeeze %gather3A_557 : memref<1x112xf32, #tpu.memory_space<vmem>> -> memref<112xf32, #tpu.memory_space<vmem>>
    %gather3A_559 = tpu.vector_load_idx %gather3A_558[%min3A_554] : memref<112xf32, #tpu.memory_space<vmem>>[vector<16xi32>], vector<16xf32>,
    %jit3A_560 = arith.constant 0 : i32
    %jit3A_561 = arith.constant 98 : i32
    %max3A_562 = vector.broadcast %jit3A_560 : i32 to vector<16xi32>
    %max3A_563 = arith.maxsi %max3A_562, %min3A_545 : vector<16xi32>
    %min3A_564 = vector.broadcast %jit3A_561 : i32 to vector<16xi32>
    %min3A_565 = arith.minsi %min3A_564, %max3A_563 : vector<16xi32>
    %gather3A_566 = arith.constant 1 : i32
    %gather3A_567 = arith.constant 0 : i32
    %gather3A_568 = tpu.memref_slice %arg10[%gather3A_566, %gather3A_567] : memref<2x112xf32, #tpu.memory_space<vmem>> -> memref<1x112xf32, #tpu.memory_space<vmem>>
    %gather3A_569 = tpu.memref_squeeze %gather3A_568 : memref<1x112xf32, #tpu.memory_space<vmem>> -> memref<112xf32, #tpu.memory_space<vmem>>
    %gather3A_570 = tpu.vector_load_idx %gather3A_569[%min3A_565] : memref<112xf32, #tpu.memory_space<vmem>>[vector<16xi32>], vector<16xf32>,
    %gt3A_571 = arith.constant 0 : i32
    %gt3A_572 = vector.broadcast %gt3A_571 : i32 to vector<16xi32>
    %gt3A_573 = arith.cmpi sgt, %min3A_545, %gt3A_572 : vector<16xi32>
    %gt3A_574 = arith.cmpf ogt, %gather3A_559, %get3A_458 : vector<16xf32>
    %and3A_575 = arith.andi %gt3A_573, %gt3A_574 : vector<16xi1>
    %lt3A_576 = arith.constant 99 : i32
    %lt3A_577 = vector.broadcast %lt3A_576 : i32 to vector<16xi32>
    %lt3A_578 = arith.cmpi slt, %min3A_545, %lt3A_577 : vector<16xi32>
    %le3A_579 = arith.cmpf ole, %gather3A_570, %get3A_458 : vector<16xf32>
    %and3A_580 = arith.andi %lt3A_578, %le3A_579 : vector<16xi1>
    %sub3A_581 = arith.constant 1 : i32
    %sub3A_582 = vector.broadcast %sub3A_581 : i32 to vector<16xi32>
    %sub3A_583 = arith.subi %min3A_545, %sub3A_582 : vector<16xi32>
    %add3A_584 = arith.constant 1 : i32
    %add3A_585 = vector.broadcast %add3A_584 : i32 to vector<16xi32>
    %add3A_586 = arith.addi %min3A_545, %add3A_585 : vector<16xi32>
    %select_n3A_587 = arith.select %and3A_580, %add3A_586, %min3A_545 : vector<16xi1>, vector<16xi32>
    %select_n3A_588 = arith.select %and3A_575, %sub3A_583, %select_n3A_587 : vector<16xi1>, vector<16xi32>
    %add3A_589 = arith.constant 100 : i32
    %add3A_590 = vector.broadcast %add3A_589 : i32 to vector<16xi32>
    %add3A_591 = arith.addi %select_n3A_588, %add3A_590 : vector<16xi32>
    %add3A_592 = arith.constant 96 : i32
    %add3A_593 = vector.broadcast %add3A_592 : i32 to vector<16xi32>
    %add3A_594 = arith.addi %add3A_593, %mul3A_13 : vector<16xi32>
    %scatter3A_595 = arith.constant 0 : i32
    %scatter3A_596 = arith.constant 0 : i32
    %scatter3A_597 = tpu.memref_slice %arg11[%scatter3A_595, %scatter3A_596] : memref<8x128xi32, #tpu.memory_space<vmem>> -> memref<1x128xi32, #tpu.memory_space<vmem>>
    %scatter3A_598 = tpu.memref_squeeze %scatter3A_597 : memref<1x128xi32, #tpu.memory_space<vmem>> -> memref<128xi32, #tpu.memory_space<vmem>>
    tpu.vector_store_idx %scatter3A_598[%add3A_594], %select_n3A_523 : memref<128xi32, #tpu.memory_space<vmem>>[vector<16xi32>], vector<16xi32>,
    %add3A_599 = arith.constant 1 : i32
    %add3A_600 = vector.broadcast %add3A_599 : i32 to vector<16xi32>
    %add3A_601 = arith.addi %add3A_594, %add3A_600 : vector<16xi32>
    %scatter3A_602 = arith.constant 0 : i32
    %scatter3A_603 = arith.constant 0 : i32
    %scatter3A_604 = tpu.memref_slice %arg11[%scatter3A_602, %scatter3A_603] : memref<8x128xi32, #tpu.memory_space<vmem>> -> memref<1x128xi32, #tpu.memory_space<vmem>>
    %scatter3A_605 = tpu.memref_squeeze %scatter3A_604 : memref<1x128xi32, #tpu.memory_space<vmem>> -> memref<128xi32, #tpu.memory_space<vmem>>
    tpu.vector_store_idx %scatter3A_605[%add3A_601], %add3A_591 : memref<128xi32, #tpu.memory_space<vmem>>[vector<16xi32>], vector<16xi32>,
    %eq3A_606 = arith.constant 0 : i32
    %eq3A_607 = arith.cmpi eq, %arg1, %eq3A_606 : i32
    %convert_element_type3A_608 = arith.extui %eq3A_607 : i1 to i32
    %cond3A_609 = arith.constant 0 : i32
    %cond3A_610 = arith.cmpi ne, %convert_element_type3A_608, %cond3A_609 : i32
    scf.if %cond3A_610 {
      %dma_wait3A_5095 = arith.constant 0 : i32
      %dma_wait3A_5096 = arith.constant 0 : i32
      %dma_wait3A_5097 = tpu.memref_slice %arg13[%dma_wait3A_5095, %dma_wait3A_5096] : memref<200x64xf32, #tpu.memory_space<vmem_shared>> -> memref<100x64xf32, #tpu.memory_space<vmem_shared>>
      tpu.wait_dma2 semaphore(%arg15 : memref<!tpu.dma_semaphore, #tpu.memory_space<semaphore_mem>>) src(%arg4 : memref<100x64xf32, #tpu.memory_space<hbm>>) dst(%dma_wait3A_5097 : memref<100x64xf32, #tpu.memory_space<vmem_shared>>)
      %dma_wait3A_5098 = arith.constant 100 : i32
      %dma_wait3A_5099 = arith.constant 0 : i32
      %dma_wait3A_5100 = tpu.memref_slice %arg13[%dma_wait3A_5098, %dma_wait3A_5099] : memref<200x64xf32, #tpu.memory_space<vmem_shared>> -> memref<100x64xf32, #tpu.memory_space<vmem_shared>>
      tpu.wait_dma2 semaphore(%arg15 : memref<!tpu.dma_semaphore, #tpu.memory_space<semaphore_mem>>) src(%arg5 : memref<100x64xf32, #tpu.memory_space<hbm>>) dst(%dma_wait3A_5100 : memref<100x64xf32, #tpu.memory_space<vmem_shared>>)
    } else {
    }
    %barrier3A = arith.constant 0 : index
    tpu.barrier barrier_id(%barrier3A)
    %dma_start3A_611 = arith.constant 0 : i32
    %dma_start3A_612 = arith.constant 0 : i32
    %dma_start3A_613 = arith.constant 0 : i32
    %dma_start3A_614 = tpu.memref_slice %arg12[%dma_start3A_612, %dma_start3A_613] : memref<1024x64xf32, #tpu.memory_space<vmem>> -> memref<128x64xf32, #tpu.memory_space<vmem>>
    %dma_start3A_615 = arith.constant 0 : i32
    %dma_start3A_616 = tpu.memref_slice %arg11[%dma_start3A_611, %dma_start3A_615] : memref<8x128xi32, #tpu.memory_space<vmem>> -> memref<1x128xi32, #tpu.memory_space<vmem>>
    %dma_start3A_617 = tpu.memref_squeeze %dma_start3A_616 : memref<1x128xi32, #tpu.memory_space<vmem>> -> memref<128xi32, #tpu.memory_space<vmem>>
    %dma_start3A_618 = arith.constant 0 : i32
    %dma_start3A_619 = arith.constant 0 : i32
    %dma_start3A_620 = tpu.memref_slice %arg13[%dma_start3A_618, %dma_start3A_619] : memref<200x64xf32, #tpu.memory_space<vmem_shared>> -> memref<200x64xf32, #tpu.memory_space<vmem_shared>>
    tpu.enqueue_indirect_dma source(%dma_start3A_620 : memref<200x64xf32, #tpu.memory_space<vmem_shared>>) target(%dma_start3A_614 : memref<128x64xf32, #tpu.memory_space<vmem>>) offsets(%dma_start3A_617 : memref<128xi32, #tpu.memory_space<vmem>>) semaphore(%arg16 : memref<!tpu.dma_semaphore, #tpu.memory_space<semaphore_mem>>)
    %get3A_621 = arith.constant 64 : index
    %get3A_622 = tpu.vector_load %arg8[%get3A_621] {strides = array<i32>} : memref<512xf32, #tpu.memory_space<vmem>>, vector<16xf32>,
    %get3A_623 = arith.constant 64 : index
    %get3A_624 = tpu.vector_load %arg9[%get3A_623] {strides = array<i32>} : memref<512xf32, #tpu.memory_space<vmem>>, vector<16xf32>,
    %sub3A_625 = arith.constant -9.000000e+01 : f32
    %sub3A_626 = vector.broadcast %sub3A_625 : f32 to vector<16xf32>
    %sub3A_627 = arith.subf %get3A_622, %sub3A_626 : vector<16xf32>
    %mul3A_628 = arith.constant 0.544444442 : f32
    %mul3A_629 = vector.broadcast %mul3A_628 : f32 to vector<16xf32>
    %mul3A_630 = arith.mulf %sub3A_627, %mul3A_629 : vector<16xf32>
    %max3A_631 = arith.constant -1.000000e+00 : f32
    %max3A_632 = vector.broadcast %max3A_631 : f32 to vector<16xf32>
    %max3A_633 = arith.maximumf %mul3A_630, %max3A_632 : vector<16xf32>
    %min3A_634 = arith.constant 1.010000e+02 : f32
    %min3A_635 = vector.broadcast %min3A_634 : f32 to vector<16xf32>
    %min3A_636 = arith.minimumf %max3A_633, %min3A_635 : vector<16xf32>
    %convert_element_type3A_637 = arith.fptosi %min3A_636 : vector<16xf32> to vector<16xi32>
    %add3A_638 = arith.constant 1 : i32
    %add3A_639 = vector.broadcast %add3A_638 : i32 to vector<16xi32>
    %add3A_640 = arith.addi %convert_element_type3A_637, %add3A_639 : vector<16xi32>
    %jit3A_641 = arith.constant 0 : i32
    %jit3A_642 = arith.constant 99 : i32
    %max3A_643 = vector.broadcast %jit3A_641 : i32 to vector<16xi32>
    %max3A_644 = arith.maxsi %max3A_643, %add3A_640 : vector<16xi32>
    %min3A_645 = vector.broadcast %jit3A_642 : i32 to vector<16xi32>
    %min3A_646 = arith.minsi %min3A_645, %max3A_644 : vector<16xi32>
    %sub3A_647 = arith.constant 1 : i32
    %sub3A_648 = vector.broadcast %sub3A_647 : i32 to vector<16xi32>
    %sub3A_649 = arith.subi %min3A_646, %sub3A_648 : vector<16xi32>
    %jit3A_650 = arith.constant 0 : i32
    %jit3A_651 = arith.constant 98 : i32
    %max3A_652 = vector.broadcast %jit3A_650 : i32 to vector<16xi32>
    %max3A_653 = arith.maxsi %max3A_652, %sub3A_649 : vector<16xi32>
    %min3A_654 = vector.broadcast %jit3A_651 : i32 to vector<16xi32>
    %min3A_655 = arith.minsi %min3A_654, %max3A_653 : vector<16xi32>
    %gather3A_656 = arith.constant 0 : i32
    %gather3A_657 = arith.constant 0 : i32
    %gather3A_658 = tpu.memref_slice %arg10[%gather3A_656, %gather3A_657] : memref<2x112xf32, #tpu.memory_space<vmem>> -> memref<1x112xf32, #tpu.memory_space<vmem>>
    %gather3A_659 = tpu.memref_squeeze %gather3A_658 : memref<1x112xf32, #tpu.memory_space<vmem>> -> memref<112xf32, #tpu.memory_space<vmem>>
    %gather3A_660 = tpu.vector_load_idx %gather3A_659[%min3A_655] : memref<112xf32, #tpu.memory_space<vmem>>[vector<16xi32>], vector<16xf32>,
    %jit3A_661 = arith.constant 0 : i32
    %jit3A_662 = arith.constant 98 : i32
    %max3A_663 = vector.broadcast %jit3A_661 : i32 to vector<16xi32>
    %max3A_664 = arith.maxsi %max3A_663, %min3A_646 : vector<16xi32>
    %min3A_665 = vector.broadcast %jit3A_662 : i32 to vector<16xi32>
    %min3A_666 = arith.minsi %min3A_665, %max3A_664 : vector<16xi32>
    %gather3A_667 = arith.constant 0 : i32
    %gather3A_668 = arith.constant 0 : i32
    %gather3A_669 = tpu.memref_slice %arg10[%gather3A_667, %gather3A_668] : memref<2x112xf32, #tpu.memory_space<vmem>> -> memref<1x112xf32, #tpu.memory_space<vmem>>
    %gather3A_670 = tpu.memref_squeeze %gather3A_669 : memref<1x112xf32, #tpu.memory_space<vmem>> -> memref<112xf32, #tpu.memory_space<vmem>>
    %gather3A_671 = tpu.vector_load_idx %gather3A_670[%min3A_666] : memref<112xf32, #tpu.memory_space<vmem>>[vector<16xi32>], vector<16xf32>,
    %gt3A_672 = arith.constant 0 : i32
    %gt3A_673 = vector.broadcast %gt3A_672 : i32 to vector<16xi32>
    %gt3A_674 = arith.cmpi sgt, %min3A_646, %gt3A_673 : vector<16xi32>
    %gt3A_675 = arith.cmpf ogt, %gather3A_660, %get3A_622 : vector<16xf32>
    %and3A_676 = arith.andi %gt3A_674, %gt3A_675 : vector<16xi1>
    %lt3A_677 = arith.constant 99 : i32
    %lt3A_678 = vector.broadcast %lt3A_677 : i32 to vector<16xi32>
    %lt3A_679 = arith.cmpi slt, %min3A_646, %lt3A_678 : vector<16xi32>
    %le3A_680 = arith.cmpf ole, %gather3A_671, %get3A_622 : vector<16xf32>
    %and3A_681 = arith.andi %lt3A_679, %le3A_680 : vector<16xi1>
    %sub3A_682 = arith.constant 1 : i32
    %sub3A_683 = vector.broadcast %sub3A_682 : i32 to vector<16xi32>
    %sub3A_684 = arith.subi %min3A_646, %sub3A_683 : vector<16xi32>
    %add3A_685 = arith.constant 1 : i32
    %add3A_686 = vector.broadcast %add3A_685 : i32 to vector<16xi32>
    %add3A_687 = arith.addi %min3A_646, %add3A_686 : vector<16xi32>
    %select_n3A_688 = arith.select %and3A_681, %add3A_687, %min3A_646 : vector<16xi1>, vector<16xi32>
    %select_n3A_689 = arith.select %and3A_676, %sub3A_684, %select_n3A_688 : vector<16xi1>, vector<16xi32>
    %sub3A_690 = arith.constant -1.800000e+02 : f32
    %sub3A_691 = vector.broadcast %sub3A_690 : f32 to vector<16xf32>
    %sub3A_692 = arith.subf %get3A_624, %sub3A_691 : vector<16xf32>
    %mul3A_693 = arith.constant 0.272222221 : f32
    %mul3A_694 = vector.broadcast %mul3A_693 : f32 to vector<16xf32>
    %mul3A_695 = arith.mulf %sub3A_692, %mul3A_694 : vector<16xf32>
    %max3A_696 = arith.constant -1.000000e+00 : f32
    %max3A_697 = vector.broadcast %max3A_696 : f32 to vector<16xf32>
    %max3A_698 = arith.maximumf %mul3A_695, %max3A_697 : vector<16xf32>
    %min3A_699 = arith.constant 1.010000e+02 : f32
    %min3A_700 = vector.broadcast %min3A_699 : f32 to vector<16xf32>
    %min3A_701 = arith.minimumf %max3A_698, %min3A_700 : vector<16xf32>
    %convert_element_type3A_702 = arith.fptosi %min3A_701 : vector<16xf32> to vector<16xi32>
    %add3A_703 = arith.constant 1 : i32
    %add3A_704 = vector.broadcast %add3A_703 : i32 to vector<16xi32>
    %add3A_705 = arith.addi %convert_element_type3A_702, %add3A_704 : vector<16xi32>
    %jit3A_706 = arith.constant 0 : i32
    %jit3A_707 = arith.constant 99 : i32
    %max3A_708 = vector.broadcast %jit3A_706 : i32 to vector<16xi32>
    %max3A_709 = arith.maxsi %max3A_708, %add3A_705 : vector<16xi32>
    %min3A_710 = vector.broadcast %jit3A_707 : i32 to vector<16xi32>
    %min3A_711 = arith.minsi %min3A_710, %max3A_709 : vector<16xi32>
    %sub3A_712 = arith.constant 1 : i32
    %sub3A_713 = vector.broadcast %sub3A_712 : i32 to vector<16xi32>
    %sub3A_714 = arith.subi %min3A_711, %sub3A_713 : vector<16xi32>
    %jit3A_715 = arith.constant 0 : i32
    %jit3A_716 = arith.constant 98 : i32
    %max3A_717 = vector.broadcast %jit3A_715 : i32 to vector<16xi32>
    %max3A_718 = arith.maxsi %max3A_717, %sub3A_714 : vector<16xi32>
    %min3A_719 = vector.broadcast %jit3A_716 : i32 to vector<16xi32>
    %min3A_720 = arith.minsi %min3A_719, %max3A_718 : vector<16xi32>
    %gather3A_721 = arith.constant 1 : i32
    %gather3A_722 = arith.constant 0 : i32
    %gather3A_723 = tpu.memref_slice %arg10[%gather3A_721, %gather3A_722] : memref<2x112xf32, #tpu.memory_space<vmem>> -> memref<1x112xf32, #tpu.memory_space<vmem>>
    %gather3A_724 = tpu.memref_squeeze %gather3A_723 : memref<1x112xf32, #tpu.memory_space<vmem>> -> memref<112xf32, #tpu.memory_space<vmem>>
    %gather3A_725 = tpu.vector_load_idx %gather3A_724[%min3A_720] : memref<112xf32, #tpu.memory_space<vmem>>[vector<16xi32>], vector<16xf32>,
    %jit3A_726 = arith.constant 0 : i32
    %jit3A_727 = arith.constant 98 : i32
    %max3A_728 = vector.broadcast %jit3A_726 : i32 to vector<16xi32>
    %max3A_729 = arith.maxsi %max3A_728, %min3A_711 : vector<16xi32>
    %min3A_730 = vector.broadcast %jit3A_727 : i32 to vector<16xi32>
    %min3A_731 = arith.minsi %min3A_730, %max3A_729 : vector<16xi32>
    %gather3A_732 = arith.constant 1 : i32
    %gather3A_733 = arith.constant 0 : i32
    %gather3A_734 = tpu.memref_slice %arg10[%gather3A_732, %gather3A_733] : memref<2x112xf32, #tpu.memory_space<vmem>> -> memref<1x112xf32, #tpu.memory_space<vmem>>
    %gather3A_735 = tpu.memref_squeeze %gather3A_734 : memref<1x112xf32, #tpu.memory_space<vmem>> -> memref<112xf32, #tpu.memory_space<vmem>>
    %gather3A_736 = tpu.vector_load_idx %gather3A_735[%min3A_731] : memref<112xf32, #tpu.memory_space<vmem>>[vector<16xi32>], vector<16xf32>,
    %gt3A_737 = arith.constant 0 : i32
    %gt3A_738 = vector.broadcast %gt3A_737 : i32 to vector<16xi32>
    %gt3A_739 = arith.cmpi sgt, %min3A_711, %gt3A_738 : vector<16xi32>
    %gt3A_740 = arith.cmpf ogt, %gather3A_725, %get3A_624 : vector<16xf32>
    %and3A_741 = arith.andi %gt3A_739, %gt3A_740 : vector<16xi1>
    %lt3A_742 = arith.constant 99 : i32
    %lt3A_743 = vector.broadcast %lt3A_742 : i32 to vector<16xi32>
    %lt3A_744 = arith.cmpi slt, %min3A_711, %lt3A_743 : vector<16xi32>
    %le3A_745 = arith.cmpf ole, %gather3A_736, %get3A_624 : vector<16xf32>
    %and3A_746 = arith.andi %lt3A_744, %le3A_745 : vector<16xi1>
    %sub3A_747 = arith.constant 1 : i32
    %sub3A_748 = vector.broadcast %sub3A_747 : i32 to vector<16xi32>
    %sub3A_749 = arith.subi %min3A_711, %sub3A_748 : vector<16xi32>
    %add3A_750 = arith.constant 1 : i32
    %add3A_751 = vector.broadcast %add3A_750 : i32 to vector<16xi32>
    %add3A_752 = arith.addi %min3A_711, %add3A_751 : vector<16xi32>
    %select_n3A_753 = arith.select %and3A_746, %add3A_752, %min3A_711 : vector<16xi1>, vector<16xi32>
    %select_n3A_754 = arith.select %and3A_741, %sub3A_749, %select_n3A_753 : vector<16xi1>, vector<16xi32>
    %add3A_755 = arith.constant 100 : i32
    %add3A_756 = vector.broadcast %add3A_755 : i32 to vector<16xi32>
    %add3A_757 = arith.addi %select_n3A_754, %add3A_756 : vector<16xi32>
    %add3A_758 = arith.constant 0 : i32
    %add3A_759 = vector.broadcast %add3A_758 : i32 to vector<16xi32>
    %add3A_760 = arith.addi %add3A_759, %mul3A_13 : vector<16xi32>
    %scatter3A_761 = arith.constant 1 : i32
    %scatter3A_762 = arith.constant 0 : i32
    %scatter3A_763 = tpu.memref_slice %arg11[%scatter3A_761, %scatter3A_762] : memref<8x128xi32, #tpu.memory_space<vmem>> -> memref<1x128xi32, #tpu.memory_space<vmem>>
    %scatter3A_764 = tpu.memref_squeeze %scatter3A_763 : memref<1x128xi32, #tpu.memory_space<vmem>> -> memref<128xi32, #tpu.memory_space<vmem>>
    tpu.vector_store_idx %scatter3A_764[%add3A_760], %select_n3A_689 : memref<128xi32, #tpu.memory_space<vmem>>[vector<16xi32>], vector<16xi32>,
    %add3A_765 = arith.constant 1 : i32
    %add3A_766 = vector.broadcast %add3A_765 : i32 to vector<16xi32>
    %add3A_767 = arith.addi %add3A_760, %add3A_766 : vector<16xi32>
    %scatter3A_768 = arith.constant 1 : i32
    %scatter3A_769 = arith.constant 0 : i32
    %scatter3A_770 = tpu.memref_slice %arg11[%scatter3A_768, %scatter3A_769] : memref<8x128xi32, #tpu.memory_space<vmem>> -> memref<1x128xi32, #tpu.memory_space<vmem>>
    %scatter3A_771 = tpu.memref_squeeze %scatter3A_770 : memref<1x128xi32, #tpu.memory_space<vmem>> -> memref<128xi32, #tpu.memory_space<vmem>>
    tpu.vector_store_idx %scatter3A_771[%add3A_767], %add3A_757 : memref<128xi32, #tpu.memory_space<vmem>>[vector<16xi32>], vector<16xi32>,
    %get3A_772 = arith.constant 80 : index
    %get3A_773 = tpu.vector_load %arg8[%get3A_772] {strides = array<i32>} : memref<512xf32, #tpu.memory_space<vmem>>, vector<16xf32>,
    %get3A_774 = arith.constant 80 : index
    %get3A_775 = tpu.vector_load %arg9[%get3A_774] {strides = array<i32>} : memref<512xf32, #tpu.memory_space<vmem>>, vector<16xf32>,
    %sub3A_776 = arith.constant -9.000000e+01 : f32
    %sub3A_777 = vector.broadcast %sub3A_776 : f32 to vector<16xf32>
    %sub3A_778 = arith.subf %get3A_773, %sub3A_777 : vector<16xf32>
    %mul3A_779 = arith.constant 0.544444442 : f32
    %mul3A_780 = vector.broadcast %mul3A_779 : f32 to vector<16xf32>
    %mul3A_781 = arith.mulf %sub3A_778, %mul3A_780 : vector<16xf32>
    %max3A_782 = arith.constant -1.000000e+00 : f32
    %max3A_783 = vector.broadcast %max3A_782 : f32 to vector<16xf32>
    %max3A_784 = arith.maximumf %mul3A_781, %max3A_783 : vector<16xf32>
    %min3A_785 = arith.constant 1.010000e+02 : f32
    %min3A_786 = vector.broadcast %min3A_785 : f32 to vector<16xf32>
    %min3A_787 = arith.minimumf %max3A_784, %min3A_786 : vector<16xf32>
    %convert_element_type3A_788 = arith.fptosi %min3A_787 : vector<16xf32> to vector<16xi32>
    %add3A_789 = arith.constant 1 : i32
    %add3A_790 = vector.broadcast %add3A_789 : i32 to vector<16xi32>
    %add3A_791 = arith.addi %convert_element_type3A_788, %add3A_790 : vector<16xi32>
    %jit3A_792 = arith.constant 0 : i32
    %jit3A_793 = arith.constant 99 : i32
    %max3A_794 = vector.broadcast %jit3A_792 : i32 to vector<16xi32>
    %max3A_795 = arith.maxsi %max3A_794, %add3A_791 : vector<16xi32>
    %min3A_796 = vector.broadcast %jit3A_793 : i32 to vector<16xi32>
    %min3A_797 = arith.minsi %min3A_796, %max3A_795 : vector<16xi32>
    %sub3A_798 = arith.constant 1 : i32
    %sub3A_799 = vector.broadcast %sub3A_798 : i32 to vector<16xi32>
    %sub3A_800 = arith.subi %min3A_797, %sub3A_799 : vector<16xi32>
    %jit3A_801 = arith.constant 0 : i32
    %jit3A_802 = arith.constant 98 : i32
    %max3A_803 = vector.broadcast %jit3A_801 : i32 to vector<16xi32>
    %max3A_804 = arith.maxsi %max3A_803, %sub3A_800 : vector<16xi32>
    %min3A_805 = vector.broadcast %jit3A_802 : i32 to vector<16xi32>
    %min3A_806 = arith.minsi %min3A_805, %max3A_804 : vector<16xi32>
    %gather3A_807 = arith.constant 0 : i32
    %gather3A_808 = arith.constant 0 : i32
    %gather3A_809 = tpu.memref_slice %arg10[%gather3A_807, %gather3A_808] : memref<2x112xf32, #tpu.memory_space<vmem>> -> memref<1x112xf32, #tpu.memory_space<vmem>>
    %gather3A_810 = tpu.memref_squeeze %gather3A_809 : memref<1x112xf32, #tpu.memory_space<vmem>> -> memref<112xf32, #tpu.memory_space<vmem>>
    %gather3A_811 = tpu.vector_load_idx %gather3A_810[%min3A_806] : memref<112xf32, #tpu.memory_space<vmem>>[vector<16xi32>], vector<16xf32>,
    %jit3A_812 = arith.constant 0 : i32
    %jit3A_813 = arith.constant 98 : i32
    %max3A_814 = vector.broadcast %jit3A_812 : i32 to vector<16xi32>
    %max3A_815 = arith.maxsi %max3A_814, %min3A_797 : vector<16xi32>
    %min3A_816 = vector.broadcast %jit3A_813 : i32 to vector<16xi32>
    %min3A_817 = arith.minsi %min3A_816, %max3A_815 : vector<16xi32>
    %gather3A_818 = arith.constant 0 : i32
    %gather3A_819 = arith.constant 0 : i32
    %gather3A_820 = tpu.memref_slice %arg10[%gather3A_818, %gather3A_819] : memref<2x112xf32, #tpu.memory_space<vmem>> -> memref<1x112xf32, #tpu.memory_space<vmem>>
    %gather3A_821 = tpu.memref_squeeze %gather3A_820 : memref<1x112xf32, #tpu.memory_space<vmem>> -> memref<112xf32, #tpu.memory_space<vmem>>
    %gather3A_822 = tpu.vector_load_idx %gather3A_821[%min3A_817] : memref<112xf32, #tpu.memory_space<vmem>>[vector<16xi32>], vector<16xf32>,
    %gt3A_823 = arith.constant 0 : i32
    %gt3A_824 = vector.broadcast %gt3A_823 : i32 to vector<16xi32>
    %gt3A_825 = arith.cmpi sgt, %min3A_797, %gt3A_824 : vector<16xi32>
    %gt3A_826 = arith.cmpf ogt, %gather3A_811, %get3A_773 : vector<16xf32>
    %and3A_827 = arith.andi %gt3A_825, %gt3A_826 : vector<16xi1>
    %lt3A_828 = arith.constant 99 : i32
    %lt3A_829 = vector.broadcast %lt3A_828 : i32 to vector<16xi32>
    %lt3A_830 = arith.cmpi slt, %min3A_797, %lt3A_829 : vector<16xi32>
    %le3A_831 = arith.cmpf ole, %gather3A_822, %get3A_773 : vector<16xf32>
    %and3A_832 = arith.andi %lt3A_830, %le3A_831 : vector<16xi1>
    %sub3A_833 = arith.constant 1 : i32
    %sub3A_834 = vector.broadcast %sub3A_833 : i32 to vector<16xi32>
    %sub3A_835 = arith.subi %min3A_797, %sub3A_834 : vector<16xi32>
    %add3A_836 = arith.constant 1 : i32
    %add3A_837 = vector.broadcast %add3A_836 : i32 to vector<16xi32>
    %add3A_838 = arith.addi %min3A_797, %add3A_837 : vector<16xi32>
    %select_n3A_839 = arith.select %and3A_832, %add3A_838, %min3A_797 : vector<16xi1>, vector<16xi32>
    %select_n3A_840 = arith.select %and3A_827, %sub3A_835, %select_n3A_839 : vector<16xi1>, vector<16xi32>
    %sub3A_841 = arith.constant -1.800000e+02 : f32
    %sub3A_842 = vector.broadcast %sub3A_841 : f32 to vector<16xf32>
    %sub3A_843 = arith.subf %get3A_775, %sub3A_842 : vector<16xf32>
    %mul3A_844 = arith.constant 0.272222221 : f32
    %mul3A_845 = vector.broadcast %mul3A_844 : f32 to vector<16xf32>
    %mul3A_846 = arith.mulf %sub3A_843, %mul3A_845 : vector<16xf32>
    %max3A_847 = arith.constant -1.000000e+00 : f32
    %max3A_848 = vector.broadcast %max3A_847 : f32 to vector<16xf32>
    %max3A_849 = arith.maximumf %mul3A_846, %max3A_848 : vector<16xf32>
    %min3A_850 = arith.constant 1.010000e+02 : f32
    %min3A_851 = vector.broadcast %min3A_850 : f32 to vector<16xf32>
    %min3A_852 = arith.minimumf %max3A_849, %min3A_851 : vector<16xf32>
    %convert_element_type3A_853 = arith.fptosi %min3A_852 : vector<16xf32> to vector<16xi32>
    %add3A_854 = arith.constant 1 : i32
    %add3A_855 = vector.broadcast %add3A_854 : i32 to vector<16xi32>
    %add3A_856 = arith.addi %convert_element_type3A_853, %add3A_855 : vector<16xi32>
    %jit3A_857 = arith.constant 0 : i32
    %jit3A_858 = arith.constant 99 : i32
    %max3A_859 = vector.broadcast %jit3A_857 : i32 to vector<16xi32>
    %max3A_860 = arith.maxsi %max3A_859, %add3A_856 : vector<16xi32>
    %min3A_861 = vector.broadcast %jit3A_858 : i32 to vector<16xi32>
    %min3A_862 = arith.minsi %min3A_861, %max3A_860 : vector<16xi32>
    %sub3A_863 = arith.constant 1 : i32
    %sub3A_864 = vector.broadcast %sub3A_863 : i32 to vector<16xi32>
    %sub3A_865 = arith.subi %min3A_862, %sub3A_864 : vector<16xi32>
    %jit3A_866 = arith.constant 0 : i32
    %jit3A_867 = arith.constant 98 : i32
    %max3A_868 = vector.broadcast %jit3A_866 : i32 to vector<16xi32>
    %max3A_869 = arith.maxsi %max3A_868, %sub3A_865 : vector<16xi32>
    %min3A_870 = vector.broadcast %jit3A_867 : i32 to vector<16xi32>
    %min3A_871 = arith.minsi %min3A_870, %max3A_869 : vector<16xi32>
    %gather3A_872 = arith.constant 1 : i32
    %gather3A_873 = arith.constant 0 : i32
    %gather3A_874 = tpu.memref_slice %arg10[%gather3A_872, %gather3A_873] : memref<2x112xf32, #tpu.memory_space<vmem>> -> memref<1x112xf32, #tpu.memory_space<vmem>>
    %gather3A_875 = tpu.memref_squeeze %gather3A_874 : memref<1x112xf32, #tpu.memory_space<vmem>> -> memref<112xf32, #tpu.memory_space<vmem>>
    %gather3A_876 = tpu.vector_load_idx %gather3A_875[%min3A_871] : memref<112xf32, #tpu.memory_space<vmem>>[vector<16xi32>], vector<16xf32>,
    %jit3A_877 = arith.constant 0 : i32
    %jit3A_878 = arith.constant 98 : i32
    %max3A_879 = vector.broadcast %jit3A_877 : i32 to vector<16xi32>
    %max3A_880 = arith.maxsi %max3A_879, %min3A_862 : vector<16xi32>
    %min3A_881 = vector.broadcast %jit3A_878 : i32 to vector<16xi32>
    %min3A_882 = arith.minsi %min3A_881, %max3A_880 : vector<16xi32>
    %gather3A_883 = arith.constant 1 : i32
    %gather3A_884 = arith.constant 0 : i32
    %gather3A_885 = tpu.memref_slice %arg10[%gather3A_883, %gather3A_884] : memref<2x112xf32, #tpu.memory_space<vmem>> -> memref<1x112xf32, #tpu.memory_space<vmem>>
    %gather3A_886 = tpu.memref_squeeze %gather3A_885 : memref<1x112xf32, #tpu.memory_space<vmem>> -> memref<112xf32, #tpu.memory_space<vmem>>
    %gather3A_887 = tpu.vector_load_idx %gather3A_886[%min3A_882] : memref<112xf32, #tpu.memory_space<vmem>>[vector<16xi32>], vector<16xf32>,
    %gt3A_888 = arith.constant 0 : i32
    %gt3A_889 = vector.broadcast %gt3A_888 : i32 to vector<16xi32>
    %gt3A_890 = arith.cmpi sgt, %min3A_862, %gt3A_889 : vector<16xi32>
    %gt3A_891 = arith.cmpf ogt, %gather3A_876, %get3A_775 : vector<16xf32>
    %and3A_892 = arith.andi %gt3A_890, %gt3A_891 : vector<16xi1>
    %lt3A_893 = arith.constant 99 : i32
    %lt3A_894 = vector.broadcast %lt3A_893 : i32 to vector<16xi32>
    %lt3A_895 = arith.cmpi slt, %min3A_862, %lt3A_894 : vector<16xi32>
    %le3A_896 = arith.cmpf ole, %gather3A_887, %get3A_775 : vector<16xf32>
    %and3A_897 = arith.andi %lt3A_895, %le3A_896 : vector<16xi1>
    %sub3A_898 = arith.constant 1 : i32
    %sub3A_899 = vector.broadcast %sub3A_898 : i32 to vector<16xi32>
    %sub3A_900 = arith.subi %min3A_862, %sub3A_899 : vector<16xi32>
    %add3A_901 = arith.constant 1 : i32
    %add3A_902 = vector.broadcast %add3A_901 : i32 to vector<16xi32>
    %add3A_903 = arith.addi %min3A_862, %add3A_902 : vector<16xi32>
    %select_n3A_904 = arith.select %and3A_897, %add3A_903, %min3A_862 : vector<16xi1>, vector<16xi32>
    %select_n3A_905 = arith.select %and3A_892, %sub3A_900, %select_n3A_904 : vector<16xi1>, vector<16xi32>
    %add3A_906 = arith.constant 100 : i32
    %add3A_907 = vector.broadcast %add3A_906 : i32 to vector<16xi32>
    %add3A_908 = arith.addi %select_n3A_905, %add3A_907 : vector<16xi32>
    %add3A_909 = arith.constant 32 : i32
    %add3A_910 = vector.broadcast %add3A_909 : i32 to vector<16xi32>
    %add3A_911 = arith.addi %add3A_910, %mul3A_13 : vector<16xi32>
    %scatter3A_912 = arith.constant 1 : i32
    %scatter3A_913 = arith.constant 0 : i32
    %scatter3A_914 = tpu.memref_slice %arg11[%scatter3A_912, %scatter3A_913] : memref<8x128xi32, #tpu.memory_space<vmem>> -> memref<1x128xi32, #tpu.memory_space<vmem>>
    %scatter3A_915 = tpu.memref_squeeze %scatter3A_914 : memref<1x128xi32, #tpu.memory_space<vmem>> -> memref<128xi32, #tpu.memory_space<vmem>>
    tpu.vector_store_idx %scatter3A_915[%add3A_911], %select_n3A_840 : memref<128xi32, #tpu.memory_space<vmem>>[vector<16xi32>], vector<16xi32>,
    %add3A_916 = arith.constant 1 : i32
    %add3A_917 = vector.broadcast %add3A_916 : i32 to vector<16xi32>
    %add3A_918 = arith.addi %add3A_911, %add3A_917 : vector<16xi32>
    %scatter3A_919 = arith.constant 1 : i32
    %scatter3A_920 = arith.constant 0 : i32
    %scatter3A_921 = tpu.memref_slice %arg11[%scatter3A_919, %scatter3A_920] : memref<8x128xi32, #tpu.memory_space<vmem>> -> memref<1x128xi32, #tpu.memory_space<vmem>>
    %scatter3A_922 = tpu.memref_squeeze %scatter3A_921 : memref<1x128xi32, #tpu.memory_space<vmem>> -> memref<128xi32, #tpu.memory_space<vmem>>
    tpu.vector_store_idx %scatter3A_922[%add3A_918], %add3A_908 : memref<128xi32, #tpu.memory_space<vmem>>[vector<16xi32>], vector<16xi32>,
    %get3A_923 = arith.constant 96 : index
    %get3A_924 = tpu.vector_load %arg8[%get3A_923] {strides = array<i32>} : memref<512xf32, #tpu.memory_space<vmem>>, vector<16xf32>,
    %get3A_925 = arith.constant 96 : index
    %get3A_926 = tpu.vector_load %arg9[%get3A_925] {strides = array<i32>} : memref<512xf32, #tpu.memory_space<vmem>>, vector<16xf32>,
    %sub3A_927 = arith.constant -9.000000e+01 : f32
    %sub3A_928 = vector.broadcast %sub3A_927 : f32 to vector<16xf32>
    %sub3A_929 = arith.subf %get3A_924, %sub3A_928 : vector<16xf32>
    %mul3A_930 = arith.constant 0.544444442 : f32
    %mul3A_931 = vector.broadcast %mul3A_930 : f32 to vector<16xf32>
    %mul3A_932 = arith.mulf %sub3A_929, %mul3A_931 : vector<16xf32>
    %max3A_933 = arith.constant -1.000000e+00 : f32
    %max3A_934 = vector.broadcast %max3A_933 : f32 to vector<16xf32>
    %max3A_935 = arith.maximumf %mul3A_932, %max3A_934 : vector<16xf32>
    %min3A_936 = arith.constant 1.010000e+02 : f32
    %min3A_937 = vector.broadcast %min3A_936 : f32 to vector<16xf32>
    %min3A_938 = arith.minimumf %max3A_935, %min3A_937 : vector<16xf32>
    %convert_element_type3A_939 = arith.fptosi %min3A_938 : vector<16xf32> to vector<16xi32>
    %add3A_940 = arith.constant 1 : i32
    %add3A_941 = vector.broadcast %add3A_940 : i32 to vector<16xi32>
    %add3A_942 = arith.addi %convert_element_type3A_939, %add3A_941 : vector<16xi32>
    %jit3A_943 = arith.constant 0 : i32
    %jit3A_944 = arith.constant 99 : i32
    %max3A_945 = vector.broadcast %jit3A_943 : i32 to vector<16xi32>
    %max3A_946 = arith.maxsi %max3A_945, %add3A_942 : vector<16xi32>
    %min3A_947 = vector.broadcast %jit3A_944 : i32 to vector<16xi32>
    %min3A_948 = arith.minsi %min3A_947, %max3A_946 : vector<16xi32>
    %sub3A_949 = arith.constant 1 : i32
    %sub3A_950 = vector.broadcast %sub3A_949 : i32 to vector<16xi32>
    %sub3A_951 = arith.subi %min3A_948, %sub3A_950 : vector<16xi32>
    %jit3A_952 = arith.constant 0 : i32
    %jit3A_953 = arith.constant 98 : i32
    %max3A_954 = vector.broadcast %jit3A_952 : i32 to vector<16xi32>
    %max3A_955 = arith.maxsi %max3A_954, %sub3A_951 : vector<16xi32>
    %min3A_956 = vector.broadcast %jit3A_953 : i32 to vector<16xi32>
    %min3A_957 = arith.minsi %min3A_956, %max3A_955 : vector<16xi32>
    %gather3A_958 = arith.constant 0 : i32
    %gather3A_959 = arith.constant 0 : i32
    %gather3A_960 = tpu.memref_slice %arg10[%gather3A_958, %gather3A_959] : memref<2x112xf32, #tpu.memory_space<vmem>> -> memref<1x112xf32, #tpu.memory_space<vmem>>
    %gather3A_961 = tpu.memref_squeeze %gather3A_960 : memref<1x112xf32, #tpu.memory_space<vmem>> -> memref<112xf32, #tpu.memory_space<vmem>>
    %gather3A_962 = tpu.vector_load_idx %gather3A_961[%min3A_957] : memref<112xf32, #tpu.memory_space<vmem>>[vector<16xi32>], vector<16xf32>,
    %jit3A_963 = arith.constant 0 : i32
    %jit3A_964 = arith.constant 98 : i32
    %max3A_965 = vector.broadcast %jit3A_963 : i32 to vector<16xi32>
    %max3A_966 = arith.maxsi %max3A_965, %min3A_948 : vector<16xi32>
    %min3A_967 = vector.broadcast %jit3A_964 : i32 to vector<16xi32>
    %min3A_968 = arith.minsi %min3A_967, %max3A_966 : vector<16xi32>
    %gather3A_969 = arith.constant 0 : i32
    %gather3A_970 = arith.constant 0 : i32
    %gather3A_971 = tpu.memref_slice %arg10[%gather3A_969, %gather3A_970] : memref<2x112xf32, #tpu.memory_space<vmem>> -> memref<1x112xf32, #tpu.memory_space<vmem>>
    %gather3A_972 = tpu.memref_squeeze %gather3A_971 : memref<1x112xf32, #tpu.memory_space<vmem>> -> memref<112xf32, #tpu.memory_space<vmem>>
    %gather3A_973 = tpu.vector_load_idx %gather3A_972[%min3A_968] : memref<112xf32, #tpu.memory_space<vmem>>[vector<16xi32>], vector<16xf32>,
    %gt3A_974 = arith.constant 0 : i32
    %gt3A_975 = vector.broadcast %gt3A_974 : i32 to vector<16xi32>
    %gt3A_976 = arith.cmpi sgt, %min3A_948, %gt3A_975 : vector<16xi32>
    %gt3A_977 = arith.cmpf ogt, %gather3A_962, %get3A_924 : vector<16xf32>
    %and3A_978 = arith.andi %gt3A_976, %gt3A_977 : vector<16xi1>
    %lt3A_979 = arith.constant 99 : i32
    %lt3A_980 = vector.broadcast %lt3A_979 : i32 to vector<16xi32>
    %lt3A_981 = arith.cmpi slt, %min3A_948, %lt3A_980 : vector<16xi32>
    %le3A_982 = arith.cmpf ole, %gather3A_973, %get3A_924 : vector<16xf32>
    %and3A_983 = arith.andi %lt3A_981, %le3A_982 : vector<16xi1>
    %sub3A_984 = arith.constant 1 : i32
    %sub3A_985 = vector.broadcast %sub3A_984 : i32 to vector<16xi32>
    %sub3A_986 = arith.subi %min3A_948, %sub3A_985 : vector<16xi32>
    %add3A_987 = arith.constant 1 : i32
    %add3A_988 = vector.broadcast %add3A_987 : i32 to vector<16xi32>
    %add3A_989 = arith.addi %min3A_948, %add3A_988 : vector<16xi32>
    %select_n3A_990 = arith.select %and3A_983, %add3A_989, %min3A_948 : vector<16xi1>, vector<16xi32>
    %select_n3A_991 = arith.select %and3A_978, %sub3A_986, %select_n3A_990 : vector<16xi1>, vector<16xi32>
    %sub3A_992 = arith.constant -1.800000e+02 : f32
    %sub3A_993 = vector.broadcast %sub3A_992 : f32 to vector<16xf32>
    %sub3A_994 = arith.subf %get3A_926, %sub3A_993 : vector<16xf32>
    %mul3A_995 = arith.constant 0.272222221 : f32
    %mul3A_996 = vector.broadcast %mul3A_995 : f32 to vector<16xf32>
    %mul3A_997 = arith.mulf %sub3A_994, %mul3A_996 : vector<16xf32>
    %max3A_998 = arith.constant -1.000000e+00 : f32
    %max3A_999 = vector.broadcast %max3A_998 : f32 to vector<16xf32>
    %max3A_1000 = arith.maximumf %mul3A_997, %max3A_999 : vector<16xf32>
    %min3A_1001 = arith.constant 1.010000e+02 : f32
    %min3A_1002 = vector.broadcast %min3A_1001 : f32 to vector<16xf32>
    %min3A_1003 = arith.minimumf %max3A_1000, %min3A_1002 : vector<16xf32>
    %convert_element_type3A_1004 = arith.fptosi %min3A_1003 : vector<16xf32> to vector<16xi32>
    %add3A_1005 = arith.constant 1 : i32
    %add3A_1006 = vector.broadcast %add3A_1005 : i32 to vector<16xi32>
    %add3A_1007 = arith.addi %convert_element_type3A_1004, %add3A_1006 : vector<16xi32>
    %jit3A_1008 = arith.constant 0 : i32
    %jit3A_1009 = arith.constant 99 : i32
    %max3A_1010 = vector.broadcast %jit3A_1008 : i32 to vector<16xi32>
    %max3A_1011 = arith.maxsi %max3A_1010, %add3A_1007 : vector<16xi32>
    %min3A_1012 = vector.broadcast %jit3A_1009 : i32 to vector<16xi32>
    %min3A_1013 = arith.minsi %min3A_1012, %max3A_1011 : vector<16xi32>
    %sub3A_1014 = arith.constant 1 : i32
    %sub3A_1015 = vector.broadcast %sub3A_1014 : i32 to vector<16xi32>
    %sub3A_1016 = arith.subi %min3A_1013, %sub3A_1015 : vector<16xi32>
    %jit3A_1017 = arith.constant 0 : i32
    %jit3A_1018 = arith.constant 98 : i32
    %max3A_1019 = vector.broadcast %jit3A_1017 : i32 to vector<16xi32>
    %max3A_1020 = arith.maxsi %max3A_1019, %sub3A_1016 : vector<16xi32>
    %min3A_1021 = vector.broadcast %jit3A_1018 : i32 to vector<16xi32>
    %min3A_1022 = arith.minsi %min3A_1021, %max3A_1020 : vector<16xi32>
    %gather3A_1023 = arith.constant 1 : i32
    %gather3A_1024 = arith.constant 0 : i32
    %gather3A_1025 = tpu.memref_slice %arg10[%gather3A_1023, %gather3A_1024] : memref<2x112xf32, #tpu.memory_space<vmem>> -> memref<1x112xf32, #tpu.memory_space<vmem>>
    %gather3A_1026 = tpu.memref_squeeze %gather3A_1025 : memref<1x112xf32, #tpu.memory_space<vmem>> -> memref<112xf32, #tpu.memory_space<vmem>>
    %gather3A_1027 = tpu.vector_load_idx %gather3A_1026[%min3A_1022] : memref<112xf32, #tpu.memory_space<vmem>>[vector<16xi32>], vector<16xf32>,
    %jit3A_1028 = arith.constant 0 : i32
    %jit3A_1029 = arith.constant 98 : i32
    %max3A_1030 = vector.broadcast %jit3A_1028 : i32 to vector<16xi32>
    %max3A_1031 = arith.maxsi %max3A_1030, %min3A_1013 : vector<16xi32>
    %min3A_1032 = vector.broadcast %jit3A_1029 : i32 to vector<16xi32>
    %min3A_1033 = arith.minsi %min3A_1032, %max3A_1031 : vector<16xi32>
    %gather3A_1034 = arith.constant 1 : i32
    %gather3A_1035 = arith.constant 0 : i32
    %gather3A_1036 = tpu.memref_slice %arg10[%gather3A_1034, %gather3A_1035] : memref<2x112xf32, #tpu.memory_space<vmem>> -> memref<1x112xf32, #tpu.memory_space<vmem>>
    %gather3A_1037 = tpu.memref_squeeze %gather3A_1036 : memref<1x112xf32, #tpu.memory_space<vmem>> -> memref<112xf32, #tpu.memory_space<vmem>>
    %gather3A_1038 = tpu.vector_load_idx %gather3A_1037[%min3A_1033] : memref<112xf32, #tpu.memory_space<vmem>>[vector<16xi32>], vector<16xf32>,
    %gt3A_1039 = arith.constant 0 : i32
    %gt3A_1040 = vector.broadcast %gt3A_1039 : i32 to vector<16xi32>
    %gt3A_1041 = arith.cmpi sgt, %min3A_1013, %gt3A_1040 : vector<16xi32>
    %gt3A_1042 = arith.cmpf ogt, %gather3A_1027, %get3A_926 : vector<16xf32>
    %and3A_1043 = arith.andi %gt3A_1041, %gt3A_1042 : vector<16xi1>
    %lt3A_1044 = arith.constant 99 : i32
    %lt3A_1045 = vector.broadcast %lt3A_1044 : i32 to vector<16xi32>
    %lt3A_1046 = arith.cmpi slt, %min3A_1013, %lt3A_1045 : vector<16xi32>
    %le3A_1047 = arith.cmpf ole, %gather3A_1038, %get3A_926 : vector<16xf32>
    %and3A_1048 = arith.andi %lt3A_1046, %le3A_1047 : vector<16xi1>
    %sub3A_1049 = arith.constant 1 : i32
    %sub3A_1050 = vector.broadcast %sub3A_1049 : i32 to vector<16xi32>
    %sub3A_1051 = arith.subi %min3A_1013, %sub3A_1050 : vector<16xi32>
    %add3A_1052 = arith.constant 1 : i32
    %add3A_1053 = vector.broadcast %add3A_1052 : i32 to vector<16xi32>
    %add3A_1054 = arith.addi %min3A_1013, %add3A_1053 : vector<16xi32>
    %select_n3A_1055 = arith.select %and3A_1048, %add3A_1054, %min3A_1013 : vector<16xi1>, vector<16xi32>
    %select_n3A_1056 = arith.select %and3A_1043, %sub3A_1051, %select_n3A_1055 : vector<16xi1>, vector<16xi32>
    %add3A_1057 = arith.constant 100 : i32
    %add3A_1058 = vector.broadcast %add3A_1057 : i32 to vector<16xi32>
    %add3A_1059 = arith.addi %select_n3A_1056, %add3A_1058 : vector<16xi32>
    %add3A_1060 = arith.constant 64 : i32
    %add3A_1061 = vector.broadcast %add3A_1060 : i32 to vector<16xi32>
    %add3A_1062 = arith.addi %add3A_1061, %mul3A_13 : vector<16xi32>
    %scatter3A_1063 = arith.constant 1 : i32
    %scatter3A_1064 = arith.constant 0 : i32
    %scatter3A_1065 = tpu.memref_slice %arg11[%scatter3A_1063, %scatter3A_1064] : memref<8x128xi32, #tpu.memory_space<vmem>> -> memref<1x128xi32, #tpu.memory_space<vmem>>
    %scatter3A_1066 = tpu.memref_squeeze %scatter3A_1065 : memref<1x128xi32, #tpu.memory_space<vmem>> -> memref<128xi32, #tpu.memory_space<vmem>>
    tpu.vector_store_idx %scatter3A_1066[%add3A_1062], %select_n3A_991 : memref<128xi32, #tpu.memory_space<vmem>>[vector<16xi32>], vector<16xi32>,
    %add3A_1067 = arith.constant 1 : i32
    %add3A_1068 = vector.broadcast %add3A_1067 : i32 to vector<16xi32>
    %add3A_1069 = arith.addi %add3A_1062, %add3A_1068 : vector<16xi32>
    %scatter3A_1070 = arith.constant 1 : i32
    %scatter3A_1071 = arith.constant 0 : i32
    %scatter3A_1072 = tpu.memref_slice %arg11[%scatter3A_1070, %scatter3A_1071] : memref<8x128xi32, #tpu.memory_space<vmem>> -> memref<1x128xi32, #tpu.memory_space<vmem>>
    %scatter3A_1073 = tpu.memref_squeeze %scatter3A_1072 : memref<1x128xi32, #tpu.memory_space<vmem>> -> memref<128xi32, #tpu.memory_space<vmem>>
    tpu.vector_store_idx %scatter3A_1073[%add3A_1069], %add3A_1059 : memref<128xi32, #tpu.memory_space<vmem>>[vector<16xi32>], vector<16xi32>,
    %get3A_1074 = arith.constant 112 : index
    %get3A_1075 = tpu.vector_load %arg8[%get3A_1074] {strides = array<i32>} : memref<512xf32, #tpu.memory_space<vmem>>, vector<16xf32>,
    %get3A_1076 = arith.constant 112 : index
    %get3A_1077 = tpu.vector_load %arg9[%get3A_1076] {strides = array<i32>} : memref<512xf32, #tpu.memory_space<vmem>>, vector<16xf32>,
    %sub3A_1078 = arith.constant -9.000000e+01 : f32
    %sub3A_1079 = vector.broadcast %sub3A_1078 : f32 to vector<16xf32>
    %sub3A_1080 = arith.subf %get3A_1075, %sub3A_1079 : vector<16xf32>
    %mul3A_1081 = arith.constant 0.544444442 : f32
    %mul3A_1082 = vector.broadcast %mul3A_1081 : f32 to vector<16xf32>
    %mul3A_1083 = arith.mulf %sub3A_1080, %mul3A_1082 : vector<16xf32>
    %max3A_1084 = arith.constant -1.000000e+00 : f32
    %max3A_1085 = vector.broadcast %max3A_1084 : f32 to vector<16xf32>
    %max3A_1086 = arith.maximumf %mul3A_1083, %max3A_1085 : vector<16xf32>
    %min3A_1087 = arith.constant 1.010000e+02 : f32
    %min3A_1088 = vector.broadcast %min3A_1087 : f32 to vector<16xf32>
    %min3A_1089 = arith.minimumf %max3A_1086, %min3A_1088 : vector<16xf32>
    %convert_element_type3A_1090 = arith.fptosi %min3A_1089 : vector<16xf32> to vector<16xi32>
    %add3A_1091 = arith.constant 1 : i32
    %add3A_1092 = vector.broadcast %add3A_1091 : i32 to vector<16xi32>
    %add3A_1093 = arith.addi %convert_element_type3A_1090, %add3A_1092 : vector<16xi32>
    %jit3A_1094 = arith.constant 0 : i32
    %jit3A_1095 = arith.constant 99 : i32
    %max3A_1096 = vector.broadcast %jit3A_1094 : i32 to vector<16xi32>
    %max3A_1097 = arith.maxsi %max3A_1096, %add3A_1093 : vector<16xi32>
    %min3A_1098 = vector.broadcast %jit3A_1095 : i32 to vector<16xi32>
    %min3A_1099 = arith.minsi %min3A_1098, %max3A_1097 : vector<16xi32>
    %sub3A_1100 = arith.constant 1 : i32
    %sub3A_1101 = vector.broadcast %sub3A_1100 : i32 to vector<16xi32>
    %sub3A_1102 = arith.subi %min3A_1099, %sub3A_1101 : vector<16xi32>
    %jit3A_1103 = arith.constant 0 : i32
    %jit3A_1104 = arith.constant 98 : i32
    %max3A_1105 = vector.broadcast %jit3A_1103 : i32 to vector<16xi32>
    %max3A_1106 = arith.maxsi %max3A_1105, %sub3A_1102 : vector<16xi32>
    %min3A_1107 = vector.broadcast %jit3A_1104 : i32 to vector<16xi32>
    %min3A_1108 = arith.minsi %min3A_1107, %max3A_1106 : vector<16xi32>
    %gather3A_1109 = arith.constant 0 : i32
    %gather3A_1110 = arith.constant 0 : i32
    %gather3A_1111 = tpu.memref_slice %arg10[%gather3A_1109, %gather3A_1110] : memref<2x112xf32, #tpu.memory_space<vmem>> -> memref<1x112xf32, #tpu.memory_space<vmem>>
    %gather3A_1112 = tpu.memref_squeeze %gather3A_1111 : memref<1x112xf32, #tpu.memory_space<vmem>> -> memref<112xf32, #tpu.memory_space<vmem>>
    %gather3A_1113 = tpu.vector_load_idx %gather3A_1112[%min3A_1108] : memref<112xf32, #tpu.memory_space<vmem>>[vector<16xi32>], vector<16xf32>,
    %jit3A_1114 = arith.constant 0 : i32
    %jit3A_1115 = arith.constant 98 : i32
    %max3A_1116 = vector.broadcast %jit3A_1114 : i32 to vector<16xi32>
    %max3A_1117 = arith.maxsi %max3A_1116, %min3A_1099 : vector<16xi32>
    %min3A_1118 = vector.broadcast %jit3A_1115 : i32 to vector<16xi32>
    %min3A_1119 = arith.minsi %min3A_1118, %max3A_1117 : vector<16xi32>
    %gather3A_1120 = arith.constant 0 : i32
    %gather3A_1121 = arith.constant 0 : i32
    %gather3A_1122 = tpu.memref_slice %arg10[%gather3A_1120, %gather3A_1121] : memref<2x112xf32, #tpu.memory_space<vmem>> -> memref<1x112xf32, #tpu.memory_space<vmem>>
    %gather3A_1123 = tpu.memref_squeeze %gather3A_1122 : memref<1x112xf32, #tpu.memory_space<vmem>> -> memref<112xf32, #tpu.memory_space<vmem>>
    %gather3A_1124 = tpu.vector_load_idx %gather3A_1123[%min3A_1119] : memref<112xf32, #tpu.memory_space<vmem>>[vector<16xi32>], vector<16xf32>,
    %gt3A_1125 = arith.constant 0 : i32
    %gt3A_1126 = vector.broadcast %gt3A_1125 : i32 to vector<16xi32>
    %gt3A_1127 = arith.cmpi sgt, %min3A_1099, %gt3A_1126 : vector<16xi32>
    %gt3A_1128 = arith.cmpf ogt, %gather3A_1113, %get3A_1075 : vector<16xf32>
    %and3A_1129 = arith.andi %gt3A_1127, %gt3A_1128 : vector<16xi1>
    %lt3A_1130 = arith.constant 99 : i32
    %lt3A_1131 = vector.broadcast %lt3A_1130 : i32 to vector<16xi32>
    %lt3A_1132 = arith.cmpi slt, %min3A_1099, %lt3A_1131 : vector<16xi32>
    %le3A_1133 = arith.cmpf ole, %gather3A_1124, %get3A_1075 : vector<16xf32>
    %and3A_1134 = arith.andi %lt3A_1132, %le3A_1133 : vector<16xi1>
    %sub3A_1135 = arith.constant 1 : i32
    %sub3A_1136 = vector.broadcast %sub3A_1135 : i32 to vector<16xi32>
    %sub3A_1137 = arith.subi %min3A_1099, %sub3A_1136 : vector<16xi32>
    %add3A_1138 = arith.constant 1 : i32
    %add3A_1139 = vector.broadcast %add3A_1138 : i32 to vector<16xi32>
    %add3A_1140 = arith.addi %min3A_1099, %add3A_1139 : vector<16xi32>
    %select_n3A_1141 = arith.select %and3A_1134, %add3A_1140, %min3A_1099 : vector<16xi1>, vector<16xi32>
    %select_n3A_1142 = arith.select %and3A_1129, %sub3A_1137, %select_n3A_1141 : vector<16xi1>, vector<16xi32>
    %sub3A_1143 = arith.constant -1.800000e+02 : f32
    %sub3A_1144 = vector.broadcast %sub3A_1143 : f32 to vector<16xf32>
    %sub3A_1145 = arith.subf %get3A_1077, %sub3A_1144 : vector<16xf32>
    %mul3A_1146 = arith.constant 0.272222221 : f32
    %mul3A_1147 = vector.broadcast %mul3A_1146 : f32 to vector<16xf32>
    %mul3A_1148 = arith.mulf %sub3A_1145, %mul3A_1147 : vector<16xf32>
    %max3A_1149 = arith.constant -1.000000e+00 : f32
    %max3A_1150 = vector.broadcast %max3A_1149 : f32 to vector<16xf32>
    %max3A_1151 = arith.maximumf %mul3A_1148, %max3A_1150 : vector<16xf32>
    %min3A_1152 = arith.constant 1.010000e+02 : f32
    %min3A_1153 = vector.broadcast %min3A_1152 : f32 to vector<16xf32>
    %min3A_1154 = arith.minimumf %max3A_1151, %min3A_1153 : vector<16xf32>
    %convert_element_type3A_1155 = arith.fptosi %min3A_1154 : vector<16xf32> to vector<16xi32>
    %add3A_1156 = arith.constant 1 : i32
    %add3A_1157 = vector.broadcast %add3A_1156 : i32 to vector<16xi32>
    %add3A_1158 = arith.addi %convert_element_type3A_1155, %add3A_1157 : vector<16xi32>
    %jit3A_1159 = arith.constant 0 : i32
    %jit3A_1160 = arith.constant 99 : i32
    %max3A_1161 = vector.broadcast %jit3A_1159 : i32 to vector<16xi32>
    %max3A_1162 = arith.maxsi %max3A_1161, %add3A_1158 : vector<16xi32>
    %min3A_1163 = vector.broadcast %jit3A_1160 : i32 to vector<16xi32>
    %min3A_1164 = arith.minsi %min3A_1163, %max3A_1162 : vector<16xi32>
    %sub3A_1165 = arith.constant 1 : i32
    %sub3A_1166 = vector.broadcast %sub3A_1165 : i32 to vector<16xi32>
    %sub3A_1167 = arith.subi %min3A_1164, %sub3A_1166 : vector<16xi32>
    %jit3A_1168 = arith.constant 0 : i32
    %jit3A_1169 = arith.constant 98 : i32
    %max3A_1170 = vector.broadcast %jit3A_1168 : i32 to vector<16xi32>
    %max3A_1171 = arith.maxsi %max3A_1170, %sub3A_1167 : vector<16xi32>
    %min3A_1172 = vector.broadcast %jit3A_1169 : i32 to vector<16xi32>
    %min3A_1173 = arith.minsi %min3A_1172, %max3A_1171 : vector<16xi32>
    %gather3A_1174 = arith.constant 1 : i32
    %gather3A_1175 = arith.constant 0 : i32
    %gather3A_1176 = tpu.memref_slice %arg10[%gather3A_1174, %gather3A_1175] : memref<2x112xf32, #tpu.memory_space<vmem>> -> memref<1x112xf32, #tpu.memory_space<vmem>>
    %gather3A_1177 = tpu.memref_squeeze %gather3A_1176 : memref<1x112xf32, #tpu.memory_space<vmem>> -> memref<112xf32, #tpu.memory_space<vmem>>
    %gather3A_1178 = tpu.vector_load_idx %gather3A_1177[%min3A_1173] : memref<112xf32, #tpu.memory_space<vmem>>[vector<16xi32>], vector<16xf32>,
    %jit3A_1179 = arith.constant 0 : i32
    %jit3A_1180 = arith.constant 98 : i32
    %max3A_1181 = vector.broadcast %jit3A_1179 : i32 to vector<16xi32>
    %max3A_1182 = arith.maxsi %max3A_1181, %min3A_1164 : vector<16xi32>
    %min3A_1183 = vector.broadcast %jit3A_1180 : i32 to vector<16xi32>
    %min3A_1184 = arith.minsi %min3A_1183, %max3A_1182 : vector<16xi32>
    %gather3A_1185 = arith.constant 1 : i32
    %gather3A_1186 = arith.constant 0 : i32
    %gather3A_1187 = tpu.memref_slice %arg10[%gather3A_1185, %gather3A_1186] : memref<2x112xf32, #tpu.memory_space<vmem>> -> memref<1x112xf32, #tpu.memory_space<vmem>>
    %gather3A_1188 = tpu.memref_squeeze %gather3A_1187 : memref<1x112xf32, #tpu.memory_space<vmem>> -> memref<112xf32, #tpu.memory_space<vmem>>
    %gather3A_1189 = tpu.vector_load_idx %gather3A_1188[%min3A_1184] : memref<112xf32, #tpu.memory_space<vmem>>[vector<16xi32>], vector<16xf32>,
    %gt3A_1190 = arith.constant 0 : i32
    %gt3A_1191 = vector.broadcast %gt3A_1190 : i32 to vector<16xi32>
    %gt3A_1192 = arith.cmpi sgt, %min3A_1164, %gt3A_1191 : vector<16xi32>
    %gt3A_1193 = arith.cmpf ogt, %gather3A_1178, %get3A_1077 : vector<16xf32>
    %and3A_1194 = arith.andi %gt3A_1192, %gt3A_1193 : vector<16xi1>
    %lt3A_1195 = arith.constant 99 : i32
    %lt3A_1196 = vector.broadcast %lt3A_1195 : i32 to vector<16xi32>
    %lt3A_1197 = arith.cmpi slt, %min3A_1164, %lt3A_1196 : vector<16xi32>
    %le3A_1198 = arith.cmpf ole, %gather3A_1189, %get3A_1077 : vector<16xf32>
    %and3A_1199 = arith.andi %lt3A_1197, %le3A_1198 : vector<16xi1>
    %sub3A_1200 = arith.constant 1 : i32
    %sub3A_1201 = vector.broadcast %sub3A_1200 : i32 to vector<16xi32>
    %sub3A_1202 = arith.subi %min3A_1164, %sub3A_1201 : vector<16xi32>
    %add3A_1203 = arith.constant 1 : i32
    %add3A_1204 = vector.broadcast %add3A_1203 : i32 to vector<16xi32>
    %add3A_1205 = arith.addi %min3A_1164, %add3A_1204 : vector<16xi32>
    %select_n3A_1206 = arith.select %and3A_1199, %add3A_1205, %min3A_1164 : vector<16xi1>, vector<16xi32>
    %select_n3A_1207 = arith.select %and3A_1194, %sub3A_1202, %select_n3A_1206 : vector<16xi1>, vector<16xi32>
    %add3A_1208 = arith.constant 100 : i32
    %add3A_1209 = vector.broadcast %add3A_1208 : i32 to vector<16xi32>
    %add3A_1210 = arith.addi %select_n3A_1207, %add3A_1209 : vector<16xi32>
    %add3A_1211 = arith.constant 96 : i32
    %add3A_1212 = vector.broadcast %add3A_1211 : i32 to vector<16xi32>
    %add3A_1213 = arith.addi %add3A_1212, %mul3A_13 : vector<16xi32>
    %scatter3A_1214 = arith.constant 1 : i32
    %scatter3A_1215 = arith.constant 0 : i32
    %scatter3A_1216 = tpu.memref_slice %arg11[%scatter3A_1214, %scatter3A_1215] : memref<8x128xi32, #tpu.memory_space<vmem>> -> memref<1x128xi32, #tpu.memory_space<vmem>>
    %scatter3A_1217 = tpu.memref_squeeze %scatter3A_1216 : memref<1x128xi32, #tpu.memory_space<vmem>> -> memref<128xi32, #tpu.memory_space<vmem>>
    tpu.vector_store_idx %scatter3A_1217[%add3A_1213], %select_n3A_1142 : memref<128xi32, #tpu.memory_space<vmem>>[vector<16xi32>], vector<16xi32>,
    %add3A_1218 = arith.constant 1 : i32
    %add3A_1219 = vector.broadcast %add3A_1218 : i32 to vector<16xi32>
    %add3A_1220 = arith.addi %add3A_1213, %add3A_1219 : vector<16xi32>
    %scatter3A_1221 = arith.constant 1 : i32
    %scatter3A_1222 = arith.constant 0 : i32
    %scatter3A_1223 = tpu.memref_slice %arg11[%scatter3A_1221, %scatter3A_1222] : memref<8x128xi32, #tpu.memory_space<vmem>> -> memref<1x128xi32, #tpu.memory_space<vmem>>
    %scatter3A_1224 = tpu.memref_squeeze %scatter3A_1223 : memref<1x128xi32, #tpu.memory_space<vmem>> -> memref<128xi32, #tpu.memory_space<vmem>>
    tpu.vector_store_idx %scatter3A_1224[%add3A_1220], %add3A_1210 : memref<128xi32, #tpu.memory_space<vmem>>[vector<16xi32>], vector<16xi32>,
    %dma_start3A_1225 = arith.constant 1 : i32
    %dma_start3A_1226 = arith.constant 128 : i32
    %dma_start3A_1227 = arith.constant 0 : i32
    %dma_start3A_1228 = tpu.memref_slice %arg12[%dma_start3A_1226, %dma_start3A_1227] : memref<1024x64xf32, #tpu.memory_space<vmem>> -> memref<128x64xf32, #tpu.memory_space<vmem>>
    %dma_start3A_1229 = arith.constant 0 : i32
    %dma_start3A_1230 = tpu.memref_slice %arg11[%dma_start3A_1225, %dma_start3A_1229] : memref<8x128xi32, #tpu.memory_space<vmem>> -> memref<1x128xi32, #tpu.memory_space<vmem>>
    %dma_start3A_1231 = tpu.memref_squeeze %dma_start3A_1230 : memref<1x128xi32, #tpu.memory_space<vmem>> -> memref<128xi32, #tpu.memory_space<vmem>>
    %dma_start3A_1232 = arith.constant 0 : i32
    %dma_start3A_1233 = arith.constant 0 : i32
    %dma_start3A_1234 = tpu.memref_slice %arg13[%dma_start3A_1232, %dma_start3A_1233] : memref<200x64xf32, #tpu.memory_space<vmem_shared>> -> memref<200x64xf32, #tpu.memory_space<vmem_shared>>
    tpu.enqueue_indirect_dma source(%dma_start3A_1234 : memref<200x64xf32, #tpu.memory_space<vmem_shared>>) target(%dma_start3A_1228 : memref<128x64xf32, #tpu.memory_space<vmem>>) offsets(%dma_start3A_1231 : memref<128xi32, #tpu.memory_space<vmem>>) semaphore(%arg16 : memref<!tpu.dma_semaphore, #tpu.memory_space<semaphore_mem>>)
    %get3A_1235 = arith.constant 128 : index
    %get3A_1236 = tpu.vector_load %arg8[%get3A_1235] {strides = array<i32>} : memref<512xf32, #tpu.memory_space<vmem>>, vector<16xf32>,
    %get3A_1237 = arith.constant 128 : index
    %get3A_1238 = tpu.vector_load %arg9[%get3A_1237] {strides = array<i32>} : memref<512xf32, #tpu.memory_space<vmem>>, vector<16xf32>,
    %sub3A_1239 = arith.constant -9.000000e+01 : f32
    %sub3A_1240 = vector.broadcast %sub3A_1239 : f32 to vector<16xf32>
    %sub3A_1241 = arith.subf %get3A_1236, %sub3A_1240 : vector<16xf32>
    %mul3A_1242 = arith.constant 0.544444442 : f32
    %mul3A_1243 = vector.broadcast %mul3A_1242 : f32 to vector<16xf32>
    %mul3A_1244 = arith.mulf %sub3A_1241, %mul3A_1243 : vector<16xf32>
    %max3A_1245 = arith.constant -1.000000e+00 : f32
    %max3A_1246 = vector.broadcast %max3A_1245 : f32 to vector<16xf32>
    %max3A_1247 = arith.maximumf %mul3A_1244, %max3A_1246 : vector<16xf32>
    %min3A_1248 = arith.constant 1.010000e+02 : f32
    %min3A_1249 = vector.broadcast %min3A_1248 : f32 to vector<16xf32>
    %min3A_1250 = arith.minimumf %max3A_1247, %min3A_1249 : vector<16xf32>
    %convert_element_type3A_1251 = arith.fptosi %min3A_1250 : vector<16xf32> to vector<16xi32>
    %add3A_1252 = arith.constant 1 : i32
    %add3A_1253 = vector.broadcast %add3A_1252 : i32 to vector<16xi32>
    %add3A_1254 = arith.addi %convert_element_type3A_1251, %add3A_1253 : vector<16xi32>
    %jit3A_1255 = arith.constant 0 : i32
    %jit3A_1256 = arith.constant 99 : i32
    %max3A_1257 = vector.broadcast %jit3A_1255 : i32 to vector<16xi32>
    %max3A_1258 = arith.maxsi %max3A_1257, %add3A_1254 : vector<16xi32>
    %min3A_1259 = vector.broadcast %jit3A_1256 : i32 to vector<16xi32>
    %min3A_1260 = arith.minsi %min3A_1259, %max3A_1258 : vector<16xi32>
    %sub3A_1261 = arith.constant 1 : i32
    %sub3A_1262 = vector.broadcast %sub3A_1261 : i32 to vector<16xi32>
    %sub3A_1263 = arith.subi %min3A_1260, %sub3A_1262 : vector<16xi32>
    %jit3A_1264 = arith.constant 0 : i32
    %jit3A_1265 = arith.constant 98 : i32
    %max3A_1266 = vector.broadcast %jit3A_1264 : i32 to vector<16xi32>
    %max3A_1267 = arith.maxsi %max3A_1266, %sub3A_1263 : vector<16xi32>
    %min3A_1268 = vector.broadcast %jit3A_1265 : i32 to vector<16xi32>
    %min3A_1269 = arith.minsi %min3A_1268, %max3A_1267 : vector<16xi32>
    %gather3A_1270 = arith.constant 0 : i32
    %gather3A_1271 = arith.constant 0 : i32
    %gather3A_1272 = tpu.memref_slice %arg10[%gather3A_1270, %gather3A_1271] : memref<2x112xf32, #tpu.memory_space<vmem>> -> memref<1x112xf32, #tpu.memory_space<vmem>>
    %gather3A_1273 = tpu.memref_squeeze %gather3A_1272 : memref<1x112xf32, #tpu.memory_space<vmem>> -> memref<112xf32, #tpu.memory_space<vmem>>
    %gather3A_1274 = tpu.vector_load_idx %gather3A_1273[%min3A_1269] : memref<112xf32, #tpu.memory_space<vmem>>[vector<16xi32>], vector<16xf32>,
    %jit3A_1275 = arith.constant 0 : i32
    %jit3A_1276 = arith.constant 98 : i32
    %max3A_1277 = vector.broadcast %jit3A_1275 : i32 to vector<16xi32>
    %max3A_1278 = arith.maxsi %max3A_1277, %min3A_1260 : vector<16xi32>
    %min3A_1279 = vector.broadcast %jit3A_1276 : i32 to vector<16xi32>
    %min3A_1280 = arith.minsi %min3A_1279, %max3A_1278 : vector<16xi32>
    %gather3A_1281 = arith.constant 0 : i32
    %gather3A_1282 = arith.constant 0 : i32
    %gather3A_1283 = tpu.memref_slice %arg10[%gather3A_1281, %gather3A_1282] : memref<2x112xf32, #tpu.memory_space<vmem>> -> memref<1x112xf32, #tpu.memory_space<vmem>>
    %gather3A_1284 = tpu.memref_squeeze %gather3A_1283 : memref<1x112xf32, #tpu.memory_space<vmem>> -> memref<112xf32, #tpu.memory_space<vmem>>
    %gather3A_1285 = tpu.vector_load_idx %gather3A_1284[%min3A_1280] : memref<112xf32, #tpu.memory_space<vmem>>[vector<16xi32>], vector<16xf32>,
    %gt3A_1286 = arith.constant 0 : i32
    %gt3A_1287 = vector.broadcast %gt3A_1286 : i32 to vector<16xi32>
    %gt3A_1288 = arith.cmpi sgt, %min3A_1260, %gt3A_1287 : vector<16xi32>
    %gt3A_1289 = arith.cmpf ogt, %gather3A_1274, %get3A_1236 : vector<16xf32>
    %and3A_1290 = arith.andi %gt3A_1288, %gt3A_1289 : vector<16xi1>
    %lt3A_1291 = arith.constant 99 : i32
    %lt3A_1292 = vector.broadcast %lt3A_1291 : i32 to vector<16xi32>
    %lt3A_1293 = arith.cmpi slt, %min3A_1260, %lt3A_1292 : vector<16xi32>
    %le3A_1294 = arith.cmpf ole, %gather3A_1285, %get3A_1236 : vector<16xf32>
    %and3A_1295 = arith.andi %lt3A_1293, %le3A_1294 : vector<16xi1>
    %sub3A_1296 = arith.constant 1 : i32
    %sub3A_1297 = vector.broadcast %sub3A_1296 : i32 to vector<16xi32>
    %sub3A_1298 = arith.subi %min3A_1260, %sub3A_1297 : vector<16xi32>
    %add3A_1299 = arith.constant 1 : i32
    %add3A_1300 = vector.broadcast %add3A_1299 : i32 to vector<16xi32>
    %add3A_1301 = arith.addi %min3A_1260, %add3A_1300 : vector<16xi32>
    %select_n3A_1302 = arith.select %and3A_1295, %add3A_1301, %min3A_1260 : vector<16xi1>, vector<16xi32>
    %select_n3A_1303 = arith.select %and3A_1290, %sub3A_1298, %select_n3A_1302 : vector<16xi1>, vector<16xi32>
    %sub3A_1304 = arith.constant -1.800000e+02 : f32
    %sub3A_1305 = vector.broadcast %sub3A_1304 : f32 to vector<16xf32>
    %sub3A_1306 = arith.subf %get3A_1238, %sub3A_1305 : vector<16xf32>
    %mul3A_1307 = arith.constant 0.272222221 : f32
    %mul3A_1308 = vector.broadcast %mul3A_1307 : f32 to vector<16xf32>
    %mul3A_1309 = arith.mulf %sub3A_1306, %mul3A_1308 : vector<16xf32>
    %max3A_1310 = arith.constant -1.000000e+00 : f32
    %max3A_1311 = vector.broadcast %max3A_1310 : f32 to vector<16xf32>
    %max3A_1312 = arith.maximumf %mul3A_1309, %max3A_1311 : vector<16xf32>
    %min3A_1313 = arith.constant 1.010000e+02 : f32
    %min3A_1314 = vector.broadcast %min3A_1313 : f32 to vector<16xf32>
    %min3A_1315 = arith.minimumf %max3A_1312, %min3A_1314 : vector<16xf32>
    %convert_element_type3A_1316 = arith.fptosi %min3A_1315 : vector<16xf32> to vector<16xi32>
    %add3A_1317 = arith.constant 1 : i32
    %add3A_1318 = vector.broadcast %add3A_1317 : i32 to vector<16xi32>
    %add3A_1319 = arith.addi %convert_element_type3A_1316, %add3A_1318 : vector<16xi32>
    %jit3A_1320 = arith.constant 0 : i32
    %jit3A_1321 = arith.constant 99 : i32
    %max3A_1322 = vector.broadcast %jit3A_1320 : i32 to vector<16xi32>
    %max3A_1323 = arith.maxsi %max3A_1322, %add3A_1319 : vector<16xi32>
    %min3A_1324 = vector.broadcast %jit3A_1321 : i32 to vector<16xi32>
    %min3A_1325 = arith.minsi %min3A_1324, %max3A_1323 : vector<16xi32>
    %sub3A_1326 = arith.constant 1 : i32
    %sub3A_1327 = vector.broadcast %sub3A_1326 : i32 to vector<16xi32>
    %sub3A_1328 = arith.subi %min3A_1325, %sub3A_1327 : vector<16xi32>
    %jit3A_1329 = arith.constant 0 : i32
    %jit3A_1330 = arith.constant 98 : i32
    %max3A_1331 = vector.broadcast %jit3A_1329 : i32 to vector<16xi32>
    %max3A_1332 = arith.maxsi %max3A_1331, %sub3A_1328 : vector<16xi32>
    %min3A_1333 = vector.broadcast %jit3A_1330 : i32 to vector<16xi32>
    %min3A_1334 = arith.minsi %min3A_1333, %max3A_1332 : vector<16xi32>
    %gather3A_1335 = arith.constant 1 : i32
    %gather3A_1336 = arith.constant 0 : i32
    %gather3A_1337 = tpu.memref_slice %arg10[%gather3A_1335, %gather3A_1336] : memref<2x112xf32, #tpu.memory_space<vmem>> -> memref<1x112xf32, #tpu.memory_space<vmem>>
    %gather3A_1338 = tpu.memref_squeeze %gather3A_1337 : memref<1x112xf32, #tpu.memory_space<vmem>> -> memref<112xf32, #tpu.memory_space<vmem>>
    %gather3A_1339 = tpu.vector_load_idx %gather3A_1338[%min3A_1334] : memref<112xf32, #tpu.memory_space<vmem>>[vector<16xi32>], vector<16xf32>,
    %jit3A_1340 = arith.constant 0 : i32
    %jit3A_1341 = arith.constant 98 : i32
    %max3A_1342 = vector.broadcast %jit3A_1340 : i32 to vector<16xi32>
    %max3A_1343 = arith.maxsi %max3A_1342, %min3A_1325 : vector<16xi32>
    %min3A_1344 = vector.broadcast %jit3A_1341 : i32 to vector<16xi32>
    %min3A_1345 = arith.minsi %min3A_1344, %max3A_1343 : vector<16xi32>
    %gather3A_1346 = arith.constant 1 : i32
    %gather3A_1347 = arith.constant 0 : i32
    %gather3A_1348 = tpu.memref_slice %arg10[%gather3A_1346, %gather3A_1347] : memref<2x112xf32, #tpu.memory_space<vmem>> -> memref<1x112xf32, #tpu.memory_space<vmem>>
    %gather3A_1349 = tpu.memref_squeeze %gather3A_1348 : memref<1x112xf32, #tpu.memory_space<vmem>> -> memref<112xf32, #tpu.memory_space<vmem>>
    %gather3A_1350 = tpu.vector_load_idx %gather3A_1349[%min3A_1345] : memref<112xf32, #tpu.memory_space<vmem>>[vector<16xi32>], vector<16xf32>,
    %gt3A_1351 = arith.constant 0 : i32
    %gt3A_1352 = vector.broadcast %gt3A_1351 : i32 to vector<16xi32>
    %gt3A_1353 = arith.cmpi sgt, %min3A_1325, %gt3A_1352 : vector<16xi32>
    %gt3A_1354 = arith.cmpf ogt, %gather3A_1339, %get3A_1238 : vector<16xf32>
    %and3A_1355 = arith.andi %gt3A_1353, %gt3A_1354 : vector<16xi1>
    %lt3A_1356 = arith.constant 99 : i32
    %lt3A_1357 = vector.broadcast %lt3A_1356 : i32 to vector<16xi32>
    %lt3A_1358 = arith.cmpi slt, %min3A_1325, %lt3A_1357 : vector<16xi32>
    %le3A_1359 = arith.cmpf ole, %gather3A_1350, %get3A_1238 : vector<16xf32>
    %and3A_1360 = arith.andi %lt3A_1358, %le3A_1359 : vector<16xi1>
    %sub3A_1361 = arith.constant 1 : i32
    %sub3A_1362 = vector.broadcast %sub3A_1361 : i32 to vector<16xi32>
    %sub3A_1363 = arith.subi %min3A_1325, %sub3A_1362 : vector<16xi32>
    %add3A_1364 = arith.constant 1 : i32
    %add3A_1365 = vector.broadcast %add3A_1364 : i32 to vector<16xi32>
    %add3A_1366 = arith.addi %min3A_1325, %add3A_1365 : vector<16xi32>
    %select_n3A_1367 = arith.select %and3A_1360, %add3A_1366, %min3A_1325 : vector<16xi1>, vector<16xi32>
    %select_n3A_1368 = arith.select %and3A_1355, %sub3A_1363, %select_n3A_1367 : vector<16xi1>, vector<16xi32>
    %add3A_1369 = arith.constant 100 : i32
    %add3A_1370 = vector.broadcast %add3A_1369 : i32 to vector<16xi32>
    %add3A_1371 = arith.addi %select_n3A_1368, %add3A_1370 : vector<16xi32>
    %add3A_1372 = arith.constant 0 : i32
    %add3A_1373 = vector.broadcast %add3A_1372 : i32 to vector<16xi32>
    %add3A_1374 = arith.addi %add3A_1373, %mul3A_13 : vector<16xi32>
    %scatter3A_1375 = arith.constant 2 : i32
    %scatter3A_1376 = arith.constant 0 : i32
    %scatter3A_1377 = tpu.memref_slice %arg11[%scatter3A_1375, %scatter3A_1376] : memref<8x128xi32, #tpu.memory_space<vmem>> -> memref<1x128xi32, #tpu.memory_space<vmem>>
    %scatter3A_1378 = tpu.memref_squeeze %scatter3A_1377 : memref<1x128xi32, #tpu.memory_space<vmem>> -> memref<128xi32, #tpu.memory_space<vmem>>
    tpu.vector_store_idx %scatter3A_1378[%add3A_1374], %select_n3A_1303 : memref<128xi32, #tpu.memory_space<vmem>>[vector<16xi32>], vector<16xi32>,
    %add3A_1379 = arith.constant 1 : i32
    %add3A_1380 = vector.broadcast %add3A_1379 : i32 to vector<16xi32>
    %add3A_1381 = arith.addi %add3A_1374, %add3A_1380 : vector<16xi32>
    %scatter3A_1382 = arith.constant 2 : i32
    %scatter3A_1383 = arith.constant 0 : i32
    %scatter3A_1384 = tpu.memref_slice %arg11[%scatter3A_1382, %scatter3A_1383] : memref<8x128xi32, #tpu.memory_space<vmem>> -> memref<1x128xi32, #tpu.memory_space<vmem>>
    %scatter3A_1385 = tpu.memref_squeeze %scatter3A_1384 : memref<1x128xi32, #tpu.memory_space<vmem>> -> memref<128xi32, #tpu.memory_space<vmem>>
    tpu.vector_store_idx %scatter3A_1385[%add3A_1381], %add3A_1371 : memref<128xi32, #tpu.memory_space<vmem>>[vector<16xi32>], vector<16xi32>,
    %get3A_1386 = arith.constant 144 : index
    %get3A_1387 = tpu.vector_load %arg8[%get3A_1386] {strides = array<i32>} : memref<512xf32, #tpu.memory_space<vmem>>, vector<16xf32>,
    %get3A_1388 = arith.constant 144 : index
    %get3A_1389 = tpu.vector_load %arg9[%get3A_1388] {strides = array<i32>} : memref<512xf32, #tpu.memory_space<vmem>>, vector<16xf32>,
    %sub3A_1390 = arith.constant -9.000000e+01 : f32
    %sub3A_1391 = vector.broadcast %sub3A_1390 : f32 to vector<16xf32>
    %sub3A_1392 = arith.subf %get3A_1387, %sub3A_1391 : vector<16xf32>
    %mul3A_1393 = arith.constant 0.544444442 : f32
    %mul3A_1394 = vector.broadcast %mul3A_1393 : f32 to vector<16xf32>
    %mul3A_1395 = arith.mulf %sub3A_1392, %mul3A_1394 : vector<16xf32>
    %max3A_1396 = arith.constant -1.000000e+00 : f32
    %max3A_1397 = vector.broadcast %max3A_1396 : f32 to vector<16xf32>
    %max3A_1398 = arith.maximumf %mul3A_1395, %max3A_1397 : vector<16xf32>
    %min3A_1399 = arith.constant 1.010000e+02 : f32
    %min3A_1400 = vector.broadcast %min3A_1399 : f32 to vector<16xf32>
    %min3A_1401 = arith.minimumf %max3A_1398, %min3A_1400 : vector<16xf32>
    %convert_element_type3A_1402 = arith.fptosi %min3A_1401 : vector<16xf32> to vector<16xi32>
    %add3A_1403 = arith.constant 1 : i32
    %add3A_1404 = vector.broadcast %add3A_1403 : i32 to vector<16xi32>
    %add3A_1405 = arith.addi %convert_element_type3A_1402, %add3A_1404 : vector<16xi32>
    %jit3A_1406 = arith.constant 0 : i32
    %jit3A_1407 = arith.constant 99 : i32
    %max3A_1408 = vector.broadcast %jit3A_1406 : i32 to vector<16xi32>
    %max3A_1409 = arith.maxsi %max3A_1408, %add3A_1405 : vector<16xi32>
    %min3A_1410 = vector.broadcast %jit3A_1407 : i32 to vector<16xi32>
    %min3A_1411 = arith.minsi %min3A_1410, %max3A_1409 : vector<16xi32>
    %sub3A_1412 = arith.constant 1 : i32
    %sub3A_1413 = vector.broadcast %sub3A_1412 : i32 to vector<16xi32>
    %sub3A_1414 = arith.subi %min3A_1411, %sub3A_1413 : vector<16xi32>
    %jit3A_1415 = arith.constant 0 : i32
    %jit3A_1416 = arith.constant 98 : i32
    %max3A_1417 = vector.broadcast %jit3A_1415 : i32 to vector<16xi32>
    %max3A_1418 = arith.maxsi %max3A_1417, %sub3A_1414 : vector<16xi32>
    %min3A_1419 = vector.broadcast %jit3A_1416 : i32 to vector<16xi32>
    %min3A_1420 = arith.minsi %min3A_1419, %max3A_1418 : vector<16xi32>
    %gather3A_1421 = arith.constant 0 : i32
    %gather3A_1422 = arith.constant 0 : i32
    %gather3A_1423 = tpu.memref_slice %arg10[%gather3A_1421, %gather3A_1422] : memref<2x112xf32, #tpu.memory_space<vmem>> -> memref<1x112xf32, #tpu.memory_space<vmem>>
    %gather3A_1424 = tpu.memref_squeeze %gather3A_1423 : memref<1x112xf32, #tpu.memory_space<vmem>> -> memref<112xf32, #tpu.memory_space<vmem>>
    %gather3A_1425 = tpu.vector_load_idx %gather3A_1424[%min3A_1420] : memref<112xf32, #tpu.memory_space<vmem>>[vector<16xi32>], vector<16xf32>,
    %jit3A_1426 = arith.constant 0 : i32
    %jit3A_1427 = arith.constant 98 : i32
    %max3A_1428 = vector.broadcast %jit3A_1426 : i32 to vector<16xi32>
    %max3A_1429 = arith.maxsi %max3A_1428, %min3A_1411 : vector<16xi32>
    %min3A_1430 = vector.broadcast %jit3A_1427 : i32 to vector<16xi32>
    %min3A_1431 = arith.minsi %min3A_1430, %max3A_1429 : vector<16xi32>
    %gather3A_1432 = arith.constant 0 : i32
    %gather3A_1433 = arith.constant 0 : i32
    %gather3A_1434 = tpu.memref_slice %arg10[%gather3A_1432, %gather3A_1433] : memref<2x112xf32, #tpu.memory_space<vmem>> -> memref<1x112xf32, #tpu.memory_space<vmem>>
    %gather3A_1435 = tpu.memref_squeeze %gather3A_1434 : memref<1x112xf32, #tpu.memory_space<vmem>> -> memref<112xf32, #tpu.memory_space<vmem>>
    %gather3A_1436 = tpu.vector_load_idx %gather3A_1435[%min3A_1431] : memref<112xf32, #tpu.memory_space<vmem>>[vector<16xi32>], vector<16xf32>,
    %gt3A_1437 = arith.constant 0 : i32
    %gt3A_1438 = vector.broadcast %gt3A_1437 : i32 to vector<16xi32>
    %gt3A_1439 = arith.cmpi sgt, %min3A_1411, %gt3A_1438 : vector<16xi32>
    %gt3A_1440 = arith.cmpf ogt, %gather3A_1425, %get3A_1387 : vector<16xf32>
    %and3A_1441 = arith.andi %gt3A_1439, %gt3A_1440 : vector<16xi1>
    %lt3A_1442 = arith.constant 99 : i32
    %lt3A_1443 = vector.broadcast %lt3A_1442 : i32 to vector<16xi32>
    %lt3A_1444 = arith.cmpi slt, %min3A_1411, %lt3A_1443 : vector<16xi32>
    %le3A_1445 = arith.cmpf ole, %gather3A_1436, %get3A_1387 : vector<16xf32>
    %and3A_1446 = arith.andi %lt3A_1444, %le3A_1445 : vector<16xi1>
    %sub3A_1447 = arith.constant 1 : i32
    %sub3A_1448 = vector.broadcast %sub3A_1447 : i32 to vector<16xi32>
    %sub3A_1449 = arith.subi %min3A_1411, %sub3A_1448 : vector<16xi32>
    %add3A_1450 = arith.constant 1 : i32
    %add3A_1451 = vector.broadcast %add3A_1450 : i32 to vector<16xi32>
    %add3A_1452 = arith.addi %min3A_1411, %add3A_1451 : vector<16xi32>
    %select_n3A_1453 = arith.select %and3A_1446, %add3A_1452, %min3A_1411 : vector<16xi1>, vector<16xi32>
    %select_n3A_1454 = arith.select %and3A_1441, %sub3A_1449, %select_n3A_1453 : vector<16xi1>, vector<16xi32>
    %sub3A_1455 = arith.constant -1.800000e+02 : f32
    %sub3A_1456 = vector.broadcast %sub3A_1455 : f32 to vector<16xf32>
    %sub3A_1457 = arith.subf %get3A_1389, %sub3A_1456 : vector<16xf32>
    %mul3A_1458 = arith.constant 0.272222221 : f32
    %mul3A_1459 = vector.broadcast %mul3A_1458 : f32 to vector<16xf32>
    %mul3A_1460 = arith.mulf %sub3A_1457, %mul3A_1459 : vector<16xf32>
    %max3A_1461 = arith.constant -1.000000e+00 : f32
    %max3A_1462 = vector.broadcast %max3A_1461 : f32 to vector<16xf32>
    %max3A_1463 = arith.maximumf %mul3A_1460, %max3A_1462 : vector<16xf32>
    %min3A_1464 = arith.constant 1.010000e+02 : f32
    %min3A_1465 = vector.broadcast %min3A_1464 : f32 to vector<16xf32>
    %min3A_1466 = arith.minimumf %max3A_1463, %min3A_1465 : vector<16xf32>
    %convert_element_type3A_1467 = arith.fptosi %min3A_1466 : vector<16xf32> to vector<16xi32>
    %add3A_1468 = arith.constant 1 : i32
    %add3A_1469 = vector.broadcast %add3A_1468 : i32 to vector<16xi32>
    %add3A_1470 = arith.addi %convert_element_type3A_1467, %add3A_1469 : vector<16xi32>
    %jit3A_1471 = arith.constant 0 : i32
    %jit3A_1472 = arith.constant 99 : i32
    %max3A_1473 = vector.broadcast %jit3A_1471 : i32 to vector<16xi32>
    %max3A_1474 = arith.maxsi %max3A_1473, %add3A_1470 : vector<16xi32>
    %min3A_1475 = vector.broadcast %jit3A_1472 : i32 to vector<16xi32>
    %min3A_1476 = arith.minsi %min3A_1475, %max3A_1474 : vector<16xi32>
    %sub3A_1477 = arith.constant 1 : i32
    %sub3A_1478 = vector.broadcast %sub3A_1477 : i32 to vector<16xi32>
    %sub3A_1479 = arith.subi %min3A_1476, %sub3A_1478 : vector<16xi32>
    %jit3A_1480 = arith.constant 0 : i32
    %jit3A_1481 = arith.constant 98 : i32
    %max3A_1482 = vector.broadcast %jit3A_1480 : i32 to vector<16xi32>
    %max3A_1483 = arith.maxsi %max3A_1482, %sub3A_1479 : vector<16xi32>
    %min3A_1484 = vector.broadcast %jit3A_1481 : i32 to vector<16xi32>
    %min3A_1485 = arith.minsi %min3A_1484, %max3A_1483 : vector<16xi32>
    %gather3A_1486 = arith.constant 1 : i32
    %gather3A_1487 = arith.constant 0 : i32
    %gather3A_1488 = tpu.memref_slice %arg10[%gather3A_1486, %gather3A_1487] : memref<2x112xf32, #tpu.memory_space<vmem>> -> memref<1x112xf32, #tpu.memory_space<vmem>>
    %gather3A_1489 = tpu.memref_squeeze %gather3A_1488 : memref<1x112xf32, #tpu.memory_space<vmem>> -> memref<112xf32, #tpu.memory_space<vmem>>
    %gather3A_1490 = tpu.vector_load_idx %gather3A_1489[%min3A_1485] : memref<112xf32, #tpu.memory_space<vmem>>[vector<16xi32>], vector<16xf32>,
    %jit3A_1491 = arith.constant 0 : i32
    %jit3A_1492 = arith.constant 98 : i32
    %max3A_1493 = vector.broadcast %jit3A_1491 : i32 to vector<16xi32>
    %max3A_1494 = arith.maxsi %max3A_1493, %min3A_1476 : vector<16xi32>
    %min3A_1495 = vector.broadcast %jit3A_1492 : i32 to vector<16xi32>
    %min3A_1496 = arith.minsi %min3A_1495, %max3A_1494 : vector<16xi32>
    %gather3A_1497 = arith.constant 1 : i32
    %gather3A_1498 = arith.constant 0 : i32
    %gather3A_1499 = tpu.memref_slice %arg10[%gather3A_1497, %gather3A_1498] : memref<2x112xf32, #tpu.memory_space<vmem>> -> memref<1x112xf32, #tpu.memory_space<vmem>>
    %gather3A_1500 = tpu.memref_squeeze %gather3A_1499 : memref<1x112xf32, #tpu.memory_space<vmem>> -> memref<112xf32, #tpu.memory_space<vmem>>
    %gather3A_1501 = tpu.vector_load_idx %gather3A_1500[%min3A_1496] : memref<112xf32, #tpu.memory_space<vmem>>[vector<16xi32>], vector<16xf32>,
    %gt3A_1502 = arith.constant 0 : i32
    %gt3A_1503 = vector.broadcast %gt3A_1502 : i32 to vector<16xi32>
    %gt3A_1504 = arith.cmpi sgt, %min3A_1476, %gt3A_1503 : vector<16xi32>
    %gt3A_1505 = arith.cmpf ogt, %gather3A_1490, %get3A_1389 : vector<16xf32>
    %and3A_1506 = arith.andi %gt3A_1504, %gt3A_1505 : vector<16xi1>
    %lt3A_1507 = arith.constant 99 : i32
    %lt3A_1508 = vector.broadcast %lt3A_1507 : i32 to vector<16xi32>
    %lt3A_1509 = arith.cmpi slt, %min3A_1476, %lt3A_1508 : vector<16xi32>
    %le3A_1510 = arith.cmpf ole, %gather3A_1501, %get3A_1389 : vector<16xf32>
    %and3A_1511 = arith.andi %lt3A_1509, %le3A_1510 : vector<16xi1>
    %sub3A_1512 = arith.constant 1 : i32
    %sub3A_1513 = vector.broadcast %sub3A_1512 : i32 to vector<16xi32>
    %sub3A_1514 = arith.subi %min3A_1476, %sub3A_1513 : vector<16xi32>
    %add3A_1515 = arith.constant 1 : i32
    %add3A_1516 = vector.broadcast %add3A_1515 : i32 to vector<16xi32>
    %add3A_1517 = arith.addi %min3A_1476, %add3A_1516 : vector<16xi32>
    %select_n3A_1518 = arith.select %and3A_1511, %add3A_1517, %min3A_1476 : vector<16xi1>, vector<16xi32>
    %select_n3A_1519 = arith.select %and3A_1506, %sub3A_1514, %select_n3A_1518 : vector<16xi1>, vector<16xi32>
    %add3A_1520 = arith.constant 100 : i32
    %add3A_1521 = vector.broadcast %add3A_1520 : i32 to vector<16xi32>
    %add3A_1522 = arith.addi %select_n3A_1519, %add3A_1521 : vector<16xi32>
    %add3A_1523 = arith.constant 32 : i32
    %add3A_1524 = vector.broadcast %add3A_1523 : i32 to vector<16xi32>
    %add3A_1525 = arith.addi %add3A_1524, %mul3A_13 : vector<16xi32>
    %scatter3A_1526 = arith.constant 2 : i32
    %scatter3A_1527 = arith.constant 0 : i32
    %scatter3A_1528 = tpu.memref_slice %arg11[%scatter3A_1526, %scatter3A_1527] : memref<8x128xi32, #tpu.memory_space<vmem>> -> memref<1x128xi32, #tpu.memory_space<vmem>>
    %scatter3A_1529 = tpu.memref_squeeze %scatter3A_1528 : memref<1x128xi32, #tpu.memory_space<vmem>> -> memref<128xi32, #tpu.memory_space<vmem>>
    tpu.vector_store_idx %scatter3A_1529[%add3A_1525], %select_n3A_1454 : memref<128xi32, #tpu.memory_space<vmem>>[vector<16xi32>], vector<16xi32>,
    %add3A_1530 = arith.constant 1 : i32
    %add3A_1531 = vector.broadcast %add3A_1530 : i32 to vector<16xi32>
    %add3A_1532 = arith.addi %add3A_1525, %add3A_1531 : vector<16xi32>
    %scatter3A_1533 = arith.constant 2 : i32
    %scatter3A_1534 = arith.constant 0 : i32
    %scatter3A_1535 = tpu.memref_slice %arg11[%scatter3A_1533, %scatter3A_1534] : memref<8x128xi32, #tpu.memory_space<vmem>> -> memref<1x128xi32, #tpu.memory_space<vmem>>
    %scatter3A_1536 = tpu.memref_squeeze %scatter3A_1535 : memref<1x128xi32, #tpu.memory_space<vmem>> -> memref<128xi32, #tpu.memory_space<vmem>>
    tpu.vector_store_idx %scatter3A_1536[%add3A_1532], %add3A_1522 : memref<128xi32, #tpu.memory_space<vmem>>[vector<16xi32>], vector<16xi32>,
    %get3A_1537 = arith.constant 160 : index
    %get3A_1538 = tpu.vector_load %arg8[%get3A_1537] {strides = array<i32>} : memref<512xf32, #tpu.memory_space<vmem>>, vector<16xf32>,
    %get3A_1539 = arith.constant 160 : index
    %get3A_1540 = tpu.vector_load %arg9[%get3A_1539] {strides = array<i32>} : memref<512xf32, #tpu.memory_space<vmem>>, vector<16xf32>,
    %sub3A_1541 = arith.constant -9.000000e+01 : f32
    %sub3A_1542 = vector.broadcast %sub3A_1541 : f32 to vector<16xf32>
    %sub3A_1543 = arith.subf %get3A_1538, %sub3A_1542 : vector<16xf32>
    %mul3A_1544 = arith.constant 0.544444442 : f32
    %mul3A_1545 = vector.broadcast %mul3A_1544 : f32 to vector<16xf32>
    %mul3A_1546 = arith.mulf %sub3A_1543, %mul3A_1545 : vector<16xf32>
    %max3A_1547 = arith.constant -1.000000e+00 : f32
    %max3A_1548 = vector.broadcast %max3A_1547 : f32 to vector<16xf32>
    %max3A_1549 = arith.maximumf %mul3A_1546, %max3A_1548 : vector<16xf32>
    %min3A_1550 = arith.constant 1.010000e+02 : f32
    %min3A_1551 = vector.broadcast %min3A_1550 : f32 to vector<16xf32>
    %min3A_1552 = arith.minimumf %max3A_1549, %min3A_1551 : vector<16xf32>
    %convert_element_type3A_1553 = arith.fptosi %min3A_1552 : vector<16xf32> to vector<16xi32>
    %add3A_1554 = arith.constant 1 : i32
    %add3A_1555 = vector.broadcast %add3A_1554 : i32 to vector<16xi32>
    %add3A_1556 = arith.addi %convert_element_type3A_1553, %add3A_1555 : vector<16xi32>
    %jit3A_1557 = arith.constant 0 : i32
    %jit3A_1558 = arith.constant 99 : i32
    %max3A_1559 = vector.broadcast %jit3A_1557 : i32 to vector<16xi32>
    %max3A_1560 = arith.maxsi %max3A_1559, %add3A_1556 : vector<16xi32>
    %min3A_1561 = vector.broadcast %jit3A_1558 : i32 to vector<16xi32>
    %min3A_1562 = arith.minsi %min3A_1561, %max3A_1560 : vector<16xi32>
    %sub3A_1563 = arith.constant 1 : i32
    %sub3A_1564 = vector.broadcast %sub3A_1563 : i32 to vector<16xi32>
    %sub3A_1565 = arith.subi %min3A_1562, %sub3A_1564 : vector<16xi32>
    %jit3A_1566 = arith.constant 0 : i32
    %jit3A_1567 = arith.constant 98 : i32
    %max3A_1568 = vector.broadcast %jit3A_1566 : i32 to vector<16xi32>
    %max3A_1569 = arith.maxsi %max3A_1568, %sub3A_1565 : vector<16xi32>
    %min3A_1570 = vector.broadcast %jit3A_1567 : i32 to vector<16xi32>
    %min3A_1571 = arith.minsi %min3A_1570, %max3A_1569 : vector<16xi32>
    %gather3A_1572 = arith.constant 0 : i32
    %gather3A_1573 = arith.constant 0 : i32
    %gather3A_1574 = tpu.memref_slice %arg10[%gather3A_1572, %gather3A_1573] : memref<2x112xf32, #tpu.memory_space<vmem>> -> memref<1x112xf32, #tpu.memory_space<vmem>>
    %gather3A_1575 = tpu.memref_squeeze %gather3A_1574 : memref<1x112xf32, #tpu.memory_space<vmem>> -> memref<112xf32, #tpu.memory_space<vmem>>
    %gather3A_1576 = tpu.vector_load_idx %gather3A_1575[%min3A_1571] : memref<112xf32, #tpu.memory_space<vmem>>[vector<16xi32>], vector<16xf32>,
    %jit3A_1577 = arith.constant 0 : i32
    %jit3A_1578 = arith.constant 98 : i32
    %max3A_1579 = vector.broadcast %jit3A_1577 : i32 to vector<16xi32>
    %max3A_1580 = arith.maxsi %max3A_1579, %min3A_1562 : vector<16xi32>
    %min3A_1581 = vector.broadcast %jit3A_1578 : i32 to vector<16xi32>
    %min3A_1582 = arith.minsi %min3A_1581, %max3A_1580 : vector<16xi32>
    %gather3A_1583 = arith.constant 0 : i32
    %gather3A_1584 = arith.constant 0 : i32
    %gather3A_1585 = tpu.memref_slice %arg10[%gather3A_1583, %gather3A_1584] : memref<2x112xf32, #tpu.memory_space<vmem>> -> memref<1x112xf32, #tpu.memory_space<vmem>>
    %gather3A_1586 = tpu.memref_squeeze %gather3A_1585 : memref<1x112xf32, #tpu.memory_space<vmem>> -> memref<112xf32, #tpu.memory_space<vmem>>
    %gather3A_1587 = tpu.vector_load_idx %gather3A_1586[%min3A_1582] : memref<112xf32, #tpu.memory_space<vmem>>[vector<16xi32>], vector<16xf32>,
    %gt3A_1588 = arith.constant 0 : i32
    %gt3A_1589 = vector.broadcast %gt3A_1588 : i32 to vector<16xi32>
    %gt3A_1590 = arith.cmpi sgt, %min3A_1562, %gt3A_1589 : vector<16xi32>
    %gt3A_1591 = arith.cmpf ogt, %gather3A_1576, %get3A_1538 : vector<16xf32>
    %and3A_1592 = arith.andi %gt3A_1590, %gt3A_1591 : vector<16xi1>
    %lt3A_1593 = arith.constant 99 : i32
    %lt3A_1594 = vector.broadcast %lt3A_1593 : i32 to vector<16xi32>
    %lt3A_1595 = arith.cmpi slt, %min3A_1562, %lt3A_1594 : vector<16xi32>
    %le3A_1596 = arith.cmpf ole, %gather3A_1587, %get3A_1538 : vector<16xf32>
    %and3A_1597 = arith.andi %lt3A_1595, %le3A_1596 : vector<16xi1>
    %sub3A_1598 = arith.constant 1 : i32
    %sub3A_1599 = vector.broadcast %sub3A_1598 : i32 to vector<16xi32>
    %sub3A_1600 = arith.subi %min3A_1562, %sub3A_1599 : vector<16xi32>
    %add3A_1601 = arith.constant 1 : i32
    %add3A_1602 = vector.broadcast %add3A_1601 : i32 to vector<16xi32>
    %add3A_1603 = arith.addi %min3A_1562, %add3A_1602 : vector<16xi32>
    %select_n3A_1604 = arith.select %and3A_1597, %add3A_1603, %min3A_1562 : vector<16xi1>, vector<16xi32>
    %select_n3A_1605 = arith.select %and3A_1592, %sub3A_1600, %select_n3A_1604 : vector<16xi1>, vector<16xi32>
    %sub3A_1606 = arith.constant -1.800000e+02 : f32
    %sub3A_1607 = vector.broadcast %sub3A_1606 : f32 to vector<16xf32>
    %sub3A_1608 = arith.subf %get3A_1540, %sub3A_1607 : vector<16xf32>
    %mul3A_1609 = arith.constant 0.272222221 : f32
    %mul3A_1610 = vector.broadcast %mul3A_1609 : f32 to vector<16xf32>
    %mul3A_1611 = arith.mulf %sub3A_1608, %mul3A_1610 : vector<16xf32>
    %max3A_1612 = arith.constant -1.000000e+00 : f32
    %max3A_1613 = vector.broadcast %max3A_1612 : f32 to vector<16xf32>
    %max3A_1614 = arith.maximumf %mul3A_1611, %max3A_1613 : vector<16xf32>
    %min3A_1615 = arith.constant 1.010000e+02 : f32
    %min3A_1616 = vector.broadcast %min3A_1615 : f32 to vector<16xf32>
    %min3A_1617 = arith.minimumf %max3A_1614, %min3A_1616 : vector<16xf32>
    %convert_element_type3A_1618 = arith.fptosi %min3A_1617 : vector<16xf32> to vector<16xi32>
    %add3A_1619 = arith.constant 1 : i32
    %add3A_1620 = vector.broadcast %add3A_1619 : i32 to vector<16xi32>
    %add3A_1621 = arith.addi %convert_element_type3A_1618, %add3A_1620 : vector<16xi32>
    %jit3A_1622 = arith.constant 0 : i32
    %jit3A_1623 = arith.constant 99 : i32
    %max3A_1624 = vector.broadcast %jit3A_1622 : i32 to vector<16xi32>
    %max3A_1625 = arith.maxsi %max3A_1624, %add3A_1621 : vector<16xi32>
    %min3A_1626 = vector.broadcast %jit3A_1623 : i32 to vector<16xi32>
    %min3A_1627 = arith.minsi %min3A_1626, %max3A_1625 : vector<16xi32>
    %sub3A_1628 = arith.constant 1 : i32
    %sub3A_1629 = vector.broadcast %sub3A_1628 : i32 to vector<16xi32>
    %sub3A_1630 = arith.subi %min3A_1627, %sub3A_1629 : vector<16xi32>
    %jit3A_1631 = arith.constant 0 : i32
    %jit3A_1632 = arith.constant 98 : i32
    %max3A_1633 = vector.broadcast %jit3A_1631 : i32 to vector<16xi32>
    %max3A_1634 = arith.maxsi %max3A_1633, %sub3A_1630 : vector<16xi32>
    %min3A_1635 = vector.broadcast %jit3A_1632 : i32 to vector<16xi32>
    %min3A_1636 = arith.minsi %min3A_1635, %max3A_1634 : vector<16xi32>
    %gather3A_1637 = arith.constant 1 : i32
    %gather3A_1638 = arith.constant 0 : i32
    %gather3A_1639 = tpu.memref_slice %arg10[%gather3A_1637, %gather3A_1638] : memref<2x112xf32, #tpu.memory_space<vmem>> -> memref<1x112xf32, #tpu.memory_space<vmem>>
    %gather3A_1640 = tpu.memref_squeeze %gather3A_1639 : memref<1x112xf32, #tpu.memory_space<vmem>> -> memref<112xf32, #tpu.memory_space<vmem>>
    %gather3A_1641 = tpu.vector_load_idx %gather3A_1640[%min3A_1636] : memref<112xf32, #tpu.memory_space<vmem>>[vector<16xi32>], vector<16xf32>,
    %jit3A_1642 = arith.constant 0 : i32
    %jit3A_1643 = arith.constant 98 : i32
    %max3A_1644 = vector.broadcast %jit3A_1642 : i32 to vector<16xi32>
    %max3A_1645 = arith.maxsi %max3A_1644, %min3A_1627 : vector<16xi32>
    %min3A_1646 = vector.broadcast %jit3A_1643 : i32 to vector<16xi32>
    %min3A_1647 = arith.minsi %min3A_1646, %max3A_1645 : vector<16xi32>
    %gather3A_1648 = arith.constant 1 : i32
    %gather3A_1649 = arith.constant 0 : i32
    %gather3A_1650 = tpu.memref_slice %arg10[%gather3A_1648, %gather3A_1649] : memref<2x112xf32, #tpu.memory_space<vmem>> -> memref<1x112xf32, #tpu.memory_space<vmem>>
    %gather3A_1651 = tpu.memref_squeeze %gather3A_1650 : memref<1x112xf32, #tpu.memory_space<vmem>> -> memref<112xf32, #tpu.memory_space<vmem>>
    %gather3A_1652 = tpu.vector_load_idx %gather3A_1651[%min3A_1647] : memref<112xf32, #tpu.memory_space<vmem>>[vector<16xi32>], vector<16xf32>,
    %gt3A_1653 = arith.constant 0 : i32
    %gt3A_1654 = vector.broadcast %gt3A_1653 : i32 to vector<16xi32>
    %gt3A_1655 = arith.cmpi sgt, %min3A_1627, %gt3A_1654 : vector<16xi32>
    %gt3A_1656 = arith.cmpf ogt, %gather3A_1641, %get3A_1540 : vector<16xf32>
    %and3A_1657 = arith.andi %gt3A_1655, %gt3A_1656 : vector<16xi1>
    %lt3A_1658 = arith.constant 99 : i32
    %lt3A_1659 = vector.broadcast %lt3A_1658 : i32 to vector<16xi32>
    %lt3A_1660 = arith.cmpi slt, %min3A_1627, %lt3A_1659 : vector<16xi32>
    %le3A_1661 = arith.cmpf ole, %gather3A_1652, %get3A_1540 : vector<16xf32>
    %and3A_1662 = arith.andi %lt3A_1660, %le3A_1661 : vector<16xi1>
    %sub3A_1663 = arith.constant 1 : i32
    %sub3A_1664 = vector.broadcast %sub3A_1663 : i32 to vector<16xi32>
    %sub3A_1665 = arith.subi %min3A_1627, %sub3A_1664 : vector<16xi32>
    %add3A_1666 = arith.constant 1 : i32
    %add3A_1667 = vector.broadcast %add3A_1666 : i32 to vector<16xi32>
    %add3A_1668 = arith.addi %min3A_1627, %add3A_1667 : vector<16xi32>
    %select_n3A_1669 = arith.select %and3A_1662, %add3A_1668, %min3A_1627 : vector<16xi1>, vector<16xi32>
    %select_n3A_1670 = arith.select %and3A_1657, %sub3A_1665, %select_n3A_1669 : vector<16xi1>, vector<16xi32>
    %add3A_1671 = arith.constant 100 : i32
    %add3A_1672 = vector.broadcast %add3A_1671 : i32 to vector<16xi32>
    %add3A_1673 = arith.addi %select_n3A_1670, %add3A_1672 : vector<16xi32>
    %add3A_1674 = arith.constant 64 : i32
    %add3A_1675 = vector.broadcast %add3A_1674 : i32 to vector<16xi32>
    %add3A_1676 = arith.addi %add3A_1675, %mul3A_13 : vector<16xi32>
    %scatter3A_1677 = arith.constant 2 : i32
    %scatter3A_1678 = arith.constant 0 : i32
    %scatter3A_1679 = tpu.memref_slice %arg11[%scatter3A_1677, %scatter3A_1678] : memref<8x128xi32, #tpu.memory_space<vmem>> -> memref<1x128xi32, #tpu.memory_space<vmem>>
    %scatter3A_1680 = tpu.memref_squeeze %scatter3A_1679 : memref<1x128xi32, #tpu.memory_space<vmem>> -> memref<128xi32, #tpu.memory_space<vmem>>
    tpu.vector_store_idx %scatter3A_1680[%add3A_1676], %select_n3A_1605 : memref<128xi32, #tpu.memory_space<vmem>>[vector<16xi32>], vector<16xi32>,
    %add3A_1681 = arith.constant 1 : i32
    %add3A_1682 = vector.broadcast %add3A_1681 : i32 to vector<16xi32>
    %add3A_1683 = arith.addi %add3A_1676, %add3A_1682 : vector<16xi32>
    %scatter3A_1684 = arith.constant 2 : i32
    %scatter3A_1685 = arith.constant 0 : i32
    %scatter3A_1686 = tpu.memref_slice %arg11[%scatter3A_1684, %scatter3A_1685] : memref<8x128xi32, #tpu.memory_space<vmem>> -> memref<1x128xi32, #tpu.memory_space<vmem>>
    %scatter3A_1687 = tpu.memref_squeeze %scatter3A_1686 : memref<1x128xi32, #tpu.memory_space<vmem>> -> memref<128xi32, #tpu.memory_space<vmem>>
    tpu.vector_store_idx %scatter3A_1687[%add3A_1683], %add3A_1673 : memref<128xi32, #tpu.memory_space<vmem>>[vector<16xi32>], vector<16xi32>,
    %get3A_1688 = arith.constant 176 : index
    %get3A_1689 = tpu.vector_load %arg8[%get3A_1688] {strides = array<i32>} : memref<512xf32, #tpu.memory_space<vmem>>, vector<16xf32>,
    %get3A_1690 = arith.constant 176 : index
    %get3A_1691 = tpu.vector_load %arg9[%get3A_1690] {strides = array<i32>} : memref<512xf32, #tpu.memory_space<vmem>>, vector<16xf32>,
    %sub3A_1692 = arith.constant -9.000000e+01 : f32
    %sub3A_1693 = vector.broadcast %sub3A_1692 : f32 to vector<16xf32>
    %sub3A_1694 = arith.subf %get3A_1689, %sub3A_1693 : vector<16xf32>
    %mul3A_1695 = arith.constant 0.544444442 : f32
    %mul3A_1696 = vector.broadcast %mul3A_1695 : f32 to vector<16xf32>
    %mul3A_1697 = arith.mulf %sub3A_1694, %mul3A_1696 : vector<16xf32>
    %max3A_1698 = arith.constant -1.000000e+00 : f32
    %max3A_1699 = vector.broadcast %max3A_1698 : f32 to vector<16xf32>
    %max3A_1700 = arith.maximumf %mul3A_1697, %max3A_1699 : vector<16xf32>
    %min3A_1701 = arith.constant 1.010000e+02 : f32
    %min3A_1702 = vector.broadcast %min3A_1701 : f32 to vector<16xf32>
    %min3A_1703 = arith.minimumf %max3A_1700, %min3A_1702 : vector<16xf32>
    %convert_element_type3A_1704 = arith.fptosi %min3A_1703 : vector<16xf32> to vector<16xi32>
    %add3A_1705 = arith.constant 1 : i32
    %add3A_1706 = vector.broadcast %add3A_1705 : i32 to vector<16xi32>
    %add3A_1707 = arith.addi %convert_element_type3A_1704, %add3A_1706 : vector<16xi32>
    %jit3A_1708 = arith.constant 0 : i32
    %jit3A_1709 = arith.constant 99 : i32
    %max3A_1710 = vector.broadcast %jit3A_1708 : i32 to vector<16xi32>
    %max3A_1711 = arith.maxsi %max3A_1710, %add3A_1707 : vector<16xi32>
    %min3A_1712 = vector.broadcast %jit3A_1709 : i32 to vector<16xi32>
    %min3A_1713 = arith.minsi %min3A_1712, %max3A_1711 : vector<16xi32>
    %sub3A_1714 = arith.constant 1 : i32
    %sub3A_1715 = vector.broadcast %sub3A_1714 : i32 to vector<16xi32>
    %sub3A_1716 = arith.subi %min3A_1713, %sub3A_1715 : vector<16xi32>
    %jit3A_1717 = arith.constant 0 : i32
    %jit3A_1718 = arith.constant 98 : i32
    %max3A_1719 = vector.broadcast %jit3A_1717 : i32 to vector<16xi32>
    %max3A_1720 = arith.maxsi %max3A_1719, %sub3A_1716 : vector<16xi32>
    %min3A_1721 = vector.broadcast %jit3A_1718 : i32 to vector<16xi32>
    %min3A_1722 = arith.minsi %min3A_1721, %max3A_1720 : vector<16xi32>
    %gather3A_1723 = arith.constant 0 : i32
    %gather3A_1724 = arith.constant 0 : i32
    %gather3A_1725 = tpu.memref_slice %arg10[%gather3A_1723, %gather3A_1724] : memref<2x112xf32, #tpu.memory_space<vmem>> -> memref<1x112xf32, #tpu.memory_space<vmem>>
    %gather3A_1726 = tpu.memref_squeeze %gather3A_1725 : memref<1x112xf32, #tpu.memory_space<vmem>> -> memref<112xf32, #tpu.memory_space<vmem>>
    %gather3A_1727 = tpu.vector_load_idx %gather3A_1726[%min3A_1722] : memref<112xf32, #tpu.memory_space<vmem>>[vector<16xi32>], vector<16xf32>,
    %jit3A_1728 = arith.constant 0 : i32
    %jit3A_1729 = arith.constant 98 : i32
    %max3A_1730 = vector.broadcast %jit3A_1728 : i32 to vector<16xi32>
    %max3A_1731 = arith.maxsi %max3A_1730, %min3A_1713 : vector<16xi32>
    %min3A_1732 = vector.broadcast %jit3A_1729 : i32 to vector<16xi32>
    %min3A_1733 = arith.minsi %min3A_1732, %max3A_1731 : vector<16xi32>
    %gather3A_1734 = arith.constant 0 : i32
    %gather3A_1735 = arith.constant 0 : i32
    %gather3A_1736 = tpu.memref_slice %arg10[%gather3A_1734, %gather3A_1735] : memref<2x112xf32, #tpu.memory_space<vmem>> -> memref<1x112xf32, #tpu.memory_space<vmem>>
    %gather3A_1737 = tpu.memref_squeeze %gather3A_1736 : memref<1x112xf32, #tpu.memory_space<vmem>> -> memref<112xf32, #tpu.memory_space<vmem>>
    %gather3A_1738 = tpu.vector_load_idx %gather3A_1737[%min3A_1733] : memref<112xf32, #tpu.memory_space<vmem>>[vector<16xi32>], vector<16xf32>,
    %gt3A_1739 = arith.constant 0 : i32
    %gt3A_1740 = vector.broadcast %gt3A_1739 : i32 to vector<16xi32>
    %gt3A_1741 = arith.cmpi sgt, %min3A_1713, %gt3A_1740 : vector<16xi32>
    %gt3A_1742 = arith.cmpf ogt, %gather3A_1727, %get3A_1689 : vector<16xf32>
    %and3A_1743 = arith.andi %gt3A_1741, %gt3A_1742 : vector<16xi1>
    %lt3A_1744 = arith.constant 99 : i32
    %lt3A_1745 = vector.broadcast %lt3A_1744 : i32 to vector<16xi32>
    %lt3A_1746 = arith.cmpi slt, %min3A_1713, %lt3A_1745 : vector<16xi32>
    %le3A_1747 = arith.cmpf ole, %gather3A_1738, %get3A_1689 : vector<16xf32>
    %and3A_1748 = arith.andi %lt3A_1746, %le3A_1747 : vector<16xi1>
    %sub3A_1749 = arith.constant 1 : i32
    %sub3A_1750 = vector.broadcast %sub3A_1749 : i32 to vector<16xi32>
    %sub3A_1751 = arith.subi %min3A_1713, %sub3A_1750 : vector<16xi32>
    %add3A_1752 = arith.constant 1 : i32
    %add3A_1753 = vector.broadcast %add3A_1752 : i32 to vector<16xi32>
    %add3A_1754 = arith.addi %min3A_1713, %add3A_1753 : vector<16xi32>
    %select_n3A_1755 = arith.select %and3A_1748, %add3A_1754, %min3A_1713 : vector<16xi1>, vector<16xi32>
    %select_n3A_1756 = arith.select %and3A_1743, %sub3A_1751, %select_n3A_1755 : vector<16xi1>, vector<16xi32>
    %sub3A_1757 = arith.constant -1.800000e+02 : f32
    %sub3A_1758 = vector.broadcast %sub3A_1757 : f32 to vector<16xf32>
    %sub3A_1759 = arith.subf %get3A_1691, %sub3A_1758 : vector<16xf32>
    %mul3A_1760 = arith.constant 0.272222221 : f32
    %mul3A_1761 = vector.broadcast %mul3A_1760 : f32 to vector<16xf32>
    %mul3A_1762 = arith.mulf %sub3A_1759, %mul3A_1761 : vector<16xf32>
    %max3A_1763 = arith.constant -1.000000e+00 : f32
    %max3A_1764 = vector.broadcast %max3A_1763 : f32 to vector<16xf32>
    %max3A_1765 = arith.maximumf %mul3A_1762, %max3A_1764 : vector<16xf32>
    %min3A_1766 = arith.constant 1.010000e+02 : f32
    %min3A_1767 = vector.broadcast %min3A_1766 : f32 to vector<16xf32>
    %min3A_1768 = arith.minimumf %max3A_1765, %min3A_1767 : vector<16xf32>
    %convert_element_type3A_1769 = arith.fptosi %min3A_1768 : vector<16xf32> to vector<16xi32>
    %add3A_1770 = arith.constant 1 : i32
    %add3A_1771 = vector.broadcast %add3A_1770 : i32 to vector<16xi32>
    %add3A_1772 = arith.addi %convert_element_type3A_1769, %add3A_1771 : vector<16xi32>
    %jit3A_1773 = arith.constant 0 : i32
    %jit3A_1774 = arith.constant 99 : i32
    %max3A_1775 = vector.broadcast %jit3A_1773 : i32 to vector<16xi32>
    %max3A_1776 = arith.maxsi %max3A_1775, %add3A_1772 : vector<16xi32>
    %min3A_1777 = vector.broadcast %jit3A_1774 : i32 to vector<16xi32>
    %min3A_1778 = arith.minsi %min3A_1777, %max3A_1776 : vector<16xi32>
    %sub3A_1779 = arith.constant 1 : i32
    %sub3A_1780 = vector.broadcast %sub3A_1779 : i32 to vector<16xi32>
    %sub3A_1781 = arith.subi %min3A_1778, %sub3A_1780 : vector<16xi32>
    %jit3A_1782 = arith.constant 0 : i32
    %jit3A_1783 = arith.constant 98 : i32
    %max3A_1784 = vector.broadcast %jit3A_1782 : i32 to vector<16xi32>
    %max3A_1785 = arith.maxsi %max3A_1784, %sub3A_1781 : vector<16xi32>
    %min3A_1786 = vector.broadcast %jit3A_1783 : i32 to vector<16xi32>
    %min3A_1787 = arith.minsi %min3A_1786, %max3A_1785 : vector<16xi32>
    %gather3A_1788 = arith.constant 1 : i32
    %gather3A_1789 = arith.constant 0 : i32
    %gather3A_1790 = tpu.memref_slice %arg10[%gather3A_1788, %gather3A_1789] : memref<2x112xf32, #tpu.memory_space<vmem>> -> memref<1x112xf32, #tpu.memory_space<vmem>>
    %gather3A_1791 = tpu.memref_squeeze %gather3A_1790 : memref<1x112xf32, #tpu.memory_space<vmem>> -> memref<112xf32, #tpu.memory_space<vmem>>
    %gather3A_1792 = tpu.vector_load_idx %gather3A_1791[%min3A_1787] : memref<112xf32, #tpu.memory_space<vmem>>[vector<16xi32>], vector<16xf32>,
    %jit3A_1793 = arith.constant 0 : i32
    %jit3A_1794 = arith.constant 98 : i32
    %max3A_1795 = vector.broadcast %jit3A_1793 : i32 to vector<16xi32>
    %max3A_1796 = arith.maxsi %max3A_1795, %min3A_1778 : vector<16xi32>
    %min3A_1797 = vector.broadcast %jit3A_1794 : i32 to vector<16xi32>
    %min3A_1798 = arith.minsi %min3A_1797, %max3A_1796 : vector<16xi32>
    %gather3A_1799 = arith.constant 1 : i32
    %gather3A_1800 = arith.constant 0 : i32
    %gather3A_1801 = tpu.memref_slice %arg10[%gather3A_1799, %gather3A_1800] : memref<2x112xf32, #tpu.memory_space<vmem>> -> memref<1x112xf32, #tpu.memory_space<vmem>>
    %gather3A_1802 = tpu.memref_squeeze %gather3A_1801 : memref<1x112xf32, #tpu.memory_space<vmem>> -> memref<112xf32, #tpu.memory_space<vmem>>
    %gather3A_1803 = tpu.vector_load_idx %gather3A_1802[%min3A_1798] : memref<112xf32, #tpu.memory_space<vmem>>[vector<16xi32>], vector<16xf32>,
    %gt3A_1804 = arith.constant 0 : i32
    %gt3A_1805 = vector.broadcast %gt3A_1804 : i32 to vector<16xi32>
    %gt3A_1806 = arith.cmpi sgt, %min3A_1778, %gt3A_1805 : vector<16xi32>
    %gt3A_1807 = arith.cmpf ogt, %gather3A_1792, %get3A_1691 : vector<16xf32>
    %and3A_1808 = arith.andi %gt3A_1806, %gt3A_1807 : vector<16xi1>
    %lt3A_1809 = arith.constant 99 : i32
    %lt3A_1810 = vector.broadcast %lt3A_1809 : i32 to vector<16xi32>
    %lt3A_1811 = arith.cmpi slt, %min3A_1778, %lt3A_1810 : vector<16xi32>
    %le3A_1812 = arith.cmpf ole, %gather3A_1803, %get3A_1691 : vector<16xf32>
    %and3A_1813 = arith.andi %lt3A_1811, %le3A_1812 : vector<16xi1>
    %sub3A_1814 = arith.constant 1 : i32
    %sub3A_1815 = vector.broadcast %sub3A_1814 : i32 to vector<16xi32>
    %sub3A_1816 = arith.subi %min3A_1778, %sub3A_1815 : vector<16xi32>
    %add3A_1817 = arith.constant 1 : i32
    %add3A_1818 = vector.broadcast %add3A_1817 : i32 to vector<16xi32>
    %add3A_1819 = arith.addi %min3A_1778, %add3A_1818 : vector<16xi32>
    %select_n3A_1820 = arith.select %and3A_1813, %add3A_1819, %min3A_1778 : vector<16xi1>, vector<16xi32>
    %select_n3A_1821 = arith.select %and3A_1808, %sub3A_1816, %select_n3A_1820 : vector<16xi1>, vector<16xi32>
    %add3A_1822 = arith.constant 100 : i32
    %add3A_1823 = vector.broadcast %add3A_1822 : i32 to vector<16xi32>
    %add3A_1824 = arith.addi %select_n3A_1821, %add3A_1823 : vector<16xi32>
    %add3A_1825 = arith.constant 96 : i32
    %add3A_1826 = vector.broadcast %add3A_1825 : i32 to vector<16xi32>
    %add3A_1827 = arith.addi %add3A_1826, %mul3A_13 : vector<16xi32>
    %scatter3A_1828 = arith.constant 2 : i32
    %scatter3A_1829 = arith.constant 0 : i32
    %scatter3A_1830 = tpu.memref_slice %arg11[%scatter3A_1828, %scatter3A_1829] : memref<8x128xi32, #tpu.memory_space<vmem>> -> memref<1x128xi32, #tpu.memory_space<vmem>>
    %scatter3A_1831 = tpu.memref_squeeze %scatter3A_1830 : memref<1x128xi32, #tpu.memory_space<vmem>> -> memref<128xi32, #tpu.memory_space<vmem>>
    tpu.vector_store_idx %scatter3A_1831[%add3A_1827], %select_n3A_1756 : memref<128xi32, #tpu.memory_space<vmem>>[vector<16xi32>], vector<16xi32>,
    %add3A_1832 = arith.constant 1 : i32
    %add3A_1833 = vector.broadcast %add3A_1832 : i32 to vector<16xi32>
    %add3A_1834 = arith.addi %add3A_1827, %add3A_1833 : vector<16xi32>
    %scatter3A_1835 = arith.constant 2 : i32
    %scatter3A_1836 = arith.constant 0 : i32
    %scatter3A_1837 = tpu.memref_slice %arg11[%scatter3A_1835, %scatter3A_1836] : memref<8x128xi32, #tpu.memory_space<vmem>> -> memref<1x128xi32, #tpu.memory_space<vmem>>
    %scatter3A_1838 = tpu.memref_squeeze %scatter3A_1837 : memref<1x128xi32, #tpu.memory_space<vmem>> -> memref<128xi32, #tpu.memory_space<vmem>>
    tpu.vector_store_idx %scatter3A_1838[%add3A_1834], %add3A_1824 : memref<128xi32, #tpu.memory_space<vmem>>[vector<16xi32>], vector<16xi32>,
    %dma_start3A_1839 = arith.constant 2 : i32
    %dma_start3A_1840 = arith.constant 256 : i32
    %dma_start3A_1841 = arith.constant 0 : i32
    %dma_start3A_1842 = tpu.memref_slice %arg12[%dma_start3A_1840, %dma_start3A_1841] : memref<1024x64xf32, #tpu.memory_space<vmem>> -> memref<128x64xf32, #tpu.memory_space<vmem>>
    %dma_start3A_1843 = arith.constant 0 : i32
    %dma_start3A_1844 = tpu.memref_slice %arg11[%dma_start3A_1839, %dma_start3A_1843] : memref<8x128xi32, #tpu.memory_space<vmem>> -> memref<1x128xi32, #tpu.memory_space<vmem>>
    %dma_start3A_1845 = tpu.memref_squeeze %dma_start3A_1844 : memref<1x128xi32, #tpu.memory_space<vmem>> -> memref<128xi32, #tpu.memory_space<vmem>>
    %dma_start3A_1846 = arith.constant 0 : i32
    %dma_start3A_1847 = arith.constant 0 : i32
    %dma_start3A_1848 = tpu.memref_slice %arg13[%dma_start3A_1846, %dma_start3A_1847] : memref<200x64xf32, #tpu.memory_space<vmem_shared>> -> memref<200x64xf32, #tpu.memory_space<vmem_shared>>
    tpu.enqueue_indirect_dma source(%dma_start3A_1848 : memref<200x64xf32, #tpu.memory_space<vmem_shared>>) target(%dma_start3A_1842 : memref<128x64xf32, #tpu.memory_space<vmem>>) offsets(%dma_start3A_1845 : memref<128xi32, #tpu.memory_space<vmem>>) semaphore(%arg17 : memref<!tpu.dma_semaphore, #tpu.memory_space<semaphore_mem>>)
    %get3A_1849 = arith.constant 192 : index
    %get3A_1850 = tpu.vector_load %arg8[%get3A_1849] {strides = array<i32>} : memref<512xf32, #tpu.memory_space<vmem>>, vector<16xf32>,
    %get3A_1851 = arith.constant 192 : index
    %get3A_1852 = tpu.vector_load %arg9[%get3A_1851] {strides = array<i32>} : memref<512xf32, #tpu.memory_space<vmem>>, vector<16xf32>,
    %sub3A_1853 = arith.constant -9.000000e+01 : f32
    %sub3A_1854 = vector.broadcast %sub3A_1853 : f32 to vector<16xf32>
    %sub3A_1855 = arith.subf %get3A_1850, %sub3A_1854 : vector<16xf32>
    %mul3A_1856 = arith.constant 0.544444442 : f32
    %mul3A_1857 = vector.broadcast %mul3A_1856 : f32 to vector<16xf32>
    %mul3A_1858 = arith.mulf %sub3A_1855, %mul3A_1857 : vector<16xf32>
    %max3A_1859 = arith.constant -1.000000e+00 : f32
    %max3A_1860 = vector.broadcast %max3A_1859 : f32 to vector<16xf32>
    %max3A_1861 = arith.maximumf %mul3A_1858, %max3A_1860 : vector<16xf32>
    %min3A_1862 = arith.constant 1.010000e+02 : f32
    %min3A_1863 = vector.broadcast %min3A_1862 : f32 to vector<16xf32>
    %min3A_1864 = arith.minimumf %max3A_1861, %min3A_1863 : vector<16xf32>
    %convert_element_type3A_1865 = arith.fptosi %min3A_1864 : vector<16xf32> to vector<16xi32>
    %add3A_1866 = arith.constant 1 : i32
    %add3A_1867 = vector.broadcast %add3A_1866 : i32 to vector<16xi32>
    %add3A_1868 = arith.addi %convert_element_type3A_1865, %add3A_1867 : vector<16xi32>
    %jit3A_1869 = arith.constant 0 : i32
    %jit3A_1870 = arith.constant 99 : i32
    %max3A_1871 = vector.broadcast %jit3A_1869 : i32 to vector<16xi32>
    %max3A_1872 = arith.maxsi %max3A_1871, %add3A_1868 : vector<16xi32>
    %min3A_1873 = vector.broadcast %jit3A_1870 : i32 to vector<16xi32>
    %min3A_1874 = arith.minsi %min3A_1873, %max3A_1872 : vector<16xi32>
    %sub3A_1875 = arith.constant 1 : i32
    %sub3A_1876 = vector.broadcast %sub3A_1875 : i32 to vector<16xi32>
    %sub3A_1877 = arith.subi %min3A_1874, %sub3A_1876 : vector<16xi32>
    %jit3A_1878 = arith.constant 0 : i32
    %jit3A_1879 = arith.constant 98 : i32
    %max3A_1880 = vector.broadcast %jit3A_1878 : i32 to vector<16xi32>
    %max3A_1881 = arith.maxsi %max3A_1880, %sub3A_1877 : vector<16xi32>
    %min3A_1882 = vector.broadcast %jit3A_1879 : i32 to vector<16xi32>
    %min3A_1883 = arith.minsi %min3A_1882, %max3A_1881 : vector<16xi32>
    %gather3A_1884 = arith.constant 0 : i32
    %gather3A_1885 = arith.constant 0 : i32
    %gather3A_1886 = tpu.memref_slice %arg10[%gather3A_1884, %gather3A_1885] : memref<2x112xf32, #tpu.memory_space<vmem>> -> memref<1x112xf32, #tpu.memory_space<vmem>>
    %gather3A_1887 = tpu.memref_squeeze %gather3A_1886 : memref<1x112xf32, #tpu.memory_space<vmem>> -> memref<112xf32, #tpu.memory_space<vmem>>
    %gather3A_1888 = tpu.vector_load_idx %gather3A_1887[%min3A_1883] : memref<112xf32, #tpu.memory_space<vmem>>[vector<16xi32>], vector<16xf32>,
    %jit3A_1889 = arith.constant 0 : i32
    %jit3A_1890 = arith.constant 98 : i32
    %max3A_1891 = vector.broadcast %jit3A_1889 : i32 to vector<16xi32>
    %max3A_1892 = arith.maxsi %max3A_1891, %min3A_1874 : vector<16xi32>
    %min3A_1893 = vector.broadcast %jit3A_1890 : i32 to vector<16xi32>
    %min3A_1894 = arith.minsi %min3A_1893, %max3A_1892 : vector<16xi32>
    %gather3A_1895 = arith.constant 0 : i32
    %gather3A_1896 = arith.constant 0 : i32
    %gather3A_1897 = tpu.memref_slice %arg10[%gather3A_1895, %gather3A_1896] : memref<2x112xf32, #tpu.memory_space<vmem>> -> memref<1x112xf32, #tpu.memory_space<vmem>>
    %gather3A_1898 = tpu.memref_squeeze %gather3A_1897 : memref<1x112xf32, #tpu.memory_space<vmem>> -> memref<112xf32, #tpu.memory_space<vmem>>
    %gather3A_1899 = tpu.vector_load_idx %gather3A_1898[%min3A_1894] : memref<112xf32, #tpu.memory_space<vmem>>[vector<16xi32>], vector<16xf32>,
    %gt3A_1900 = arith.constant 0 : i32
    %gt3A_1901 = vector.broadcast %gt3A_1900 : i32 to vector<16xi32>
    %gt3A_1902 = arith.cmpi sgt, %min3A_1874, %gt3A_1901 : vector<16xi32>
    %gt3A_1903 = arith.cmpf ogt, %gather3A_1888, %get3A_1850 : vector<16xf32>
    %and3A_1904 = arith.andi %gt3A_1902, %gt3A_1903 : vector<16xi1>
    %lt3A_1905 = arith.constant 99 : i32
    %lt3A_1906 = vector.broadcast %lt3A_1905 : i32 to vector<16xi32>
    %lt3A_1907 = arith.cmpi slt, %min3A_1874, %lt3A_1906 : vector<16xi32>
    %le3A_1908 = arith.cmpf ole, %gather3A_1899, %get3A_1850 : vector<16xf32>
    %and3A_1909 = arith.andi %lt3A_1907, %le3A_1908 : vector<16xi1>
    %sub3A_1910 = arith.constant 1 : i32
    %sub3A_1911 = vector.broadcast %sub3A_1910 : i32 to vector<16xi32>
    %sub3A_1912 = arith.subi %min3A_1874, %sub3A_1911 : vector<16xi32>
    %add3A_1913 = arith.constant 1 : i32
    %add3A_1914 = vector.broadcast %add3A_1913 : i32 to vector<16xi32>
    %add3A_1915 = arith.addi %min3A_1874, %add3A_1914 : vector<16xi32>
    %select_n3A_1916 = arith.select %and3A_1909, %add3A_1915, %min3A_1874 : vector<16xi1>, vector<16xi32>
    %select_n3A_1917 = arith.select %and3A_1904, %sub3A_1912, %select_n3A_1916 : vector<16xi1>, vector<16xi32>
    %sub3A_1918 = arith.constant -1.800000e+02 : f32
    %sub3A_1919 = vector.broadcast %sub3A_1918 : f32 to vector<16xf32>
    %sub3A_1920 = arith.subf %get3A_1852, %sub3A_1919 : vector<16xf32>
    %mul3A_1921 = arith.constant 0.272222221 : f32
    %mul3A_1922 = vector.broadcast %mul3A_1921 : f32 to vector<16xf32>
    %mul3A_1923 = arith.mulf %sub3A_1920, %mul3A_1922 : vector<16xf32>
    %max3A_1924 = arith.constant -1.000000e+00 : f32
    %max3A_1925 = vector.broadcast %max3A_1924 : f32 to vector<16xf32>
    %max3A_1926 = arith.maximumf %mul3A_1923, %max3A_1925 : vector<16xf32>
    %min3A_1927 = arith.constant 1.010000e+02 : f32
    %min3A_1928 = vector.broadcast %min3A_1927 : f32 to vector<16xf32>
    %min3A_1929 = arith.minimumf %max3A_1926, %min3A_1928 : vector<16xf32>
    %convert_element_type3A_1930 = arith.fptosi %min3A_1929 : vector<16xf32> to vector<16xi32>
    %add3A_1931 = arith.constant 1 : i32
    %add3A_1932 = vector.broadcast %add3A_1931 : i32 to vector<16xi32>
    %add3A_1933 = arith.addi %convert_element_type3A_1930, %add3A_1932 : vector<16xi32>
    %jit3A_1934 = arith.constant 0 : i32
    %jit3A_1935 = arith.constant 99 : i32
    %max3A_1936 = vector.broadcast %jit3A_1934 : i32 to vector<16xi32>
    %max3A_1937 = arith.maxsi %max3A_1936, %add3A_1933 : vector<16xi32>
    %min3A_1938 = vector.broadcast %jit3A_1935 : i32 to vector<16xi32>
    %min3A_1939 = arith.minsi %min3A_1938, %max3A_1937 : vector<16xi32>
    %sub3A_1940 = arith.constant 1 : i32
    %sub3A_1941 = vector.broadcast %sub3A_1940 : i32 to vector<16xi32>
    %sub3A_1942 = arith.subi %min3A_1939, %sub3A_1941 : vector<16xi32>
    %jit3A_1943 = arith.constant 0 : i32
    %jit3A_1944 = arith.constant 98 : i32
    %max3A_1945 = vector.broadcast %jit3A_1943 : i32 to vector<16xi32>
    %max3A_1946 = arith.maxsi %max3A_1945, %sub3A_1942 : vector<16xi32>
    %min3A_1947 = vector.broadcast %jit3A_1944 : i32 to vector<16xi32>
    %min3A_1948 = arith.minsi %min3A_1947, %max3A_1946 : vector<16xi32>
    %gather3A_1949 = arith.constant 1 : i32
    %gather3A_1950 = arith.constant 0 : i32
    %gather3A_1951 = tpu.memref_slice %arg10[%gather3A_1949, %gather3A_1950] : memref<2x112xf32, #tpu.memory_space<vmem>> -> memref<1x112xf32, #tpu.memory_space<vmem>>
    %gather3A_1952 = tpu.memref_squeeze %gather3A_1951 : memref<1x112xf32, #tpu.memory_space<vmem>> -> memref<112xf32, #tpu.memory_space<vmem>>
    %gather3A_1953 = tpu.vector_load_idx %gather3A_1952[%min3A_1948] : memref<112xf32, #tpu.memory_space<vmem>>[vector<16xi32>], vector<16xf32>,
    %jit3A_1954 = arith.constant 0 : i32
    %jit3A_1955 = arith.constant 98 : i32
    %max3A_1956 = vector.broadcast %jit3A_1954 : i32 to vector<16xi32>
    %max3A_1957 = arith.maxsi %max3A_1956, %min3A_1939 : vector<16xi32>
    %min3A_1958 = vector.broadcast %jit3A_1955 : i32 to vector<16xi32>
    %min3A_1959 = arith.minsi %min3A_1958, %max3A_1957 : vector<16xi32>
    %gather3A_1960 = arith.constant 1 : i32
    %gather3A_1961 = arith.constant 0 : i32
    %gather3A_1962 = tpu.memref_slice %arg10[%gather3A_1960, %gather3A_1961] : memref<2x112xf32, #tpu.memory_space<vmem>> -> memref<1x112xf32, #tpu.memory_space<vmem>>
    %gather3A_1963 = tpu.memref_squeeze %gather3A_1962 : memref<1x112xf32, #tpu.memory_space<vmem>> -> memref<112xf32, #tpu.memory_space<vmem>>
    %gather3A_1964 = tpu.vector_load_idx %gather3A_1963[%min3A_1959] : memref<112xf32, #tpu.memory_space<vmem>>[vector<16xi32>], vector<16xf32>,
    %gt3A_1965 = arith.constant 0 : i32
    %gt3A_1966 = vector.broadcast %gt3A_1965 : i32 to vector<16xi32>
    %gt3A_1967 = arith.cmpi sgt, %min3A_1939, %gt3A_1966 : vector<16xi32>
    %gt3A_1968 = arith.cmpf ogt, %gather3A_1953, %get3A_1852 : vector<16xf32>
    %and3A_1969 = arith.andi %gt3A_1967, %gt3A_1968 : vector<16xi1>
    %lt3A_1970 = arith.constant 99 : i32
    %lt3A_1971 = vector.broadcast %lt3A_1970 : i32 to vector<16xi32>
    %lt3A_1972 = arith.cmpi slt, %min3A_1939, %lt3A_1971 : vector<16xi32>
    %le3A_1973 = arith.cmpf ole, %gather3A_1964, %get3A_1852 : vector<16xf32>
    %and3A_1974 = arith.andi %lt3A_1972, %le3A_1973 : vector<16xi1>
    %sub3A_1975 = arith.constant 1 : i32
    %sub3A_1976 = vector.broadcast %sub3A_1975 : i32 to vector<16xi32>
    %sub3A_1977 = arith.subi %min3A_1939, %sub3A_1976 : vector<16xi32>
    %add3A_1978 = arith.constant 1 : i32
    %add3A_1979 = vector.broadcast %add3A_1978 : i32 to vector<16xi32>
    %add3A_1980 = arith.addi %min3A_1939, %add3A_1979 : vector<16xi32>
    %select_n3A_1981 = arith.select %and3A_1974, %add3A_1980, %min3A_1939 : vector<16xi1>, vector<16xi32>
    %select_n3A_1982 = arith.select %and3A_1969, %sub3A_1977, %select_n3A_1981 : vector<16xi1>, vector<16xi32>
    %add3A_1983 = arith.constant 100 : i32
    %add3A_1984 = vector.broadcast %add3A_1983 : i32 to vector<16xi32>
    %add3A_1985 = arith.addi %select_n3A_1982, %add3A_1984 : vector<16xi32>
    %add3A_1986 = arith.constant 0 : i32
    %add3A_1987 = vector.broadcast %add3A_1986 : i32 to vector<16xi32>
    %add3A_1988 = arith.addi %add3A_1987, %mul3A_13 : vector<16xi32>
    %scatter3A_1989 = arith.constant 3 : i32
    %scatter3A_1990 = arith.constant 0 : i32
    %scatter3A_1991 = tpu.memref_slice %arg11[%scatter3A_1989, %scatter3A_1990] : memref<8x128xi32, #tpu.memory_space<vmem>> -> memref<1x128xi32, #tpu.memory_space<vmem>>
    %scatter3A_1992 = tpu.memref_squeeze %scatter3A_1991 : memref<1x128xi32, #tpu.memory_space<vmem>> -> memref<128xi32, #tpu.memory_space<vmem>>
    tpu.vector_store_idx %scatter3A_1992[%add3A_1988], %select_n3A_1917 : memref<128xi32, #tpu.memory_space<vmem>>[vector<16xi32>], vector<16xi32>,
    %add3A_1993 = arith.constant 1 : i32
    %add3A_1994 = vector.broadcast %add3A_1993 : i32 to vector<16xi32>
    %add3A_1995 = arith.addi %add3A_1988, %add3A_1994 : vector<16xi32>
    %scatter3A_1996 = arith.constant 3 : i32
    %scatter3A_1997 = arith.constant 0 : i32
    %scatter3A_1998 = tpu.memref_slice %arg11[%scatter3A_1996, %scatter3A_1997] : memref<8x128xi32, #tpu.memory_space<vmem>> -> memref<1x128xi32, #tpu.memory_space<vmem>>
    %scatter3A_1999 = tpu.memref_squeeze %scatter3A_1998 : memref<1x128xi32, #tpu.memory_space<vmem>> -> memref<128xi32, #tpu.memory_space<vmem>>
    tpu.vector_store_idx %scatter3A_1999[%add3A_1995], %add3A_1985 : memref<128xi32, #tpu.memory_space<vmem>>[vector<16xi32>], vector<16xi32>,
    %get3A_2000 = arith.constant 208 : index
    %get3A_2001 = tpu.vector_load %arg8[%get3A_2000] {strides = array<i32>} : memref<512xf32, #tpu.memory_space<vmem>>, vector<16xf32>,
    %get3A_2002 = arith.constant 208 : index
    %get3A_2003 = tpu.vector_load %arg9[%get3A_2002] {strides = array<i32>} : memref<512xf32, #tpu.memory_space<vmem>>, vector<16xf32>,
    %sub3A_2004 = arith.constant -9.000000e+01 : f32
    %sub3A_2005 = vector.broadcast %sub3A_2004 : f32 to vector<16xf32>
    %sub3A_2006 = arith.subf %get3A_2001, %sub3A_2005 : vector<16xf32>
    %mul3A_2007 = arith.constant 0.544444442 : f32
    %mul3A_2008 = vector.broadcast %mul3A_2007 : f32 to vector<16xf32>
    %mul3A_2009 = arith.mulf %sub3A_2006, %mul3A_2008 : vector<16xf32>
    %max3A_2010 = arith.constant -1.000000e+00 : f32
    %max3A_2011 = vector.broadcast %max3A_2010 : f32 to vector<16xf32>
    %max3A_2012 = arith.maximumf %mul3A_2009, %max3A_2011 : vector<16xf32>
    %min3A_2013 = arith.constant 1.010000e+02 : f32
    %min3A_2014 = vector.broadcast %min3A_2013 : f32 to vector<16xf32>
    %min3A_2015 = arith.minimumf %max3A_2012, %min3A_2014 : vector<16xf32>
    %convert_element_type3A_2016 = arith.fptosi %min3A_2015 : vector<16xf32> to vector<16xi32>
    %add3A_2017 = arith.constant 1 : i32
    %add3A_2018 = vector.broadcast %add3A_2017 : i32 to vector<16xi32>
    %add3A_2019 = arith.addi %convert_element_type3A_2016, %add3A_2018 : vector<16xi32>
    %jit3A_2020 = arith.constant 0 : i32
    %jit3A_2021 = arith.constant 99 : i32
    %max3A_2022 = vector.broadcast %jit3A_2020 : i32 to vector<16xi32>
    %max3A_2023 = arith.maxsi %max3A_2022, %add3A_2019 : vector<16xi32>
    %min3A_2024 = vector.broadcast %jit3A_2021 : i32 to vector<16xi32>
    %min3A_2025 = arith.minsi %min3A_2024, %max3A_2023 : vector<16xi32>
    %sub3A_2026 = arith.constant 1 : i32
    %sub3A_2027 = vector.broadcast %sub3A_2026 : i32 to vector<16xi32>
    %sub3A_2028 = arith.subi %min3A_2025, %sub3A_2027 : vector<16xi32>
    %jit3A_2029 = arith.constant 0 : i32
    %jit3A_2030 = arith.constant 98 : i32
    %max3A_2031 = vector.broadcast %jit3A_2029 : i32 to vector<16xi32>
    %max3A_2032 = arith.maxsi %max3A_2031, %sub3A_2028 : vector<16xi32>
    %min3A_2033 = vector.broadcast %jit3A_2030 : i32 to vector<16xi32>
    %min3A_2034 = arith.minsi %min3A_2033, %max3A_2032 : vector<16xi32>
    %gather3A_2035 = arith.constant 0 : i32
    %gather3A_2036 = arith.constant 0 : i32
    %gather3A_2037 = tpu.memref_slice %arg10[%gather3A_2035, %gather3A_2036] : memref<2x112xf32, #tpu.memory_space<vmem>> -> memref<1x112xf32, #tpu.memory_space<vmem>>
    %gather3A_2038 = tpu.memref_squeeze %gather3A_2037 : memref<1x112xf32, #tpu.memory_space<vmem>> -> memref<112xf32, #tpu.memory_space<vmem>>
    %gather3A_2039 = tpu.vector_load_idx %gather3A_2038[%min3A_2034] : memref<112xf32, #tpu.memory_space<vmem>>[vector<16xi32>], vector<16xf32>,
    %jit3A_2040 = arith.constant 0 : i32
    %jit3A_2041 = arith.constant 98 : i32
    %max3A_2042 = vector.broadcast %jit3A_2040 : i32 to vector<16xi32>
    %max3A_2043 = arith.maxsi %max3A_2042, %min3A_2025 : vector<16xi32>
    %min3A_2044 = vector.broadcast %jit3A_2041 : i32 to vector<16xi32>
    %min3A_2045 = arith.minsi %min3A_2044, %max3A_2043 : vector<16xi32>
    %gather3A_2046 = arith.constant 0 : i32
    %gather3A_2047 = arith.constant 0 : i32
    %gather3A_2048 = tpu.memref_slice %arg10[%gather3A_2046, %gather3A_2047] : memref<2x112xf32, #tpu.memory_space<vmem>> -> memref<1x112xf32, #tpu.memory_space<vmem>>
    %gather3A_2049 = tpu.memref_squeeze %gather3A_2048 : memref<1x112xf32, #tpu.memory_space<vmem>> -> memref<112xf32, #tpu.memory_space<vmem>>
    %gather3A_2050 = tpu.vector_load_idx %gather3A_2049[%min3A_2045] : memref<112xf32, #tpu.memory_space<vmem>>[vector<16xi32>], vector<16xf32>,
    %gt3A_2051 = arith.constant 0 : i32
    %gt3A_2052 = vector.broadcast %gt3A_2051 : i32 to vector<16xi32>
    %gt3A_2053 = arith.cmpi sgt, %min3A_2025, %gt3A_2052 : vector<16xi32>
    %gt3A_2054 = arith.cmpf ogt, %gather3A_2039, %get3A_2001 : vector<16xf32>
    %and3A_2055 = arith.andi %gt3A_2053, %gt3A_2054 : vector<16xi1>
    %lt3A_2056 = arith.constant 99 : i32
    %lt3A_2057 = vector.broadcast %lt3A_2056 : i32 to vector<16xi32>
    %lt3A_2058 = arith.cmpi slt, %min3A_2025, %lt3A_2057 : vector<16xi32>
    %le3A_2059 = arith.cmpf ole, %gather3A_2050, %get3A_2001 : vector<16xf32>
    %and3A_2060 = arith.andi %lt3A_2058, %le3A_2059 : vector<16xi1>
    %sub3A_2061 = arith.constant 1 : i32
    %sub3A_2062 = vector.broadcast %sub3A_2061 : i32 to vector<16xi32>
    %sub3A_2063 = arith.subi %min3A_2025, %sub3A_2062 : vector<16xi32>
    %add3A_2064 = arith.constant 1 : i32
    %add3A_2065 = vector.broadcast %add3A_2064 : i32 to vector<16xi32>
    %add3A_2066 = arith.addi %min3A_2025, %add3A_2065 : vector<16xi32>
    %select_n3A_2067 = arith.select %and3A_2060, %add3A_2066, %min3A_2025 : vector<16xi1>, vector<16xi32>
    %select_n3A_2068 = arith.select %and3A_2055, %sub3A_2063, %select_n3A_2067 : vector<16xi1>, vector<16xi32>
    %sub3A_2069 = arith.constant -1.800000e+02 : f32
    %sub3A_2070 = vector.broadcast %sub3A_2069 : f32 to vector<16xf32>
    %sub3A_2071 = arith.subf %get3A_2003, %sub3A_2070 : vector<16xf32>
    %mul3A_2072 = arith.constant 0.272222221 : f32
    %mul3A_2073 = vector.broadcast %mul3A_2072 : f32 to vector<16xf32>
    %mul3A_2074 = arith.mulf %sub3A_2071, %mul3A_2073 : vector<16xf32>
    %max3A_2075 = arith.constant -1.000000e+00 : f32
    %max3A_2076 = vector.broadcast %max3A_2075 : f32 to vector<16xf32>
    %max3A_2077 = arith.maximumf %mul3A_2074, %max3A_2076 : vector<16xf32>
    %min3A_2078 = arith.constant 1.010000e+02 : f32
    %min3A_2079 = vector.broadcast %min3A_2078 : f32 to vector<16xf32>
    %min3A_2080 = arith.minimumf %max3A_2077, %min3A_2079 : vector<16xf32>
    %convert_element_type3A_2081 = arith.fptosi %min3A_2080 : vector<16xf32> to vector<16xi32>
    %add3A_2082 = arith.constant 1 : i32
    %add3A_2083 = vector.broadcast %add3A_2082 : i32 to vector<16xi32>
    %add3A_2084 = arith.addi %convert_element_type3A_2081, %add3A_2083 : vector<16xi32>
    %jit3A_2085 = arith.constant 0 : i32
    %jit3A_2086 = arith.constant 99 : i32
    %max3A_2087 = vector.broadcast %jit3A_2085 : i32 to vector<16xi32>
    %max3A_2088 = arith.maxsi %max3A_2087, %add3A_2084 : vector<16xi32>
    %min3A_2089 = vector.broadcast %jit3A_2086 : i32 to vector<16xi32>
    %min3A_2090 = arith.minsi %min3A_2089, %max3A_2088 : vector<16xi32>
    %sub3A_2091 = arith.constant 1 : i32
    %sub3A_2092 = vector.broadcast %sub3A_2091 : i32 to vector<16xi32>
    %sub3A_2093 = arith.subi %min3A_2090, %sub3A_2092 : vector<16xi32>
    %jit3A_2094 = arith.constant 0 : i32
    %jit3A_2095 = arith.constant 98 : i32
    %max3A_2096 = vector.broadcast %jit3A_2094 : i32 to vector<16xi32>
    %max3A_2097 = arith.maxsi %max3A_2096, %sub3A_2093 : vector<16xi32>
    %min3A_2098 = vector.broadcast %jit3A_2095 : i32 to vector<16xi32>
    %min3A_2099 = arith.minsi %min3A_2098, %max3A_2097 : vector<16xi32>
    %gather3A_2100 = arith.constant 1 : i32
    %gather3A_2101 = arith.constant 0 : i32
    %gather3A_2102 = tpu.memref_slice %arg10[%gather3A_2100, %gather3A_2101] : memref<2x112xf32, #tpu.memory_space<vmem>> -> memref<1x112xf32, #tpu.memory_space<vmem>>
    %gather3A_2103 = tpu.memref_squeeze %gather3A_2102 : memref<1x112xf32, #tpu.memory_space<vmem>> -> memref<112xf32, #tpu.memory_space<vmem>>
    %gather3A_2104 = tpu.vector_load_idx %gather3A_2103[%min3A_2099] : memref<112xf32, #tpu.memory_space<vmem>>[vector<16xi32>], vector<16xf32>,
    %jit3A_2105 = arith.constant 0 : i32
    %jit3A_2106 = arith.constant 98 : i32
    %max3A_2107 = vector.broadcast %jit3A_2105 : i32 to vector<16xi32>
    %max3A_2108 = arith.maxsi %max3A_2107, %min3A_2090 : vector<16xi32>
    %min3A_2109 = vector.broadcast %jit3A_2106 : i32 to vector<16xi32>
    %min3A_2110 = arith.minsi %min3A_2109, %max3A_2108 : vector<16xi32>
    %gather3A_2111 = arith.constant 1 : i32
    %gather3A_2112 = arith.constant 0 : i32
    %gather3A_2113 = tpu.memref_slice %arg10[%gather3A_2111, %gather3A_2112] : memref<2x112xf32, #tpu.memory_space<vmem>> -> memref<1x112xf32, #tpu.memory_space<vmem>>
    %gather3A_2114 = tpu.memref_squeeze %gather3A_2113 : memref<1x112xf32, #tpu.memory_space<vmem>> -> memref<112xf32, #tpu.memory_space<vmem>>
    %gather3A_2115 = tpu.vector_load_idx %gather3A_2114[%min3A_2110] : memref<112xf32, #tpu.memory_space<vmem>>[vector<16xi32>], vector<16xf32>,
    %gt3A_2116 = arith.constant 0 : i32
    %gt3A_2117 = vector.broadcast %gt3A_2116 : i32 to vector<16xi32>
    %gt3A_2118 = arith.cmpi sgt, %min3A_2090, %gt3A_2117 : vector<16xi32>
    %gt3A_2119 = arith.cmpf ogt, %gather3A_2104, %get3A_2003 : vector<16xf32>
    %and3A_2120 = arith.andi %gt3A_2118, %gt3A_2119 : vector<16xi1>
    %lt3A_2121 = arith.constant 99 : i32
    %lt3A_2122 = vector.broadcast %lt3A_2121 : i32 to vector<16xi32>
    %lt3A_2123 = arith.cmpi slt, %min3A_2090, %lt3A_2122 : vector<16xi32>
    %le3A_2124 = arith.cmpf ole, %gather3A_2115, %get3A_2003 : vector<16xf32>
    %and3A_2125 = arith.andi %lt3A_2123, %le3A_2124 : vector<16xi1>
    %sub3A_2126 = arith.constant 1 : i32
    %sub3A_2127 = vector.broadcast %sub3A_2126 : i32 to vector<16xi32>
    %sub3A_2128 = arith.subi %min3A_2090, %sub3A_2127 : vector<16xi32>
    %add3A_2129 = arith.constant 1 : i32
    %add3A_2130 = vector.broadcast %add3A_2129 : i32 to vector<16xi32>
    %add3A_2131 = arith.addi %min3A_2090, %add3A_2130 : vector<16xi32>
    %select_n3A_2132 = arith.select %and3A_2125, %add3A_2131, %min3A_2090 : vector<16xi1>, vector<16xi32>
    %select_n3A_2133 = arith.select %and3A_2120, %sub3A_2128, %select_n3A_2132 : vector<16xi1>, vector<16xi32>
    %add3A_2134 = arith.constant 100 : i32
    %add3A_2135 = vector.broadcast %add3A_2134 : i32 to vector<16xi32>
    %add3A_2136 = arith.addi %select_n3A_2133, %add3A_2135 : vector<16xi32>
    %add3A_2137 = arith.constant 32 : i32
    %add3A_2138 = vector.broadcast %add3A_2137 : i32 to vector<16xi32>
    %add3A_2139 = arith.addi %add3A_2138, %mul3A_13 : vector<16xi32>
    %scatter3A_2140 = arith.constant 3 : i32
    %scatter3A_2141 = arith.constant 0 : i32
    %scatter3A_2142 = tpu.memref_slice %arg11[%scatter3A_2140, %scatter3A_2141] : memref<8x128xi32, #tpu.memory_space<vmem>> -> memref<1x128xi32, #tpu.memory_space<vmem>>
    %scatter3A_2143 = tpu.memref_squeeze %scatter3A_2142 : memref<1x128xi32, #tpu.memory_space<vmem>> -> memref<128xi32, #tpu.memory_space<vmem>>
    tpu.vector_store_idx %scatter3A_2143[%add3A_2139], %select_n3A_2068 : memref<128xi32, #tpu.memory_space<vmem>>[vector<16xi32>], vector<16xi32>,
    %add3A_2144 = arith.constant 1 : i32
    %add3A_2145 = vector.broadcast %add3A_2144 : i32 to vector<16xi32>
    %add3A_2146 = arith.addi %add3A_2139, %add3A_2145 : vector<16xi32>
    %scatter3A_2147 = arith.constant 3 : i32
    %scatter3A_2148 = arith.constant 0 : i32
    %scatter3A_2149 = tpu.memref_slice %arg11[%scatter3A_2147, %scatter3A_2148] : memref<8x128xi32, #tpu.memory_space<vmem>> -> memref<1x128xi32, #tpu.memory_space<vmem>>
    %scatter3A_2150 = tpu.memref_squeeze %scatter3A_2149 : memref<1x128xi32, #tpu.memory_space<vmem>> -> memref<128xi32, #tpu.memory_space<vmem>>
    tpu.vector_store_idx %scatter3A_2150[%add3A_2146], %add3A_2136 : memref<128xi32, #tpu.memory_space<vmem>>[vector<16xi32>], vector<16xi32>,
    %get3A_2151 = arith.constant 224 : index
    %get3A_2152 = tpu.vector_load %arg8[%get3A_2151] {strides = array<i32>} : memref<512xf32, #tpu.memory_space<vmem>>, vector<16xf32>,
    %get3A_2153 = arith.constant 224 : index
    %get3A_2154 = tpu.vector_load %arg9[%get3A_2153] {strides = array<i32>} : memref<512xf32, #tpu.memory_space<vmem>>, vector<16xf32>,
    %sub3A_2155 = arith.constant -9.000000e+01 : f32
    %sub3A_2156 = vector.broadcast %sub3A_2155 : f32 to vector<16xf32>
    %sub3A_2157 = arith.subf %get3A_2152, %sub3A_2156 : vector<16xf32>
    %mul3A_2158 = arith.constant 0.544444442 : f32
    %mul3A_2159 = vector.broadcast %mul3A_2158 : f32 to vector<16xf32>
    %mul3A_2160 = arith.mulf %sub3A_2157, %mul3A_2159 : vector<16xf32>
    %max3A_2161 = arith.constant -1.000000e+00 : f32
    %max3A_2162 = vector.broadcast %max3A_2161 : f32 to vector<16xf32>
    %max3A_2163 = arith.maximumf %mul3A_2160, %max3A_2162 : vector<16xf32>
    %min3A_2164 = arith.constant 1.010000e+02 : f32
    %min3A_2165 = vector.broadcast %min3A_2164 : f32 to vector<16xf32>
    %min3A_2166 = arith.minimumf %max3A_2163, %min3A_2165 : vector<16xf32>
    %convert_element_type3A_2167 = arith.fptosi %min3A_2166 : vector<16xf32> to vector<16xi32>
    %add3A_2168 = arith.constant 1 : i32
    %add3A_2169 = vector.broadcast %add3A_2168 : i32 to vector<16xi32>
    %add3A_2170 = arith.addi %convert_element_type3A_2167, %add3A_2169 : vector<16xi32>
    %jit3A_2171 = arith.constant 0 : i32
    %jit3A_2172 = arith.constant 99 : i32
    %max3A_2173 = vector.broadcast %jit3A_2171 : i32 to vector<16xi32>
    %max3A_2174 = arith.maxsi %max3A_2173, %add3A_2170 : vector<16xi32>
    %min3A_2175 = vector.broadcast %jit3A_2172 : i32 to vector<16xi32>
    %min3A_2176 = arith.minsi %min3A_2175, %max3A_2174 : vector<16xi32>
    %sub3A_2177 = arith.constant 1 : i32
    %sub3A_2178 = vector.broadcast %sub3A_2177 : i32 to vector<16xi32>
    %sub3A_2179 = arith.subi %min3A_2176, %sub3A_2178 : vector<16xi32>
    %jit3A_2180 = arith.constant 0 : i32
    %jit3A_2181 = arith.constant 98 : i32
    %max3A_2182 = vector.broadcast %jit3A_2180 : i32 to vector<16xi32>
    %max3A_2183 = arith.maxsi %max3A_2182, %sub3A_2179 : vector<16xi32>
    %min3A_2184 = vector.broadcast %jit3A_2181 : i32 to vector<16xi32>
    %min3A_2185 = arith.minsi %min3A_2184, %max3A_2183 : vector<16xi32>
    %gather3A_2186 = arith.constant 0 : i32
    %gather3A_2187 = arith.constant 0 : i32
    %gather3A_2188 = tpu.memref_slice %arg10[%gather3A_2186, %gather3A_2187] : memref<2x112xf32, #tpu.memory_space<vmem>> -> memref<1x112xf32, #tpu.memory_space<vmem>>
    %gather3A_2189 = tpu.memref_squeeze %gather3A_2188 : memref<1x112xf32, #tpu.memory_space<vmem>> -> memref<112xf32, #tpu.memory_space<vmem>>
    %gather3A_2190 = tpu.vector_load_idx %gather3A_2189[%min3A_2185] : memref<112xf32, #tpu.memory_space<vmem>>[vector<16xi32>], vector<16xf32>,
    %jit3A_2191 = arith.constant 0 : i32
    %jit3A_2192 = arith.constant 98 : i32
    %max3A_2193 = vector.broadcast %jit3A_2191 : i32 to vector<16xi32>
    %max3A_2194 = arith.maxsi %max3A_2193, %min3A_2176 : vector<16xi32>
    %min3A_2195 = vector.broadcast %jit3A_2192 : i32 to vector<16xi32>
    %min3A_2196 = arith.minsi %min3A_2195, %max3A_2194 : vector<16xi32>
    %gather3A_2197 = arith.constant 0 : i32
    %gather3A_2198 = arith.constant 0 : i32
    %gather3A_2199 = tpu.memref_slice %arg10[%gather3A_2197, %gather3A_2198] : memref<2x112xf32, #tpu.memory_space<vmem>> -> memref<1x112xf32, #tpu.memory_space<vmem>>
    %gather3A_2200 = tpu.memref_squeeze %gather3A_2199 : memref<1x112xf32, #tpu.memory_space<vmem>> -> memref<112xf32, #tpu.memory_space<vmem>>
    %gather3A_2201 = tpu.vector_load_idx %gather3A_2200[%min3A_2196] : memref<112xf32, #tpu.memory_space<vmem>>[vector<16xi32>], vector<16xf32>,
    %gt3A_2202 = arith.constant 0 : i32
    %gt3A_2203 = vector.broadcast %gt3A_2202 : i32 to vector<16xi32>
    %gt3A_2204 = arith.cmpi sgt, %min3A_2176, %gt3A_2203 : vector<16xi32>
    %gt3A_2205 = arith.cmpf ogt, %gather3A_2190, %get3A_2152 : vector<16xf32>
    %and3A_2206 = arith.andi %gt3A_2204, %gt3A_2205 : vector<16xi1>
    %lt3A_2207 = arith.constant 99 : i32
    %lt3A_2208 = vector.broadcast %lt3A_2207 : i32 to vector<16xi32>
    %lt3A_2209 = arith.cmpi slt, %min3A_2176, %lt3A_2208 : vector<16xi32>
    %le3A_2210 = arith.cmpf ole, %gather3A_2201, %get3A_2152 : vector<16xf32>
    %and3A_2211 = arith.andi %lt3A_2209, %le3A_2210 : vector<16xi1>
    %sub3A_2212 = arith.constant 1 : i32
    %sub3A_2213 = vector.broadcast %sub3A_2212 : i32 to vector<16xi32>
    %sub3A_2214 = arith.subi %min3A_2176, %sub3A_2213 : vector<16xi32>
    %add3A_2215 = arith.constant 1 : i32
    %add3A_2216 = vector.broadcast %add3A_2215 : i32 to vector<16xi32>
    %add3A_2217 = arith.addi %min3A_2176, %add3A_2216 : vector<16xi32>
    %select_n3A_2218 = arith.select %and3A_2211, %add3A_2217, %min3A_2176 : vector<16xi1>, vector<16xi32>
    %select_n3A_2219 = arith.select %and3A_2206, %sub3A_2214, %select_n3A_2218 : vector<16xi1>, vector<16xi32>
    %sub3A_2220 = arith.constant -1.800000e+02 : f32
    %sub3A_2221 = vector.broadcast %sub3A_2220 : f32 to vector<16xf32>
    %sub3A_2222 = arith.subf %get3A_2154, %sub3A_2221 : vector<16xf32>
    %mul3A_2223 = arith.constant 0.272222221 : f32
    %mul3A_2224 = vector.broadcast %mul3A_2223 : f32 to vector<16xf32>
    %mul3A_2225 = arith.mulf %sub3A_2222, %mul3A_2224 : vector<16xf32>
    %max3A_2226 = arith.constant -1.000000e+00 : f32
    %max3A_2227 = vector.broadcast %max3A_2226 : f32 to vector<16xf32>
    %max3A_2228 = arith.maximumf %mul3A_2225, %max3A_2227 : vector<16xf32>
    %min3A_2229 = arith.constant 1.010000e+02 : f32
    %min3A_2230 = vector.broadcast %min3A_2229 : f32 to vector<16xf32>
    %min3A_2231 = arith.minimumf %max3A_2228, %min3A_2230 : vector<16xf32>
    %convert_element_type3A_2232 = arith.fptosi %min3A_2231 : vector<16xf32> to vector<16xi32>
    %add3A_2233 = arith.constant 1 : i32
    %add3A_2234 = vector.broadcast %add3A_2233 : i32 to vector<16xi32>
    %add3A_2235 = arith.addi %convert_element_type3A_2232, %add3A_2234 : vector<16xi32>
    %jit3A_2236 = arith.constant 0 : i32
    %jit3A_2237 = arith.constant 99 : i32
    %max3A_2238 = vector.broadcast %jit3A_2236 : i32 to vector<16xi32>
    %max3A_2239 = arith.maxsi %max3A_2238, %add3A_2235 : vector<16xi32>
    %min3A_2240 = vector.broadcast %jit3A_2237 : i32 to vector<16xi32>
    %min3A_2241 = arith.minsi %min3A_2240, %max3A_2239 : vector<16xi32>
    %sub3A_2242 = arith.constant 1 : i32
    %sub3A_2243 = vector.broadcast %sub3A_2242 : i32 to vector<16xi32>
    %sub3A_2244 = arith.subi %min3A_2241, %sub3A_2243 : vector<16xi32>
    %jit3A_2245 = arith.constant 0 : i32
    %jit3A_2246 = arith.constant 98 : i32
    %max3A_2247 = vector.broadcast %jit3A_2245 : i32 to vector<16xi32>
    %max3A_2248 = arith.maxsi %max3A_2247, %sub3A_2244 : vector<16xi32>
    %min3A_2249 = vector.broadcast %jit3A_2246 : i32 to vector<16xi32>
    %min3A_2250 = arith.minsi %min3A_2249, %max3A_2248 : vector<16xi32>
    %gather3A_2251 = arith.constant 1 : i32
    %gather3A_2252 = arith.constant 0 : i32
    %gather3A_2253 = tpu.memref_slice %arg10[%gather3A_2251, %gather3A_2252] : memref<2x112xf32, #tpu.memory_space<vmem>> -> memref<1x112xf32, #tpu.memory_space<vmem>>
    %gather3A_2254 = tpu.memref_squeeze %gather3A_2253 : memref<1x112xf32, #tpu.memory_space<vmem>> -> memref<112xf32, #tpu.memory_space<vmem>>
    %gather3A_2255 = tpu.vector_load_idx %gather3A_2254[%min3A_2250] : memref<112xf32, #tpu.memory_space<vmem>>[vector<16xi32>], vector<16xf32>,
    %jit3A_2256 = arith.constant 0 : i32
    %jit3A_2257 = arith.constant 98 : i32
    %max3A_2258 = vector.broadcast %jit3A_2256 : i32 to vector<16xi32>
    %max3A_2259 = arith.maxsi %max3A_2258, %min3A_2241 : vector<16xi32>
    %min3A_2260 = vector.broadcast %jit3A_2257 : i32 to vector<16xi32>
    %min3A_2261 = arith.minsi %min3A_2260, %max3A_2259 : vector<16xi32>
    %gather3A_2262 = arith.constant 1 : i32
    %gather3A_2263 = arith.constant 0 : i32
    %gather3A_2264 = tpu.memref_slice %arg10[%gather3A_2262, %gather3A_2263] : memref<2x112xf32, #tpu.memory_space<vmem>> -> memref<1x112xf32, #tpu.memory_space<vmem>>
    %gather3A_2265 = tpu.memref_squeeze %gather3A_2264 : memref<1x112xf32, #tpu.memory_space<vmem>> -> memref<112xf32, #tpu.memory_space<vmem>>
    %gather3A_2266 = tpu.vector_load_idx %gather3A_2265[%min3A_2261] : memref<112xf32, #tpu.memory_space<vmem>>[vector<16xi32>], vector<16xf32>,
    %gt3A_2267 = arith.constant 0 : i32
    %gt3A_2268 = vector.broadcast %gt3A_2267 : i32 to vector<16xi32>
    %gt3A_2269 = arith.cmpi sgt, %min3A_2241, %gt3A_2268 : vector<16xi32>
    %gt3A_2270 = arith.cmpf ogt, %gather3A_2255, %get3A_2154 : vector<16xf32>
    %and3A_2271 = arith.andi %gt3A_2269, %gt3A_2270 : vector<16xi1>
    %lt3A_2272 = arith.constant 99 : i32
    %lt3A_2273 = vector.broadcast %lt3A_2272 : i32 to vector<16xi32>
    %lt3A_2274 = arith.cmpi slt, %min3A_2241, %lt3A_2273 : vector<16xi32>
    %le3A_2275 = arith.cmpf ole, %gather3A_2266, %get3A_2154 : vector<16xf32>
    %and3A_2276 = arith.andi %lt3A_2274, %le3A_2275 : vector<16xi1>
    %sub3A_2277 = arith.constant 1 : i32
    %sub3A_2278 = vector.broadcast %sub3A_2277 : i32 to vector<16xi32>
    %sub3A_2279 = arith.subi %min3A_2241, %sub3A_2278 : vector<16xi32>
    %add3A_2280 = arith.constant 1 : i32
    %add3A_2281 = vector.broadcast %add3A_2280 : i32 to vector<16xi32>
    %add3A_2282 = arith.addi %min3A_2241, %add3A_2281 : vector<16xi32>
    %select_n3A_2283 = arith.select %and3A_2276, %add3A_2282, %min3A_2241 : vector<16xi1>, vector<16xi32>
    %select_n3A_2284 = arith.select %and3A_2271, %sub3A_2279, %select_n3A_2283 : vector<16xi1>, vector<16xi32>
    %add3A_2285 = arith.constant 100 : i32
    %add3A_2286 = vector.broadcast %add3A_2285 : i32 to vector<16xi32>
    %add3A_2287 = arith.addi %select_n3A_2284, %add3A_2286 : vector<16xi32>
    %add3A_2288 = arith.constant 64 : i32
    %add3A_2289 = vector.broadcast %add3A_2288 : i32 to vector<16xi32>
    %add3A_2290 = arith.addi %add3A_2289, %mul3A_13 : vector<16xi32>
    %scatter3A_2291 = arith.constant 3 : i32
    %scatter3A_2292 = arith.constant 0 : i32
    %scatter3A_2293 = tpu.memref_slice %arg11[%scatter3A_2291, %scatter3A_2292] : memref<8x128xi32, #tpu.memory_space<vmem>> -> memref<1x128xi32, #tpu.memory_space<vmem>>
    %scatter3A_2294 = tpu.memref_squeeze %scatter3A_2293 : memref<1x128xi32, #tpu.memory_space<vmem>> -> memref<128xi32, #tpu.memory_space<vmem>>
    tpu.vector_store_idx %scatter3A_2294[%add3A_2290], %select_n3A_2219 : memref<128xi32, #tpu.memory_space<vmem>>[vector<16xi32>], vector<16xi32>,
    %add3A_2295 = arith.constant 1 : i32
    %add3A_2296 = vector.broadcast %add3A_2295 : i32 to vector<16xi32>
    %add3A_2297 = arith.addi %add3A_2290, %add3A_2296 : vector<16xi32>
    %scatter3A_2298 = arith.constant 3 : i32
    %scatter3A_2299 = arith.constant 0 : i32
    %scatter3A_2300 = tpu.memref_slice %arg11[%scatter3A_2298, %scatter3A_2299] : memref<8x128xi32, #tpu.memory_space<vmem>> -> memref<1x128xi32, #tpu.memory_space<vmem>>
    %scatter3A_2301 = tpu.memref_squeeze %scatter3A_2300 : memref<1x128xi32, #tpu.memory_space<vmem>> -> memref<128xi32, #tpu.memory_space<vmem>>
    tpu.vector_store_idx %scatter3A_2301[%add3A_2297], %add3A_2287 : memref<128xi32, #tpu.memory_space<vmem>>[vector<16xi32>], vector<16xi32>,
    %get3A_2302 = arith.constant 240 : index
    %get3A_2303 = tpu.vector_load %arg8[%get3A_2302] {strides = array<i32>} : memref<512xf32, #tpu.memory_space<vmem>>, vector<16xf32>,
    %get3A_2304 = arith.constant 240 : index
    %get3A_2305 = tpu.vector_load %arg9[%get3A_2304] {strides = array<i32>} : memref<512xf32, #tpu.memory_space<vmem>>, vector<16xf32>,
    %sub3A_2306 = arith.constant -9.000000e+01 : f32
    %sub3A_2307 = vector.broadcast %sub3A_2306 : f32 to vector<16xf32>
    %sub3A_2308 = arith.subf %get3A_2303, %sub3A_2307 : vector<16xf32>
    %mul3A_2309 = arith.constant 0.544444442 : f32
    %mul3A_2310 = vector.broadcast %mul3A_2309 : f32 to vector<16xf32>
    %mul3A_2311 = arith.mulf %sub3A_2308, %mul3A_2310 : vector<16xf32>
    %max3A_2312 = arith.constant -1.000000e+00 : f32
    %max3A_2313 = vector.broadcast %max3A_2312 : f32 to vector<16xf32>
    %max3A_2314 = arith.maximumf %mul3A_2311, %max3A_2313 : vector<16xf32>
    %min3A_2315 = arith.constant 1.010000e+02 : f32
    %min3A_2316 = vector.broadcast %min3A_2315 : f32 to vector<16xf32>
    %min3A_2317 = arith.minimumf %max3A_2314, %min3A_2316 : vector<16xf32>
    %convert_element_type3A_2318 = arith.fptosi %min3A_2317 : vector<16xf32> to vector<16xi32>
    %add3A_2319 = arith.constant 1 : i32
    %add3A_2320 = vector.broadcast %add3A_2319 : i32 to vector<16xi32>
    %add3A_2321 = arith.addi %convert_element_type3A_2318, %add3A_2320 : vector<16xi32>
    %jit3A_2322 = arith.constant 0 : i32
    %jit3A_2323 = arith.constant 99 : i32
    %max3A_2324 = vector.broadcast %jit3A_2322 : i32 to vector<16xi32>
    %max3A_2325 = arith.maxsi %max3A_2324, %add3A_2321 : vector<16xi32>
    %min3A_2326 = vector.broadcast %jit3A_2323 : i32 to vector<16xi32>
    %min3A_2327 = arith.minsi %min3A_2326, %max3A_2325 : vector<16xi32>
    %sub3A_2328 = arith.constant 1 : i32
    %sub3A_2329 = vector.broadcast %sub3A_2328 : i32 to vector<16xi32>
    %sub3A_2330 = arith.subi %min3A_2327, %sub3A_2329 : vector<16xi32>
    %jit3A_2331 = arith.constant 0 : i32
    %jit3A_2332 = arith.constant 98 : i32
    %max3A_2333 = vector.broadcast %jit3A_2331 : i32 to vector<16xi32>
    %max3A_2334 = arith.maxsi %max3A_2333, %sub3A_2330 : vector<16xi32>
    %min3A_2335 = vector.broadcast %jit3A_2332 : i32 to vector<16xi32>
    %min3A_2336 = arith.minsi %min3A_2335, %max3A_2334 : vector<16xi32>
    %gather3A_2337 = arith.constant 0 : i32
    %gather3A_2338 = arith.constant 0 : i32
    %gather3A_2339 = tpu.memref_slice %arg10[%gather3A_2337, %gather3A_2338] : memref<2x112xf32, #tpu.memory_space<vmem>> -> memref<1x112xf32, #tpu.memory_space<vmem>>
    %gather3A_2340 = tpu.memref_squeeze %gather3A_2339 : memref<1x112xf32, #tpu.memory_space<vmem>> -> memref<112xf32, #tpu.memory_space<vmem>>
    %gather3A_2341 = tpu.vector_load_idx %gather3A_2340[%min3A_2336] : memref<112xf32, #tpu.memory_space<vmem>>[vector<16xi32>], vector<16xf32>,
    %jit3A_2342 = arith.constant 0 : i32
    %jit3A_2343 = arith.constant 98 : i32
    %max3A_2344 = vector.broadcast %jit3A_2342 : i32 to vector<16xi32>
    %max3A_2345 = arith.maxsi %max3A_2344, %min3A_2327 : vector<16xi32>
    %min3A_2346 = vector.broadcast %jit3A_2343 : i32 to vector<16xi32>
    %min3A_2347 = arith.minsi %min3A_2346, %max3A_2345 : vector<16xi32>
    %gather3A_2348 = arith.constant 0 : i32
    %gather3A_2349 = arith.constant 0 : i32
    %gather3A_2350 = tpu.memref_slice %arg10[%gather3A_2348, %gather3A_2349] : memref<2x112xf32, #tpu.memory_space<vmem>> -> memref<1x112xf32, #tpu.memory_space<vmem>>
    %gather3A_2351 = tpu.memref_squeeze %gather3A_2350 : memref<1x112xf32, #tpu.memory_space<vmem>> -> memref<112xf32, #tpu.memory_space<vmem>>
    %gather3A_2352 = tpu.vector_load_idx %gather3A_2351[%min3A_2347] : memref<112xf32, #tpu.memory_space<vmem>>[vector<16xi32>], vector<16xf32>,
    %gt3A_2353 = arith.constant 0 : i32
    %gt3A_2354 = vector.broadcast %gt3A_2353 : i32 to vector<16xi32>
    %gt3A_2355 = arith.cmpi sgt, %min3A_2327, %gt3A_2354 : vector<16xi32>
    %gt3A_2356 = arith.cmpf ogt, %gather3A_2341, %get3A_2303 : vector<16xf32>
    %and3A_2357 = arith.andi %gt3A_2355, %gt3A_2356 : vector<16xi1>
    %lt3A_2358 = arith.constant 99 : i32
    %lt3A_2359 = vector.broadcast %lt3A_2358 : i32 to vector<16xi32>
    %lt3A_2360 = arith.cmpi slt, %min3A_2327, %lt3A_2359 : vector<16xi32>
    %le3A_2361 = arith.cmpf ole, %gather3A_2352, %get3A_2303 : vector<16xf32>
    %and3A_2362 = arith.andi %lt3A_2360, %le3A_2361 : vector<16xi1>
    %sub3A_2363 = arith.constant 1 : i32
    %sub3A_2364 = vector.broadcast %sub3A_2363 : i32 to vector<16xi32>
    %sub3A_2365 = arith.subi %min3A_2327, %sub3A_2364 : vector<16xi32>
    %add3A_2366 = arith.constant 1 : i32
    %add3A_2367 = vector.broadcast %add3A_2366 : i32 to vector<16xi32>
    %add3A_2368 = arith.addi %min3A_2327, %add3A_2367 : vector<16xi32>
    %select_n3A_2369 = arith.select %and3A_2362, %add3A_2368, %min3A_2327 : vector<16xi1>, vector<16xi32>
    %select_n3A_2370 = arith.select %and3A_2357, %sub3A_2365, %select_n3A_2369 : vector<16xi1>, vector<16xi32>
    %sub3A_2371 = arith.constant -1.800000e+02 : f32
    %sub3A_2372 = vector.broadcast %sub3A_2371 : f32 to vector<16xf32>
    %sub3A_2373 = arith.subf %get3A_2305, %sub3A_2372 : vector<16xf32>
    %mul3A_2374 = arith.constant 0.272222221 : f32
    %mul3A_2375 = vector.broadcast %mul3A_2374 : f32 to vector<16xf32>
    %mul3A_2376 = arith.mulf %sub3A_2373, %mul3A_2375 : vector<16xf32>
    %max3A_2377 = arith.constant -1.000000e+00 : f32
    %max3A_2378 = vector.broadcast %max3A_2377 : f32 to vector<16xf32>
    %max3A_2379 = arith.maximumf %mul3A_2376, %max3A_2378 : vector<16xf32>
    %min3A_2380 = arith.constant 1.010000e+02 : f32
    %min3A_2381 = vector.broadcast %min3A_2380 : f32 to vector<16xf32>
    %min3A_2382 = arith.minimumf %max3A_2379, %min3A_2381 : vector<16xf32>
    %convert_element_type3A_2383 = arith.fptosi %min3A_2382 : vector<16xf32> to vector<16xi32>
    %add3A_2384 = arith.constant 1 : i32
    %add3A_2385 = vector.broadcast %add3A_2384 : i32 to vector<16xi32>
    %add3A_2386 = arith.addi %convert_element_type3A_2383, %add3A_2385 : vector<16xi32>
    %jit3A_2387 = arith.constant 0 : i32
    %jit3A_2388 = arith.constant 99 : i32
    %max3A_2389 = vector.broadcast %jit3A_2387 : i32 to vector<16xi32>
    %max3A_2390 = arith.maxsi %max3A_2389, %add3A_2386 : vector<16xi32>
    %min3A_2391 = vector.broadcast %jit3A_2388 : i32 to vector<16xi32>
    %min3A_2392 = arith.minsi %min3A_2391, %max3A_2390 : vector<16xi32>
    %sub3A_2393 = arith.constant 1 : i32
    %sub3A_2394 = vector.broadcast %sub3A_2393 : i32 to vector<16xi32>
    %sub3A_2395 = arith.subi %min3A_2392, %sub3A_2394 : vector<16xi32>
    %jit3A_2396 = arith.constant 0 : i32
    %jit3A_2397 = arith.constant 98 : i32
    %max3A_2398 = vector.broadcast %jit3A_2396 : i32 to vector<16xi32>
    %max3A_2399 = arith.maxsi %max3A_2398, %sub3A_2395 : vector<16xi32>
    %min3A_2400 = vector.broadcast %jit3A_2397 : i32 to vector<16xi32>
    %min3A_2401 = arith.minsi %min3A_2400, %max3A_2399 : vector<16xi32>
    %gather3A_2402 = arith.constant 1 : i32
    %gather3A_2403 = arith.constant 0 : i32
    %gather3A_2404 = tpu.memref_slice %arg10[%gather3A_2402, %gather3A_2403] : memref<2x112xf32, #tpu.memory_space<vmem>> -> memref<1x112xf32, #tpu.memory_space<vmem>>
    %gather3A_2405 = tpu.memref_squeeze %gather3A_2404 : memref<1x112xf32, #tpu.memory_space<vmem>> -> memref<112xf32, #tpu.memory_space<vmem>>
    %gather3A_2406 = tpu.vector_load_idx %gather3A_2405[%min3A_2401] : memref<112xf32, #tpu.memory_space<vmem>>[vector<16xi32>], vector<16xf32>,
    %jit3A_2407 = arith.constant 0 : i32
    %jit3A_2408 = arith.constant 98 : i32
    %max3A_2409 = vector.broadcast %jit3A_2407 : i32 to vector<16xi32>
    %max3A_2410 = arith.maxsi %max3A_2409, %min3A_2392 : vector<16xi32>
    %min3A_2411 = vector.broadcast %jit3A_2408 : i32 to vector<16xi32>
    %min3A_2412 = arith.minsi %min3A_2411, %max3A_2410 : vector<16xi32>
    %gather3A_2413 = arith.constant 1 : i32
    %gather3A_2414 = arith.constant 0 : i32
    %gather3A_2415 = tpu.memref_slice %arg10[%gather3A_2413, %gather3A_2414] : memref<2x112xf32, #tpu.memory_space<vmem>> -> memref<1x112xf32, #tpu.memory_space<vmem>>
    %gather3A_2416 = tpu.memref_squeeze %gather3A_2415 : memref<1x112xf32, #tpu.memory_space<vmem>> -> memref<112xf32, #tpu.memory_space<vmem>>
    %gather3A_2417 = tpu.vector_load_idx %gather3A_2416[%min3A_2412] : memref<112xf32, #tpu.memory_space<vmem>>[vector<16xi32>], vector<16xf32>,
    %gt3A_2418 = arith.constant 0 : i32
    %gt3A_2419 = vector.broadcast %gt3A_2418 : i32 to vector<16xi32>
    %gt3A_2420 = arith.cmpi sgt, %min3A_2392, %gt3A_2419 : vector<16xi32>
    %gt3A_2421 = arith.cmpf ogt, %gather3A_2406, %get3A_2305 : vector<16xf32>
    %and3A_2422 = arith.andi %gt3A_2420, %gt3A_2421 : vector<16xi1>
    %lt3A_2423 = arith.constant 99 : i32
    %lt3A_2424 = vector.broadcast %lt3A_2423 : i32 to vector<16xi32>
    %lt3A_2425 = arith.cmpi slt, %min3A_2392, %lt3A_2424 : vector<16xi32>
    %le3A_2426 = arith.cmpf ole, %gather3A_2417, %get3A_2305 : vector<16xf32>
    %and3A_2427 = arith.andi %lt3A_2425, %le3A_2426 : vector<16xi1>
    %sub3A_2428 = arith.constant 1 : i32
    %sub3A_2429 = vector.broadcast %sub3A_2428 : i32 to vector<16xi32>
    %sub3A_2430 = arith.subi %min3A_2392, %sub3A_2429 : vector<16xi32>
    %add3A_2431 = arith.constant 1 : i32
    %add3A_2432 = vector.broadcast %add3A_2431 : i32 to vector<16xi32>
    %add3A_2433 = arith.addi %min3A_2392, %add3A_2432 : vector<16xi32>
    %select_n3A_2434 = arith.select %and3A_2427, %add3A_2433, %min3A_2392 : vector<16xi1>, vector<16xi32>
    %select_n3A_2435 = arith.select %and3A_2422, %sub3A_2430, %select_n3A_2434 : vector<16xi1>, vector<16xi32>
    %add3A_2436 = arith.constant 100 : i32
    %add3A_2437 = vector.broadcast %add3A_2436 : i32 to vector<16xi32>
    %add3A_2438 = arith.addi %select_n3A_2435, %add3A_2437 : vector<16xi32>
    %add3A_2439 = arith.constant 96 : i32
    %add3A_2440 = vector.broadcast %add3A_2439 : i32 to vector<16xi32>
    %add3A_2441 = arith.addi %add3A_2440, %mul3A_13 : vector<16xi32>
    %scatter3A_2442 = arith.constant 3 : i32
    %scatter3A_2443 = arith.constant 0 : i32
    %scatter3A_2444 = tpu.memref_slice %arg11[%scatter3A_2442, %scatter3A_2443] : memref<8x128xi32, #tpu.memory_space<vmem>> -> memref<1x128xi32, #tpu.memory_space<vmem>>
    %scatter3A_2445 = tpu.memref_squeeze %scatter3A_2444 : memref<1x128xi32, #tpu.memory_space<vmem>> -> memref<128xi32, #tpu.memory_space<vmem>>
    tpu.vector_store_idx %scatter3A_2445[%add3A_2441], %select_n3A_2370 : memref<128xi32, #tpu.memory_space<vmem>>[vector<16xi32>], vector<16xi32>,
    %add3A_2446 = arith.constant 1 : i32
    %add3A_2447 = vector.broadcast %add3A_2446 : i32 to vector<16xi32>
    %add3A_2448 = arith.addi %add3A_2441, %add3A_2447 : vector<16xi32>
    %scatter3A_2449 = arith.constant 3 : i32
    %scatter3A_2450 = arith.constant 0 : i32
    %scatter3A_2451 = tpu.memref_slice %arg11[%scatter3A_2449, %scatter3A_2450] : memref<8x128xi32, #tpu.memory_space<vmem>> -> memref<1x128xi32, #tpu.memory_space<vmem>>
    %scatter3A_2452 = tpu.memref_squeeze %scatter3A_2451 : memref<1x128xi32, #tpu.memory_space<vmem>> -> memref<128xi32, #tpu.memory_space<vmem>>
    tpu.vector_store_idx %scatter3A_2452[%add3A_2448], %add3A_2438 : memref<128xi32, #tpu.memory_space<vmem>>[vector<16xi32>], vector<16xi32>,
    %dma_start3A_2453 = arith.constant 3 : i32
    %dma_start3A_2454 = arith.constant 384 : i32
    %dma_start3A_2455 = arith.constant 0 : i32
    %dma_start3A_2456 = tpu.memref_slice %arg12[%dma_start3A_2454, %dma_start3A_2455] : memref<1024x64xf32, #tpu.memory_space<vmem>> -> memref<128x64xf32, #tpu.memory_space<vmem>>
    %dma_start3A_2457 = arith.constant 0 : i32
    %dma_start3A_2458 = tpu.memref_slice %arg11[%dma_start3A_2453, %dma_start3A_2457] : memref<8x128xi32, #tpu.memory_space<vmem>> -> memref<1x128xi32, #tpu.memory_space<vmem>>
    %dma_start3A_2459 = tpu.memref_squeeze %dma_start3A_2458 : memref<1x128xi32, #tpu.memory_space<vmem>> -> memref<128xi32, #tpu.memory_space<vmem>>
    %dma_start3A_2460 = arith.constant 0 : i32
    %dma_start3A_2461 = arith.constant 0 : i32
    %dma_start3A_2462 = tpu.memref_slice %arg13[%dma_start3A_2460, %dma_start3A_2461] : memref<200x64xf32, #tpu.memory_space<vmem_shared>> -> memref<200x64xf32, #tpu.memory_space<vmem_shared>>
    tpu.enqueue_indirect_dma source(%dma_start3A_2462 : memref<200x64xf32, #tpu.memory_space<vmem_shared>>) target(%dma_start3A_2456 : memref<128x64xf32, #tpu.memory_space<vmem>>) offsets(%dma_start3A_2459 : memref<128xi32, #tpu.memory_space<vmem>>) semaphore(%arg17 : memref<!tpu.dma_semaphore, #tpu.memory_space<semaphore_mem>>)
    %get3A_2463 = arith.constant 256 : index
    %get3A_2464 = tpu.vector_load %arg8[%get3A_2463] {strides = array<i32>} : memref<512xf32, #tpu.memory_space<vmem>>, vector<16xf32>,
    %get3A_2465 = arith.constant 256 : index
    %get3A_2466 = tpu.vector_load %arg9[%get3A_2465] {strides = array<i32>} : memref<512xf32, #tpu.memory_space<vmem>>, vector<16xf32>,
    %sub3A_2467 = arith.constant -9.000000e+01 : f32
    %sub3A_2468 = vector.broadcast %sub3A_2467 : f32 to vector<16xf32>
    %sub3A_2469 = arith.subf %get3A_2464, %sub3A_2468 : vector<16xf32>
    %mul3A_2470 = arith.constant 0.544444442 : f32
    %mul3A_2471 = vector.broadcast %mul3A_2470 : f32 to vector<16xf32>
    %mul3A_2472 = arith.mulf %sub3A_2469, %mul3A_2471 : vector<16xf32>
    %max3A_2473 = arith.constant -1.000000e+00 : f32
    %max3A_2474 = vector.broadcast %max3A_2473 : f32 to vector<16xf32>
    %max3A_2475 = arith.maximumf %mul3A_2472, %max3A_2474 : vector<16xf32>
    %min3A_2476 = arith.constant 1.010000e+02 : f32
    %min3A_2477 = vector.broadcast %min3A_2476 : f32 to vector<16xf32>
    %min3A_2478 = arith.minimumf %max3A_2475, %min3A_2477 : vector<16xf32>
    %convert_element_type3A_2479 = arith.fptosi %min3A_2478 : vector<16xf32> to vector<16xi32>
    %add3A_2480 = arith.constant 1 : i32
    %add3A_2481 = vector.broadcast %add3A_2480 : i32 to vector<16xi32>
    %add3A_2482 = arith.addi %convert_element_type3A_2479, %add3A_2481 : vector<16xi32>
    %jit3A_2483 = arith.constant 0 : i32
    %jit3A_2484 = arith.constant 99 : i32
    %max3A_2485 = vector.broadcast %jit3A_2483 : i32 to vector<16xi32>
    %max3A_2486 = arith.maxsi %max3A_2485, %add3A_2482 : vector<16xi32>
    %min3A_2487 = vector.broadcast %jit3A_2484 : i32 to vector<16xi32>
    %min3A_2488 = arith.minsi %min3A_2487, %max3A_2486 : vector<16xi32>
    %sub3A_2489 = arith.constant 1 : i32
    %sub3A_2490 = vector.broadcast %sub3A_2489 : i32 to vector<16xi32>
    %sub3A_2491 = arith.subi %min3A_2488, %sub3A_2490 : vector<16xi32>
    %jit3A_2492 = arith.constant 0 : i32
    %jit3A_2493 = arith.constant 98 : i32
    %max3A_2494 = vector.broadcast %jit3A_2492 : i32 to vector<16xi32>
    %max3A_2495 = arith.maxsi %max3A_2494, %sub3A_2491 : vector<16xi32>
    %min3A_2496 = vector.broadcast %jit3A_2493 : i32 to vector<16xi32>
    %min3A_2497 = arith.minsi %min3A_2496, %max3A_2495 : vector<16xi32>
    %gather3A_2498 = arith.constant 0 : i32
    %gather3A_2499 = arith.constant 0 : i32
    %gather3A_2500 = tpu.memref_slice %arg10[%gather3A_2498, %gather3A_2499] : memref<2x112xf32, #tpu.memory_space<vmem>> -> memref<1x112xf32, #tpu.memory_space<vmem>>
    %gather3A_2501 = tpu.memref_squeeze %gather3A_2500 : memref<1x112xf32, #tpu.memory_space<vmem>> -> memref<112xf32, #tpu.memory_space<vmem>>
    %gather3A_2502 = tpu.vector_load_idx %gather3A_2501[%min3A_2497] : memref<112xf32, #tpu.memory_space<vmem>>[vector<16xi32>], vector<16xf32>,
    %jit3A_2503 = arith.constant 0 : i32
    %jit3A_2504 = arith.constant 98 : i32
    %max3A_2505 = vector.broadcast %jit3A_2503 : i32 to vector<16xi32>
    %max3A_2506 = arith.maxsi %max3A_2505, %min3A_2488 : vector<16xi32>
    %min3A_2507 = vector.broadcast %jit3A_2504 : i32 to vector<16xi32>
    %min3A_2508 = arith.minsi %min3A_2507, %max3A_2506 : vector<16xi32>
    %gather3A_2509 = arith.constant 0 : i32
    %gather3A_2510 = arith.constant 0 : i32
    %gather3A_2511 = tpu.memref_slice %arg10[%gather3A_2509, %gather3A_2510] : memref<2x112xf32, #tpu.memory_space<vmem>> -> memref<1x112xf32, #tpu.memory_space<vmem>>
    %gather3A_2512 = tpu.memref_squeeze %gather3A_2511 : memref<1x112xf32, #tpu.memory_space<vmem>> -> memref<112xf32, #tpu.memory_space<vmem>>
    %gather3A_2513 = tpu.vector_load_idx %gather3A_2512[%min3A_2508] : memref<112xf32, #tpu.memory_space<vmem>>[vector<16xi32>], vector<16xf32>,
    %gt3A_2514 = arith.constant 0 : i32
    %gt3A_2515 = vector.broadcast %gt3A_2514 : i32 to vector<16xi32>
    %gt3A_2516 = arith.cmpi sgt, %min3A_2488, %gt3A_2515 : vector<16xi32>
    %gt3A_2517 = arith.cmpf ogt, %gather3A_2502, %get3A_2464 : vector<16xf32>
    %and3A_2518 = arith.andi %gt3A_2516, %gt3A_2517 : vector<16xi1>
    %lt3A_2519 = arith.constant 99 : i32
    %lt3A_2520 = vector.broadcast %lt3A_2519 : i32 to vector<16xi32>
    %lt3A_2521 = arith.cmpi slt, %min3A_2488, %lt3A_2520 : vector<16xi32>
    %le3A_2522 = arith.cmpf ole, %gather3A_2513, %get3A_2464 : vector<16xf32>
    %and3A_2523 = arith.andi %lt3A_2521, %le3A_2522 : vector<16xi1>
    %sub3A_2524 = arith.constant 1 : i32
    %sub3A_2525 = vector.broadcast %sub3A_2524 : i32 to vector<16xi32>
    %sub3A_2526 = arith.subi %min3A_2488, %sub3A_2525 : vector<16xi32>
    %add3A_2527 = arith.constant 1 : i32
    %add3A_2528 = vector.broadcast %add3A_2527 : i32 to vector<16xi32>
    %add3A_2529 = arith.addi %min3A_2488, %add3A_2528 : vector<16xi32>
    %select_n3A_2530 = arith.select %and3A_2523, %add3A_2529, %min3A_2488 : vector<16xi1>, vector<16xi32>
    %select_n3A_2531 = arith.select %and3A_2518, %sub3A_2526, %select_n3A_2530 : vector<16xi1>, vector<16xi32>
    %sub3A_2532 = arith.constant -1.800000e+02 : f32
    %sub3A_2533 = vector.broadcast %sub3A_2532 : f32 to vector<16xf32>
    %sub3A_2534 = arith.subf %get3A_2466, %sub3A_2533 : vector<16xf32>
    %mul3A_2535 = arith.constant 0.272222221 : f32
    %mul3A_2536 = vector.broadcast %mul3A_2535 : f32 to vector<16xf32>
    %mul3A_2537 = arith.mulf %sub3A_2534, %mul3A_2536 : vector<16xf32>
    %max3A_2538 = arith.constant -1.000000e+00 : f32
    %max3A_2539 = vector.broadcast %max3A_2538 : f32 to vector<16xf32>
    %max3A_2540 = arith.maximumf %mul3A_2537, %max3A_2539 : vector<16xf32>
    %min3A_2541 = arith.constant 1.010000e+02 : f32
    %min3A_2542 = vector.broadcast %min3A_2541 : f32 to vector<16xf32>
    %min3A_2543 = arith.minimumf %max3A_2540, %min3A_2542 : vector<16xf32>
    %convert_element_type3A_2544 = arith.fptosi %min3A_2543 : vector<16xf32> to vector<16xi32>
    %add3A_2545 = arith.constant 1 : i32
    %add3A_2546 = vector.broadcast %add3A_2545 : i32 to vector<16xi32>
    %add3A_2547 = arith.addi %convert_element_type3A_2544, %add3A_2546 : vector<16xi32>
    %jit3A_2548 = arith.constant 0 : i32
    %jit3A_2549 = arith.constant 99 : i32
    %max3A_2550 = vector.broadcast %jit3A_2548 : i32 to vector<16xi32>
    %max3A_2551 = arith.maxsi %max3A_2550, %add3A_2547 : vector<16xi32>
    %min3A_2552 = vector.broadcast %jit3A_2549 : i32 to vector<16xi32>
    %min3A_2553 = arith.minsi %min3A_2552, %max3A_2551 : vector<16xi32>
    %sub3A_2554 = arith.constant 1 : i32
    %sub3A_2555 = vector.broadcast %sub3A_2554 : i32 to vector<16xi32>
    %sub3A_2556 = arith.subi %min3A_2553, %sub3A_2555 : vector<16xi32>
    %jit3A_2557 = arith.constant 0 : i32
    %jit3A_2558 = arith.constant 98 : i32
    %max3A_2559 = vector.broadcast %jit3A_2557 : i32 to vector<16xi32>
    %max3A_2560 = arith.maxsi %max3A_2559, %sub3A_2556 : vector<16xi32>
    %min3A_2561 = vector.broadcast %jit3A_2558 : i32 to vector<16xi32>
    %min3A_2562 = arith.minsi %min3A_2561, %max3A_2560 : vector<16xi32>
    %gather3A_2563 = arith.constant 1 : i32
    %gather3A_2564 = arith.constant 0 : i32
    %gather3A_2565 = tpu.memref_slice %arg10[%gather3A_2563, %gather3A_2564] : memref<2x112xf32, #tpu.memory_space<vmem>> -> memref<1x112xf32, #tpu.memory_space<vmem>>
    %gather3A_2566 = tpu.memref_squeeze %gather3A_2565 : memref<1x112xf32, #tpu.memory_space<vmem>> -> memref<112xf32, #tpu.memory_space<vmem>>
    %gather3A_2567 = tpu.vector_load_idx %gather3A_2566[%min3A_2562] : memref<112xf32, #tpu.memory_space<vmem>>[vector<16xi32>], vector<16xf32>,
    %jit3A_2568 = arith.constant 0 : i32
    %jit3A_2569 = arith.constant 98 : i32
    %max3A_2570 = vector.broadcast %jit3A_2568 : i32 to vector<16xi32>
    %max3A_2571 = arith.maxsi %max3A_2570, %min3A_2553 : vector<16xi32>
    %min3A_2572 = vector.broadcast %jit3A_2569 : i32 to vector<16xi32>
    %min3A_2573 = arith.minsi %min3A_2572, %max3A_2571 : vector<16xi32>
    %gather3A_2574 = arith.constant 1 : i32
    %gather3A_2575 = arith.constant 0 : i32
    %gather3A_2576 = tpu.memref_slice %arg10[%gather3A_2574, %gather3A_2575] : memref<2x112xf32, #tpu.memory_space<vmem>> -> memref<1x112xf32, #tpu.memory_space<vmem>>
    %gather3A_2577 = tpu.memref_squeeze %gather3A_2576 : memref<1x112xf32, #tpu.memory_space<vmem>> -> memref<112xf32, #tpu.memory_space<vmem>>
    %gather3A_2578 = tpu.vector_load_idx %gather3A_2577[%min3A_2573] : memref<112xf32, #tpu.memory_space<vmem>>[vector<16xi32>], vector<16xf32>,
    %gt3A_2579 = arith.constant 0 : i32
    %gt3A_2580 = vector.broadcast %gt3A_2579 : i32 to vector<16xi32>
    %gt3A_2581 = arith.cmpi sgt, %min3A_2553, %gt3A_2580 : vector<16xi32>
    %gt3A_2582 = arith.cmpf ogt, %gather3A_2567, %get3A_2466 : vector<16xf32>
    %and3A_2583 = arith.andi %gt3A_2581, %gt3A_2582 : vector<16xi1>
    %lt3A_2584 = arith.constant 99 : i32
    %lt3A_2585 = vector.broadcast %lt3A_2584 : i32 to vector<16xi32>
    %lt3A_2586 = arith.cmpi slt, %min3A_2553, %lt3A_2585 : vector<16xi32>
    %le3A_2587 = arith.cmpf ole, %gather3A_2578, %get3A_2466 : vector<16xf32>
    %and3A_2588 = arith.andi %lt3A_2586, %le3A_2587 : vector<16xi1>
    %sub3A_2589 = arith.constant 1 : i32
    %sub3A_2590 = vector.broadcast %sub3A_2589 : i32 to vector<16xi32>
    %sub3A_2591 = arith.subi %min3A_2553, %sub3A_2590 : vector<16xi32>
    %add3A_2592 = arith.constant 1 : i32
    %add3A_2593 = vector.broadcast %add3A_2592 : i32 to vector<16xi32>
    %add3A_2594 = arith.addi %min3A_2553, %add3A_2593 : vector<16xi32>
    %select_n3A_2595 = arith.select %and3A_2588, %add3A_2594, %min3A_2553 : vector<16xi1>, vector<16xi32>
    %select_n3A_2596 = arith.select %and3A_2583, %sub3A_2591, %select_n3A_2595 : vector<16xi1>, vector<16xi32>
    %add3A_2597 = arith.constant 100 : i32
    %add3A_2598 = vector.broadcast %add3A_2597 : i32 to vector<16xi32>
    %add3A_2599 = arith.addi %select_n3A_2596, %add3A_2598 : vector<16xi32>
    %add3A_2600 = arith.constant 0 : i32
    %add3A_2601 = vector.broadcast %add3A_2600 : i32 to vector<16xi32>
    %add3A_2602 = arith.addi %add3A_2601, %mul3A_13 : vector<16xi32>
    %scatter3A_2603 = arith.constant 4 : i32
    %scatter3A_2604 = arith.constant 0 : i32
    %scatter3A_2605 = tpu.memref_slice %arg11[%scatter3A_2603, %scatter3A_2604] : memref<8x128xi32, #tpu.memory_space<vmem>> -> memref<1x128xi32, #tpu.memory_space<vmem>>
    %scatter3A_2606 = tpu.memref_squeeze %scatter3A_2605 : memref<1x128xi32, #tpu.memory_space<vmem>> -> memref<128xi32, #tpu.memory_space<vmem>>
    tpu.vector_store_idx %scatter3A_2606[%add3A_2602], %select_n3A_2531 : memref<128xi32, #tpu.memory_space<vmem>>[vector<16xi32>], vector<16xi32>,
    %add3A_2607 = arith.constant 1 : i32
    %add3A_2608 = vector.broadcast %add3A_2607 : i32 to vector<16xi32>
    %add3A_2609 = arith.addi %add3A_2602, %add3A_2608 : vector<16xi32>
    %scatter3A_2610 = arith.constant 4 : i32
    %scatter3A_2611 = arith.constant 0 : i32
    %scatter3A_2612 = tpu.memref_slice %arg11[%scatter3A_2610, %scatter3A_2611] : memref<8x128xi32, #tpu.memory_space<vmem>> -> memref<1x128xi32, #tpu.memory_space<vmem>>
    %scatter3A_2613 = tpu.memref_squeeze %scatter3A_2612 : memref<1x128xi32, #tpu.memory_space<vmem>> -> memref<128xi32, #tpu.memory_space<vmem>>
    tpu.vector_store_idx %scatter3A_2613[%add3A_2609], %add3A_2599 : memref<128xi32, #tpu.memory_space<vmem>>[vector<16xi32>], vector<16xi32>,
    %get3A_2614 = arith.constant 272 : index
    %get3A_2615 = tpu.vector_load %arg8[%get3A_2614] {strides = array<i32>} : memref<512xf32, #tpu.memory_space<vmem>>, vector<16xf32>,
    %get3A_2616 = arith.constant 272 : index
    %get3A_2617 = tpu.vector_load %arg9[%get3A_2616] {strides = array<i32>} : memref<512xf32, #tpu.memory_space<vmem>>, vector<16xf32>,
    %sub3A_2618 = arith.constant -9.000000e+01 : f32
    %sub3A_2619 = vector.broadcast %sub3A_2618 : f32 to vector<16xf32>
    %sub3A_2620 = arith.subf %get3A_2615, %sub3A_2619 : vector<16xf32>
    %mul3A_2621 = arith.constant 0.544444442 : f32
    %mul3A_2622 = vector.broadcast %mul3A_2621 : f32 to vector<16xf32>
    %mul3A_2623 = arith.mulf %sub3A_2620, %mul3A_2622 : vector<16xf32>
    %max3A_2624 = arith.constant -1.000000e+00 : f32
    %max3A_2625 = vector.broadcast %max3A_2624 : f32 to vector<16xf32>
    %max3A_2626 = arith.maximumf %mul3A_2623, %max3A_2625 : vector<16xf32>
    %min3A_2627 = arith.constant 1.010000e+02 : f32
    %min3A_2628 = vector.broadcast %min3A_2627 : f32 to vector<16xf32>
    %min3A_2629 = arith.minimumf %max3A_2626, %min3A_2628 : vector<16xf32>
    %convert_element_type3A_2630 = arith.fptosi %min3A_2629 : vector<16xf32> to vector<16xi32>
    %add3A_2631 = arith.constant 1 : i32
    %add3A_2632 = vector.broadcast %add3A_2631 : i32 to vector<16xi32>
    %add3A_2633 = arith.addi %convert_element_type3A_2630, %add3A_2632 : vector<16xi32>
    %jit3A_2634 = arith.constant 0 : i32
    %jit3A_2635 = arith.constant 99 : i32
    %max3A_2636 = vector.broadcast %jit3A_2634 : i32 to vector<16xi32>
    %max3A_2637 = arith.maxsi %max3A_2636, %add3A_2633 : vector<16xi32>
    %min3A_2638 = vector.broadcast %jit3A_2635 : i32 to vector<16xi32>
    %min3A_2639 = arith.minsi %min3A_2638, %max3A_2637 : vector<16xi32>
    %sub3A_2640 = arith.constant 1 : i32
    %sub3A_2641 = vector.broadcast %sub3A_2640 : i32 to vector<16xi32>
    %sub3A_2642 = arith.subi %min3A_2639, %sub3A_2641 : vector<16xi32>
    %jit3A_2643 = arith.constant 0 : i32
    %jit3A_2644 = arith.constant 98 : i32
    %max3A_2645 = vector.broadcast %jit3A_2643 : i32 to vector<16xi32>
    %max3A_2646 = arith.maxsi %max3A_2645, %sub3A_2642 : vector<16xi32>
    %min3A_2647 = vector.broadcast %jit3A_2644 : i32 to vector<16xi32>
    %min3A_2648 = arith.minsi %min3A_2647, %max3A_2646 : vector<16xi32>
    %gather3A_2649 = arith.constant 0 : i32
    %gather3A_2650 = arith.constant 0 : i32
    %gather3A_2651 = tpu.memref_slice %arg10[%gather3A_2649, %gather3A_2650] : memref<2x112xf32, #tpu.memory_space<vmem>> -> memref<1x112xf32, #tpu.memory_space<vmem>>
    %gather3A_2652 = tpu.memref_squeeze %gather3A_2651 : memref<1x112xf32, #tpu.memory_space<vmem>> -> memref<112xf32, #tpu.memory_space<vmem>>
    %gather3A_2653 = tpu.vector_load_idx %gather3A_2652[%min3A_2648] : memref<112xf32, #tpu.memory_space<vmem>>[vector<16xi32>], vector<16xf32>,
    %jit3A_2654 = arith.constant 0 : i32
    %jit3A_2655 = arith.constant 98 : i32
    %max3A_2656 = vector.broadcast %jit3A_2654 : i32 to vector<16xi32>
    %max3A_2657 = arith.maxsi %max3A_2656, %min3A_2639 : vector<16xi32>
    %min3A_2658 = vector.broadcast %jit3A_2655 : i32 to vector<16xi32>
    %min3A_2659 = arith.minsi %min3A_2658, %max3A_2657 : vector<16xi32>
    %gather3A_2660 = arith.constant 0 : i32
    %gather3A_2661 = arith.constant 0 : i32
    %gather3A_2662 = tpu.memref_slice %arg10[%gather3A_2660, %gather3A_2661] : memref<2x112xf32, #tpu.memory_space<vmem>> -> memref<1x112xf32, #tpu.memory_space<vmem>>
    %gather3A_2663 = tpu.memref_squeeze %gather3A_2662 : memref<1x112xf32, #tpu.memory_space<vmem>> -> memref<112xf32, #tpu.memory_space<vmem>>
    %gather3A_2664 = tpu.vector_load_idx %gather3A_2663[%min3A_2659] : memref<112xf32, #tpu.memory_space<vmem>>[vector<16xi32>], vector<16xf32>,
    %gt3A_2665 = arith.constant 0 : i32
    %gt3A_2666 = vector.broadcast %gt3A_2665 : i32 to vector<16xi32>
    %gt3A_2667 = arith.cmpi sgt, %min3A_2639, %gt3A_2666 : vector<16xi32>
    %gt3A_2668 = arith.cmpf ogt, %gather3A_2653, %get3A_2615 : vector<16xf32>
    %and3A_2669 = arith.andi %gt3A_2667, %gt3A_2668 : vector<16xi1>
    %lt3A_2670 = arith.constant 99 : i32
    %lt3A_2671 = vector.broadcast %lt3A_2670 : i32 to vector<16xi32>
    %lt3A_2672 = arith.cmpi slt, %min3A_2639, %lt3A_2671 : vector<16xi32>
    %le3A_2673 = arith.cmpf ole, %gather3A_2664, %get3A_2615 : vector<16xf32>
    %and3A_2674 = arith.andi %lt3A_2672, %le3A_2673 : vector<16xi1>
    %sub3A_2675 = arith.constant 1 : i32
    %sub3A_2676 = vector.broadcast %sub3A_2675 : i32 to vector<16xi32>
    %sub3A_2677 = arith.subi %min3A_2639, %sub3A_2676 : vector<16xi32>
    %add3A_2678 = arith.constant 1 : i32
    %add3A_2679 = vector.broadcast %add3A_2678 : i32 to vector<16xi32>
    %add3A_2680 = arith.addi %min3A_2639, %add3A_2679 : vector<16xi32>
    %select_n3A_2681 = arith.select %and3A_2674, %add3A_2680, %min3A_2639 : vector<16xi1>, vector<16xi32>
    %select_n3A_2682 = arith.select %and3A_2669, %sub3A_2677, %select_n3A_2681 : vector<16xi1>, vector<16xi32>
    %sub3A_2683 = arith.constant -1.800000e+02 : f32
    %sub3A_2684 = vector.broadcast %sub3A_2683 : f32 to vector<16xf32>
    %sub3A_2685 = arith.subf %get3A_2617, %sub3A_2684 : vector<16xf32>
    %mul3A_2686 = arith.constant 0.272222221 : f32
    %mul3A_2687 = vector.broadcast %mul3A_2686 : f32 to vector<16xf32>
    %mul3A_2688 = arith.mulf %sub3A_2685, %mul3A_2687 : vector<16xf32>
    %max3A_2689 = arith.constant -1.000000e+00 : f32
    %max3A_2690 = vector.broadcast %max3A_2689 : f32 to vector<16xf32>
    %max3A_2691 = arith.maximumf %mul3A_2688, %max3A_2690 : vector<16xf32>
    %min3A_2692 = arith.constant 1.010000e+02 : f32
    %min3A_2693 = vector.broadcast %min3A_2692 : f32 to vector<16xf32>
    %min3A_2694 = arith.minimumf %max3A_2691, %min3A_2693 : vector<16xf32>
    %convert_element_type3A_2695 = arith.fptosi %min3A_2694 : vector<16xf32> to vector<16xi32>
    %add3A_2696 = arith.constant 1 : i32
    %add3A_2697 = vector.broadcast %add3A_2696 : i32 to vector<16xi32>
    %add3A_2698 = arith.addi %convert_element_type3A_2695, %add3A_2697 : vector<16xi32>
    %jit3A_2699 = arith.constant 0 : i32
    %jit3A_2700 = arith.constant 99 : i32
    %max3A_2701 = vector.broadcast %jit3A_2699 : i32 to vector<16xi32>
    %max3A_2702 = arith.maxsi %max3A_2701, %add3A_2698 : vector<16xi32>
    %min3A_2703 = vector.broadcast %jit3A_2700 : i32 to vector<16xi32>
    %min3A_2704 = arith.minsi %min3A_2703, %max3A_2702 : vector<16xi32>
    %sub3A_2705 = arith.constant 1 : i32
    %sub3A_2706 = vector.broadcast %sub3A_2705 : i32 to vector<16xi32>
    %sub3A_2707 = arith.subi %min3A_2704, %sub3A_2706 : vector<16xi32>
    %jit3A_2708 = arith.constant 0 : i32
    %jit3A_2709 = arith.constant 98 : i32
    %max3A_2710 = vector.broadcast %jit3A_2708 : i32 to vector<16xi32>
    %max3A_2711 = arith.maxsi %max3A_2710, %sub3A_2707 : vector<16xi32>
    %min3A_2712 = vector.broadcast %jit3A_2709 : i32 to vector<16xi32>
    %min3A_2713 = arith.minsi %min3A_2712, %max3A_2711 : vector<16xi32>
    %gather3A_2714 = arith.constant 1 : i32
    %gather3A_2715 = arith.constant 0 : i32
    %gather3A_2716 = tpu.memref_slice %arg10[%gather3A_2714, %gather3A_2715] : memref<2x112xf32, #tpu.memory_space<vmem>> -> memref<1x112xf32, #tpu.memory_space<vmem>>
    %gather3A_2717 = tpu.memref_squeeze %gather3A_2716 : memref<1x112xf32, #tpu.memory_space<vmem>> -> memref<112xf32, #tpu.memory_space<vmem>>
    %gather3A_2718 = tpu.vector_load_idx %gather3A_2717[%min3A_2713] : memref<112xf32, #tpu.memory_space<vmem>>[vector<16xi32>], vector<16xf32>,
    %jit3A_2719 = arith.constant 0 : i32
    %jit3A_2720 = arith.constant 98 : i32
    %max3A_2721 = vector.broadcast %jit3A_2719 : i32 to vector<16xi32>
    %max3A_2722 = arith.maxsi %max3A_2721, %min3A_2704 : vector<16xi32>
    %min3A_2723 = vector.broadcast %jit3A_2720 : i32 to vector<16xi32>
    %min3A_2724 = arith.minsi %min3A_2723, %max3A_2722 : vector<16xi32>
    %gather3A_2725 = arith.constant 1 : i32
    %gather3A_2726 = arith.constant 0 : i32
    %gather3A_2727 = tpu.memref_slice %arg10[%gather3A_2725, %gather3A_2726] : memref<2x112xf32, #tpu.memory_space<vmem>> -> memref<1x112xf32, #tpu.memory_space<vmem>>
    %gather3A_2728 = tpu.memref_squeeze %gather3A_2727 : memref<1x112xf32, #tpu.memory_space<vmem>> -> memref<112xf32, #tpu.memory_space<vmem>>
    %gather3A_2729 = tpu.vector_load_idx %gather3A_2728[%min3A_2724] : memref<112xf32, #tpu.memory_space<vmem>>[vector<16xi32>], vector<16xf32>,
    %gt3A_2730 = arith.constant 0 : i32
    %gt3A_2731 = vector.broadcast %gt3A_2730 : i32 to vector<16xi32>
    %gt3A_2732 = arith.cmpi sgt, %min3A_2704, %gt3A_2731 : vector<16xi32>
    %gt3A_2733 = arith.cmpf ogt, %gather3A_2718, %get3A_2617 : vector<16xf32>
    %and3A_2734 = arith.andi %gt3A_2732, %gt3A_2733 : vector<16xi1>
    %lt3A_2735 = arith.constant 99 : i32
    %lt3A_2736 = vector.broadcast %lt3A_2735 : i32 to vector<16xi32>
    %lt3A_2737 = arith.cmpi slt, %min3A_2704, %lt3A_2736 : vector<16xi32>
    %le3A_2738 = arith.cmpf ole, %gather3A_2729, %get3A_2617 : vector<16xf32>
    %and3A_2739 = arith.andi %lt3A_2737, %le3A_2738 : vector<16xi1>
    %sub3A_2740 = arith.constant 1 : i32
    %sub3A_2741 = vector.broadcast %sub3A_2740 : i32 to vector<16xi32>
    %sub3A_2742 = arith.subi %min3A_2704, %sub3A_2741 : vector<16xi32>
    %add3A_2743 = arith.constant 1 : i32
    %add3A_2744 = vector.broadcast %add3A_2743 : i32 to vector<16xi32>
    %add3A_2745 = arith.addi %min3A_2704, %add3A_2744 : vector<16xi32>
    %select_n3A_2746 = arith.select %and3A_2739, %add3A_2745, %min3A_2704 : vector<16xi1>, vector<16xi32>
    %select_n3A_2747 = arith.select %and3A_2734, %sub3A_2742, %select_n3A_2746 : vector<16xi1>, vector<16xi32>
    %add3A_2748 = arith.constant 100 : i32
    %add3A_2749 = vector.broadcast %add3A_2748 : i32 to vector<16xi32>
    %add3A_2750 = arith.addi %select_n3A_2747, %add3A_2749 : vector<16xi32>
    %add3A_2751 = arith.constant 32 : i32
    %add3A_2752 = vector.broadcast %add3A_2751 : i32 to vector<16xi32>
    %add3A_2753 = arith.addi %add3A_2752, %mul3A_13 : vector<16xi32>
    %scatter3A_2754 = arith.constant 4 : i32
    %scatter3A_2755 = arith.constant 0 : i32
    %scatter3A_2756 = tpu.memref_slice %arg11[%scatter3A_2754, %scatter3A_2755] : memref<8x128xi32, #tpu.memory_space<vmem>> -> memref<1x128xi32, #tpu.memory_space<vmem>>
    %scatter3A_2757 = tpu.memref_squeeze %scatter3A_2756 : memref<1x128xi32, #tpu.memory_space<vmem>> -> memref<128xi32, #tpu.memory_space<vmem>>
    tpu.vector_store_idx %scatter3A_2757[%add3A_2753], %select_n3A_2682 : memref<128xi32, #tpu.memory_space<vmem>>[vector<16xi32>], vector<16xi32>,
    %add3A_2758 = arith.constant 1 : i32
    %add3A_2759 = vector.broadcast %add3A_2758 : i32 to vector<16xi32>
    %add3A_2760 = arith.addi %add3A_2753, %add3A_2759 : vector<16xi32>
    %scatter3A_2761 = arith.constant 4 : i32
    %scatter3A_2762 = arith.constant 0 : i32
    %scatter3A_2763 = tpu.memref_slice %arg11[%scatter3A_2761, %scatter3A_2762] : memref<8x128xi32, #tpu.memory_space<vmem>> -> memref<1x128xi32, #tpu.memory_space<vmem>>
    %scatter3A_2764 = tpu.memref_squeeze %scatter3A_2763 : memref<1x128xi32, #tpu.memory_space<vmem>> -> memref<128xi32, #tpu.memory_space<vmem>>
    tpu.vector_store_idx %scatter3A_2764[%add3A_2760], %add3A_2750 : memref<128xi32, #tpu.memory_space<vmem>>[vector<16xi32>], vector<16xi32>,
    %get3A_2765 = arith.constant 288 : index
    %get3A_2766 = tpu.vector_load %arg8[%get3A_2765] {strides = array<i32>} : memref<512xf32, #tpu.memory_space<vmem>>, vector<16xf32>,
    %get3A_2767 = arith.constant 288 : index
    %get3A_2768 = tpu.vector_load %arg9[%get3A_2767] {strides = array<i32>} : memref<512xf32, #tpu.memory_space<vmem>>, vector<16xf32>,
    %sub3A_2769 = arith.constant -9.000000e+01 : f32
    %sub3A_2770 = vector.broadcast %sub3A_2769 : f32 to vector<16xf32>
    %sub3A_2771 = arith.subf %get3A_2766, %sub3A_2770 : vector<16xf32>
    %mul3A_2772 = arith.constant 0.544444442 : f32
    %mul3A_2773 = vector.broadcast %mul3A_2772 : f32 to vector<16xf32>
    %mul3A_2774 = arith.mulf %sub3A_2771, %mul3A_2773 : vector<16xf32>
    %max3A_2775 = arith.constant -1.000000e+00 : f32
    %max3A_2776 = vector.broadcast %max3A_2775 : f32 to vector<16xf32>
    %max3A_2777 = arith.maximumf %mul3A_2774, %max3A_2776 : vector<16xf32>
    %min3A_2778 = arith.constant 1.010000e+02 : f32
    %min3A_2779 = vector.broadcast %min3A_2778 : f32 to vector<16xf32>
    %min3A_2780 = arith.minimumf %max3A_2777, %min3A_2779 : vector<16xf32>
    %convert_element_type3A_2781 = arith.fptosi %min3A_2780 : vector<16xf32> to vector<16xi32>
    %add3A_2782 = arith.constant 1 : i32
    %add3A_2783 = vector.broadcast %add3A_2782 : i32 to vector<16xi32>
    %add3A_2784 = arith.addi %convert_element_type3A_2781, %add3A_2783 : vector<16xi32>
    %jit3A_2785 = arith.constant 0 : i32
    %jit3A_2786 = arith.constant 99 : i32
    %max3A_2787 = vector.broadcast %jit3A_2785 : i32 to vector<16xi32>
    %max3A_2788 = arith.maxsi %max3A_2787, %add3A_2784 : vector<16xi32>
    %min3A_2789 = vector.broadcast %jit3A_2786 : i32 to vector<16xi32>
    %min3A_2790 = arith.minsi %min3A_2789, %max3A_2788 : vector<16xi32>
    %sub3A_2791 = arith.constant 1 : i32
    %sub3A_2792 = vector.broadcast %sub3A_2791 : i32 to vector<16xi32>
    %sub3A_2793 = arith.subi %min3A_2790, %sub3A_2792 : vector<16xi32>
    %jit3A_2794 = arith.constant 0 : i32
    %jit3A_2795 = arith.constant 98 : i32
    %max3A_2796 = vector.broadcast %jit3A_2794 : i32 to vector<16xi32>
    %max3A_2797 = arith.maxsi %max3A_2796, %sub3A_2793 : vector<16xi32>
    %min3A_2798 = vector.broadcast %jit3A_2795 : i32 to vector<16xi32>
    %min3A_2799 = arith.minsi %min3A_2798, %max3A_2797 : vector<16xi32>
    %gather3A_2800 = arith.constant 0 : i32
    %gather3A_2801 = arith.constant 0 : i32
    %gather3A_2802 = tpu.memref_slice %arg10[%gather3A_2800, %gather3A_2801] : memref<2x112xf32, #tpu.memory_space<vmem>> -> memref<1x112xf32, #tpu.memory_space<vmem>>
    %gather3A_2803 = tpu.memref_squeeze %gather3A_2802 : memref<1x112xf32, #tpu.memory_space<vmem>> -> memref<112xf32, #tpu.memory_space<vmem>>
    %gather3A_2804 = tpu.vector_load_idx %gather3A_2803[%min3A_2799] : memref<112xf32, #tpu.memory_space<vmem>>[vector<16xi32>], vector<16xf32>,
    %jit3A_2805 = arith.constant 0 : i32
    %jit3A_2806 = arith.constant 98 : i32
    %max3A_2807 = vector.broadcast %jit3A_2805 : i32 to vector<16xi32>
    %max3A_2808 = arith.maxsi %max3A_2807, %min3A_2790 : vector<16xi32>
    %min3A_2809 = vector.broadcast %jit3A_2806 : i32 to vector<16xi32>
    %min3A_2810 = arith.minsi %min3A_2809, %max3A_2808 : vector<16xi32>
    %gather3A_2811 = arith.constant 0 : i32
    %gather3A_2812 = arith.constant 0 : i32
    %gather3A_2813 = tpu.memref_slice %arg10[%gather3A_2811, %gather3A_2812] : memref<2x112xf32, #tpu.memory_space<vmem>> -> memref<1x112xf32, #tpu.memory_space<vmem>>
    %gather3A_2814 = tpu.memref_squeeze %gather3A_2813 : memref<1x112xf32, #tpu.memory_space<vmem>> -> memref<112xf32, #tpu.memory_space<vmem>>
    %gather3A_2815 = tpu.vector_load_idx %gather3A_2814[%min3A_2810] : memref<112xf32, #tpu.memory_space<vmem>>[vector<16xi32>], vector<16xf32>,
    %gt3A_2816 = arith.constant 0 : i32
    %gt3A_2817 = vector.broadcast %gt3A_2816 : i32 to vector<16xi32>
    %gt3A_2818 = arith.cmpi sgt, %min3A_2790, %gt3A_2817 : vector<16xi32>
    %gt3A_2819 = arith.cmpf ogt, %gather3A_2804, %get3A_2766 : vector<16xf32>
    %and3A_2820 = arith.andi %gt3A_2818, %gt3A_2819 : vector<16xi1>
    %lt3A_2821 = arith.constant 99 : i32
    %lt3A_2822 = vector.broadcast %lt3A_2821 : i32 to vector<16xi32>
    %lt3A_2823 = arith.cmpi slt, %min3A_2790, %lt3A_2822 : vector<16xi32>
    %le3A_2824 = arith.cmpf ole, %gather3A_2815, %get3A_2766 : vector<16xf32>
    %and3A_2825 = arith.andi %lt3A_2823, %le3A_2824 : vector<16xi1>
    %sub3A_2826 = arith.constant 1 : i32
    %sub3A_2827 = vector.broadcast %sub3A_2826 : i32 to vector<16xi32>
    %sub3A_2828 = arith.subi %min3A_2790, %sub3A_2827 : vector<16xi32>
    %add3A_2829 = arith.constant 1 : i32
    %add3A_2830 = vector.broadcast %add3A_2829 : i32 to vector<16xi32>
    %add3A_2831 = arith.addi %min3A_2790, %add3A_2830 : vector<16xi32>
    %select_n3A_2832 = arith.select %and3A_2825, %add3A_2831, %min3A_2790 : vector<16xi1>, vector<16xi32>
    %select_n3A_2833 = arith.select %and3A_2820, %sub3A_2828, %select_n3A_2832 : vector<16xi1>, vector<16xi32>
    %sub3A_2834 = arith.constant -1.800000e+02 : f32
    %sub3A_2835 = vector.broadcast %sub3A_2834 : f32 to vector<16xf32>
    %sub3A_2836 = arith.subf %get3A_2768, %sub3A_2835 : vector<16xf32>
    %mul3A_2837 = arith.constant 0.272222221 : f32
    %mul3A_2838 = vector.broadcast %mul3A_2837 : f32 to vector<16xf32>
    %mul3A_2839 = arith.mulf %sub3A_2836, %mul3A_2838 : vector<16xf32>
    %max3A_2840 = arith.constant -1.000000e+00 : f32
    %max3A_2841 = vector.broadcast %max3A_2840 : f32 to vector<16xf32>
    %max3A_2842 = arith.maximumf %mul3A_2839, %max3A_2841 : vector<16xf32>
    %min3A_2843 = arith.constant 1.010000e+02 : f32
    %min3A_2844 = vector.broadcast %min3A_2843 : f32 to vector<16xf32>
    %min3A_2845 = arith.minimumf %max3A_2842, %min3A_2844 : vector<16xf32>
    %convert_element_type3A_2846 = arith.fptosi %min3A_2845 : vector<16xf32> to vector<16xi32>
    %add3A_2847 = arith.constant 1 : i32
    %add3A_2848 = vector.broadcast %add3A_2847 : i32 to vector<16xi32>
    %add3A_2849 = arith.addi %convert_element_type3A_2846, %add3A_2848 : vector<16xi32>
    %jit3A_2850 = arith.constant 0 : i32
    %jit3A_2851 = arith.constant 99 : i32
    %max3A_2852 = vector.broadcast %jit3A_2850 : i32 to vector<16xi32>
    %max3A_2853 = arith.maxsi %max3A_2852, %add3A_2849 : vector<16xi32>
    %min3A_2854 = vector.broadcast %jit3A_2851 : i32 to vector<16xi32>
    %min3A_2855 = arith.minsi %min3A_2854, %max3A_2853 : vector<16xi32>
    %sub3A_2856 = arith.constant 1 : i32
    %sub3A_2857 = vector.broadcast %sub3A_2856 : i32 to vector<16xi32>
    %sub3A_2858 = arith.subi %min3A_2855, %sub3A_2857 : vector<16xi32>
    %jit3A_2859 = arith.constant 0 : i32
    %jit3A_2860 = arith.constant 98 : i32
    %max3A_2861 = vector.broadcast %jit3A_2859 : i32 to vector<16xi32>
    %max3A_2862 = arith.maxsi %max3A_2861, %sub3A_2858 : vector<16xi32>
    %min3A_2863 = vector.broadcast %jit3A_2860 : i32 to vector<16xi32>
    %min3A_2864 = arith.minsi %min3A_2863, %max3A_2862 : vector<16xi32>
    %gather3A_2865 = arith.constant 1 : i32
    %gather3A_2866 = arith.constant 0 : i32
    %gather3A_2867 = tpu.memref_slice %arg10[%gather3A_2865, %gather3A_2866] : memref<2x112xf32, #tpu.memory_space<vmem>> -> memref<1x112xf32, #tpu.memory_space<vmem>>
    %gather3A_2868 = tpu.memref_squeeze %gather3A_2867 : memref<1x112xf32, #tpu.memory_space<vmem>> -> memref<112xf32, #tpu.memory_space<vmem>>
    %gather3A_2869 = tpu.vector_load_idx %gather3A_2868[%min3A_2864] : memref<112xf32, #tpu.memory_space<vmem>>[vector<16xi32>], vector<16xf32>,
    %jit3A_2870 = arith.constant 0 : i32
    %jit3A_2871 = arith.constant 98 : i32
    %max3A_2872 = vector.broadcast %jit3A_2870 : i32 to vector<16xi32>
    %max3A_2873 = arith.maxsi %max3A_2872, %min3A_2855 : vector<16xi32>
    %min3A_2874 = vector.broadcast %jit3A_2871 : i32 to vector<16xi32>
    %min3A_2875 = arith.minsi %min3A_2874, %max3A_2873 : vector<16xi32>
    %gather3A_2876 = arith.constant 1 : i32
    %gather3A_2877 = arith.constant 0 : i32
    %gather3A_2878 = tpu.memref_slice %arg10[%gather3A_2876, %gather3A_2877] : memref<2x112xf32, #tpu.memory_space<vmem>> -> memref<1x112xf32, #tpu.memory_space<vmem>>
    %gather3A_2879 = tpu.memref_squeeze %gather3A_2878 : memref<1x112xf32, #tpu.memory_space<vmem>> -> memref<112xf32, #tpu.memory_space<vmem>>
    %gather3A_2880 = tpu.vector_load_idx %gather3A_2879[%min3A_2875] : memref<112xf32, #tpu.memory_space<vmem>>[vector<16xi32>], vector<16xf32>,
    %gt3A_2881 = arith.constant 0 : i32
    %gt3A_2882 = vector.broadcast %gt3A_2881 : i32 to vector<16xi32>
    %gt3A_2883 = arith.cmpi sgt, %min3A_2855, %gt3A_2882 : vector<16xi32>
    %gt3A_2884 = arith.cmpf ogt, %gather3A_2869, %get3A_2768 : vector<16xf32>
    %and3A_2885 = arith.andi %gt3A_2883, %gt3A_2884 : vector<16xi1>
    %lt3A_2886 = arith.constant 99 : i32
    %lt3A_2887 = vector.broadcast %lt3A_2886 : i32 to vector<16xi32>
    %lt3A_2888 = arith.cmpi slt, %min3A_2855, %lt3A_2887 : vector<16xi32>
    %le3A_2889 = arith.cmpf ole, %gather3A_2880, %get3A_2768 : vector<16xf32>
    %and3A_2890 = arith.andi %lt3A_2888, %le3A_2889 : vector<16xi1>
    %sub3A_2891 = arith.constant 1 : i32
    %sub3A_2892 = vector.broadcast %sub3A_2891 : i32 to vector<16xi32>
    %sub3A_2893 = arith.subi %min3A_2855, %sub3A_2892 : vector<16xi32>
    %add3A_2894 = arith.constant 1 : i32
    %add3A_2895 = vector.broadcast %add3A_2894 : i32 to vector<16xi32>
    %add3A_2896 = arith.addi %min3A_2855, %add3A_2895 : vector<16xi32>
    %select_n3A_2897 = arith.select %and3A_2890, %add3A_2896, %min3A_2855 : vector<16xi1>, vector<16xi32>
    %select_n3A_2898 = arith.select %and3A_2885, %sub3A_2893, %select_n3A_2897 : vector<16xi1>, vector<16xi32>
    %add3A_2899 = arith.constant 100 : i32
    %add3A_2900 = vector.broadcast %add3A_2899 : i32 to vector<16xi32>
    %add3A_2901 = arith.addi %select_n3A_2898, %add3A_2900 : vector<16xi32>
    %add3A_2902 = arith.constant 64 : i32
    %add3A_2903 = vector.broadcast %add3A_2902 : i32 to vector<16xi32>
    %add3A_2904 = arith.addi %add3A_2903, %mul3A_13 : vector<16xi32>
    %scatter3A_2905 = arith.constant 4 : i32
    %scatter3A_2906 = arith.constant 0 : i32
    %scatter3A_2907 = tpu.memref_slice %arg11[%scatter3A_2905, %scatter3A_2906] : memref<8x128xi32, #tpu.memory_space<vmem>> -> memref<1x128xi32, #tpu.memory_space<vmem>>
    %scatter3A_2908 = tpu.memref_squeeze %scatter3A_2907 : memref<1x128xi32, #tpu.memory_space<vmem>> -> memref<128xi32, #tpu.memory_space<vmem>>
    tpu.vector_store_idx %scatter3A_2908[%add3A_2904], %select_n3A_2833 : memref<128xi32, #tpu.memory_space<vmem>>[vector<16xi32>], vector<16xi32>,
    %add3A_2909 = arith.constant 1 : i32
    %add3A_2910 = vector.broadcast %add3A_2909 : i32 to vector<16xi32>
    %add3A_2911 = arith.addi %add3A_2904, %add3A_2910 : vector<16xi32>
    %scatter3A_2912 = arith.constant 4 : i32
    %scatter3A_2913 = arith.constant 0 : i32
    %scatter3A_2914 = tpu.memref_slice %arg11[%scatter3A_2912, %scatter3A_2913] : memref<8x128xi32, #tpu.memory_space<vmem>> -> memref<1x128xi32, #tpu.memory_space<vmem>>
    %scatter3A_2915 = tpu.memref_squeeze %scatter3A_2914 : memref<1x128xi32, #tpu.memory_space<vmem>> -> memref<128xi32, #tpu.memory_space<vmem>>
    tpu.vector_store_idx %scatter3A_2915[%add3A_2911], %add3A_2901 : memref<128xi32, #tpu.memory_space<vmem>>[vector<16xi32>], vector<16xi32>,
    %get3A_2916 = arith.constant 304 : index
    %get3A_2917 = tpu.vector_load %arg8[%get3A_2916] {strides = array<i32>} : memref<512xf32, #tpu.memory_space<vmem>>, vector<16xf32>,
    %get3A_2918 = arith.constant 304 : index
    %get3A_2919 = tpu.vector_load %arg9[%get3A_2918] {strides = array<i32>} : memref<512xf32, #tpu.memory_space<vmem>>, vector<16xf32>,
    %sub3A_2920 = arith.constant -9.000000e+01 : f32
    %sub3A_2921 = vector.broadcast %sub3A_2920 : f32 to vector<16xf32>
    %sub3A_2922 = arith.subf %get3A_2917, %sub3A_2921 : vector<16xf32>
    %mul3A_2923 = arith.constant 0.544444442 : f32
    %mul3A_2924 = vector.broadcast %mul3A_2923 : f32 to vector<16xf32>
    %mul3A_2925 = arith.mulf %sub3A_2922, %mul3A_2924 : vector<16xf32>
    %max3A_2926 = arith.constant -1.000000e+00 : f32
    %max3A_2927 = vector.broadcast %max3A_2926 : f32 to vector<16xf32>
    %max3A_2928 = arith.maximumf %mul3A_2925, %max3A_2927 : vector<16xf32>
    %min3A_2929 = arith.constant 1.010000e+02 : f32
    %min3A_2930 = vector.broadcast %min3A_2929 : f32 to vector<16xf32>
    %min3A_2931 = arith.minimumf %max3A_2928, %min3A_2930 : vector<16xf32>
    %convert_element_type3A_2932 = arith.fptosi %min3A_2931 : vector<16xf32> to vector<16xi32>
    %add3A_2933 = arith.constant 1 : i32
    %add3A_2934 = vector.broadcast %add3A_2933 : i32 to vector<16xi32>
    %add3A_2935 = arith.addi %convert_element_type3A_2932, %add3A_2934 : vector<16xi32>
    %jit3A_2936 = arith.constant 0 : i32
    %jit3A_2937 = arith.constant 99 : i32
    %max3A_2938 = vector.broadcast %jit3A_2936 : i32 to vector<16xi32>
    %max3A_2939 = arith.maxsi %max3A_2938, %add3A_2935 : vector<16xi32>
    %min3A_2940 = vector.broadcast %jit3A_2937 : i32 to vector<16xi32>
    %min3A_2941 = arith.minsi %min3A_2940, %max3A_2939 : vector<16xi32>
    %sub3A_2942 = arith.constant 1 : i32
    %sub3A_2943 = vector.broadcast %sub3A_2942 : i32 to vector<16xi32>
    %sub3A_2944 = arith.subi %min3A_2941, %sub3A_2943 : vector<16xi32>
    %jit3A_2945 = arith.constant 0 : i32
    %jit3A_2946 = arith.constant 98 : i32
    %max3A_2947 = vector.broadcast %jit3A_2945 : i32 to vector<16xi32>
    %max3A_2948 = arith.maxsi %max3A_2947, %sub3A_2944 : vector<16xi32>
    %min3A_2949 = vector.broadcast %jit3A_2946 : i32 to vector<16xi32>
    %min3A_2950 = arith.minsi %min3A_2949, %max3A_2948 : vector<16xi32>
    %gather3A_2951 = arith.constant 0 : i32
    %gather3A_2952 = arith.constant 0 : i32
    %gather3A_2953 = tpu.memref_slice %arg10[%gather3A_2951, %gather3A_2952] : memref<2x112xf32, #tpu.memory_space<vmem>> -> memref<1x112xf32, #tpu.memory_space<vmem>>
    %gather3A_2954 = tpu.memref_squeeze %gather3A_2953 : memref<1x112xf32, #tpu.memory_space<vmem>> -> memref<112xf32, #tpu.memory_space<vmem>>
    %gather3A_2955 = tpu.vector_load_idx %gather3A_2954[%min3A_2950] : memref<112xf32, #tpu.memory_space<vmem>>[vector<16xi32>], vector<16xf32>,
    %jit3A_2956 = arith.constant 0 : i32
    %jit3A_2957 = arith.constant 98 : i32
    %max3A_2958 = vector.broadcast %jit3A_2956 : i32 to vector<16xi32>
    %max3A_2959 = arith.maxsi %max3A_2958, %min3A_2941 : vector<16xi32>
    %min3A_2960 = vector.broadcast %jit3A_2957 : i32 to vector<16xi32>
    %min3A_2961 = arith.minsi %min3A_2960, %max3A_2959 : vector<16xi32>
    %gather3A_2962 = arith.constant 0 : i32
    %gather3A_2963 = arith.constant 0 : i32
    %gather3A_2964 = tpu.memref_slice %arg10[%gather3A_2962, %gather3A_2963] : memref<2x112xf32, #tpu.memory_space<vmem>> -> memref<1x112xf32, #tpu.memory_space<vmem>>
    %gather3A_2965 = tpu.memref_squeeze %gather3A_2964 : memref<1x112xf32, #tpu.memory_space<vmem>> -> memref<112xf32, #tpu.memory_space<vmem>>
    %gather3A_2966 = tpu.vector_load_idx %gather3A_2965[%min3A_2961] : memref<112xf32, #tpu.memory_space<vmem>>[vector<16xi32>], vector<16xf32>,
    %gt3A_2967 = arith.constant 0 : i32
    %gt3A_2968 = vector.broadcast %gt3A_2967 : i32 to vector<16xi32>
    %gt3A_2969 = arith.cmpi sgt, %min3A_2941, %gt3A_2968 : vector<16xi32>
    %gt3A_2970 = arith.cmpf ogt, %gather3A_2955, %get3A_2917 : vector<16xf32>
    %and3A_2971 = arith.andi %gt3A_2969, %gt3A_2970 : vector<16xi1>
    %lt3A_2972 = arith.constant 99 : i32
    %lt3A_2973 = vector.broadcast %lt3A_2972 : i32 to vector<16xi32>
    %lt3A_2974 = arith.cmpi slt, %min3A_2941, %lt3A_2973 : vector<16xi32>
    %le3A_2975 = arith.cmpf ole, %gather3A_2966, %get3A_2917 : vector<16xf32>
    %and3A_2976 = arith.andi %lt3A_2974, %le3A_2975 : vector<16xi1>
    %sub3A_2977 = arith.constant 1 : i32
    %sub3A_2978 = vector.broadcast %sub3A_2977 : i32 to vector<16xi32>
    %sub3A_2979 = arith.subi %min3A_2941, %sub3A_2978 : vector<16xi32>
    %add3A_2980 = arith.constant 1 : i32
    %add3A_2981 = vector.broadcast %add3A_2980 : i32 to vector<16xi32>
    %add3A_2982 = arith.addi %min3A_2941, %add3A_2981 : vector<16xi32>
    %select_n3A_2983 = arith.select %and3A_2976, %add3A_2982, %min3A_2941 : vector<16xi1>, vector<16xi32>
    %select_n3A_2984 = arith.select %and3A_2971, %sub3A_2979, %select_n3A_2983 : vector<16xi1>, vector<16xi32>
    %sub3A_2985 = arith.constant -1.800000e+02 : f32
    %sub3A_2986 = vector.broadcast %sub3A_2985 : f32 to vector<16xf32>
    %sub3A_2987 = arith.subf %get3A_2919, %sub3A_2986 : vector<16xf32>
    %mul3A_2988 = arith.constant 0.272222221 : f32
    %mul3A_2989 = vector.broadcast %mul3A_2988 : f32 to vector<16xf32>
    %mul3A_2990 = arith.mulf %sub3A_2987, %mul3A_2989 : vector<16xf32>
    %max3A_2991 = arith.constant -1.000000e+00 : f32
    %max3A_2992 = vector.broadcast %max3A_2991 : f32 to vector<16xf32>
    %max3A_2993 = arith.maximumf %mul3A_2990, %max3A_2992 : vector<16xf32>
    %min3A_2994 = arith.constant 1.010000e+02 : f32
    %min3A_2995 = vector.broadcast %min3A_2994 : f32 to vector<16xf32>
    %min3A_2996 = arith.minimumf %max3A_2993, %min3A_2995 : vector<16xf32>
    %convert_element_type3A_2997 = arith.fptosi %min3A_2996 : vector<16xf32> to vector<16xi32>
    %add3A_2998 = arith.constant 1 : i32
    %add3A_2999 = vector.broadcast %add3A_2998 : i32 to vector<16xi32>
    %add3A_3000 = arith.addi %convert_element_type3A_2997, %add3A_2999 : vector<16xi32>
    %jit3A_3001 = arith.constant 0 : i32
    %jit3A_3002 = arith.constant 99 : i32
    %max3A_3003 = vector.broadcast %jit3A_3001 : i32 to vector<16xi32>
    %max3A_3004 = arith.maxsi %max3A_3003, %add3A_3000 : vector<16xi32>
    %min3A_3005 = vector.broadcast %jit3A_3002 : i32 to vector<16xi32>
    %min3A_3006 = arith.minsi %min3A_3005, %max3A_3004 : vector<16xi32>
    %sub3A_3007 = arith.constant 1 : i32
    %sub3A_3008 = vector.broadcast %sub3A_3007 : i32 to vector<16xi32>
    %sub3A_3009 = arith.subi %min3A_3006, %sub3A_3008 : vector<16xi32>
    %jit3A_3010 = arith.constant 0 : i32
    %jit3A_3011 = arith.constant 98 : i32
    %max3A_3012 = vector.broadcast %jit3A_3010 : i32 to vector<16xi32>
    %max3A_3013 = arith.maxsi %max3A_3012, %sub3A_3009 : vector<16xi32>
    %min3A_3014 = vector.broadcast %jit3A_3011 : i32 to vector<16xi32>
    %min3A_3015 = arith.minsi %min3A_3014, %max3A_3013 : vector<16xi32>
    %gather3A_3016 = arith.constant 1 : i32
    %gather3A_3017 = arith.constant 0 : i32
    %gather3A_3018 = tpu.memref_slice %arg10[%gather3A_3016, %gather3A_3017] : memref<2x112xf32, #tpu.memory_space<vmem>> -> memref<1x112xf32, #tpu.memory_space<vmem>>
    %gather3A_3019 = tpu.memref_squeeze %gather3A_3018 : memref<1x112xf32, #tpu.memory_space<vmem>> -> memref<112xf32, #tpu.memory_space<vmem>>
    %gather3A_3020 = tpu.vector_load_idx %gather3A_3019[%min3A_3015] : memref<112xf32, #tpu.memory_space<vmem>>[vector<16xi32>], vector<16xf32>,
    %jit3A_3021 = arith.constant 0 : i32
    %jit3A_3022 = arith.constant 98 : i32
    %max3A_3023 = vector.broadcast %jit3A_3021 : i32 to vector<16xi32>
    %max3A_3024 = arith.maxsi %max3A_3023, %min3A_3006 : vector<16xi32>
    %min3A_3025 = vector.broadcast %jit3A_3022 : i32 to vector<16xi32>
    %min3A_3026 = arith.minsi %min3A_3025, %max3A_3024 : vector<16xi32>
    %gather3A_3027 = arith.constant 1 : i32
    %gather3A_3028 = arith.constant 0 : i32
    %gather3A_3029 = tpu.memref_slice %arg10[%gather3A_3027, %gather3A_3028] : memref<2x112xf32, #tpu.memory_space<vmem>> -> memref<1x112xf32, #tpu.memory_space<vmem>>
    %gather3A_3030 = tpu.memref_squeeze %gather3A_3029 : memref<1x112xf32, #tpu.memory_space<vmem>> -> memref<112xf32, #tpu.memory_space<vmem>>
    %gather3A_3031 = tpu.vector_load_idx %gather3A_3030[%min3A_3026] : memref<112xf32, #tpu.memory_space<vmem>>[vector<16xi32>], vector<16xf32>,
    %gt3A_3032 = arith.constant 0 : i32
    %gt3A_3033 = vector.broadcast %gt3A_3032 : i32 to vector<16xi32>
    %gt3A_3034 = arith.cmpi sgt, %min3A_3006, %gt3A_3033 : vector<16xi32>
    %gt3A_3035 = arith.cmpf ogt, %gather3A_3020, %get3A_2919 : vector<16xf32>
    %and3A_3036 = arith.andi %gt3A_3034, %gt3A_3035 : vector<16xi1>
    %lt3A_3037 = arith.constant 99 : i32
    %lt3A_3038 = vector.broadcast %lt3A_3037 : i32 to vector<16xi32>
    %lt3A_3039 = arith.cmpi slt, %min3A_3006, %lt3A_3038 : vector<16xi32>
    %le3A_3040 = arith.cmpf ole, %gather3A_3031, %get3A_2919 : vector<16xf32>
    %and3A_3041 = arith.andi %lt3A_3039, %le3A_3040 : vector<16xi1>
    %sub3A_3042 = arith.constant 1 : i32
    %sub3A_3043 = vector.broadcast %sub3A_3042 : i32 to vector<16xi32>
    %sub3A_3044 = arith.subi %min3A_3006, %sub3A_3043 : vector<16xi32>
    %add3A_3045 = arith.constant 1 : i32
    %add3A_3046 = vector.broadcast %add3A_3045 : i32 to vector<16xi32>
    %add3A_3047 = arith.addi %min3A_3006, %add3A_3046 : vector<16xi32>
    %select_n3A_3048 = arith.select %and3A_3041, %add3A_3047, %min3A_3006 : vector<16xi1>, vector<16xi32>
    %select_n3A_3049 = arith.select %and3A_3036, %sub3A_3044, %select_n3A_3048 : vector<16xi1>, vector<16xi32>
    %add3A_3050 = arith.constant 100 : i32
    %add3A_3051 = vector.broadcast %add3A_3050 : i32 to vector<16xi32>
    %add3A_3052 = arith.addi %select_n3A_3049, %add3A_3051 : vector<16xi32>
    %add3A_3053 = arith.constant 96 : i32
    %add3A_3054 = vector.broadcast %add3A_3053 : i32 to vector<16xi32>
    %add3A_3055 = arith.addi %add3A_3054, %mul3A_13 : vector<16xi32>
    %scatter3A_3056 = arith.constant 4 : i32
    %scatter3A_3057 = arith.constant 0 : i32
    %scatter3A_3058 = tpu.memref_slice %arg11[%scatter3A_3056, %scatter3A_3057] : memref<8x128xi32, #tpu.memory_space<vmem>> -> memref<1x128xi32, #tpu.memory_space<vmem>>
    %scatter3A_3059 = tpu.memref_squeeze %scatter3A_3058 : memref<1x128xi32, #tpu.memory_space<vmem>> -> memref<128xi32, #tpu.memory_space<vmem>>
    tpu.vector_store_idx %scatter3A_3059[%add3A_3055], %select_n3A_2984 : memref<128xi32, #tpu.memory_space<vmem>>[vector<16xi32>], vector<16xi32>,
    %add3A_3060 = arith.constant 1 : i32
    %add3A_3061 = vector.broadcast %add3A_3060 : i32 to vector<16xi32>
    %add3A_3062 = arith.addi %add3A_3055, %add3A_3061 : vector<16xi32>
    %scatter3A_3063 = arith.constant 4 : i32
    %scatter3A_3064 = arith.constant 0 : i32
    %scatter3A_3065 = tpu.memref_slice %arg11[%scatter3A_3063, %scatter3A_3064] : memref<8x128xi32, #tpu.memory_space<vmem>> -> memref<1x128xi32, #tpu.memory_space<vmem>>
    %scatter3A_3066 = tpu.memref_squeeze %scatter3A_3065 : memref<1x128xi32, #tpu.memory_space<vmem>> -> memref<128xi32, #tpu.memory_space<vmem>>
    tpu.vector_store_idx %scatter3A_3066[%add3A_3062], %add3A_3052 : memref<128xi32, #tpu.memory_space<vmem>>[vector<16xi32>], vector<16xi32>,
    %dma_start3A_3067 = arith.constant 4 : i32
    %dma_start3A_3068 = arith.constant 512 : i32
    %dma_start3A_3069 = arith.constant 0 : i32
    %dma_start3A_3070 = tpu.memref_slice %arg12[%dma_start3A_3068, %dma_start3A_3069] : memref<1024x64xf32, #tpu.memory_space<vmem>> -> memref<128x64xf32, #tpu.memory_space<vmem>>
    %dma_start3A_3071 = arith.constant 0 : i32
    %dma_start3A_3072 = tpu.memref_slice %arg11[%dma_start3A_3067, %dma_start3A_3071] : memref<8x128xi32, #tpu.memory_space<vmem>> -> memref<1x128xi32, #tpu.memory_space<vmem>>
    %dma_start3A_3073 = tpu.memref_squeeze %dma_start3A_3072 : memref<1x128xi32, #tpu.memory_space<vmem>> -> memref<128xi32, #tpu.memory_space<vmem>>
    %dma_start3A_3074 = arith.constant 0 : i32
    %dma_start3A_3075 = arith.constant 0 : i32
    %dma_start3A_3076 = tpu.memref_slice %arg13[%dma_start3A_3074, %dma_start3A_3075] : memref<200x64xf32, #tpu.memory_space<vmem_shared>> -> memref<200x64xf32, #tpu.memory_space<vmem_shared>>
    tpu.enqueue_indirect_dma source(%dma_start3A_3076 : memref<200x64xf32, #tpu.memory_space<vmem_shared>>) target(%dma_start3A_3070 : memref<128x64xf32, #tpu.memory_space<vmem>>) offsets(%dma_start3A_3073 : memref<128xi32, #tpu.memory_space<vmem>>) semaphore(%arg18 : memref<!tpu.dma_semaphore, #tpu.memory_space<semaphore_mem>>)
    %get3A_3077 = arith.constant 320 : index
    %get3A_3078 = tpu.vector_load %arg8[%get3A_3077] {strides = array<i32>} : memref<512xf32, #tpu.memory_space<vmem>>, vector<16xf32>,
    %get3A_3079 = arith.constant 320 : index
    %get3A_3080 = tpu.vector_load %arg9[%get3A_3079] {strides = array<i32>} : memref<512xf32, #tpu.memory_space<vmem>>, vector<16xf32>,
    %sub3A_3081 = arith.constant -9.000000e+01 : f32
    %sub3A_3082 = vector.broadcast %sub3A_3081 : f32 to vector<16xf32>
    %sub3A_3083 = arith.subf %get3A_3078, %sub3A_3082 : vector<16xf32>
    %mul3A_3084 = arith.constant 0.544444442 : f32
    %mul3A_3085 = vector.broadcast %mul3A_3084 : f32 to vector<16xf32>
    %mul3A_3086 = arith.mulf %sub3A_3083, %mul3A_3085 : vector<16xf32>
    %max3A_3087 = arith.constant -1.000000e+00 : f32
    %max3A_3088 = vector.broadcast %max3A_3087 : f32 to vector<16xf32>
    %max3A_3089 = arith.maximumf %mul3A_3086, %max3A_3088 : vector<16xf32>
    %min3A_3090 = arith.constant 1.010000e+02 : f32
    %min3A_3091 = vector.broadcast %min3A_3090 : f32 to vector<16xf32>
    %min3A_3092 = arith.minimumf %max3A_3089, %min3A_3091 : vector<16xf32>
    %convert_element_type3A_3093 = arith.fptosi %min3A_3092 : vector<16xf32> to vector<16xi32>
    %add3A_3094 = arith.constant 1 : i32
    %add3A_3095 = vector.broadcast %add3A_3094 : i32 to vector<16xi32>
    %add3A_3096 = arith.addi %convert_element_type3A_3093, %add3A_3095 : vector<16xi32>
    %jit3A_3097 = arith.constant 0 : i32
    %jit3A_3098 = arith.constant 99 : i32
    %max3A_3099 = vector.broadcast %jit3A_3097 : i32 to vector<16xi32>
    %max3A_3100 = arith.maxsi %max3A_3099, %add3A_3096 : vector<16xi32>
    %min3A_3101 = vector.broadcast %jit3A_3098 : i32 to vector<16xi32>
    %min3A_3102 = arith.minsi %min3A_3101, %max3A_3100 : vector<16xi32>
    %sub3A_3103 = arith.constant 1 : i32
    %sub3A_3104 = vector.broadcast %sub3A_3103 : i32 to vector<16xi32>
    %sub3A_3105 = arith.subi %min3A_3102, %sub3A_3104 : vector<16xi32>
    %jit3A_3106 = arith.constant 0 : i32
    %jit3A_3107 = arith.constant 98 : i32
    %max3A_3108 = vector.broadcast %jit3A_3106 : i32 to vector<16xi32>
    %max3A_3109 = arith.maxsi %max3A_3108, %sub3A_3105 : vector<16xi32>
    %min3A_3110 = vector.broadcast %jit3A_3107 : i32 to vector<16xi32>
    %min3A_3111 = arith.minsi %min3A_3110, %max3A_3109 : vector<16xi32>
    %gather3A_3112 = arith.constant 0 : i32
    %gather3A_3113 = arith.constant 0 : i32
    %gather3A_3114 = tpu.memref_slice %arg10[%gather3A_3112, %gather3A_3113] : memref<2x112xf32, #tpu.memory_space<vmem>> -> memref<1x112xf32, #tpu.memory_space<vmem>>
    %gather3A_3115 = tpu.memref_squeeze %gather3A_3114 : memref<1x112xf32, #tpu.memory_space<vmem>> -> memref<112xf32, #tpu.memory_space<vmem>>
    %gather3A_3116 = tpu.vector_load_idx %gather3A_3115[%min3A_3111] : memref<112xf32, #tpu.memory_space<vmem>>[vector<16xi32>], vector<16xf32>,
    %jit3A_3117 = arith.constant 0 : i32
    %jit3A_3118 = arith.constant 98 : i32
    %max3A_3119 = vector.broadcast %jit3A_3117 : i32 to vector<16xi32>
    %max3A_3120 = arith.maxsi %max3A_3119, %min3A_3102 : vector<16xi32>
    %min3A_3121 = vector.broadcast %jit3A_3118 : i32 to vector<16xi32>
    %min3A_3122 = arith.minsi %min3A_3121, %max3A_3120 : vector<16xi32>
    %gather3A_3123 = arith.constant 0 : i32
    %gather3A_3124 = arith.constant 0 : i32
    %gather3A_3125 = tpu.memref_slice %arg10[%gather3A_3123, %gather3A_3124] : memref<2x112xf32, #tpu.memory_space<vmem>> -> memref<1x112xf32, #tpu.memory_space<vmem>>
    %gather3A_3126 = tpu.memref_squeeze %gather3A_3125 : memref<1x112xf32, #tpu.memory_space<vmem>> -> memref<112xf32, #tpu.memory_space<vmem>>
    %gather3A_3127 = tpu.vector_load_idx %gather3A_3126[%min3A_3122] : memref<112xf32, #tpu.memory_space<vmem>>[vector<16xi32>], vector<16xf32>,
    %gt3A_3128 = arith.constant 0 : i32
    %gt3A_3129 = vector.broadcast %gt3A_3128 : i32 to vector<16xi32>
    %gt3A_3130 = arith.cmpi sgt, %min3A_3102, %gt3A_3129 : vector<16xi32>
    %gt3A_3131 = arith.cmpf ogt, %gather3A_3116, %get3A_3078 : vector<16xf32>
    %and3A_3132 = arith.andi %gt3A_3130, %gt3A_3131 : vector<16xi1>
    %lt3A_3133 = arith.constant 99 : i32
    %lt3A_3134 = vector.broadcast %lt3A_3133 : i32 to vector<16xi32>
    %lt3A_3135 = arith.cmpi slt, %min3A_3102, %lt3A_3134 : vector<16xi32>
    %le3A_3136 = arith.cmpf ole, %gather3A_3127, %get3A_3078 : vector<16xf32>
    %and3A_3137 = arith.andi %lt3A_3135, %le3A_3136 : vector<16xi1>
    %sub3A_3138 = arith.constant 1 : i32
    %sub3A_3139 = vector.broadcast %sub3A_3138 : i32 to vector<16xi32>
    %sub3A_3140 = arith.subi %min3A_3102, %sub3A_3139 : vector<16xi32>
    %add3A_3141 = arith.constant 1 : i32
    %add3A_3142 = vector.broadcast %add3A_3141 : i32 to vector<16xi32>
    %add3A_3143 = arith.addi %min3A_3102, %add3A_3142 : vector<16xi32>
    %select_n3A_3144 = arith.select %and3A_3137, %add3A_3143, %min3A_3102 : vector<16xi1>, vector<16xi32>
    %select_n3A_3145 = arith.select %and3A_3132, %sub3A_3140, %select_n3A_3144 : vector<16xi1>, vector<16xi32>
    %sub3A_3146 = arith.constant -1.800000e+02 : f32
    %sub3A_3147 = vector.broadcast %sub3A_3146 : f32 to vector<16xf32>
    %sub3A_3148 = arith.subf %get3A_3080, %sub3A_3147 : vector<16xf32>
    %mul3A_3149 = arith.constant 0.272222221 : f32
    %mul3A_3150 = vector.broadcast %mul3A_3149 : f32 to vector<16xf32>
    %mul3A_3151 = arith.mulf %sub3A_3148, %mul3A_3150 : vector<16xf32>
    %max3A_3152 = arith.constant -1.000000e+00 : f32
    %max3A_3153 = vector.broadcast %max3A_3152 : f32 to vector<16xf32>
    %max3A_3154 = arith.maximumf %mul3A_3151, %max3A_3153 : vector<16xf32>
    %min3A_3155 = arith.constant 1.010000e+02 : f32
    %min3A_3156 = vector.broadcast %min3A_3155 : f32 to vector<16xf32>
    %min3A_3157 = arith.minimumf %max3A_3154, %min3A_3156 : vector<16xf32>
    %convert_element_type3A_3158 = arith.fptosi %min3A_3157 : vector<16xf32> to vector<16xi32>
    %add3A_3159 = arith.constant 1 : i32
    %add3A_3160 = vector.broadcast %add3A_3159 : i32 to vector<16xi32>
    %add3A_3161 = arith.addi %convert_element_type3A_3158, %add3A_3160 : vector<16xi32>
    %jit3A_3162 = arith.constant 0 : i32
    %jit3A_3163 = arith.constant 99 : i32
    %max3A_3164 = vector.broadcast %jit3A_3162 : i32 to vector<16xi32>
    %max3A_3165 = arith.maxsi %max3A_3164, %add3A_3161 : vector<16xi32>
    %min3A_3166 = vector.broadcast %jit3A_3163 : i32 to vector<16xi32>
    %min3A_3167 = arith.minsi %min3A_3166, %max3A_3165 : vector<16xi32>
    %sub3A_3168 = arith.constant 1 : i32
    %sub3A_3169 = vector.broadcast %sub3A_3168 : i32 to vector<16xi32>
    %sub3A_3170 = arith.subi %min3A_3167, %sub3A_3169 : vector<16xi32>
    %jit3A_3171 = arith.constant 0 : i32
    %jit3A_3172 = arith.constant 98 : i32
    %max3A_3173 = vector.broadcast %jit3A_3171 : i32 to vector<16xi32>
    %max3A_3174 = arith.maxsi %max3A_3173, %sub3A_3170 : vector<16xi32>
    %min3A_3175 = vector.broadcast %jit3A_3172 : i32 to vector<16xi32>
    %min3A_3176 = arith.minsi %min3A_3175, %max3A_3174 : vector<16xi32>
    %gather3A_3177 = arith.constant 1 : i32
    %gather3A_3178 = arith.constant 0 : i32
    %gather3A_3179 = tpu.memref_slice %arg10[%gather3A_3177, %gather3A_3178] : memref<2x112xf32, #tpu.memory_space<vmem>> -> memref<1x112xf32, #tpu.memory_space<vmem>>
    %gather3A_3180 = tpu.memref_squeeze %gather3A_3179 : memref<1x112xf32, #tpu.memory_space<vmem>> -> memref<112xf32, #tpu.memory_space<vmem>>
    %gather3A_3181 = tpu.vector_load_idx %gather3A_3180[%min3A_3176] : memref<112xf32, #tpu.memory_space<vmem>>[vector<16xi32>], vector<16xf32>,
    %jit3A_3182 = arith.constant 0 : i32
    %jit3A_3183 = arith.constant 98 : i32
    %max3A_3184 = vector.broadcast %jit3A_3182 : i32 to vector<16xi32>
    %max3A_3185 = arith.maxsi %max3A_3184, %min3A_3167 : vector<16xi32>
    %min3A_3186 = vector.broadcast %jit3A_3183 : i32 to vector<16xi32>
    %min3A_3187 = arith.minsi %min3A_3186, %max3A_3185 : vector<16xi32>
    %gather3A_3188 = arith.constant 1 : i32
    %gather3A_3189 = arith.constant 0 : i32
    %gather3A_3190 = tpu.memref_slice %arg10[%gather3A_3188, %gather3A_3189] : memref<2x112xf32, #tpu.memory_space<vmem>> -> memref<1x112xf32, #tpu.memory_space<vmem>>
    %gather3A_3191 = tpu.memref_squeeze %gather3A_3190 : memref<1x112xf32, #tpu.memory_space<vmem>> -> memref<112xf32, #tpu.memory_space<vmem>>
    %gather3A_3192 = tpu.vector_load_idx %gather3A_3191[%min3A_3187] : memref<112xf32, #tpu.memory_space<vmem>>[vector<16xi32>], vector<16xf32>,
    %gt3A_3193 = arith.constant 0 : i32
    %gt3A_3194 = vector.broadcast %gt3A_3193 : i32 to vector<16xi32>
    %gt3A_3195 = arith.cmpi sgt, %min3A_3167, %gt3A_3194 : vector<16xi32>
    %gt3A_3196 = arith.cmpf ogt, %gather3A_3181, %get3A_3080 : vector<16xf32>
    %and3A_3197 = arith.andi %gt3A_3195, %gt3A_3196 : vector<16xi1>
    %lt3A_3198 = arith.constant 99 : i32
    %lt3A_3199 = vector.broadcast %lt3A_3198 : i32 to vector<16xi32>
    %lt3A_3200 = arith.cmpi slt, %min3A_3167, %lt3A_3199 : vector<16xi32>
    %le3A_3201 = arith.cmpf ole, %gather3A_3192, %get3A_3080 : vector<16xf32>
    %and3A_3202 = arith.andi %lt3A_3200, %le3A_3201 : vector<16xi1>
    %sub3A_3203 = arith.constant 1 : i32
    %sub3A_3204 = vector.broadcast %sub3A_3203 : i32 to vector<16xi32>
    %sub3A_3205 = arith.subi %min3A_3167, %sub3A_3204 : vector<16xi32>
    %add3A_3206 = arith.constant 1 : i32
    %add3A_3207 = vector.broadcast %add3A_3206 : i32 to vector<16xi32>
    %add3A_3208 = arith.addi %min3A_3167, %add3A_3207 : vector<16xi32>
    %select_n3A_3209 = arith.select %and3A_3202, %add3A_3208, %min3A_3167 : vector<16xi1>, vector<16xi32>
    %select_n3A_3210 = arith.select %and3A_3197, %sub3A_3205, %select_n3A_3209 : vector<16xi1>, vector<16xi32>
    %add3A_3211 = arith.constant 100 : i32
    %add3A_3212 = vector.broadcast %add3A_3211 : i32 to vector<16xi32>
    %add3A_3213 = arith.addi %select_n3A_3210, %add3A_3212 : vector<16xi32>
    %add3A_3214 = arith.constant 0 : i32
    %add3A_3215 = vector.broadcast %add3A_3214 : i32 to vector<16xi32>
    %add3A_3216 = arith.addi %add3A_3215, %mul3A_13 : vector<16xi32>
    %scatter3A_3217 = arith.constant 5 : i32
    %scatter3A_3218 = arith.constant 0 : i32
    %scatter3A_3219 = tpu.memref_slice %arg11[%scatter3A_3217, %scatter3A_3218] : memref<8x128xi32, #tpu.memory_space<vmem>> -> memref<1x128xi32, #tpu.memory_space<vmem>>
    %scatter3A_3220 = tpu.memref_squeeze %scatter3A_3219 : memref<1x128xi32, #tpu.memory_space<vmem>> -> memref<128xi32, #tpu.memory_space<vmem>>
    tpu.vector_store_idx %scatter3A_3220[%add3A_3216], %select_n3A_3145 : memref<128xi32, #tpu.memory_space<vmem>>[vector<16xi32>], vector<16xi32>,
    %add3A_3221 = arith.constant 1 : i32
    %add3A_3222 = vector.broadcast %add3A_3221 : i32 to vector<16xi32>
    %add3A_3223 = arith.addi %add3A_3216, %add3A_3222 : vector<16xi32>
    %scatter3A_3224 = arith.constant 5 : i32
    %scatter3A_3225 = arith.constant 0 : i32
    %scatter3A_3226 = tpu.memref_slice %arg11[%scatter3A_3224, %scatter3A_3225] : memref<8x128xi32, #tpu.memory_space<vmem>> -> memref<1x128xi32, #tpu.memory_space<vmem>>
    %scatter3A_3227 = tpu.memref_squeeze %scatter3A_3226 : memref<1x128xi32, #tpu.memory_space<vmem>> -> memref<128xi32, #tpu.memory_space<vmem>>
    tpu.vector_store_idx %scatter3A_3227[%add3A_3223], %add3A_3213 : memref<128xi32, #tpu.memory_space<vmem>>[vector<16xi32>], vector<16xi32>,
    %get3A_3228 = arith.constant 336 : index
    %get3A_3229 = tpu.vector_load %arg8[%get3A_3228] {strides = array<i32>} : memref<512xf32, #tpu.memory_space<vmem>>, vector<16xf32>,
    %get3A_3230 = arith.constant 336 : index
    %get3A_3231 = tpu.vector_load %arg9[%get3A_3230] {strides = array<i32>} : memref<512xf32, #tpu.memory_space<vmem>>, vector<16xf32>,
    %sub3A_3232 = arith.constant -9.000000e+01 : f32
    %sub3A_3233 = vector.broadcast %sub3A_3232 : f32 to vector<16xf32>
    %sub3A_3234 = arith.subf %get3A_3229, %sub3A_3233 : vector<16xf32>
    %mul3A_3235 = arith.constant 0.544444442 : f32
    %mul3A_3236 = vector.broadcast %mul3A_3235 : f32 to vector<16xf32>
    %mul3A_3237 = arith.mulf %sub3A_3234, %mul3A_3236 : vector<16xf32>
    %max3A_3238 = arith.constant -1.000000e+00 : f32
    %max3A_3239 = vector.broadcast %max3A_3238 : f32 to vector<16xf32>
    %max3A_3240 = arith.maximumf %mul3A_3237, %max3A_3239 : vector<16xf32>
    %min3A_3241 = arith.constant 1.010000e+02 : f32
    %min3A_3242 = vector.broadcast %min3A_3241 : f32 to vector<16xf32>
    %min3A_3243 = arith.minimumf %max3A_3240, %min3A_3242 : vector<16xf32>
    %convert_element_type3A_3244 = arith.fptosi %min3A_3243 : vector<16xf32> to vector<16xi32>
    %add3A_3245 = arith.constant 1 : i32
    %add3A_3246 = vector.broadcast %add3A_3245 : i32 to vector<16xi32>
    %add3A_3247 = arith.addi %convert_element_type3A_3244, %add3A_3246 : vector<16xi32>
    %jit3A_3248 = arith.constant 0 : i32
    %jit3A_3249 = arith.constant 99 : i32
    %max3A_3250 = vector.broadcast %jit3A_3248 : i32 to vector<16xi32>
    %max3A_3251 = arith.maxsi %max3A_3250, %add3A_3247 : vector<16xi32>
    %min3A_3252 = vector.broadcast %jit3A_3249 : i32 to vector<16xi32>
    %min3A_3253 = arith.minsi %min3A_3252, %max3A_3251 : vector<16xi32>
    %sub3A_3254 = arith.constant 1 : i32
    %sub3A_3255 = vector.broadcast %sub3A_3254 : i32 to vector<16xi32>
    %sub3A_3256 = arith.subi %min3A_3253, %sub3A_3255 : vector<16xi32>
    %jit3A_3257 = arith.constant 0 : i32
    %jit3A_3258 = arith.constant 98 : i32
    %max3A_3259 = vector.broadcast %jit3A_3257 : i32 to vector<16xi32>
    %max3A_3260 = arith.maxsi %max3A_3259, %sub3A_3256 : vector<16xi32>
    %min3A_3261 = vector.broadcast %jit3A_3258 : i32 to vector<16xi32>
    %min3A_3262 = arith.minsi %min3A_3261, %max3A_3260 : vector<16xi32>
    %gather3A_3263 = arith.constant 0 : i32
    %gather3A_3264 = arith.constant 0 : i32
    %gather3A_3265 = tpu.memref_slice %arg10[%gather3A_3263, %gather3A_3264] : memref<2x112xf32, #tpu.memory_space<vmem>> -> memref<1x112xf32, #tpu.memory_space<vmem>>
    %gather3A_3266 = tpu.memref_squeeze %gather3A_3265 : memref<1x112xf32, #tpu.memory_space<vmem>> -> memref<112xf32, #tpu.memory_space<vmem>>
    %gather3A_3267 = tpu.vector_load_idx %gather3A_3266[%min3A_3262] : memref<112xf32, #tpu.memory_space<vmem>>[vector<16xi32>], vector<16xf32>,
    %jit3A_3268 = arith.constant 0 : i32
    %jit3A_3269 = arith.constant 98 : i32
    %max3A_3270 = vector.broadcast %jit3A_3268 : i32 to vector<16xi32>
    %max3A_3271 = arith.maxsi %max3A_3270, %min3A_3253 : vector<16xi32>
    %min3A_3272 = vector.broadcast %jit3A_3269 : i32 to vector<16xi32>
    %min3A_3273 = arith.minsi %min3A_3272, %max3A_3271 : vector<16xi32>
    %gather3A_3274 = arith.constant 0 : i32
    %gather3A_3275 = arith.constant 0 : i32
    %gather3A_3276 = tpu.memref_slice %arg10[%gather3A_3274, %gather3A_3275] : memref<2x112xf32, #tpu.memory_space<vmem>> -> memref<1x112xf32, #tpu.memory_space<vmem>>
    %gather3A_3277 = tpu.memref_squeeze %gather3A_3276 : memref<1x112xf32, #tpu.memory_space<vmem>> -> memref<112xf32, #tpu.memory_space<vmem>>
    %gather3A_3278 = tpu.vector_load_idx %gather3A_3277[%min3A_3273] : memref<112xf32, #tpu.memory_space<vmem>>[vector<16xi32>], vector<16xf32>,
    %gt3A_3279 = arith.constant 0 : i32
    %gt3A_3280 = vector.broadcast %gt3A_3279 : i32 to vector<16xi32>
    %gt3A_3281 = arith.cmpi sgt, %min3A_3253, %gt3A_3280 : vector<16xi32>
    %gt3A_3282 = arith.cmpf ogt, %gather3A_3267, %get3A_3229 : vector<16xf32>
    %and3A_3283 = arith.andi %gt3A_3281, %gt3A_3282 : vector<16xi1>
    %lt3A_3284 = arith.constant 99 : i32
    %lt3A_3285 = vector.broadcast %lt3A_3284 : i32 to vector<16xi32>
    %lt3A_3286 = arith.cmpi slt, %min3A_3253, %lt3A_3285 : vector<16xi32>
    %le3A_3287 = arith.cmpf ole, %gather3A_3278, %get3A_3229 : vector<16xf32>
    %and3A_3288 = arith.andi %lt3A_3286, %le3A_3287 : vector<16xi1>
    %sub3A_3289 = arith.constant 1 : i32
    %sub3A_3290 = vector.broadcast %sub3A_3289 : i32 to vector<16xi32>
    %sub3A_3291 = arith.subi %min3A_3253, %sub3A_3290 : vector<16xi32>
    %add3A_3292 = arith.constant 1 : i32
    %add3A_3293 = vector.broadcast %add3A_3292 : i32 to vector<16xi32>
    %add3A_3294 = arith.addi %min3A_3253, %add3A_3293 : vector<16xi32>
    %select_n3A_3295 = arith.select %and3A_3288, %add3A_3294, %min3A_3253 : vector<16xi1>, vector<16xi32>
    %select_n3A_3296 = arith.select %and3A_3283, %sub3A_3291, %select_n3A_3295 : vector<16xi1>, vector<16xi32>
    %sub3A_3297 = arith.constant -1.800000e+02 : f32
    %sub3A_3298 = vector.broadcast %sub3A_3297 : f32 to vector<16xf32>
    %sub3A_3299 = arith.subf %get3A_3231, %sub3A_3298 : vector<16xf32>
    %mul3A_3300 = arith.constant 0.272222221 : f32
    %mul3A_3301 = vector.broadcast %mul3A_3300 : f32 to vector<16xf32>
    %mul3A_3302 = arith.mulf %sub3A_3299, %mul3A_3301 : vector<16xf32>
    %max3A_3303 = arith.constant -1.000000e+00 : f32
    %max3A_3304 = vector.broadcast %max3A_3303 : f32 to vector<16xf32>
    %max3A_3305 = arith.maximumf %mul3A_3302, %max3A_3304 : vector<16xf32>
    %min3A_3306 = arith.constant 1.010000e+02 : f32
    %min3A_3307 = vector.broadcast %min3A_3306 : f32 to vector<16xf32>
    %min3A_3308 = arith.minimumf %max3A_3305, %min3A_3307 : vector<16xf32>
    %convert_element_type3A_3309 = arith.fptosi %min3A_3308 : vector<16xf32> to vector<16xi32>
    %add3A_3310 = arith.constant 1 : i32
    %add3A_3311 = vector.broadcast %add3A_3310 : i32 to vector<16xi32>
    %add3A_3312 = arith.addi %convert_element_type3A_3309, %add3A_3311 : vector<16xi32>
    %jit3A_3313 = arith.constant 0 : i32
    %jit3A_3314 = arith.constant 99 : i32
    %max3A_3315 = vector.broadcast %jit3A_3313 : i32 to vector<16xi32>
    %max3A_3316 = arith.maxsi %max3A_3315, %add3A_3312 : vector<16xi32>
    %min3A_3317 = vector.broadcast %jit3A_3314 : i32 to vector<16xi32>
    %min3A_3318 = arith.minsi %min3A_3317, %max3A_3316 : vector<16xi32>
    %sub3A_3319 = arith.constant 1 : i32
    %sub3A_3320 = vector.broadcast %sub3A_3319 : i32 to vector<16xi32>
    %sub3A_3321 = arith.subi %min3A_3318, %sub3A_3320 : vector<16xi32>
    %jit3A_3322 = arith.constant 0 : i32
    %jit3A_3323 = arith.constant 98 : i32
    %max3A_3324 = vector.broadcast %jit3A_3322 : i32 to vector<16xi32>
    %max3A_3325 = arith.maxsi %max3A_3324, %sub3A_3321 : vector<16xi32>
    %min3A_3326 = vector.broadcast %jit3A_3323 : i32 to vector<16xi32>
    %min3A_3327 = arith.minsi %min3A_3326, %max3A_3325 : vector<16xi32>
    %gather3A_3328 = arith.constant 1 : i32
    %gather3A_3329 = arith.constant 0 : i32
    %gather3A_3330 = tpu.memref_slice %arg10[%gather3A_3328, %gather3A_3329] : memref<2x112xf32, #tpu.memory_space<vmem>> -> memref<1x112xf32, #tpu.memory_space<vmem>>
    %gather3A_3331 = tpu.memref_squeeze %gather3A_3330 : memref<1x112xf32, #tpu.memory_space<vmem>> -> memref<112xf32, #tpu.memory_space<vmem>>
    %gather3A_3332 = tpu.vector_load_idx %gather3A_3331[%min3A_3327] : memref<112xf32, #tpu.memory_space<vmem>>[vector<16xi32>], vector<16xf32>,
    %jit3A_3333 = arith.constant 0 : i32
    %jit3A_3334 = arith.constant 98 : i32
    %max3A_3335 = vector.broadcast %jit3A_3333 : i32 to vector<16xi32>
    %max3A_3336 = arith.maxsi %max3A_3335, %min3A_3318 : vector<16xi32>
    %min3A_3337 = vector.broadcast %jit3A_3334 : i32 to vector<16xi32>
    %min3A_3338 = arith.minsi %min3A_3337, %max3A_3336 : vector<16xi32>
    %gather3A_3339 = arith.constant 1 : i32
    %gather3A_3340 = arith.constant 0 : i32
    %gather3A_3341 = tpu.memref_slice %arg10[%gather3A_3339, %gather3A_3340] : memref<2x112xf32, #tpu.memory_space<vmem>> -> memref<1x112xf32, #tpu.memory_space<vmem>>
    %gather3A_3342 = tpu.memref_squeeze %gather3A_3341 : memref<1x112xf32, #tpu.memory_space<vmem>> -> memref<112xf32, #tpu.memory_space<vmem>>
    %gather3A_3343 = tpu.vector_load_idx %gather3A_3342[%min3A_3338] : memref<112xf32, #tpu.memory_space<vmem>>[vector<16xi32>], vector<16xf32>,
    %gt3A_3344 = arith.constant 0 : i32
    %gt3A_3345 = vector.broadcast %gt3A_3344 : i32 to vector<16xi32>
    %gt3A_3346 = arith.cmpi sgt, %min3A_3318, %gt3A_3345 : vector<16xi32>
    %gt3A_3347 = arith.cmpf ogt, %gather3A_3332, %get3A_3231 : vector<16xf32>
    %and3A_3348 = arith.andi %gt3A_3346, %gt3A_3347 : vector<16xi1>
    %lt3A_3349 = arith.constant 99 : i32
    %lt3A_3350 = vector.broadcast %lt3A_3349 : i32 to vector<16xi32>
    %lt3A_3351 = arith.cmpi slt, %min3A_3318, %lt3A_3350 : vector<16xi32>
    %le3A_3352 = arith.cmpf ole, %gather3A_3343, %get3A_3231 : vector<16xf32>
    %and3A_3353 = arith.andi %lt3A_3351, %le3A_3352 : vector<16xi1>
    %sub3A_3354 = arith.constant 1 : i32
    %sub3A_3355 = vector.broadcast %sub3A_3354 : i32 to vector<16xi32>
    %sub3A_3356 = arith.subi %min3A_3318, %sub3A_3355 : vector<16xi32>
    %add3A_3357 = arith.constant 1 : i32
    %add3A_3358 = vector.broadcast %add3A_3357 : i32 to vector<16xi32>
    %add3A_3359 = arith.addi %min3A_3318, %add3A_3358 : vector<16xi32>
    %select_n3A_3360 = arith.select %and3A_3353, %add3A_3359, %min3A_3318 : vector<16xi1>, vector<16xi32>
    %select_n3A_3361 = arith.select %and3A_3348, %sub3A_3356, %select_n3A_3360 : vector<16xi1>, vector<16xi32>
    %add3A_3362 = arith.constant 100 : i32
    %add3A_3363 = vector.broadcast %add3A_3362 : i32 to vector<16xi32>
    %add3A_3364 = arith.addi %select_n3A_3361, %add3A_3363 : vector<16xi32>
    %add3A_3365 = arith.constant 32 : i32
    %add3A_3366 = vector.broadcast %add3A_3365 : i32 to vector<16xi32>
    %add3A_3367 = arith.addi %add3A_3366, %mul3A_13 : vector<16xi32>
    %scatter3A_3368 = arith.constant 5 : i32
    %scatter3A_3369 = arith.constant 0 : i32
    %scatter3A_3370 = tpu.memref_slice %arg11[%scatter3A_3368, %scatter3A_3369] : memref<8x128xi32, #tpu.memory_space<vmem>> -> memref<1x128xi32, #tpu.memory_space<vmem>>
    %scatter3A_3371 = tpu.memref_squeeze %scatter3A_3370 : memref<1x128xi32, #tpu.memory_space<vmem>> -> memref<128xi32, #tpu.memory_space<vmem>>
    tpu.vector_store_idx %scatter3A_3371[%add3A_3367], %select_n3A_3296 : memref<128xi32, #tpu.memory_space<vmem>>[vector<16xi32>], vector<16xi32>,
    %add3A_3372 = arith.constant 1 : i32
    %add3A_3373 = vector.broadcast %add3A_3372 : i32 to vector<16xi32>
    %add3A_3374 = arith.addi %add3A_3367, %add3A_3373 : vector<16xi32>
    %scatter3A_3375 = arith.constant 5 : i32
    %scatter3A_3376 = arith.constant 0 : i32
    %scatter3A_3377 = tpu.memref_slice %arg11[%scatter3A_3375, %scatter3A_3376] : memref<8x128xi32, #tpu.memory_space<vmem>> -> memref<1x128xi32, #tpu.memory_space<vmem>>
    %scatter3A_3378 = tpu.memref_squeeze %scatter3A_3377 : memref<1x128xi32, #tpu.memory_space<vmem>> -> memref<128xi32, #tpu.memory_space<vmem>>
    tpu.vector_store_idx %scatter3A_3378[%add3A_3374], %add3A_3364 : memref<128xi32, #tpu.memory_space<vmem>>[vector<16xi32>], vector<16xi32>,
    %get3A_3379 = arith.constant 352 : index
    %get3A_3380 = tpu.vector_load %arg8[%get3A_3379] {strides = array<i32>} : memref<512xf32, #tpu.memory_space<vmem>>, vector<16xf32>,
    %get3A_3381 = arith.constant 352 : index
    %get3A_3382 = tpu.vector_load %arg9[%get3A_3381] {strides = array<i32>} : memref<512xf32, #tpu.memory_space<vmem>>, vector<16xf32>,
    %sub3A_3383 = arith.constant -9.000000e+01 : f32
    %sub3A_3384 = vector.broadcast %sub3A_3383 : f32 to vector<16xf32>
    %sub3A_3385 = arith.subf %get3A_3380, %sub3A_3384 : vector<16xf32>
    %mul3A_3386 = arith.constant 0.544444442 : f32
    %mul3A_3387 = vector.broadcast %mul3A_3386 : f32 to vector<16xf32>
    %mul3A_3388 = arith.mulf %sub3A_3385, %mul3A_3387 : vector<16xf32>
    %max3A_3389 = arith.constant -1.000000e+00 : f32
    %max3A_3390 = vector.broadcast %max3A_3389 : f32 to vector<16xf32>
    %max3A_3391 = arith.maximumf %mul3A_3388, %max3A_3390 : vector<16xf32>
    %min3A_3392 = arith.constant 1.010000e+02 : f32
    %min3A_3393 = vector.broadcast %min3A_3392 : f32 to vector<16xf32>
    %min3A_3394 = arith.minimumf %max3A_3391, %min3A_3393 : vector<16xf32>
    %convert_element_type3A_3395 = arith.fptosi %min3A_3394 : vector<16xf32> to vector<16xi32>
    %add3A_3396 = arith.constant 1 : i32
    %add3A_3397 = vector.broadcast %add3A_3396 : i32 to vector<16xi32>
    %add3A_3398 = arith.addi %convert_element_type3A_3395, %add3A_3397 : vector<16xi32>
    %jit3A_3399 = arith.constant 0 : i32
    %jit3A_3400 = arith.constant 99 : i32
    %max3A_3401 = vector.broadcast %jit3A_3399 : i32 to vector<16xi32>
    %max3A_3402 = arith.maxsi %max3A_3401, %add3A_3398 : vector<16xi32>
    %min3A_3403 = vector.broadcast %jit3A_3400 : i32 to vector<16xi32>
    %min3A_3404 = arith.minsi %min3A_3403, %max3A_3402 : vector<16xi32>
    %sub3A_3405 = arith.constant 1 : i32
    %sub3A_3406 = vector.broadcast %sub3A_3405 : i32 to vector<16xi32>
    %sub3A_3407 = arith.subi %min3A_3404, %sub3A_3406 : vector<16xi32>
    %jit3A_3408 = arith.constant 0 : i32
    %jit3A_3409 = arith.constant 98 : i32
    %max3A_3410 = vector.broadcast %jit3A_3408 : i32 to vector<16xi32>
    %max3A_3411 = arith.maxsi %max3A_3410, %sub3A_3407 : vector<16xi32>
    %min3A_3412 = vector.broadcast %jit3A_3409 : i32 to vector<16xi32>
    %min3A_3413 = arith.minsi %min3A_3412, %max3A_3411 : vector<16xi32>
    %gather3A_3414 = arith.constant 0 : i32
    %gather3A_3415 = arith.constant 0 : i32
    %gather3A_3416 = tpu.memref_slice %arg10[%gather3A_3414, %gather3A_3415] : memref<2x112xf32, #tpu.memory_space<vmem>> -> memref<1x112xf32, #tpu.memory_space<vmem>>
    %gather3A_3417 = tpu.memref_squeeze %gather3A_3416 : memref<1x112xf32, #tpu.memory_space<vmem>> -> memref<112xf32, #tpu.memory_space<vmem>>
    %gather3A_3418 = tpu.vector_load_idx %gather3A_3417[%min3A_3413] : memref<112xf32, #tpu.memory_space<vmem>>[vector<16xi32>], vector<16xf32>,
    %jit3A_3419 = arith.constant 0 : i32
    %jit3A_3420 = arith.constant 98 : i32
    %max3A_3421 = vector.broadcast %jit3A_3419 : i32 to vector<16xi32>
    %max3A_3422 = arith.maxsi %max3A_3421, %min3A_3404 : vector<16xi32>
    %min3A_3423 = vector.broadcast %jit3A_3420 : i32 to vector<16xi32>
    %min3A_3424 = arith.minsi %min3A_3423, %max3A_3422 : vector<16xi32>
    %gather3A_3425 = arith.constant 0 : i32
    %gather3A_3426 = arith.constant 0 : i32
    %gather3A_3427 = tpu.memref_slice %arg10[%gather3A_3425, %gather3A_3426] : memref<2x112xf32, #tpu.memory_space<vmem>> -> memref<1x112xf32, #tpu.memory_space<vmem>>
    %gather3A_3428 = tpu.memref_squeeze %gather3A_3427 : memref<1x112xf32, #tpu.memory_space<vmem>> -> memref<112xf32, #tpu.memory_space<vmem>>
    %gather3A_3429 = tpu.vector_load_idx %gather3A_3428[%min3A_3424] : memref<112xf32, #tpu.memory_space<vmem>>[vector<16xi32>], vector<16xf32>,
    %gt3A_3430 = arith.constant 0 : i32
    %gt3A_3431 = vector.broadcast %gt3A_3430 : i32 to vector<16xi32>
    %gt3A_3432 = arith.cmpi sgt, %min3A_3404, %gt3A_3431 : vector<16xi32>
    %gt3A_3433 = arith.cmpf ogt, %gather3A_3418, %get3A_3380 : vector<16xf32>
    %and3A_3434 = arith.andi %gt3A_3432, %gt3A_3433 : vector<16xi1>
    %lt3A_3435 = arith.constant 99 : i32
    %lt3A_3436 = vector.broadcast %lt3A_3435 : i32 to vector<16xi32>
    %lt3A_3437 = arith.cmpi slt, %min3A_3404, %lt3A_3436 : vector<16xi32>
    %le3A_3438 = arith.cmpf ole, %gather3A_3429, %get3A_3380 : vector<16xf32>
    %and3A_3439 = arith.andi %lt3A_3437, %le3A_3438 : vector<16xi1>
    %sub3A_3440 = arith.constant 1 : i32
    %sub3A_3441 = vector.broadcast %sub3A_3440 : i32 to vector<16xi32>
    %sub3A_3442 = arith.subi %min3A_3404, %sub3A_3441 : vector<16xi32>
    %add3A_3443 = arith.constant 1 : i32
    %add3A_3444 = vector.broadcast %add3A_3443 : i32 to vector<16xi32>
    %add3A_3445 = arith.addi %min3A_3404, %add3A_3444 : vector<16xi32>
    %select_n3A_3446 = arith.select %and3A_3439, %add3A_3445, %min3A_3404 : vector<16xi1>, vector<16xi32>
    %select_n3A_3447 = arith.select %and3A_3434, %sub3A_3442, %select_n3A_3446 : vector<16xi1>, vector<16xi32>
    %sub3A_3448 = arith.constant -1.800000e+02 : f32
    %sub3A_3449 = vector.broadcast %sub3A_3448 : f32 to vector<16xf32>
    %sub3A_3450 = arith.subf %get3A_3382, %sub3A_3449 : vector<16xf32>
    %mul3A_3451 = arith.constant 0.272222221 : f32
    %mul3A_3452 = vector.broadcast %mul3A_3451 : f32 to vector<16xf32>
    %mul3A_3453 = arith.mulf %sub3A_3450, %mul3A_3452 : vector<16xf32>
    %max3A_3454 = arith.constant -1.000000e+00 : f32
    %max3A_3455 = vector.broadcast %max3A_3454 : f32 to vector<16xf32>
    %max3A_3456 = arith.maximumf %mul3A_3453, %max3A_3455 : vector<16xf32>
    %min3A_3457 = arith.constant 1.010000e+02 : f32
    %min3A_3458 = vector.broadcast %min3A_3457 : f32 to vector<16xf32>
    %min3A_3459 = arith.minimumf %max3A_3456, %min3A_3458 : vector<16xf32>
    %convert_element_type3A_3460 = arith.fptosi %min3A_3459 : vector<16xf32> to vector<16xi32>
    %add3A_3461 = arith.constant 1 : i32
    %add3A_3462 = vector.broadcast %add3A_3461 : i32 to vector<16xi32>
    %add3A_3463 = arith.addi %convert_element_type3A_3460, %add3A_3462 : vector<16xi32>
    %jit3A_3464 = arith.constant 0 : i32
    %jit3A_3465 = arith.constant 99 : i32
    %max3A_3466 = vector.broadcast %jit3A_3464 : i32 to vector<16xi32>
    %max3A_3467 = arith.maxsi %max3A_3466, %add3A_3463 : vector<16xi32>
    %min3A_3468 = vector.broadcast %jit3A_3465 : i32 to vector<16xi32>
    %min3A_3469 = arith.minsi %min3A_3468, %max3A_3467 : vector<16xi32>
    %sub3A_3470 = arith.constant 1 : i32
    %sub3A_3471 = vector.broadcast %sub3A_3470 : i32 to vector<16xi32>
    %sub3A_3472 = arith.subi %min3A_3469, %sub3A_3471 : vector<16xi32>
    %jit3A_3473 = arith.constant 0 : i32
    %jit3A_3474 = arith.constant 98 : i32
    %max3A_3475 = vector.broadcast %jit3A_3473 : i32 to vector<16xi32>
    %max3A_3476 = arith.maxsi %max3A_3475, %sub3A_3472 : vector<16xi32>
    %min3A_3477 = vector.broadcast %jit3A_3474 : i32 to vector<16xi32>
    %min3A_3478 = arith.minsi %min3A_3477, %max3A_3476 : vector<16xi32>
    %gather3A_3479 = arith.constant 1 : i32
    %gather3A_3480 = arith.constant 0 : i32
    %gather3A_3481 = tpu.memref_slice %arg10[%gather3A_3479, %gather3A_3480] : memref<2x112xf32, #tpu.memory_space<vmem>> -> memref<1x112xf32, #tpu.memory_space<vmem>>
    %gather3A_3482 = tpu.memref_squeeze %gather3A_3481 : memref<1x112xf32, #tpu.memory_space<vmem>> -> memref<112xf32, #tpu.memory_space<vmem>>
    %gather3A_3483 = tpu.vector_load_idx %gather3A_3482[%min3A_3478] : memref<112xf32, #tpu.memory_space<vmem>>[vector<16xi32>], vector<16xf32>,
    %jit3A_3484 = arith.constant 0 : i32
    %jit3A_3485 = arith.constant 98 : i32
    %max3A_3486 = vector.broadcast %jit3A_3484 : i32 to vector<16xi32>
    %max3A_3487 = arith.maxsi %max3A_3486, %min3A_3469 : vector<16xi32>
    %min3A_3488 = vector.broadcast %jit3A_3485 : i32 to vector<16xi32>
    %min3A_3489 = arith.minsi %min3A_3488, %max3A_3487 : vector<16xi32>
    %gather3A_3490 = arith.constant 1 : i32
    %gather3A_3491 = arith.constant 0 : i32
    %gather3A_3492 = tpu.memref_slice %arg10[%gather3A_3490, %gather3A_3491] : memref<2x112xf32, #tpu.memory_space<vmem>> -> memref<1x112xf32, #tpu.memory_space<vmem>>
    %gather3A_3493 = tpu.memref_squeeze %gather3A_3492 : memref<1x112xf32, #tpu.memory_space<vmem>> -> memref<112xf32, #tpu.memory_space<vmem>>
    %gather3A_3494 = tpu.vector_load_idx %gather3A_3493[%min3A_3489] : memref<112xf32, #tpu.memory_space<vmem>>[vector<16xi32>], vector<16xf32>,
    %gt3A_3495 = arith.constant 0 : i32
    %gt3A_3496 = vector.broadcast %gt3A_3495 : i32 to vector<16xi32>
    %gt3A_3497 = arith.cmpi sgt, %min3A_3469, %gt3A_3496 : vector<16xi32>
    %gt3A_3498 = arith.cmpf ogt, %gather3A_3483, %get3A_3382 : vector<16xf32>
    %and3A_3499 = arith.andi %gt3A_3497, %gt3A_3498 : vector<16xi1>
    %lt3A_3500 = arith.constant 99 : i32
    %lt3A_3501 = vector.broadcast %lt3A_3500 : i32 to vector<16xi32>
    %lt3A_3502 = arith.cmpi slt, %min3A_3469, %lt3A_3501 : vector<16xi32>
    %le3A_3503 = arith.cmpf ole, %gather3A_3494, %get3A_3382 : vector<16xf32>
    %and3A_3504 = arith.andi %lt3A_3502, %le3A_3503 : vector<16xi1>
    %sub3A_3505 = arith.constant 1 : i32
    %sub3A_3506 = vector.broadcast %sub3A_3505 : i32 to vector<16xi32>
    %sub3A_3507 = arith.subi %min3A_3469, %sub3A_3506 : vector<16xi32>
    %add3A_3508 = arith.constant 1 : i32
    %add3A_3509 = vector.broadcast %add3A_3508 : i32 to vector<16xi32>
    %add3A_3510 = arith.addi %min3A_3469, %add3A_3509 : vector<16xi32>
    %select_n3A_3511 = arith.select %and3A_3504, %add3A_3510, %min3A_3469 : vector<16xi1>, vector<16xi32>
    %select_n3A_3512 = arith.select %and3A_3499, %sub3A_3507, %select_n3A_3511 : vector<16xi1>, vector<16xi32>
    %add3A_3513 = arith.constant 100 : i32
    %add3A_3514 = vector.broadcast %add3A_3513 : i32 to vector<16xi32>
    %add3A_3515 = arith.addi %select_n3A_3512, %add3A_3514 : vector<16xi32>
    %add3A_3516 = arith.constant 64 : i32
    %add3A_3517 = vector.broadcast %add3A_3516 : i32 to vector<16xi32>
    %add3A_3518 = arith.addi %add3A_3517, %mul3A_13 : vector<16xi32>
    %scatter3A_3519 = arith.constant 5 : i32
    %scatter3A_3520 = arith.constant 0 : i32
    %scatter3A_3521 = tpu.memref_slice %arg11[%scatter3A_3519, %scatter3A_3520] : memref<8x128xi32, #tpu.memory_space<vmem>> -> memref<1x128xi32, #tpu.memory_space<vmem>>
    %scatter3A_3522 = tpu.memref_squeeze %scatter3A_3521 : memref<1x128xi32, #tpu.memory_space<vmem>> -> memref<128xi32, #tpu.memory_space<vmem>>
    tpu.vector_store_idx %scatter3A_3522[%add3A_3518], %select_n3A_3447 : memref<128xi32, #tpu.memory_space<vmem>>[vector<16xi32>], vector<16xi32>,
    %add3A_3523 = arith.constant 1 : i32
    %add3A_3524 = vector.broadcast %add3A_3523 : i32 to vector<16xi32>
    %add3A_3525 = arith.addi %add3A_3518, %add3A_3524 : vector<16xi32>
    %scatter3A_3526 = arith.constant 5 : i32
    %scatter3A_3527 = arith.constant 0 : i32
    %scatter3A_3528 = tpu.memref_slice %arg11[%scatter3A_3526, %scatter3A_3527] : memref<8x128xi32, #tpu.memory_space<vmem>> -> memref<1x128xi32, #tpu.memory_space<vmem>>
    %scatter3A_3529 = tpu.memref_squeeze %scatter3A_3528 : memref<1x128xi32, #tpu.memory_space<vmem>> -> memref<128xi32, #tpu.memory_space<vmem>>
    tpu.vector_store_idx %scatter3A_3529[%add3A_3525], %add3A_3515 : memref<128xi32, #tpu.memory_space<vmem>>[vector<16xi32>], vector<16xi32>,
    %get3A_3530 = arith.constant 368 : index
    %get3A_3531 = tpu.vector_load %arg8[%get3A_3530] {strides = array<i32>} : memref<512xf32, #tpu.memory_space<vmem>>, vector<16xf32>,
    %get3A_3532 = arith.constant 368 : index
    %get3A_3533 = tpu.vector_load %arg9[%get3A_3532] {strides = array<i32>} : memref<512xf32, #tpu.memory_space<vmem>>, vector<16xf32>,
    %sub3A_3534 = arith.constant -9.000000e+01 : f32
    %sub3A_3535 = vector.broadcast %sub3A_3534 : f32 to vector<16xf32>
    %sub3A_3536 = arith.subf %get3A_3531, %sub3A_3535 : vector<16xf32>
    %mul3A_3537 = arith.constant 0.544444442 : f32
    %mul3A_3538 = vector.broadcast %mul3A_3537 : f32 to vector<16xf32>
    %mul3A_3539 = arith.mulf %sub3A_3536, %mul3A_3538 : vector<16xf32>
    %max3A_3540 = arith.constant -1.000000e+00 : f32
    %max3A_3541 = vector.broadcast %max3A_3540 : f32 to vector<16xf32>
    %max3A_3542 = arith.maximumf %mul3A_3539, %max3A_3541 : vector<16xf32>
    %min3A_3543 = arith.constant 1.010000e+02 : f32
    %min3A_3544 = vector.broadcast %min3A_3543 : f32 to vector<16xf32>
    %min3A_3545 = arith.minimumf %max3A_3542, %min3A_3544 : vector<16xf32>
    %convert_element_type3A_3546 = arith.fptosi %min3A_3545 : vector<16xf32> to vector<16xi32>
    %add3A_3547 = arith.constant 1 : i32
    %add3A_3548 = vector.broadcast %add3A_3547 : i32 to vector<16xi32>
    %add3A_3549 = arith.addi %convert_element_type3A_3546, %add3A_3548 : vector<16xi32>
    %jit3A_3550 = arith.constant 0 : i32
    %jit3A_3551 = arith.constant 99 : i32
    %max3A_3552 = vector.broadcast %jit3A_3550 : i32 to vector<16xi32>
    %max3A_3553 = arith.maxsi %max3A_3552, %add3A_3549 : vector<16xi32>
    %min3A_3554 = vector.broadcast %jit3A_3551 : i32 to vector<16xi32>
    %min3A_3555 = arith.minsi %min3A_3554, %max3A_3553 : vector<16xi32>
    %sub3A_3556 = arith.constant 1 : i32
    %sub3A_3557 = vector.broadcast %sub3A_3556 : i32 to vector<16xi32>
    %sub3A_3558 = arith.subi %min3A_3555, %sub3A_3557 : vector<16xi32>
    %jit3A_3559 = arith.constant 0 : i32
    %jit3A_3560 = arith.constant 98 : i32
    %max3A_3561 = vector.broadcast %jit3A_3559 : i32 to vector<16xi32>
    %max3A_3562 = arith.maxsi %max3A_3561, %sub3A_3558 : vector<16xi32>
    %min3A_3563 = vector.broadcast %jit3A_3560 : i32 to vector<16xi32>
    %min3A_3564 = arith.minsi %min3A_3563, %max3A_3562 : vector<16xi32>
    %gather3A_3565 = arith.constant 0 : i32
    %gather3A_3566 = arith.constant 0 : i32
    %gather3A_3567 = tpu.memref_slice %arg10[%gather3A_3565, %gather3A_3566] : memref<2x112xf32, #tpu.memory_space<vmem>> -> memref<1x112xf32, #tpu.memory_space<vmem>>
    %gather3A_3568 = tpu.memref_squeeze %gather3A_3567 : memref<1x112xf32, #tpu.memory_space<vmem>> -> memref<112xf32, #tpu.memory_space<vmem>>
    %gather3A_3569 = tpu.vector_load_idx %gather3A_3568[%min3A_3564] : memref<112xf32, #tpu.memory_space<vmem>>[vector<16xi32>], vector<16xf32>,
    %jit3A_3570 = arith.constant 0 : i32
    %jit3A_3571 = arith.constant 98 : i32
    %max3A_3572 = vector.broadcast %jit3A_3570 : i32 to vector<16xi32>
    %max3A_3573 = arith.maxsi %max3A_3572, %min3A_3555 : vector<16xi32>
    %min3A_3574 = vector.broadcast %jit3A_3571 : i32 to vector<16xi32>
    %min3A_3575 = arith.minsi %min3A_3574, %max3A_3573 : vector<16xi32>
    %gather3A_3576 = arith.constant 0 : i32
    %gather3A_3577 = arith.constant 0 : i32
    %gather3A_3578 = tpu.memref_slice %arg10[%gather3A_3576, %gather3A_3577] : memref<2x112xf32, #tpu.memory_space<vmem>> -> memref<1x112xf32, #tpu.memory_space<vmem>>
    %gather3A_3579 = tpu.memref_squeeze %gather3A_3578 : memref<1x112xf32, #tpu.memory_space<vmem>> -> memref<112xf32, #tpu.memory_space<vmem>>
    %gather3A_3580 = tpu.vector_load_idx %gather3A_3579[%min3A_3575] : memref<112xf32, #tpu.memory_space<vmem>>[vector<16xi32>], vector<16xf32>,
    %gt3A_3581 = arith.constant 0 : i32
    %gt3A_3582 = vector.broadcast %gt3A_3581 : i32 to vector<16xi32>
    %gt3A_3583 = arith.cmpi sgt, %min3A_3555, %gt3A_3582 : vector<16xi32>
    %gt3A_3584 = arith.cmpf ogt, %gather3A_3569, %get3A_3531 : vector<16xf32>
    %and3A_3585 = arith.andi %gt3A_3583, %gt3A_3584 : vector<16xi1>
    %lt3A_3586 = arith.constant 99 : i32
    %lt3A_3587 = vector.broadcast %lt3A_3586 : i32 to vector<16xi32>
    %lt3A_3588 = arith.cmpi slt, %min3A_3555, %lt3A_3587 : vector<16xi32>
    %le3A_3589 = arith.cmpf ole, %gather3A_3580, %get3A_3531 : vector<16xf32>
    %and3A_3590 = arith.andi %lt3A_3588, %le3A_3589 : vector<16xi1>
    %sub3A_3591 = arith.constant 1 : i32
    %sub3A_3592 = vector.broadcast %sub3A_3591 : i32 to vector<16xi32>
    %sub3A_3593 = arith.subi %min3A_3555, %sub3A_3592 : vector<16xi32>
    %add3A_3594 = arith.constant 1 : i32
    %add3A_3595 = vector.broadcast %add3A_3594 : i32 to vector<16xi32>
    %add3A_3596 = arith.addi %min3A_3555, %add3A_3595 : vector<16xi32>
    %select_n3A_3597 = arith.select %and3A_3590, %add3A_3596, %min3A_3555 : vector<16xi1>, vector<16xi32>
    %select_n3A_3598 = arith.select %and3A_3585, %sub3A_3593, %select_n3A_3597 : vector<16xi1>, vector<16xi32>
    %sub3A_3599 = arith.constant -1.800000e+02 : f32
    %sub3A_3600 = vector.broadcast %sub3A_3599 : f32 to vector<16xf32>
    %sub3A_3601 = arith.subf %get3A_3533, %sub3A_3600 : vector<16xf32>
    %mul3A_3602 = arith.constant 0.272222221 : f32
    %mul3A_3603 = vector.broadcast %mul3A_3602 : f32 to vector<16xf32>
    %mul3A_3604 = arith.mulf %sub3A_3601, %mul3A_3603 : vector<16xf32>
    %max3A_3605 = arith.constant -1.000000e+00 : f32
    %max3A_3606 = vector.broadcast %max3A_3605 : f32 to vector<16xf32>
    %max3A_3607 = arith.maximumf %mul3A_3604, %max3A_3606 : vector<16xf32>
    %min3A_3608 = arith.constant 1.010000e+02 : f32
    %min3A_3609 = vector.broadcast %min3A_3608 : f32 to vector<16xf32>
    %min3A_3610 = arith.minimumf %max3A_3607, %min3A_3609 : vector<16xf32>
    %convert_element_type3A_3611 = arith.fptosi %min3A_3610 : vector<16xf32> to vector<16xi32>
    %add3A_3612 = arith.constant 1 : i32
    %add3A_3613 = vector.broadcast %add3A_3612 : i32 to vector<16xi32>
    %add3A_3614 = arith.addi %convert_element_type3A_3611, %add3A_3613 : vector<16xi32>
    %jit3A_3615 = arith.constant 0 : i32
    %jit3A_3616 = arith.constant 99 : i32
    %max3A_3617 = vector.broadcast %jit3A_3615 : i32 to vector<16xi32>
    %max3A_3618 = arith.maxsi %max3A_3617, %add3A_3614 : vector<16xi32>
    %min3A_3619 = vector.broadcast %jit3A_3616 : i32 to vector<16xi32>
    %min3A_3620 = arith.minsi %min3A_3619, %max3A_3618 : vector<16xi32>
    %sub3A_3621 = arith.constant 1 : i32
    %sub3A_3622 = vector.broadcast %sub3A_3621 : i32 to vector<16xi32>
    %sub3A_3623 = arith.subi %min3A_3620, %sub3A_3622 : vector<16xi32>
    %jit3A_3624 = arith.constant 0 : i32
    %jit3A_3625 = arith.constant 98 : i32
    %max3A_3626 = vector.broadcast %jit3A_3624 : i32 to vector<16xi32>
    %max3A_3627 = arith.maxsi %max3A_3626, %sub3A_3623 : vector<16xi32>
    %min3A_3628 = vector.broadcast %jit3A_3625 : i32 to vector<16xi32>
    %min3A_3629 = arith.minsi %min3A_3628, %max3A_3627 : vector<16xi32>
    %gather3A_3630 = arith.constant 1 : i32
    %gather3A_3631 = arith.constant 0 : i32
    %gather3A_3632 = tpu.memref_slice %arg10[%gather3A_3630, %gather3A_3631] : memref<2x112xf32, #tpu.memory_space<vmem>> -> memref<1x112xf32, #tpu.memory_space<vmem>>
    %gather3A_3633 = tpu.memref_squeeze %gather3A_3632 : memref<1x112xf32, #tpu.memory_space<vmem>> -> memref<112xf32, #tpu.memory_space<vmem>>
    %gather3A_3634 = tpu.vector_load_idx %gather3A_3633[%min3A_3629] : memref<112xf32, #tpu.memory_space<vmem>>[vector<16xi32>], vector<16xf32>,
    %jit3A_3635 = arith.constant 0 : i32
    %jit3A_3636 = arith.constant 98 : i32
    %max3A_3637 = vector.broadcast %jit3A_3635 : i32 to vector<16xi32>
    %max3A_3638 = arith.maxsi %max3A_3637, %min3A_3620 : vector<16xi32>
    %min3A_3639 = vector.broadcast %jit3A_3636 : i32 to vector<16xi32>
    %min3A_3640 = arith.minsi %min3A_3639, %max3A_3638 : vector<16xi32>
    %gather3A_3641 = arith.constant 1 : i32
    %gather3A_3642 = arith.constant 0 : i32
    %gather3A_3643 = tpu.memref_slice %arg10[%gather3A_3641, %gather3A_3642] : memref<2x112xf32, #tpu.memory_space<vmem>> -> memref<1x112xf32, #tpu.memory_space<vmem>>
    %gather3A_3644 = tpu.memref_squeeze %gather3A_3643 : memref<1x112xf32, #tpu.memory_space<vmem>> -> memref<112xf32, #tpu.memory_space<vmem>>
    %gather3A_3645 = tpu.vector_load_idx %gather3A_3644[%min3A_3640] : memref<112xf32, #tpu.memory_space<vmem>>[vector<16xi32>], vector<16xf32>,
    %gt3A_3646 = arith.constant 0 : i32
    %gt3A_3647 = vector.broadcast %gt3A_3646 : i32 to vector<16xi32>
    %gt3A_3648 = arith.cmpi sgt, %min3A_3620, %gt3A_3647 : vector<16xi32>
    %gt3A_3649 = arith.cmpf ogt, %gather3A_3634, %get3A_3533 : vector<16xf32>
    %and3A_3650 = arith.andi %gt3A_3648, %gt3A_3649 : vector<16xi1>
    %lt3A_3651 = arith.constant 99 : i32
    %lt3A_3652 = vector.broadcast %lt3A_3651 : i32 to vector<16xi32>
    %lt3A_3653 = arith.cmpi slt, %min3A_3620, %lt3A_3652 : vector<16xi32>
    %le3A_3654 = arith.cmpf ole, %gather3A_3645, %get3A_3533 : vector<16xf32>
    %and3A_3655 = arith.andi %lt3A_3653, %le3A_3654 : vector<16xi1>
    %sub3A_3656 = arith.constant 1 : i32
    %sub3A_3657 = vector.broadcast %sub3A_3656 : i32 to vector<16xi32>
    %sub3A_3658 = arith.subi %min3A_3620, %sub3A_3657 : vector<16xi32>
    %add3A_3659 = arith.constant 1 : i32
    %add3A_3660 = vector.broadcast %add3A_3659 : i32 to vector<16xi32>
    %add3A_3661 = arith.addi %min3A_3620, %add3A_3660 : vector<16xi32>
    %select_n3A_3662 = arith.select %and3A_3655, %add3A_3661, %min3A_3620 : vector<16xi1>, vector<16xi32>
    %select_n3A_3663 = arith.select %and3A_3650, %sub3A_3658, %select_n3A_3662 : vector<16xi1>, vector<16xi32>
    %add3A_3664 = arith.constant 100 : i32
    %add3A_3665 = vector.broadcast %add3A_3664 : i32 to vector<16xi32>
    %add3A_3666 = arith.addi %select_n3A_3663, %add3A_3665 : vector<16xi32>
    %add3A_3667 = arith.constant 96 : i32
    %add3A_3668 = vector.broadcast %add3A_3667 : i32 to vector<16xi32>
    %add3A_3669 = arith.addi %add3A_3668, %mul3A_13 : vector<16xi32>
    %scatter3A_3670 = arith.constant 5 : i32
    %scatter3A_3671 = arith.constant 0 : i32
    %scatter3A_3672 = tpu.memref_slice %arg11[%scatter3A_3670, %scatter3A_3671] : memref<8x128xi32, #tpu.memory_space<vmem>> -> memref<1x128xi32, #tpu.memory_space<vmem>>
    %scatter3A_3673 = tpu.memref_squeeze %scatter3A_3672 : memref<1x128xi32, #tpu.memory_space<vmem>> -> memref<128xi32, #tpu.memory_space<vmem>>
    tpu.vector_store_idx %scatter3A_3673[%add3A_3669], %select_n3A_3598 : memref<128xi32, #tpu.memory_space<vmem>>[vector<16xi32>], vector<16xi32>,
    %add3A_3674 = arith.constant 1 : i32
    %add3A_3675 = vector.broadcast %add3A_3674 : i32 to vector<16xi32>
    %add3A_3676 = arith.addi %add3A_3669, %add3A_3675 : vector<16xi32>
    %scatter3A_3677 = arith.constant 5 : i32
    %scatter3A_3678 = arith.constant 0 : i32
    %scatter3A_3679 = tpu.memref_slice %arg11[%scatter3A_3677, %scatter3A_3678] : memref<8x128xi32, #tpu.memory_space<vmem>> -> memref<1x128xi32, #tpu.memory_space<vmem>>
    %scatter3A_3680 = tpu.memref_squeeze %scatter3A_3679 : memref<1x128xi32, #tpu.memory_space<vmem>> -> memref<128xi32, #tpu.memory_space<vmem>>
    tpu.vector_store_idx %scatter3A_3680[%add3A_3676], %add3A_3666 : memref<128xi32, #tpu.memory_space<vmem>>[vector<16xi32>], vector<16xi32>,
    %dma_start3A_3681 = arith.constant 5 : i32
    %dma_start3A_3682 = arith.constant 640 : i32
    %dma_start3A_3683 = arith.constant 0 : i32
    %dma_start3A_3684 = tpu.memref_slice %arg12[%dma_start3A_3682, %dma_start3A_3683] : memref<1024x64xf32, #tpu.memory_space<vmem>> -> memref<128x64xf32, #tpu.memory_space<vmem>>
    %dma_start3A_3685 = arith.constant 0 : i32
    %dma_start3A_3686 = tpu.memref_slice %arg11[%dma_start3A_3681, %dma_start3A_3685] : memref<8x128xi32, #tpu.memory_space<vmem>> -> memref<1x128xi32, #tpu.memory_space<vmem>>
    %dma_start3A_3687 = tpu.memref_squeeze %dma_start3A_3686 : memref<1x128xi32, #tpu.memory_space<vmem>> -> memref<128xi32, #tpu.memory_space<vmem>>
    %dma_start3A_3688 = arith.constant 0 : i32
    %dma_start3A_3689 = arith.constant 0 : i32
    %dma_start3A_3690 = tpu.memref_slice %arg13[%dma_start3A_3688, %dma_start3A_3689] : memref<200x64xf32, #tpu.memory_space<vmem_shared>> -> memref<200x64xf32, #tpu.memory_space<vmem_shared>>
    tpu.enqueue_indirect_dma source(%dma_start3A_3690 : memref<200x64xf32, #tpu.memory_space<vmem_shared>>) target(%dma_start3A_3684 : memref<128x64xf32, #tpu.memory_space<vmem>>) offsets(%dma_start3A_3687 : memref<128xi32, #tpu.memory_space<vmem>>) semaphore(%arg18 : memref<!tpu.dma_semaphore, #tpu.memory_space<semaphore_mem>>)
    %get3A_3691 = arith.constant 384 : index
    %get3A_3692 = tpu.vector_load %arg8[%get3A_3691] {strides = array<i32>} : memref<512xf32, #tpu.memory_space<vmem>>, vector<16xf32>,
    %get3A_3693 = arith.constant 384 : index
    %get3A_3694 = tpu.vector_load %arg9[%get3A_3693] {strides = array<i32>} : memref<512xf32, #tpu.memory_space<vmem>>, vector<16xf32>,
    %sub3A_3695 = arith.constant -9.000000e+01 : f32
    %sub3A_3696 = vector.broadcast %sub3A_3695 : f32 to vector<16xf32>
    %sub3A_3697 = arith.subf %get3A_3692, %sub3A_3696 : vector<16xf32>
    %mul3A_3698 = arith.constant 0.544444442 : f32
    %mul3A_3699 = vector.broadcast %mul3A_3698 : f32 to vector<16xf32>
    %mul3A_3700 = arith.mulf %sub3A_3697, %mul3A_3699 : vector<16xf32>
    %max3A_3701 = arith.constant -1.000000e+00 : f32
    %max3A_3702 = vector.broadcast %max3A_3701 : f32 to vector<16xf32>
    %max3A_3703 = arith.maximumf %mul3A_3700, %max3A_3702 : vector<16xf32>
    %min3A_3704 = arith.constant 1.010000e+02 : f32
    %min3A_3705 = vector.broadcast %min3A_3704 : f32 to vector<16xf32>
    %min3A_3706 = arith.minimumf %max3A_3703, %min3A_3705 : vector<16xf32>
    %convert_element_type3A_3707 = arith.fptosi %min3A_3706 : vector<16xf32> to vector<16xi32>
    %add3A_3708 = arith.constant 1 : i32
    %add3A_3709 = vector.broadcast %add3A_3708 : i32 to vector<16xi32>
    %add3A_3710 = arith.addi %convert_element_type3A_3707, %add3A_3709 : vector<16xi32>
    %jit3A_3711 = arith.constant 0 : i32
    %jit3A_3712 = arith.constant 99 : i32
    %max3A_3713 = vector.broadcast %jit3A_3711 : i32 to vector<16xi32>
    %max3A_3714 = arith.maxsi %max3A_3713, %add3A_3710 : vector<16xi32>
    %min3A_3715 = vector.broadcast %jit3A_3712 : i32 to vector<16xi32>
    %min3A_3716 = arith.minsi %min3A_3715, %max3A_3714 : vector<16xi32>
    %sub3A_3717 = arith.constant 1 : i32
    %sub3A_3718 = vector.broadcast %sub3A_3717 : i32 to vector<16xi32>
    %sub3A_3719 = arith.subi %min3A_3716, %sub3A_3718 : vector<16xi32>
    %jit3A_3720 = arith.constant 0 : i32
    %jit3A_3721 = arith.constant 98 : i32
    %max3A_3722 = vector.broadcast %jit3A_3720 : i32 to vector<16xi32>
    %max3A_3723 = arith.maxsi %max3A_3722, %sub3A_3719 : vector<16xi32>
    %min3A_3724 = vector.broadcast %jit3A_3721 : i32 to vector<16xi32>
    %min3A_3725 = arith.minsi %min3A_3724, %max3A_3723 : vector<16xi32>
    %gather3A_3726 = arith.constant 0 : i32
    %gather3A_3727 = arith.constant 0 : i32
    %gather3A_3728 = tpu.memref_slice %arg10[%gather3A_3726, %gather3A_3727] : memref<2x112xf32, #tpu.memory_space<vmem>> -> memref<1x112xf32, #tpu.memory_space<vmem>>
    %gather3A_3729 = tpu.memref_squeeze %gather3A_3728 : memref<1x112xf32, #tpu.memory_space<vmem>> -> memref<112xf32, #tpu.memory_space<vmem>>
    %gather3A_3730 = tpu.vector_load_idx %gather3A_3729[%min3A_3725] : memref<112xf32, #tpu.memory_space<vmem>>[vector<16xi32>], vector<16xf32>,
    %jit3A_3731 = arith.constant 0 : i32
    %jit3A_3732 = arith.constant 98 : i32
    %max3A_3733 = vector.broadcast %jit3A_3731 : i32 to vector<16xi32>
    %max3A_3734 = arith.maxsi %max3A_3733, %min3A_3716 : vector<16xi32>
    %min3A_3735 = vector.broadcast %jit3A_3732 : i32 to vector<16xi32>
    %min3A_3736 = arith.minsi %min3A_3735, %max3A_3734 : vector<16xi32>
    %gather3A_3737 = arith.constant 0 : i32
    %gather3A_3738 = arith.constant 0 : i32
    %gather3A_3739 = tpu.memref_slice %arg10[%gather3A_3737, %gather3A_3738] : memref<2x112xf32, #tpu.memory_space<vmem>> -> memref<1x112xf32, #tpu.memory_space<vmem>>
    %gather3A_3740 = tpu.memref_squeeze %gather3A_3739 : memref<1x112xf32, #tpu.memory_space<vmem>> -> memref<112xf32, #tpu.memory_space<vmem>>
    %gather3A_3741 = tpu.vector_load_idx %gather3A_3740[%min3A_3736] : memref<112xf32, #tpu.memory_space<vmem>>[vector<16xi32>], vector<16xf32>,
    %gt3A_3742 = arith.constant 0 : i32
    %gt3A_3743 = vector.broadcast %gt3A_3742 : i32 to vector<16xi32>
    %gt3A_3744 = arith.cmpi sgt, %min3A_3716, %gt3A_3743 : vector<16xi32>
    %gt3A_3745 = arith.cmpf ogt, %gather3A_3730, %get3A_3692 : vector<16xf32>
    %and3A_3746 = arith.andi %gt3A_3744, %gt3A_3745 : vector<16xi1>
    %lt3A_3747 = arith.constant 99 : i32
    %lt3A_3748 = vector.broadcast %lt3A_3747 : i32 to vector<16xi32>
    %lt3A_3749 = arith.cmpi slt, %min3A_3716, %lt3A_3748 : vector<16xi32>
    %le3A_3750 = arith.cmpf ole, %gather3A_3741, %get3A_3692 : vector<16xf32>
    %and3A_3751 = arith.andi %lt3A_3749, %le3A_3750 : vector<16xi1>
    %sub3A_3752 = arith.constant 1 : i32
    %sub3A_3753 = vector.broadcast %sub3A_3752 : i32 to vector<16xi32>
    %sub3A_3754 = arith.subi %min3A_3716, %sub3A_3753 : vector<16xi32>
    %add3A_3755 = arith.constant 1 : i32
    %add3A_3756 = vector.broadcast %add3A_3755 : i32 to vector<16xi32>
    %add3A_3757 = arith.addi %min3A_3716, %add3A_3756 : vector<16xi32>
    %select_n3A_3758 = arith.select %and3A_3751, %add3A_3757, %min3A_3716 : vector<16xi1>, vector<16xi32>
    %select_n3A_3759 = arith.select %and3A_3746, %sub3A_3754, %select_n3A_3758 : vector<16xi1>, vector<16xi32>
    %sub3A_3760 = arith.constant -1.800000e+02 : f32
    %sub3A_3761 = vector.broadcast %sub3A_3760 : f32 to vector<16xf32>
    %sub3A_3762 = arith.subf %get3A_3694, %sub3A_3761 : vector<16xf32>
    %mul3A_3763 = arith.constant 0.272222221 : f32
    %mul3A_3764 = vector.broadcast %mul3A_3763 : f32 to vector<16xf32>
    %mul3A_3765 = arith.mulf %sub3A_3762, %mul3A_3764 : vector<16xf32>
    %max3A_3766 = arith.constant -1.000000e+00 : f32
    %max3A_3767 = vector.broadcast %max3A_3766 : f32 to vector<16xf32>
    %max3A_3768 = arith.maximumf %mul3A_3765, %max3A_3767 : vector<16xf32>
    %min3A_3769 = arith.constant 1.010000e+02 : f32
    %min3A_3770 = vector.broadcast %min3A_3769 : f32 to vector<16xf32>
    %min3A_3771 = arith.minimumf %max3A_3768, %min3A_3770 : vector<16xf32>
    %convert_element_type3A_3772 = arith.fptosi %min3A_3771 : vector<16xf32> to vector<16xi32>
    %add3A_3773 = arith.constant 1 : i32
    %add3A_3774 = vector.broadcast %add3A_3773 : i32 to vector<16xi32>
    %add3A_3775 = arith.addi %convert_element_type3A_3772, %add3A_3774 : vector<16xi32>
    %jit3A_3776 = arith.constant 0 : i32
    %jit3A_3777 = arith.constant 99 : i32
    %max3A_3778 = vector.broadcast %jit3A_3776 : i32 to vector<16xi32>
    %max3A_3779 = arith.maxsi %max3A_3778, %add3A_3775 : vector<16xi32>
    %min3A_3780 = vector.broadcast %jit3A_3777 : i32 to vector<16xi32>
    %min3A_3781 = arith.minsi %min3A_3780, %max3A_3779 : vector<16xi32>
    %sub3A_3782 = arith.constant 1 : i32
    %sub3A_3783 = vector.broadcast %sub3A_3782 : i32 to vector<16xi32>
    %sub3A_3784 = arith.subi %min3A_3781, %sub3A_3783 : vector<16xi32>
    %jit3A_3785 = arith.constant 0 : i32
    %jit3A_3786 = arith.constant 98 : i32
    %max3A_3787 = vector.broadcast %jit3A_3785 : i32 to vector<16xi32>
    %max3A_3788 = arith.maxsi %max3A_3787, %sub3A_3784 : vector<16xi32>
    %min3A_3789 = vector.broadcast %jit3A_3786 : i32 to vector<16xi32>
    %min3A_3790 = arith.minsi %min3A_3789, %max3A_3788 : vector<16xi32>
    %gather3A_3791 = arith.constant 1 : i32
    %gather3A_3792 = arith.constant 0 : i32
    %gather3A_3793 = tpu.memref_slice %arg10[%gather3A_3791, %gather3A_3792] : memref<2x112xf32, #tpu.memory_space<vmem>> -> memref<1x112xf32, #tpu.memory_space<vmem>>
    %gather3A_3794 = tpu.memref_squeeze %gather3A_3793 : memref<1x112xf32, #tpu.memory_space<vmem>> -> memref<112xf32, #tpu.memory_space<vmem>>
    %gather3A_3795 = tpu.vector_load_idx %gather3A_3794[%min3A_3790] : memref<112xf32, #tpu.memory_space<vmem>>[vector<16xi32>], vector<16xf32>,
    %jit3A_3796 = arith.constant 0 : i32
    %jit3A_3797 = arith.constant 98 : i32
    %max3A_3798 = vector.broadcast %jit3A_3796 : i32 to vector<16xi32>
    %max3A_3799 = arith.maxsi %max3A_3798, %min3A_3781 : vector<16xi32>
    %min3A_3800 = vector.broadcast %jit3A_3797 : i32 to vector<16xi32>
    %min3A_3801 = arith.minsi %min3A_3800, %max3A_3799 : vector<16xi32>
    %gather3A_3802 = arith.constant 1 : i32
    %gather3A_3803 = arith.constant 0 : i32
    %gather3A_3804 = tpu.memref_slice %arg10[%gather3A_3802, %gather3A_3803] : memref<2x112xf32, #tpu.memory_space<vmem>> -> memref<1x112xf32, #tpu.memory_space<vmem>>
    %gather3A_3805 = tpu.memref_squeeze %gather3A_3804 : memref<1x112xf32, #tpu.memory_space<vmem>> -> memref<112xf32, #tpu.memory_space<vmem>>
    %gather3A_3806 = tpu.vector_load_idx %gather3A_3805[%min3A_3801] : memref<112xf32, #tpu.memory_space<vmem>>[vector<16xi32>], vector<16xf32>,
    %gt3A_3807 = arith.constant 0 : i32
    %gt3A_3808 = vector.broadcast %gt3A_3807 : i32 to vector<16xi32>
    %gt3A_3809 = arith.cmpi sgt, %min3A_3781, %gt3A_3808 : vector<16xi32>
    %gt3A_3810 = arith.cmpf ogt, %gather3A_3795, %get3A_3694 : vector<16xf32>
    %and3A_3811 = arith.andi %gt3A_3809, %gt3A_3810 : vector<16xi1>
    %lt3A_3812 = arith.constant 99 : i32
    %lt3A_3813 = vector.broadcast %lt3A_3812 : i32 to vector<16xi32>
    %lt3A_3814 = arith.cmpi slt, %min3A_3781, %lt3A_3813 : vector<16xi32>
    %le3A_3815 = arith.cmpf ole, %gather3A_3806, %get3A_3694 : vector<16xf32>
    %and3A_3816 = arith.andi %lt3A_3814, %le3A_3815 : vector<16xi1>
    %sub3A_3817 = arith.constant 1 : i32
    %sub3A_3818 = vector.broadcast %sub3A_3817 : i32 to vector<16xi32>
    %sub3A_3819 = arith.subi %min3A_3781, %sub3A_3818 : vector<16xi32>
    %add3A_3820 = arith.constant 1 : i32
    %add3A_3821 = vector.broadcast %add3A_3820 : i32 to vector<16xi32>
    %add3A_3822 = arith.addi %min3A_3781, %add3A_3821 : vector<16xi32>
    %select_n3A_3823 = arith.select %and3A_3816, %add3A_3822, %min3A_3781 : vector<16xi1>, vector<16xi32>
    %select_n3A_3824 = arith.select %and3A_3811, %sub3A_3819, %select_n3A_3823 : vector<16xi1>, vector<16xi32>
    %add3A_3825 = arith.constant 100 : i32
    %add3A_3826 = vector.broadcast %add3A_3825 : i32 to vector<16xi32>
    %add3A_3827 = arith.addi %select_n3A_3824, %add3A_3826 : vector<16xi32>
    %add3A_3828 = arith.constant 0 : i32
    %add3A_3829 = vector.broadcast %add3A_3828 : i32 to vector<16xi32>
    %add3A_3830 = arith.addi %add3A_3829, %mul3A_13 : vector<16xi32>
    %scatter3A_3831 = arith.constant 6 : i32
    %scatter3A_3832 = arith.constant 0 : i32
    %scatter3A_3833 = tpu.memref_slice %arg11[%scatter3A_3831, %scatter3A_3832] : memref<8x128xi32, #tpu.memory_space<vmem>> -> memref<1x128xi32, #tpu.memory_space<vmem>>
    %scatter3A_3834 = tpu.memref_squeeze %scatter3A_3833 : memref<1x128xi32, #tpu.memory_space<vmem>> -> memref<128xi32, #tpu.memory_space<vmem>>
    tpu.vector_store_idx %scatter3A_3834[%add3A_3830], %select_n3A_3759 : memref<128xi32, #tpu.memory_space<vmem>>[vector<16xi32>], vector<16xi32>,
    %add3A_3835 = arith.constant 1 : i32
    %add3A_3836 = vector.broadcast %add3A_3835 : i32 to vector<16xi32>
    %add3A_3837 = arith.addi %add3A_3830, %add3A_3836 : vector<16xi32>
    %scatter3A_3838 = arith.constant 6 : i32
    %scatter3A_3839 = arith.constant 0 : i32
    %scatter3A_3840 = tpu.memref_slice %arg11[%scatter3A_3838, %scatter3A_3839] : memref<8x128xi32, #tpu.memory_space<vmem>> -> memref<1x128xi32, #tpu.memory_space<vmem>>
    %scatter3A_3841 = tpu.memref_squeeze %scatter3A_3840 : memref<1x128xi32, #tpu.memory_space<vmem>> -> memref<128xi32, #tpu.memory_space<vmem>>
    tpu.vector_store_idx %scatter3A_3841[%add3A_3837], %add3A_3827 : memref<128xi32, #tpu.memory_space<vmem>>[vector<16xi32>], vector<16xi32>,
    %get3A_3842 = arith.constant 400 : index
    %get3A_3843 = tpu.vector_load %arg8[%get3A_3842] {strides = array<i32>} : memref<512xf32, #tpu.memory_space<vmem>>, vector<16xf32>,
    %get3A_3844 = arith.constant 400 : index
    %get3A_3845 = tpu.vector_load %arg9[%get3A_3844] {strides = array<i32>} : memref<512xf32, #tpu.memory_space<vmem>>, vector<16xf32>,
    %sub3A_3846 = arith.constant -9.000000e+01 : f32
    %sub3A_3847 = vector.broadcast %sub3A_3846 : f32 to vector<16xf32>
    %sub3A_3848 = arith.subf %get3A_3843, %sub3A_3847 : vector<16xf32>
    %mul3A_3849 = arith.constant 0.544444442 : f32
    %mul3A_3850 = vector.broadcast %mul3A_3849 : f32 to vector<16xf32>
    %mul3A_3851 = arith.mulf %sub3A_3848, %mul3A_3850 : vector<16xf32>
    %max3A_3852 = arith.constant -1.000000e+00 : f32
    %max3A_3853 = vector.broadcast %max3A_3852 : f32 to vector<16xf32>
    %max3A_3854 = arith.maximumf %mul3A_3851, %max3A_3853 : vector<16xf32>
    %min3A_3855 = arith.constant 1.010000e+02 : f32
    %min3A_3856 = vector.broadcast %min3A_3855 : f32 to vector<16xf32>
    %min3A_3857 = arith.minimumf %max3A_3854, %min3A_3856 : vector<16xf32>
    %convert_element_type3A_3858 = arith.fptosi %min3A_3857 : vector<16xf32> to vector<16xi32>
    %add3A_3859 = arith.constant 1 : i32
    %add3A_3860 = vector.broadcast %add3A_3859 : i32 to vector<16xi32>
    %add3A_3861 = arith.addi %convert_element_type3A_3858, %add3A_3860 : vector<16xi32>
    %jit3A_3862 = arith.constant 0 : i32
    %jit3A_3863 = arith.constant 99 : i32
    %max3A_3864 = vector.broadcast %jit3A_3862 : i32 to vector<16xi32>
    %max3A_3865 = arith.maxsi %max3A_3864, %add3A_3861 : vector<16xi32>
    %min3A_3866 = vector.broadcast %jit3A_3863 : i32 to vector<16xi32>
    %min3A_3867 = arith.minsi %min3A_3866, %max3A_3865 : vector<16xi32>
    %sub3A_3868 = arith.constant 1 : i32
    %sub3A_3869 = vector.broadcast %sub3A_3868 : i32 to vector<16xi32>
    %sub3A_3870 = arith.subi %min3A_3867, %sub3A_3869 : vector<16xi32>
    %jit3A_3871 = arith.constant 0 : i32
    %jit3A_3872 = arith.constant 98 : i32
    %max3A_3873 = vector.broadcast %jit3A_3871 : i32 to vector<16xi32>
    %max3A_3874 = arith.maxsi %max3A_3873, %sub3A_3870 : vector<16xi32>
    %min3A_3875 = vector.broadcast %jit3A_3872 : i32 to vector<16xi32>
    %min3A_3876 = arith.minsi %min3A_3875, %max3A_3874 : vector<16xi32>
    %gather3A_3877 = arith.constant 0 : i32
    %gather3A_3878 = arith.constant 0 : i32
    %gather3A_3879 = tpu.memref_slice %arg10[%gather3A_3877, %gather3A_3878] : memref<2x112xf32, #tpu.memory_space<vmem>> -> memref<1x112xf32, #tpu.memory_space<vmem>>
    %gather3A_3880 = tpu.memref_squeeze %gather3A_3879 : memref<1x112xf32, #tpu.memory_space<vmem>> -> memref<112xf32, #tpu.memory_space<vmem>>
    %gather3A_3881 = tpu.vector_load_idx %gather3A_3880[%min3A_3876] : memref<112xf32, #tpu.memory_space<vmem>>[vector<16xi32>], vector<16xf32>,
    %jit3A_3882 = arith.constant 0 : i32
    %jit3A_3883 = arith.constant 98 : i32
    %max3A_3884 = vector.broadcast %jit3A_3882 : i32 to vector<16xi32>
    %max3A_3885 = arith.maxsi %max3A_3884, %min3A_3867 : vector<16xi32>
    %min3A_3886 = vector.broadcast %jit3A_3883 : i32 to vector<16xi32>
    %min3A_3887 = arith.minsi %min3A_3886, %max3A_3885 : vector<16xi32>
    %gather3A_3888 = arith.constant 0 : i32
    %gather3A_3889 = arith.constant 0 : i32
    %gather3A_3890 = tpu.memref_slice %arg10[%gather3A_3888, %gather3A_3889] : memref<2x112xf32, #tpu.memory_space<vmem>> -> memref<1x112xf32, #tpu.memory_space<vmem>>
    %gather3A_3891 = tpu.memref_squeeze %gather3A_3890 : memref<1x112xf32, #tpu.memory_space<vmem>> -> memref<112xf32, #tpu.memory_space<vmem>>
    %gather3A_3892 = tpu.vector_load_idx %gather3A_3891[%min3A_3887] : memref<112xf32, #tpu.memory_space<vmem>>[vector<16xi32>], vector<16xf32>,
    %gt3A_3893 = arith.constant 0 : i32
    %gt3A_3894 = vector.broadcast %gt3A_3893 : i32 to vector<16xi32>
    %gt3A_3895 = arith.cmpi sgt, %min3A_3867, %gt3A_3894 : vector<16xi32>
    %gt3A_3896 = arith.cmpf ogt, %gather3A_3881, %get3A_3843 : vector<16xf32>
    %and3A_3897 = arith.andi %gt3A_3895, %gt3A_3896 : vector<16xi1>
    %lt3A_3898 = arith.constant 99 : i32
    %lt3A_3899 = vector.broadcast %lt3A_3898 : i32 to vector<16xi32>
    %lt3A_3900 = arith.cmpi slt, %min3A_3867, %lt3A_3899 : vector<16xi32>
    %le3A_3901 = arith.cmpf ole, %gather3A_3892, %get3A_3843 : vector<16xf32>
    %and3A_3902 = arith.andi %lt3A_3900, %le3A_3901 : vector<16xi1>
    %sub3A_3903 = arith.constant 1 : i32
    %sub3A_3904 = vector.broadcast %sub3A_3903 : i32 to vector<16xi32>
    %sub3A_3905 = arith.subi %min3A_3867, %sub3A_3904 : vector<16xi32>
    %add3A_3906 = arith.constant 1 : i32
    %add3A_3907 = vector.broadcast %add3A_3906 : i32 to vector<16xi32>
    %add3A_3908 = arith.addi %min3A_3867, %add3A_3907 : vector<16xi32>
    %select_n3A_3909 = arith.select %and3A_3902, %add3A_3908, %min3A_3867 : vector<16xi1>, vector<16xi32>
    %select_n3A_3910 = arith.select %and3A_3897, %sub3A_3905, %select_n3A_3909 : vector<16xi1>, vector<16xi32>
    %sub3A_3911 = arith.constant -1.800000e+02 : f32
    %sub3A_3912 = vector.broadcast %sub3A_3911 : f32 to vector<16xf32>
    %sub3A_3913 = arith.subf %get3A_3845, %sub3A_3912 : vector<16xf32>
    %mul3A_3914 = arith.constant 0.272222221 : f32
    %mul3A_3915 = vector.broadcast %mul3A_3914 : f32 to vector<16xf32>
    %mul3A_3916 = arith.mulf %sub3A_3913, %mul3A_3915 : vector<16xf32>
    %max3A_3917 = arith.constant -1.000000e+00 : f32
    %max3A_3918 = vector.broadcast %max3A_3917 : f32 to vector<16xf32>
    %max3A_3919 = arith.maximumf %mul3A_3916, %max3A_3918 : vector<16xf32>
    %min3A_3920 = arith.constant 1.010000e+02 : f32
    %min3A_3921 = vector.broadcast %min3A_3920 : f32 to vector<16xf32>
    %min3A_3922 = arith.minimumf %max3A_3919, %min3A_3921 : vector<16xf32>
    %convert_element_type3A_3923 = arith.fptosi %min3A_3922 : vector<16xf32> to vector<16xi32>
    %add3A_3924 = arith.constant 1 : i32
    %add3A_3925 = vector.broadcast %add3A_3924 : i32 to vector<16xi32>
    %add3A_3926 = arith.addi %convert_element_type3A_3923, %add3A_3925 : vector<16xi32>
    %jit3A_3927 = arith.constant 0 : i32
    %jit3A_3928 = arith.constant 99 : i32
    %max3A_3929 = vector.broadcast %jit3A_3927 : i32 to vector<16xi32>
    %max3A_3930 = arith.maxsi %max3A_3929, %add3A_3926 : vector<16xi32>
    %min3A_3931 = vector.broadcast %jit3A_3928 : i32 to vector<16xi32>
    %min3A_3932 = arith.minsi %min3A_3931, %max3A_3930 : vector<16xi32>
    %sub3A_3933 = arith.constant 1 : i32
    %sub3A_3934 = vector.broadcast %sub3A_3933 : i32 to vector<16xi32>
    %sub3A_3935 = arith.subi %min3A_3932, %sub3A_3934 : vector<16xi32>
    %jit3A_3936 = arith.constant 0 : i32
    %jit3A_3937 = arith.constant 98 : i32
    %max3A_3938 = vector.broadcast %jit3A_3936 : i32 to vector<16xi32>
    %max3A_3939 = arith.maxsi %max3A_3938, %sub3A_3935 : vector<16xi32>
    %min3A_3940 = vector.broadcast %jit3A_3937 : i32 to vector<16xi32>
    %min3A_3941 = arith.minsi %min3A_3940, %max3A_3939 : vector<16xi32>
    %gather3A_3942 = arith.constant 1 : i32
    %gather3A_3943 = arith.constant 0 : i32
    %gather3A_3944 = tpu.memref_slice %arg10[%gather3A_3942, %gather3A_3943] : memref<2x112xf32, #tpu.memory_space<vmem>> -> memref<1x112xf32, #tpu.memory_space<vmem>>
    %gather3A_3945 = tpu.memref_squeeze %gather3A_3944 : memref<1x112xf32, #tpu.memory_space<vmem>> -> memref<112xf32, #tpu.memory_space<vmem>>
    %gather3A_3946 = tpu.vector_load_idx %gather3A_3945[%min3A_3941] : memref<112xf32, #tpu.memory_space<vmem>>[vector<16xi32>], vector<16xf32>,
    %jit3A_3947 = arith.constant 0 : i32
    %jit3A_3948 = arith.constant 98 : i32
    %max3A_3949 = vector.broadcast %jit3A_3947 : i32 to vector<16xi32>
    %max3A_3950 = arith.maxsi %max3A_3949, %min3A_3932 : vector<16xi32>
    %min3A_3951 = vector.broadcast %jit3A_3948 : i32 to vector<16xi32>
    %min3A_3952 = arith.minsi %min3A_3951, %max3A_3950 : vector<16xi32>
    %gather3A_3953 = arith.constant 1 : i32
    %gather3A_3954 = arith.constant 0 : i32
    %gather3A_3955 = tpu.memref_slice %arg10[%gather3A_3953, %gather3A_3954] : memref<2x112xf32, #tpu.memory_space<vmem>> -> memref<1x112xf32, #tpu.memory_space<vmem>>
    %gather3A_3956 = tpu.memref_squeeze %gather3A_3955 : memref<1x112xf32, #tpu.memory_space<vmem>> -> memref<112xf32, #tpu.memory_space<vmem>>
    %gather3A_3957 = tpu.vector_load_idx %gather3A_3956[%min3A_3952] : memref<112xf32, #tpu.memory_space<vmem>>[vector<16xi32>], vector<16xf32>,
    %gt3A_3958 = arith.constant 0 : i32
    %gt3A_3959 = vector.broadcast %gt3A_3958 : i32 to vector<16xi32>
    %gt3A_3960 = arith.cmpi sgt, %min3A_3932, %gt3A_3959 : vector<16xi32>
    %gt3A_3961 = arith.cmpf ogt, %gather3A_3946, %get3A_3845 : vector<16xf32>
    %and3A_3962 = arith.andi %gt3A_3960, %gt3A_3961 : vector<16xi1>
    %lt3A_3963 = arith.constant 99 : i32
    %lt3A_3964 = vector.broadcast %lt3A_3963 : i32 to vector<16xi32>
    %lt3A_3965 = arith.cmpi slt, %min3A_3932, %lt3A_3964 : vector<16xi32>
    %le3A_3966 = arith.cmpf ole, %gather3A_3957, %get3A_3845 : vector<16xf32>
    %and3A_3967 = arith.andi %lt3A_3965, %le3A_3966 : vector<16xi1>
    %sub3A_3968 = arith.constant 1 : i32
    %sub3A_3969 = vector.broadcast %sub3A_3968 : i32 to vector<16xi32>
    %sub3A_3970 = arith.subi %min3A_3932, %sub3A_3969 : vector<16xi32>
    %add3A_3971 = arith.constant 1 : i32
    %add3A_3972 = vector.broadcast %add3A_3971 : i32 to vector<16xi32>
    %add3A_3973 = arith.addi %min3A_3932, %add3A_3972 : vector<16xi32>
    %select_n3A_3974 = arith.select %and3A_3967, %add3A_3973, %min3A_3932 : vector<16xi1>, vector<16xi32>
    %select_n3A_3975 = arith.select %and3A_3962, %sub3A_3970, %select_n3A_3974 : vector<16xi1>, vector<16xi32>
    %add3A_3976 = arith.constant 100 : i32
    %add3A_3977 = vector.broadcast %add3A_3976 : i32 to vector<16xi32>
    %add3A_3978 = arith.addi %select_n3A_3975, %add3A_3977 : vector<16xi32>
    %add3A_3979 = arith.constant 32 : i32
    %add3A_3980 = vector.broadcast %add3A_3979 : i32 to vector<16xi32>
    %add3A_3981 = arith.addi %add3A_3980, %mul3A_13 : vector<16xi32>
    %scatter3A_3982 = arith.constant 6 : i32
    %scatter3A_3983 = arith.constant 0 : i32
    %scatter3A_3984 = tpu.memref_slice %arg11[%scatter3A_3982, %scatter3A_3983] : memref<8x128xi32, #tpu.memory_space<vmem>> -> memref<1x128xi32, #tpu.memory_space<vmem>>
    %scatter3A_3985 = tpu.memref_squeeze %scatter3A_3984 : memref<1x128xi32, #tpu.memory_space<vmem>> -> memref<128xi32, #tpu.memory_space<vmem>>
    tpu.vector_store_idx %scatter3A_3985[%add3A_3981], %select_n3A_3910 : memref<128xi32, #tpu.memory_space<vmem>>[vector<16xi32>], vector<16xi32>,
    %add3A_3986 = arith.constant 1 : i32
    %add3A_3987 = vector.broadcast %add3A_3986 : i32 to vector<16xi32>
    %add3A_3988 = arith.addi %add3A_3981, %add3A_3987 : vector<16xi32>
    %scatter3A_3989 = arith.constant 6 : i32
    %scatter3A_3990 = arith.constant 0 : i32
    %scatter3A_3991 = tpu.memref_slice %arg11[%scatter3A_3989, %scatter3A_3990] : memref<8x128xi32, #tpu.memory_space<vmem>> -> memref<1x128xi32, #tpu.memory_space<vmem>>
    %scatter3A_3992 = tpu.memref_squeeze %scatter3A_3991 : memref<1x128xi32, #tpu.memory_space<vmem>> -> memref<128xi32, #tpu.memory_space<vmem>>
    tpu.vector_store_idx %scatter3A_3992[%add3A_3988], %add3A_3978 : memref<128xi32, #tpu.memory_space<vmem>>[vector<16xi32>], vector<16xi32>,
    %get3A_3993 = arith.constant 416 : index
    %get3A_3994 = tpu.vector_load %arg8[%get3A_3993] {strides = array<i32>} : memref<512xf32, #tpu.memory_space<vmem>>, vector<16xf32>,
    %get3A_3995 = arith.constant 416 : index
    %get3A_3996 = tpu.vector_load %arg9[%get3A_3995] {strides = array<i32>} : memref<512xf32, #tpu.memory_space<vmem>>, vector<16xf32>,
    %sub3A_3997 = arith.constant -9.000000e+01 : f32
    %sub3A_3998 = vector.broadcast %sub3A_3997 : f32 to vector<16xf32>
    %sub3A_3999 = arith.subf %get3A_3994, %sub3A_3998 : vector<16xf32>
    %mul3A_4000 = arith.constant 0.544444442 : f32
    %mul3A_4001 = vector.broadcast %mul3A_4000 : f32 to vector<16xf32>
    %mul3A_4002 = arith.mulf %sub3A_3999, %mul3A_4001 : vector<16xf32>
    %max3A_4003 = arith.constant -1.000000e+00 : f32
    %max3A_4004 = vector.broadcast %max3A_4003 : f32 to vector<16xf32>
    %max3A_4005 = arith.maximumf %mul3A_4002, %max3A_4004 : vector<16xf32>
    %min3A_4006 = arith.constant 1.010000e+02 : f32
    %min3A_4007 = vector.broadcast %min3A_4006 : f32 to vector<16xf32>
    %min3A_4008 = arith.minimumf %max3A_4005, %min3A_4007 : vector<16xf32>
    %convert_element_type3A_4009 = arith.fptosi %min3A_4008 : vector<16xf32> to vector<16xi32>
    %add3A_4010 = arith.constant 1 : i32
    %add3A_4011 = vector.broadcast %add3A_4010 : i32 to vector<16xi32>
    %add3A_4012 = arith.addi %convert_element_type3A_4009, %add3A_4011 : vector<16xi32>
    %jit3A_4013 = arith.constant 0 : i32
    %jit3A_4014 = arith.constant 99 : i32
    %max3A_4015 = vector.broadcast %jit3A_4013 : i32 to vector<16xi32>
    %max3A_4016 = arith.maxsi %max3A_4015, %add3A_4012 : vector<16xi32>
    %min3A_4017 = vector.broadcast %jit3A_4014 : i32 to vector<16xi32>
    %min3A_4018 = arith.minsi %min3A_4017, %max3A_4016 : vector<16xi32>
    %sub3A_4019 = arith.constant 1 : i32
    %sub3A_4020 = vector.broadcast %sub3A_4019 : i32 to vector<16xi32>
    %sub3A_4021 = arith.subi %min3A_4018, %sub3A_4020 : vector<16xi32>
    %jit3A_4022 = arith.constant 0 : i32
    %jit3A_4023 = arith.constant 98 : i32
    %max3A_4024 = vector.broadcast %jit3A_4022 : i32 to vector<16xi32>
    %max3A_4025 = arith.maxsi %max3A_4024, %sub3A_4021 : vector<16xi32>
    %min3A_4026 = vector.broadcast %jit3A_4023 : i32 to vector<16xi32>
    %min3A_4027 = arith.minsi %min3A_4026, %max3A_4025 : vector<16xi32>
    %gather3A_4028 = arith.constant 0 : i32
    %gather3A_4029 = arith.constant 0 : i32
    %gather3A_4030 = tpu.memref_slice %arg10[%gather3A_4028, %gather3A_4029] : memref<2x112xf32, #tpu.memory_space<vmem>> -> memref<1x112xf32, #tpu.memory_space<vmem>>
    %gather3A_4031 = tpu.memref_squeeze %gather3A_4030 : memref<1x112xf32, #tpu.memory_space<vmem>> -> memref<112xf32, #tpu.memory_space<vmem>>
    %gather3A_4032 = tpu.vector_load_idx %gather3A_4031[%min3A_4027] : memref<112xf32, #tpu.memory_space<vmem>>[vector<16xi32>], vector<16xf32>,
    %jit3A_4033 = arith.constant 0 : i32
    %jit3A_4034 = arith.constant 98 : i32
    %max3A_4035 = vector.broadcast %jit3A_4033 : i32 to vector<16xi32>
    %max3A_4036 = arith.maxsi %max3A_4035, %min3A_4018 : vector<16xi32>
    %min3A_4037 = vector.broadcast %jit3A_4034 : i32 to vector<16xi32>
    %min3A_4038 = arith.minsi %min3A_4037, %max3A_4036 : vector<16xi32>
    %gather3A_4039 = arith.constant 0 : i32
    %gather3A_4040 = arith.constant 0 : i32
    %gather3A_4041 = tpu.memref_slice %arg10[%gather3A_4039, %gather3A_4040] : memref<2x112xf32, #tpu.memory_space<vmem>> -> memref<1x112xf32, #tpu.memory_space<vmem>>
    %gather3A_4042 = tpu.memref_squeeze %gather3A_4041 : memref<1x112xf32, #tpu.memory_space<vmem>> -> memref<112xf32, #tpu.memory_space<vmem>>
    %gather3A_4043 = tpu.vector_load_idx %gather3A_4042[%min3A_4038] : memref<112xf32, #tpu.memory_space<vmem>>[vector<16xi32>], vector<16xf32>,
    %gt3A_4044 = arith.constant 0 : i32
    %gt3A_4045 = vector.broadcast %gt3A_4044 : i32 to vector<16xi32>
    %gt3A_4046 = arith.cmpi sgt, %min3A_4018, %gt3A_4045 : vector<16xi32>
    %gt3A_4047 = arith.cmpf ogt, %gather3A_4032, %get3A_3994 : vector<16xf32>
    %and3A_4048 = arith.andi %gt3A_4046, %gt3A_4047 : vector<16xi1>
    %lt3A_4049 = arith.constant 99 : i32
    %lt3A_4050 = vector.broadcast %lt3A_4049 : i32 to vector<16xi32>
    %lt3A_4051 = arith.cmpi slt, %min3A_4018, %lt3A_4050 : vector<16xi32>
    %le3A_4052 = arith.cmpf ole, %gather3A_4043, %get3A_3994 : vector<16xf32>
    %and3A_4053 = arith.andi %lt3A_4051, %le3A_4052 : vector<16xi1>
    %sub3A_4054 = arith.constant 1 : i32
    %sub3A_4055 = vector.broadcast %sub3A_4054 : i32 to vector<16xi32>
    %sub3A_4056 = arith.subi %min3A_4018, %sub3A_4055 : vector<16xi32>
    %add3A_4057 = arith.constant 1 : i32
    %add3A_4058 = vector.broadcast %add3A_4057 : i32 to vector<16xi32>
    %add3A_4059 = arith.addi %min3A_4018, %add3A_4058 : vector<16xi32>
    %select_n3A_4060 = arith.select %and3A_4053, %add3A_4059, %min3A_4018 : vector<16xi1>, vector<16xi32>
    %select_n3A_4061 = arith.select %and3A_4048, %sub3A_4056, %select_n3A_4060 : vector<16xi1>, vector<16xi32>
    %sub3A_4062 = arith.constant -1.800000e+02 : f32
    %sub3A_4063 = vector.broadcast %sub3A_4062 : f32 to vector<16xf32>
    %sub3A_4064 = arith.subf %get3A_3996, %sub3A_4063 : vector<16xf32>
    %mul3A_4065 = arith.constant 0.272222221 : f32
    %mul3A_4066 = vector.broadcast %mul3A_4065 : f32 to vector<16xf32>
    %mul3A_4067 = arith.mulf %sub3A_4064, %mul3A_4066 : vector<16xf32>
    %max3A_4068 = arith.constant -1.000000e+00 : f32
    %max3A_4069 = vector.broadcast %max3A_4068 : f32 to vector<16xf32>
    %max3A_4070 = arith.maximumf %mul3A_4067, %max3A_4069 : vector<16xf32>
    %min3A_4071 = arith.constant 1.010000e+02 : f32
    %min3A_4072 = vector.broadcast %min3A_4071 : f32 to vector<16xf32>
    %min3A_4073 = arith.minimumf %max3A_4070, %min3A_4072 : vector<16xf32>
    %convert_element_type3A_4074 = arith.fptosi %min3A_4073 : vector<16xf32> to vector<16xi32>
    %add3A_4075 = arith.constant 1 : i32
    %add3A_4076 = vector.broadcast %add3A_4075 : i32 to vector<16xi32>
    %add3A_4077 = arith.addi %convert_element_type3A_4074, %add3A_4076 : vector<16xi32>
    %jit3A_4078 = arith.constant 0 : i32
    %jit3A_4079 = arith.constant 99 : i32
    %max3A_4080 = vector.broadcast %jit3A_4078 : i32 to vector<16xi32>
    %max3A_4081 = arith.maxsi %max3A_4080, %add3A_4077 : vector<16xi32>
    %min3A_4082 = vector.broadcast %jit3A_4079 : i32 to vector<16xi32>
    %min3A_4083 = arith.minsi %min3A_4082, %max3A_4081 : vector<16xi32>
    %sub3A_4084 = arith.constant 1 : i32
    %sub3A_4085 = vector.broadcast %sub3A_4084 : i32 to vector<16xi32>
    %sub3A_4086 = arith.subi %min3A_4083, %sub3A_4085 : vector<16xi32>
    %jit3A_4087 = arith.constant 0 : i32
    %jit3A_4088 = arith.constant 98 : i32
    %max3A_4089 = vector.broadcast %jit3A_4087 : i32 to vector<16xi32>
    %max3A_4090 = arith.maxsi %max3A_4089, %sub3A_4086 : vector<16xi32>
    %min3A_4091 = vector.broadcast %jit3A_4088 : i32 to vector<16xi32>
    %min3A_4092 = arith.minsi %min3A_4091, %max3A_4090 : vector<16xi32>
    %gather3A_4093 = arith.constant 1 : i32
    %gather3A_4094 = arith.constant 0 : i32
    %gather3A_4095 = tpu.memref_slice %arg10[%gather3A_4093, %gather3A_4094] : memref<2x112xf32, #tpu.memory_space<vmem>> -> memref<1x112xf32, #tpu.memory_space<vmem>>
    %gather3A_4096 = tpu.memref_squeeze %gather3A_4095 : memref<1x112xf32, #tpu.memory_space<vmem>> -> memref<112xf32, #tpu.memory_space<vmem>>
    %gather3A_4097 = tpu.vector_load_idx %gather3A_4096[%min3A_4092] : memref<112xf32, #tpu.memory_space<vmem>>[vector<16xi32>], vector<16xf32>,
    %jit3A_4098 = arith.constant 0 : i32
    %jit3A_4099 = arith.constant 98 : i32
    %max3A_4100 = vector.broadcast %jit3A_4098 : i32 to vector<16xi32>
    %max3A_4101 = arith.maxsi %max3A_4100, %min3A_4083 : vector<16xi32>
    %min3A_4102 = vector.broadcast %jit3A_4099 : i32 to vector<16xi32>
    %min3A_4103 = arith.minsi %min3A_4102, %max3A_4101 : vector<16xi32>
    %gather3A_4104 = arith.constant 1 : i32
    %gather3A_4105 = arith.constant 0 : i32
    %gather3A_4106 = tpu.memref_slice %arg10[%gather3A_4104, %gather3A_4105] : memref<2x112xf32, #tpu.memory_space<vmem>> -> memref<1x112xf32, #tpu.memory_space<vmem>>
    %gather3A_4107 = tpu.memref_squeeze %gather3A_4106 : memref<1x112xf32, #tpu.memory_space<vmem>> -> memref<112xf32, #tpu.memory_space<vmem>>
    %gather3A_4108 = tpu.vector_load_idx %gather3A_4107[%min3A_4103] : memref<112xf32, #tpu.memory_space<vmem>>[vector<16xi32>], vector<16xf32>,
    %gt3A_4109 = arith.constant 0 : i32
    %gt3A_4110 = vector.broadcast %gt3A_4109 : i32 to vector<16xi32>
    %gt3A_4111 = arith.cmpi sgt, %min3A_4083, %gt3A_4110 : vector<16xi32>
    %gt3A_4112 = arith.cmpf ogt, %gather3A_4097, %get3A_3996 : vector<16xf32>
    %and3A_4113 = arith.andi %gt3A_4111, %gt3A_4112 : vector<16xi1>
    %lt3A_4114 = arith.constant 99 : i32
    %lt3A_4115 = vector.broadcast %lt3A_4114 : i32 to vector<16xi32>
    %lt3A_4116 = arith.cmpi slt, %min3A_4083, %lt3A_4115 : vector<16xi32>
    %le3A_4117 = arith.cmpf ole, %gather3A_4108, %get3A_3996 : vector<16xf32>
    %and3A_4118 = arith.andi %lt3A_4116, %le3A_4117 : vector<16xi1>
    %sub3A_4119 = arith.constant 1 : i32
    %sub3A_4120 = vector.broadcast %sub3A_4119 : i32 to vector<16xi32>
    %sub3A_4121 = arith.subi %min3A_4083, %sub3A_4120 : vector<16xi32>
    %add3A_4122 = arith.constant 1 : i32
    %add3A_4123 = vector.broadcast %add3A_4122 : i32 to vector<16xi32>
    %add3A_4124 = arith.addi %min3A_4083, %add3A_4123 : vector<16xi32>
    %select_n3A_4125 = arith.select %and3A_4118, %add3A_4124, %min3A_4083 : vector<16xi1>, vector<16xi32>
    %select_n3A_4126 = arith.select %and3A_4113, %sub3A_4121, %select_n3A_4125 : vector<16xi1>, vector<16xi32>
    %add3A_4127 = arith.constant 100 : i32
    %add3A_4128 = vector.broadcast %add3A_4127 : i32 to vector<16xi32>
    %add3A_4129 = arith.addi %select_n3A_4126, %add3A_4128 : vector<16xi32>
    %add3A_4130 = arith.constant 64 : i32
    %add3A_4131 = vector.broadcast %add3A_4130 : i32 to vector<16xi32>
    %add3A_4132 = arith.addi %add3A_4131, %mul3A_13 : vector<16xi32>
    %scatter3A_4133 = arith.constant 6 : i32
    %scatter3A_4134 = arith.constant 0 : i32
    %scatter3A_4135 = tpu.memref_slice %arg11[%scatter3A_4133, %scatter3A_4134] : memref<8x128xi32, #tpu.memory_space<vmem>> -> memref<1x128xi32, #tpu.memory_space<vmem>>
    %scatter3A_4136 = tpu.memref_squeeze %scatter3A_4135 : memref<1x128xi32, #tpu.memory_space<vmem>> -> memref<128xi32, #tpu.memory_space<vmem>>
    tpu.vector_store_idx %scatter3A_4136[%add3A_4132], %select_n3A_4061 : memref<128xi32, #tpu.memory_space<vmem>>[vector<16xi32>], vector<16xi32>,
    %add3A_4137 = arith.constant 1 : i32
    %add3A_4138 = vector.broadcast %add3A_4137 : i32 to vector<16xi32>
    %add3A_4139 = arith.addi %add3A_4132, %add3A_4138 : vector<16xi32>
    %scatter3A_4140 = arith.constant 6 : i32
    %scatter3A_4141 = arith.constant 0 : i32
    %scatter3A_4142 = tpu.memref_slice %arg11[%scatter3A_4140, %scatter3A_4141] : memref<8x128xi32, #tpu.memory_space<vmem>> -> memref<1x128xi32, #tpu.memory_space<vmem>>
    %scatter3A_4143 = tpu.memref_squeeze %scatter3A_4142 : memref<1x128xi32, #tpu.memory_space<vmem>> -> memref<128xi32, #tpu.memory_space<vmem>>
    tpu.vector_store_idx %scatter3A_4143[%add3A_4139], %add3A_4129 : memref<128xi32, #tpu.memory_space<vmem>>[vector<16xi32>], vector<16xi32>,
    %get3A_4144 = arith.constant 432 : index
    %get3A_4145 = tpu.vector_load %arg8[%get3A_4144] {strides = array<i32>} : memref<512xf32, #tpu.memory_space<vmem>>, vector<16xf32>,
    %get3A_4146 = arith.constant 432 : index
    %get3A_4147 = tpu.vector_load %arg9[%get3A_4146] {strides = array<i32>} : memref<512xf32, #tpu.memory_space<vmem>>, vector<16xf32>,
    %sub3A_4148 = arith.constant -9.000000e+01 : f32
    %sub3A_4149 = vector.broadcast %sub3A_4148 : f32 to vector<16xf32>
    %sub3A_4150 = arith.subf %get3A_4145, %sub3A_4149 : vector<16xf32>
    %mul3A_4151 = arith.constant 0.544444442 : f32
    %mul3A_4152 = vector.broadcast %mul3A_4151 : f32 to vector<16xf32>
    %mul3A_4153 = arith.mulf %sub3A_4150, %mul3A_4152 : vector<16xf32>
    %max3A_4154 = arith.constant -1.000000e+00 : f32
    %max3A_4155 = vector.broadcast %max3A_4154 : f32 to vector<16xf32>
    %max3A_4156 = arith.maximumf %mul3A_4153, %max3A_4155 : vector<16xf32>
    %min3A_4157 = arith.constant 1.010000e+02 : f32
    %min3A_4158 = vector.broadcast %min3A_4157 : f32 to vector<16xf32>
    %min3A_4159 = arith.minimumf %max3A_4156, %min3A_4158 : vector<16xf32>
    %convert_element_type3A_4160 = arith.fptosi %min3A_4159 : vector<16xf32> to vector<16xi32>
    %add3A_4161 = arith.constant 1 : i32
    %add3A_4162 = vector.broadcast %add3A_4161 : i32 to vector<16xi32>
    %add3A_4163 = arith.addi %convert_element_type3A_4160, %add3A_4162 : vector<16xi32>
    %jit3A_4164 = arith.constant 0 : i32
    %jit3A_4165 = arith.constant 99 : i32
    %max3A_4166 = vector.broadcast %jit3A_4164 : i32 to vector<16xi32>
    %max3A_4167 = arith.maxsi %max3A_4166, %add3A_4163 : vector<16xi32>
    %min3A_4168 = vector.broadcast %jit3A_4165 : i32 to vector<16xi32>
    %min3A_4169 = arith.minsi %min3A_4168, %max3A_4167 : vector<16xi32>
    %sub3A_4170 = arith.constant 1 : i32
    %sub3A_4171 = vector.broadcast %sub3A_4170 : i32 to vector<16xi32>
    %sub3A_4172 = arith.subi %min3A_4169, %sub3A_4171 : vector<16xi32>
    %jit3A_4173 = arith.constant 0 : i32
    %jit3A_4174 = arith.constant 98 : i32
    %max3A_4175 = vector.broadcast %jit3A_4173 : i32 to vector<16xi32>
    %max3A_4176 = arith.maxsi %max3A_4175, %sub3A_4172 : vector<16xi32>
    %min3A_4177 = vector.broadcast %jit3A_4174 : i32 to vector<16xi32>
    %min3A_4178 = arith.minsi %min3A_4177, %max3A_4176 : vector<16xi32>
    %gather3A_4179 = arith.constant 0 : i32
    %gather3A_4180 = arith.constant 0 : i32
    %gather3A_4181 = tpu.memref_slice %arg10[%gather3A_4179, %gather3A_4180] : memref<2x112xf32, #tpu.memory_space<vmem>> -> memref<1x112xf32, #tpu.memory_space<vmem>>
    %gather3A_4182 = tpu.memref_squeeze %gather3A_4181 : memref<1x112xf32, #tpu.memory_space<vmem>> -> memref<112xf32, #tpu.memory_space<vmem>>
    %gather3A_4183 = tpu.vector_load_idx %gather3A_4182[%min3A_4178] : memref<112xf32, #tpu.memory_space<vmem>>[vector<16xi32>], vector<16xf32>,
    %jit3A_4184 = arith.constant 0 : i32
    %jit3A_4185 = arith.constant 98 : i32
    %max3A_4186 = vector.broadcast %jit3A_4184 : i32 to vector<16xi32>
    %max3A_4187 = arith.maxsi %max3A_4186, %min3A_4169 : vector<16xi32>
    %min3A_4188 = vector.broadcast %jit3A_4185 : i32 to vector<16xi32>
    %min3A_4189 = arith.minsi %min3A_4188, %max3A_4187 : vector<16xi32>
    %gather3A_4190 = arith.constant 0 : i32
    %gather3A_4191 = arith.constant 0 : i32
    %gather3A_4192 = tpu.memref_slice %arg10[%gather3A_4190, %gather3A_4191] : memref<2x112xf32, #tpu.memory_space<vmem>> -> memref<1x112xf32, #tpu.memory_space<vmem>>
    %gather3A_4193 = tpu.memref_squeeze %gather3A_4192 : memref<1x112xf32, #tpu.memory_space<vmem>> -> memref<112xf32, #tpu.memory_space<vmem>>
    %gather3A_4194 = tpu.vector_load_idx %gather3A_4193[%min3A_4189] : memref<112xf32, #tpu.memory_space<vmem>>[vector<16xi32>], vector<16xf32>,
    %gt3A_4195 = arith.constant 0 : i32
    %gt3A_4196 = vector.broadcast %gt3A_4195 : i32 to vector<16xi32>
    %gt3A_4197 = arith.cmpi sgt, %min3A_4169, %gt3A_4196 : vector<16xi32>
    %gt3A_4198 = arith.cmpf ogt, %gather3A_4183, %get3A_4145 : vector<16xf32>
    %and3A_4199 = arith.andi %gt3A_4197, %gt3A_4198 : vector<16xi1>
    %lt3A_4200 = arith.constant 99 : i32
    %lt3A_4201 = vector.broadcast %lt3A_4200 : i32 to vector<16xi32>
    %lt3A_4202 = arith.cmpi slt, %min3A_4169, %lt3A_4201 : vector<16xi32>
    %le3A_4203 = arith.cmpf ole, %gather3A_4194, %get3A_4145 : vector<16xf32>
    %and3A_4204 = arith.andi %lt3A_4202, %le3A_4203 : vector<16xi1>
    %sub3A_4205 = arith.constant 1 : i32
    %sub3A_4206 = vector.broadcast %sub3A_4205 : i32 to vector<16xi32>
    %sub3A_4207 = arith.subi %min3A_4169, %sub3A_4206 : vector<16xi32>
    %add3A_4208 = arith.constant 1 : i32
    %add3A_4209 = vector.broadcast %add3A_4208 : i32 to vector<16xi32>
    %add3A_4210 = arith.addi %min3A_4169, %add3A_4209 : vector<16xi32>
    %select_n3A_4211 = arith.select %and3A_4204, %add3A_4210, %min3A_4169 : vector<16xi1>, vector<16xi32>
    %select_n3A_4212 = arith.select %and3A_4199, %sub3A_4207, %select_n3A_4211 : vector<16xi1>, vector<16xi32>
    %sub3A_4213 = arith.constant -1.800000e+02 : f32
    %sub3A_4214 = vector.broadcast %sub3A_4213 : f32 to vector<16xf32>
    %sub3A_4215 = arith.subf %get3A_4147, %sub3A_4214 : vector<16xf32>
    %mul3A_4216 = arith.constant 0.272222221 : f32
    %mul3A_4217 = vector.broadcast %mul3A_4216 : f32 to vector<16xf32>
    %mul3A_4218 = arith.mulf %sub3A_4215, %mul3A_4217 : vector<16xf32>
    %max3A_4219 = arith.constant -1.000000e+00 : f32
    %max3A_4220 = vector.broadcast %max3A_4219 : f32 to vector<16xf32>
    %max3A_4221 = arith.maximumf %mul3A_4218, %max3A_4220 : vector<16xf32>
    %min3A_4222 = arith.constant 1.010000e+02 : f32
    %min3A_4223 = vector.broadcast %min3A_4222 : f32 to vector<16xf32>
    %min3A_4224 = arith.minimumf %max3A_4221, %min3A_4223 : vector<16xf32>
    %convert_element_type3A_4225 = arith.fptosi %min3A_4224 : vector<16xf32> to vector<16xi32>
    %add3A_4226 = arith.constant 1 : i32
    %add3A_4227 = vector.broadcast %add3A_4226 : i32 to vector<16xi32>
    %add3A_4228 = arith.addi %convert_element_type3A_4225, %add3A_4227 : vector<16xi32>
    %jit3A_4229 = arith.constant 0 : i32
    %jit3A_4230 = arith.constant 99 : i32
    %max3A_4231 = vector.broadcast %jit3A_4229 : i32 to vector<16xi32>
    %max3A_4232 = arith.maxsi %max3A_4231, %add3A_4228 : vector<16xi32>
    %min3A_4233 = vector.broadcast %jit3A_4230 : i32 to vector<16xi32>
    %min3A_4234 = arith.minsi %min3A_4233, %max3A_4232 : vector<16xi32>
    %sub3A_4235 = arith.constant 1 : i32
    %sub3A_4236 = vector.broadcast %sub3A_4235 : i32 to vector<16xi32>
    %sub3A_4237 = arith.subi %min3A_4234, %sub3A_4236 : vector<16xi32>
    %jit3A_4238 = arith.constant 0 : i32
    %jit3A_4239 = arith.constant 98 : i32
    %max3A_4240 = vector.broadcast %jit3A_4238 : i32 to vector<16xi32>
    %max3A_4241 = arith.maxsi %max3A_4240, %sub3A_4237 : vector<16xi32>
    %min3A_4242 = vector.broadcast %jit3A_4239 : i32 to vector<16xi32>
    %min3A_4243 = arith.minsi %min3A_4242, %max3A_4241 : vector<16xi32>
    %gather3A_4244 = arith.constant 1 : i32
    %gather3A_4245 = arith.constant 0 : i32
    %gather3A_4246 = tpu.memref_slice %arg10[%gather3A_4244, %gather3A_4245] : memref<2x112xf32, #tpu.memory_space<vmem>> -> memref<1x112xf32, #tpu.memory_space<vmem>>
    %gather3A_4247 = tpu.memref_squeeze %gather3A_4246 : memref<1x112xf32, #tpu.memory_space<vmem>> -> memref<112xf32, #tpu.memory_space<vmem>>
    %gather3A_4248 = tpu.vector_load_idx %gather3A_4247[%min3A_4243] : memref<112xf32, #tpu.memory_space<vmem>>[vector<16xi32>], vector<16xf32>,
    %jit3A_4249 = arith.constant 0 : i32
    %jit3A_4250 = arith.constant 98 : i32
    %max3A_4251 = vector.broadcast %jit3A_4249 : i32 to vector<16xi32>
    %max3A_4252 = arith.maxsi %max3A_4251, %min3A_4234 : vector<16xi32>
    %min3A_4253 = vector.broadcast %jit3A_4250 : i32 to vector<16xi32>
    %min3A_4254 = arith.minsi %min3A_4253, %max3A_4252 : vector<16xi32>
    %gather3A_4255 = arith.constant 1 : i32
    %gather3A_4256 = arith.constant 0 : i32
    %gather3A_4257 = tpu.memref_slice %arg10[%gather3A_4255, %gather3A_4256] : memref<2x112xf32, #tpu.memory_space<vmem>> -> memref<1x112xf32, #tpu.memory_space<vmem>>
    %gather3A_4258 = tpu.memref_squeeze %gather3A_4257 : memref<1x112xf32, #tpu.memory_space<vmem>> -> memref<112xf32, #tpu.memory_space<vmem>>
    %gather3A_4259 = tpu.vector_load_idx %gather3A_4258[%min3A_4254] : memref<112xf32, #tpu.memory_space<vmem>>[vector<16xi32>], vector<16xf32>,
    %gt3A_4260 = arith.constant 0 : i32
    %gt3A_4261 = vector.broadcast %gt3A_4260 : i32 to vector<16xi32>
    %gt3A_4262 = arith.cmpi sgt, %min3A_4234, %gt3A_4261 : vector<16xi32>
    %gt3A_4263 = arith.cmpf ogt, %gather3A_4248, %get3A_4147 : vector<16xf32>
    %and3A_4264 = arith.andi %gt3A_4262, %gt3A_4263 : vector<16xi1>
    %lt3A_4265 = arith.constant 99 : i32
    %lt3A_4266 = vector.broadcast %lt3A_4265 : i32 to vector<16xi32>
    %lt3A_4267 = arith.cmpi slt, %min3A_4234, %lt3A_4266 : vector<16xi32>
    %le3A_4268 = arith.cmpf ole, %gather3A_4259, %get3A_4147 : vector<16xf32>
    %and3A_4269 = arith.andi %lt3A_4267, %le3A_4268 : vector<16xi1>
    %sub3A_4270 = arith.constant 1 : i32
    %sub3A_4271 = vector.broadcast %sub3A_4270 : i32 to vector<16xi32>
    %sub3A_4272 = arith.subi %min3A_4234, %sub3A_4271 : vector<16xi32>
    %add3A_4273 = arith.constant 1 : i32
    %add3A_4274 = vector.broadcast %add3A_4273 : i32 to vector<16xi32>
    %add3A_4275 = arith.addi %min3A_4234, %add3A_4274 : vector<16xi32>
    %select_n3A_4276 = arith.select %and3A_4269, %add3A_4275, %min3A_4234 : vector<16xi1>, vector<16xi32>
    %select_n3A_4277 = arith.select %and3A_4264, %sub3A_4272, %select_n3A_4276 : vector<16xi1>, vector<16xi32>
    %add3A_4278 = arith.constant 100 : i32
    %add3A_4279 = vector.broadcast %add3A_4278 : i32 to vector<16xi32>
    %add3A_4280 = arith.addi %select_n3A_4277, %add3A_4279 : vector<16xi32>
    %add3A_4281 = arith.constant 96 : i32
    %add3A_4282 = vector.broadcast %add3A_4281 : i32 to vector<16xi32>
    %add3A_4283 = arith.addi %add3A_4282, %mul3A_13 : vector<16xi32>
    %scatter3A_4284 = arith.constant 6 : i32
    %scatter3A_4285 = arith.constant 0 : i32
    %scatter3A_4286 = tpu.memref_slice %arg11[%scatter3A_4284, %scatter3A_4285] : memref<8x128xi32, #tpu.memory_space<vmem>> -> memref<1x128xi32, #tpu.memory_space<vmem>>
    %scatter3A_4287 = tpu.memref_squeeze %scatter3A_4286 : memref<1x128xi32, #tpu.memory_space<vmem>> -> memref<128xi32, #tpu.memory_space<vmem>>
    tpu.vector_store_idx %scatter3A_4287[%add3A_4283], %select_n3A_4212 : memref<128xi32, #tpu.memory_space<vmem>>[vector<16xi32>], vector<16xi32>,
    %add3A_4288 = arith.constant 1 : i32
    %add3A_4289 = vector.broadcast %add3A_4288 : i32 to vector<16xi32>
    %add3A_4290 = arith.addi %add3A_4283, %add3A_4289 : vector<16xi32>
    %scatter3A_4291 = arith.constant 6 : i32
    %scatter3A_4292 = arith.constant 0 : i32
    %scatter3A_4293 = tpu.memref_slice %arg11[%scatter3A_4291, %scatter3A_4292] : memref<8x128xi32, #tpu.memory_space<vmem>> -> memref<1x128xi32, #tpu.memory_space<vmem>>
    %scatter3A_4294 = tpu.memref_squeeze %scatter3A_4293 : memref<1x128xi32, #tpu.memory_space<vmem>> -> memref<128xi32, #tpu.memory_space<vmem>>
    tpu.vector_store_idx %scatter3A_4294[%add3A_4290], %add3A_4280 : memref<128xi32, #tpu.memory_space<vmem>>[vector<16xi32>], vector<16xi32>,
    %dma_start3A_4295 = arith.constant 6 : i32
    %dma_start3A_4296 = arith.constant 768 : i32
    %dma_start3A_4297 = arith.constant 0 : i32
    %dma_start3A_4298 = tpu.memref_slice %arg12[%dma_start3A_4296, %dma_start3A_4297] : memref<1024x64xf32, #tpu.memory_space<vmem>> -> memref<128x64xf32, #tpu.memory_space<vmem>>
    %dma_start3A_4299 = arith.constant 0 : i32
    %dma_start3A_4300 = tpu.memref_slice %arg11[%dma_start3A_4295, %dma_start3A_4299] : memref<8x128xi32, #tpu.memory_space<vmem>> -> memref<1x128xi32, #tpu.memory_space<vmem>>
    %dma_start3A_4301 = tpu.memref_squeeze %dma_start3A_4300 : memref<1x128xi32, #tpu.memory_space<vmem>> -> memref<128xi32, #tpu.memory_space<vmem>>
    %dma_start3A_4302 = arith.constant 0 : i32
    %dma_start3A_4303 = arith.constant 0 : i32
    %dma_start3A_4304 = tpu.memref_slice %arg13[%dma_start3A_4302, %dma_start3A_4303] : memref<200x64xf32, #tpu.memory_space<vmem_shared>> -> memref<200x64xf32, #tpu.memory_space<vmem_shared>>
    tpu.enqueue_indirect_dma source(%dma_start3A_4304 : memref<200x64xf32, #tpu.memory_space<vmem_shared>>) target(%dma_start3A_4298 : memref<128x64xf32, #tpu.memory_space<vmem>>) offsets(%dma_start3A_4301 : memref<128xi32, #tpu.memory_space<vmem>>) semaphore(%arg19 : memref<!tpu.dma_semaphore, #tpu.memory_space<semaphore_mem>>)
    %get3A_4305 = arith.constant 448 : index
    %get3A_4306 = tpu.vector_load %arg8[%get3A_4305] {strides = array<i32>} : memref<512xf32, #tpu.memory_space<vmem>>, vector<16xf32>,
    %get3A_4307 = arith.constant 448 : index
    %get3A_4308 = tpu.vector_load %arg9[%get3A_4307] {strides = array<i32>} : memref<512xf32, #tpu.memory_space<vmem>>, vector<16xf32>,
    %sub3A_4309 = arith.constant -9.000000e+01 : f32
    %sub3A_4310 = vector.broadcast %sub3A_4309 : f32 to vector<16xf32>
    %sub3A_4311 = arith.subf %get3A_4306, %sub3A_4310 : vector<16xf32>
    %mul3A_4312 = arith.constant 0.544444442 : f32
    %mul3A_4313 = vector.broadcast %mul3A_4312 : f32 to vector<16xf32>
    %mul3A_4314 = arith.mulf %sub3A_4311, %mul3A_4313 : vector<16xf32>
    %max3A_4315 = arith.constant -1.000000e+00 : f32
    %max3A_4316 = vector.broadcast %max3A_4315 : f32 to vector<16xf32>
    %max3A_4317 = arith.maximumf %mul3A_4314, %max3A_4316 : vector<16xf32>
    %min3A_4318 = arith.constant 1.010000e+02 : f32
    %min3A_4319 = vector.broadcast %min3A_4318 : f32 to vector<16xf32>
    %min3A_4320 = arith.minimumf %max3A_4317, %min3A_4319 : vector<16xf32>
    %convert_element_type3A_4321 = arith.fptosi %min3A_4320 : vector<16xf32> to vector<16xi32>
    %add3A_4322 = arith.constant 1 : i32
    %add3A_4323 = vector.broadcast %add3A_4322 : i32 to vector<16xi32>
    %add3A_4324 = arith.addi %convert_element_type3A_4321, %add3A_4323 : vector<16xi32>
    %jit3A_4325 = arith.constant 0 : i32
    %jit3A_4326 = arith.constant 99 : i32
    %max3A_4327 = vector.broadcast %jit3A_4325 : i32 to vector<16xi32>
    %max3A_4328 = arith.maxsi %max3A_4327, %add3A_4324 : vector<16xi32>
    %min3A_4329 = vector.broadcast %jit3A_4326 : i32 to vector<16xi32>
    %min3A_4330 = arith.minsi %min3A_4329, %max3A_4328 : vector<16xi32>
    %sub3A_4331 = arith.constant 1 : i32
    %sub3A_4332 = vector.broadcast %sub3A_4331 : i32 to vector<16xi32>
    %sub3A_4333 = arith.subi %min3A_4330, %sub3A_4332 : vector<16xi32>
    %jit3A_4334 = arith.constant 0 : i32
    %jit3A_4335 = arith.constant 98 : i32
    %max3A_4336 = vector.broadcast %jit3A_4334 : i32 to vector<16xi32>
    %max3A_4337 = arith.maxsi %max3A_4336, %sub3A_4333 : vector<16xi32>
    %min3A_4338 = vector.broadcast %jit3A_4335 : i32 to vector<16xi32>
    %min3A_4339 = arith.minsi %min3A_4338, %max3A_4337 : vector<16xi32>
    %gather3A_4340 = arith.constant 0 : i32
    %gather3A_4341 = arith.constant 0 : i32
    %gather3A_4342 = tpu.memref_slice %arg10[%gather3A_4340, %gather3A_4341] : memref<2x112xf32, #tpu.memory_space<vmem>> -> memref<1x112xf32, #tpu.memory_space<vmem>>
    %gather3A_4343 = tpu.memref_squeeze %gather3A_4342 : memref<1x112xf32, #tpu.memory_space<vmem>> -> memref<112xf32, #tpu.memory_space<vmem>>
    %gather3A_4344 = tpu.vector_load_idx %gather3A_4343[%min3A_4339] : memref<112xf32, #tpu.memory_space<vmem>>[vector<16xi32>], vector<16xf32>,
    %jit3A_4345 = arith.constant 0 : i32
    %jit3A_4346 = arith.constant 98 : i32
    %max3A_4347 = vector.broadcast %jit3A_4345 : i32 to vector<16xi32>
    %max3A_4348 = arith.maxsi %max3A_4347, %min3A_4330 : vector<16xi32>
    %min3A_4349 = vector.broadcast %jit3A_4346 : i32 to vector<16xi32>
    %min3A_4350 = arith.minsi %min3A_4349, %max3A_4348 : vector<16xi32>
    %gather3A_4351 = arith.constant 0 : i32
    %gather3A_4352 = arith.constant 0 : i32
    %gather3A_4353 = tpu.memref_slice %arg10[%gather3A_4351, %gather3A_4352] : memref<2x112xf32, #tpu.memory_space<vmem>> -> memref<1x112xf32, #tpu.memory_space<vmem>>
    %gather3A_4354 = tpu.memref_squeeze %gather3A_4353 : memref<1x112xf32, #tpu.memory_space<vmem>> -> memref<112xf32, #tpu.memory_space<vmem>>
    %gather3A_4355 = tpu.vector_load_idx %gather3A_4354[%min3A_4350] : memref<112xf32, #tpu.memory_space<vmem>>[vector<16xi32>], vector<16xf32>,
    %gt3A_4356 = arith.constant 0 : i32
    %gt3A_4357 = vector.broadcast %gt3A_4356 : i32 to vector<16xi32>
    %gt3A_4358 = arith.cmpi sgt, %min3A_4330, %gt3A_4357 : vector<16xi32>
    %gt3A_4359 = arith.cmpf ogt, %gather3A_4344, %get3A_4306 : vector<16xf32>
    %and3A_4360 = arith.andi %gt3A_4358, %gt3A_4359 : vector<16xi1>
    %lt3A_4361 = arith.constant 99 : i32
    %lt3A_4362 = vector.broadcast %lt3A_4361 : i32 to vector<16xi32>
    %lt3A_4363 = arith.cmpi slt, %min3A_4330, %lt3A_4362 : vector<16xi32>
    %le3A_4364 = arith.cmpf ole, %gather3A_4355, %get3A_4306 : vector<16xf32>
    %and3A_4365 = arith.andi %lt3A_4363, %le3A_4364 : vector<16xi1>
    %sub3A_4366 = arith.constant 1 : i32
    %sub3A_4367 = vector.broadcast %sub3A_4366 : i32 to vector<16xi32>
    %sub3A_4368 = arith.subi %min3A_4330, %sub3A_4367 : vector<16xi32>
    %add3A_4369 = arith.constant 1 : i32
    %add3A_4370 = vector.broadcast %add3A_4369 : i32 to vector<16xi32>
    %add3A_4371 = arith.addi %min3A_4330, %add3A_4370 : vector<16xi32>
    %select_n3A_4372 = arith.select %and3A_4365, %add3A_4371, %min3A_4330 : vector<16xi1>, vector<16xi32>
    %select_n3A_4373 = arith.select %and3A_4360, %sub3A_4368, %select_n3A_4372 : vector<16xi1>, vector<16xi32>
    %sub3A_4374 = arith.constant -1.800000e+02 : f32
    %sub3A_4375 = vector.broadcast %sub3A_4374 : f32 to vector<16xf32>
    %sub3A_4376 = arith.subf %get3A_4308, %sub3A_4375 : vector<16xf32>
    %mul3A_4377 = arith.constant 0.272222221 : f32
    %mul3A_4378 = vector.broadcast %mul3A_4377 : f32 to vector<16xf32>
    %mul3A_4379 = arith.mulf %sub3A_4376, %mul3A_4378 : vector<16xf32>
    %max3A_4380 = arith.constant -1.000000e+00 : f32
    %max3A_4381 = vector.broadcast %max3A_4380 : f32 to vector<16xf32>
    %max3A_4382 = arith.maximumf %mul3A_4379, %max3A_4381 : vector<16xf32>
    %min3A_4383 = arith.constant 1.010000e+02 : f32
    %min3A_4384 = vector.broadcast %min3A_4383 : f32 to vector<16xf32>
    %min3A_4385 = arith.minimumf %max3A_4382, %min3A_4384 : vector<16xf32>
    %convert_element_type3A_4386 = arith.fptosi %min3A_4385 : vector<16xf32> to vector<16xi32>
    %add3A_4387 = arith.constant 1 : i32
    %add3A_4388 = vector.broadcast %add3A_4387 : i32 to vector<16xi32>
    %add3A_4389 = arith.addi %convert_element_type3A_4386, %add3A_4388 : vector<16xi32>
    %jit3A_4390 = arith.constant 0 : i32
    %jit3A_4391 = arith.constant 99 : i32
    %max3A_4392 = vector.broadcast %jit3A_4390 : i32 to vector<16xi32>
    %max3A_4393 = arith.maxsi %max3A_4392, %add3A_4389 : vector<16xi32>
    %min3A_4394 = vector.broadcast %jit3A_4391 : i32 to vector<16xi32>
    %min3A_4395 = arith.minsi %min3A_4394, %max3A_4393 : vector<16xi32>
    %sub3A_4396 = arith.constant 1 : i32
    %sub3A_4397 = vector.broadcast %sub3A_4396 : i32 to vector<16xi32>
    %sub3A_4398 = arith.subi %min3A_4395, %sub3A_4397 : vector<16xi32>
    %jit3A_4399 = arith.constant 0 : i32
    %jit3A_4400 = arith.constant 98 : i32
    %max3A_4401 = vector.broadcast %jit3A_4399 : i32 to vector<16xi32>
    %max3A_4402 = arith.maxsi %max3A_4401, %sub3A_4398 : vector<16xi32>
    %min3A_4403 = vector.broadcast %jit3A_4400 : i32 to vector<16xi32>
    %min3A_4404 = arith.minsi %min3A_4403, %max3A_4402 : vector<16xi32>
    %gather3A_4405 = arith.constant 1 : i32
    %gather3A_4406 = arith.constant 0 : i32
    %gather3A_4407 = tpu.memref_slice %arg10[%gather3A_4405, %gather3A_4406] : memref<2x112xf32, #tpu.memory_space<vmem>> -> memref<1x112xf32, #tpu.memory_space<vmem>>
    %gather3A_4408 = tpu.memref_squeeze %gather3A_4407 : memref<1x112xf32, #tpu.memory_space<vmem>> -> memref<112xf32, #tpu.memory_space<vmem>>
    %gather3A_4409 = tpu.vector_load_idx %gather3A_4408[%min3A_4404] : memref<112xf32, #tpu.memory_space<vmem>>[vector<16xi32>], vector<16xf32>,
    %jit3A_4410 = arith.constant 0 : i32
    %jit3A_4411 = arith.constant 98 : i32
    %max3A_4412 = vector.broadcast %jit3A_4410 : i32 to vector<16xi32>
    %max3A_4413 = arith.maxsi %max3A_4412, %min3A_4395 : vector<16xi32>
    %min3A_4414 = vector.broadcast %jit3A_4411 : i32 to vector<16xi32>
    %min3A_4415 = arith.minsi %min3A_4414, %max3A_4413 : vector<16xi32>
    %gather3A_4416 = arith.constant 1 : i32
    %gather3A_4417 = arith.constant 0 : i32
    %gather3A_4418 = tpu.memref_slice %arg10[%gather3A_4416, %gather3A_4417] : memref<2x112xf32, #tpu.memory_space<vmem>> -> memref<1x112xf32, #tpu.memory_space<vmem>>
    %gather3A_4419 = tpu.memref_squeeze %gather3A_4418 : memref<1x112xf32, #tpu.memory_space<vmem>> -> memref<112xf32, #tpu.memory_space<vmem>>
    %gather3A_4420 = tpu.vector_load_idx %gather3A_4419[%min3A_4415] : memref<112xf32, #tpu.memory_space<vmem>>[vector<16xi32>], vector<16xf32>,
    %gt3A_4421 = arith.constant 0 : i32
    %gt3A_4422 = vector.broadcast %gt3A_4421 : i32 to vector<16xi32>
    %gt3A_4423 = arith.cmpi sgt, %min3A_4395, %gt3A_4422 : vector<16xi32>
    %gt3A_4424 = arith.cmpf ogt, %gather3A_4409, %get3A_4308 : vector<16xf32>
    %and3A_4425 = arith.andi %gt3A_4423, %gt3A_4424 : vector<16xi1>
    %lt3A_4426 = arith.constant 99 : i32
    %lt3A_4427 = vector.broadcast %lt3A_4426 : i32 to vector<16xi32>
    %lt3A_4428 = arith.cmpi slt, %min3A_4395, %lt3A_4427 : vector<16xi32>
    %le3A_4429 = arith.cmpf ole, %gather3A_4420, %get3A_4308 : vector<16xf32>
    %and3A_4430 = arith.andi %lt3A_4428, %le3A_4429 : vector<16xi1>
    %sub3A_4431 = arith.constant 1 : i32
    %sub3A_4432 = vector.broadcast %sub3A_4431 : i32 to vector<16xi32>
    %sub3A_4433 = arith.subi %min3A_4395, %sub3A_4432 : vector<16xi32>
    %add3A_4434 = arith.constant 1 : i32
    %add3A_4435 = vector.broadcast %add3A_4434 : i32 to vector<16xi32>
    %add3A_4436 = arith.addi %min3A_4395, %add3A_4435 : vector<16xi32>
    %select_n3A_4437 = arith.select %and3A_4430, %add3A_4436, %min3A_4395 : vector<16xi1>, vector<16xi32>
    %select_n3A_4438 = arith.select %and3A_4425, %sub3A_4433, %select_n3A_4437 : vector<16xi1>, vector<16xi32>
    %add3A_4439 = arith.constant 100 : i32
    %add3A_4440 = vector.broadcast %add3A_4439 : i32 to vector<16xi32>
    %add3A_4441 = arith.addi %select_n3A_4438, %add3A_4440 : vector<16xi32>
    %add3A_4442 = arith.constant 0 : i32
    %add3A_4443 = vector.broadcast %add3A_4442 : i32 to vector<16xi32>
    %add3A_4444 = arith.addi %add3A_4443, %mul3A_13 : vector<16xi32>
    %scatter3A_4445 = arith.constant 7 : i32
    %scatter3A_4446 = arith.constant 0 : i32
    %scatter3A_4447 = tpu.memref_slice %arg11[%scatter3A_4445, %scatter3A_4446] : memref<8x128xi32, #tpu.memory_space<vmem>> -> memref<1x128xi32, #tpu.memory_space<vmem>>
    %scatter3A_4448 = tpu.memref_squeeze %scatter3A_4447 : memref<1x128xi32, #tpu.memory_space<vmem>> -> memref<128xi32, #tpu.memory_space<vmem>>
    tpu.vector_store_idx %scatter3A_4448[%add3A_4444], %select_n3A_4373 : memref<128xi32, #tpu.memory_space<vmem>>[vector<16xi32>], vector<16xi32>,
    %add3A_4449 = arith.constant 1 : i32
    %add3A_4450 = vector.broadcast %add3A_4449 : i32 to vector<16xi32>
    %add3A_4451 = arith.addi %add3A_4444, %add3A_4450 : vector<16xi32>
    %scatter3A_4452 = arith.constant 7 : i32
    %scatter3A_4453 = arith.constant 0 : i32
    %scatter3A_4454 = tpu.memref_slice %arg11[%scatter3A_4452, %scatter3A_4453] : memref<8x128xi32, #tpu.memory_space<vmem>> -> memref<1x128xi32, #tpu.memory_space<vmem>>
    %scatter3A_4455 = tpu.memref_squeeze %scatter3A_4454 : memref<1x128xi32, #tpu.memory_space<vmem>> -> memref<128xi32, #tpu.memory_space<vmem>>
    tpu.vector_store_idx %scatter3A_4455[%add3A_4451], %add3A_4441 : memref<128xi32, #tpu.memory_space<vmem>>[vector<16xi32>], vector<16xi32>,
    %get3A_4456 = arith.constant 464 : index
    %get3A_4457 = tpu.vector_load %arg8[%get3A_4456] {strides = array<i32>} : memref<512xf32, #tpu.memory_space<vmem>>, vector<16xf32>,
    %get3A_4458 = arith.constant 464 : index
    %get3A_4459 = tpu.vector_load %arg9[%get3A_4458] {strides = array<i32>} : memref<512xf32, #tpu.memory_space<vmem>>, vector<16xf32>,
    %sub3A_4460 = arith.constant -9.000000e+01 : f32
    %sub3A_4461 = vector.broadcast %sub3A_4460 : f32 to vector<16xf32>
    %sub3A_4462 = arith.subf %get3A_4457, %sub3A_4461 : vector<16xf32>
    %mul3A_4463 = arith.constant 0.544444442 : f32
    %mul3A_4464 = vector.broadcast %mul3A_4463 : f32 to vector<16xf32>
    %mul3A_4465 = arith.mulf %sub3A_4462, %mul3A_4464 : vector<16xf32>
    %max3A_4466 = arith.constant -1.000000e+00 : f32
    %max3A_4467 = vector.broadcast %max3A_4466 : f32 to vector<16xf32>
    %max3A_4468 = arith.maximumf %mul3A_4465, %max3A_4467 : vector<16xf32>
    %min3A_4469 = arith.constant 1.010000e+02 : f32
    %min3A_4470 = vector.broadcast %min3A_4469 : f32 to vector<16xf32>
    %min3A_4471 = arith.minimumf %max3A_4468, %min3A_4470 : vector<16xf32>
    %convert_element_type3A_4472 = arith.fptosi %min3A_4471 : vector<16xf32> to vector<16xi32>
    %add3A_4473 = arith.constant 1 : i32
    %add3A_4474 = vector.broadcast %add3A_4473 : i32 to vector<16xi32>
    %add3A_4475 = arith.addi %convert_element_type3A_4472, %add3A_4474 : vector<16xi32>
    %jit3A_4476 = arith.constant 0 : i32
    %jit3A_4477 = arith.constant 99 : i32
    %max3A_4478 = vector.broadcast %jit3A_4476 : i32 to vector<16xi32>
    %max3A_4479 = arith.maxsi %max3A_4478, %add3A_4475 : vector<16xi32>
    %min3A_4480 = vector.broadcast %jit3A_4477 : i32 to vector<16xi32>
    %min3A_4481 = arith.minsi %min3A_4480, %max3A_4479 : vector<16xi32>
    %sub3A_4482 = arith.constant 1 : i32
    %sub3A_4483 = vector.broadcast %sub3A_4482 : i32 to vector<16xi32>
    %sub3A_4484 = arith.subi %min3A_4481, %sub3A_4483 : vector<16xi32>
    %jit3A_4485 = arith.constant 0 : i32
    %jit3A_4486 = arith.constant 98 : i32
    %max3A_4487 = vector.broadcast %jit3A_4485 : i32 to vector<16xi32>
    %max3A_4488 = arith.maxsi %max3A_4487, %sub3A_4484 : vector<16xi32>
    %min3A_4489 = vector.broadcast %jit3A_4486 : i32 to vector<16xi32>
    %min3A_4490 = arith.minsi %min3A_4489, %max3A_4488 : vector<16xi32>
    %gather3A_4491 = arith.constant 0 : i32
    %gather3A_4492 = arith.constant 0 : i32
    %gather3A_4493 = tpu.memref_slice %arg10[%gather3A_4491, %gather3A_4492] : memref<2x112xf32, #tpu.memory_space<vmem>> -> memref<1x112xf32, #tpu.memory_space<vmem>>
    %gather3A_4494 = tpu.memref_squeeze %gather3A_4493 : memref<1x112xf32, #tpu.memory_space<vmem>> -> memref<112xf32, #tpu.memory_space<vmem>>
    %gather3A_4495 = tpu.vector_load_idx %gather3A_4494[%min3A_4490] : memref<112xf32, #tpu.memory_space<vmem>>[vector<16xi32>], vector<16xf32>,
    %jit3A_4496 = arith.constant 0 : i32
    %jit3A_4497 = arith.constant 98 : i32
    %max3A_4498 = vector.broadcast %jit3A_4496 : i32 to vector<16xi32>
    %max3A_4499 = arith.maxsi %max3A_4498, %min3A_4481 : vector<16xi32>
    %min3A_4500 = vector.broadcast %jit3A_4497 : i32 to vector<16xi32>
    %min3A_4501 = arith.minsi %min3A_4500, %max3A_4499 : vector<16xi32>
    %gather3A_4502 = arith.constant 0 : i32
    %gather3A_4503 = arith.constant 0 : i32
    %gather3A_4504 = tpu.memref_slice %arg10[%gather3A_4502, %gather3A_4503] : memref<2x112xf32, #tpu.memory_space<vmem>> -> memref<1x112xf32, #tpu.memory_space<vmem>>
    %gather3A_4505 = tpu.memref_squeeze %gather3A_4504 : memref<1x112xf32, #tpu.memory_space<vmem>> -> memref<112xf32, #tpu.memory_space<vmem>>
    %gather3A_4506 = tpu.vector_load_idx %gather3A_4505[%min3A_4501] : memref<112xf32, #tpu.memory_space<vmem>>[vector<16xi32>], vector<16xf32>,
    %gt3A_4507 = arith.constant 0 : i32
    %gt3A_4508 = vector.broadcast %gt3A_4507 : i32 to vector<16xi32>
    %gt3A_4509 = arith.cmpi sgt, %min3A_4481, %gt3A_4508 : vector<16xi32>
    %gt3A_4510 = arith.cmpf ogt, %gather3A_4495, %get3A_4457 : vector<16xf32>
    %and3A_4511 = arith.andi %gt3A_4509, %gt3A_4510 : vector<16xi1>
    %lt3A_4512 = arith.constant 99 : i32
    %lt3A_4513 = vector.broadcast %lt3A_4512 : i32 to vector<16xi32>
    %lt3A_4514 = arith.cmpi slt, %min3A_4481, %lt3A_4513 : vector<16xi32>
    %le3A_4515 = arith.cmpf ole, %gather3A_4506, %get3A_4457 : vector<16xf32>
    %and3A_4516 = arith.andi %lt3A_4514, %le3A_4515 : vector<16xi1>
    %sub3A_4517 = arith.constant 1 : i32
    %sub3A_4518 = vector.broadcast %sub3A_4517 : i32 to vector<16xi32>
    %sub3A_4519 = arith.subi %min3A_4481, %sub3A_4518 : vector<16xi32>
    %add3A_4520 = arith.constant 1 : i32
    %add3A_4521 = vector.broadcast %add3A_4520 : i32 to vector<16xi32>
    %add3A_4522 = arith.addi %min3A_4481, %add3A_4521 : vector<16xi32>
    %select_n3A_4523 = arith.select %and3A_4516, %add3A_4522, %min3A_4481 : vector<16xi1>, vector<16xi32>
    %select_n3A_4524 = arith.select %and3A_4511, %sub3A_4519, %select_n3A_4523 : vector<16xi1>, vector<16xi32>
    %sub3A_4525 = arith.constant -1.800000e+02 : f32
    %sub3A_4526 = vector.broadcast %sub3A_4525 : f32 to vector<16xf32>
    %sub3A_4527 = arith.subf %get3A_4459, %sub3A_4526 : vector<16xf32>
    %mul3A_4528 = arith.constant 0.272222221 : f32
    %mul3A_4529 = vector.broadcast %mul3A_4528 : f32 to vector<16xf32>
    %mul3A_4530 = arith.mulf %sub3A_4527, %mul3A_4529 : vector<16xf32>
    %max3A_4531 = arith.constant -1.000000e+00 : f32
    %max3A_4532 = vector.broadcast %max3A_4531 : f32 to vector<16xf32>
    %max3A_4533 = arith.maximumf %mul3A_4530, %max3A_4532 : vector<16xf32>
    %min3A_4534 = arith.constant 1.010000e+02 : f32
    %min3A_4535 = vector.broadcast %min3A_4534 : f32 to vector<16xf32>
    %min3A_4536 = arith.minimumf %max3A_4533, %min3A_4535 : vector<16xf32>
    %convert_element_type3A_4537 = arith.fptosi %min3A_4536 : vector<16xf32> to vector<16xi32>
    %add3A_4538 = arith.constant 1 : i32
    %add3A_4539 = vector.broadcast %add3A_4538 : i32 to vector<16xi32>
    %add3A_4540 = arith.addi %convert_element_type3A_4537, %add3A_4539 : vector<16xi32>
    %jit3A_4541 = arith.constant 0 : i32
    %jit3A_4542 = arith.constant 99 : i32
    %max3A_4543 = vector.broadcast %jit3A_4541 : i32 to vector<16xi32>
    %max3A_4544 = arith.maxsi %max3A_4543, %add3A_4540 : vector<16xi32>
    %min3A_4545 = vector.broadcast %jit3A_4542 : i32 to vector<16xi32>
    %min3A_4546 = arith.minsi %min3A_4545, %max3A_4544 : vector<16xi32>
    %sub3A_4547 = arith.constant 1 : i32
    %sub3A_4548 = vector.broadcast %sub3A_4547 : i32 to vector<16xi32>
    %sub3A_4549 = arith.subi %min3A_4546, %sub3A_4548 : vector<16xi32>
    %jit3A_4550 = arith.constant 0 : i32
    %jit3A_4551 = arith.constant 98 : i32
    %max3A_4552 = vector.broadcast %jit3A_4550 : i32 to vector<16xi32>
    %max3A_4553 = arith.maxsi %max3A_4552, %sub3A_4549 : vector<16xi32>
    %min3A_4554 = vector.broadcast %jit3A_4551 : i32 to vector<16xi32>
    %min3A_4555 = arith.minsi %min3A_4554, %max3A_4553 : vector<16xi32>
    %gather3A_4556 = arith.constant 1 : i32
    %gather3A_4557 = arith.constant 0 : i32
    %gather3A_4558 = tpu.memref_slice %arg10[%gather3A_4556, %gather3A_4557] : memref<2x112xf32, #tpu.memory_space<vmem>> -> memref<1x112xf32, #tpu.memory_space<vmem>>
    %gather3A_4559 = tpu.memref_squeeze %gather3A_4558 : memref<1x112xf32, #tpu.memory_space<vmem>> -> memref<112xf32, #tpu.memory_space<vmem>>
    %gather3A_4560 = tpu.vector_load_idx %gather3A_4559[%min3A_4555] : memref<112xf32, #tpu.memory_space<vmem>>[vector<16xi32>], vector<16xf32>,
    %jit3A_4561 = arith.constant 0 : i32
    %jit3A_4562 = arith.constant 98 : i32
    %max3A_4563 = vector.broadcast %jit3A_4561 : i32 to vector<16xi32>
    %max3A_4564 = arith.maxsi %max3A_4563, %min3A_4546 : vector<16xi32>
    %min3A_4565 = vector.broadcast %jit3A_4562 : i32 to vector<16xi32>
    %min3A_4566 = arith.minsi %min3A_4565, %max3A_4564 : vector<16xi32>
    %gather3A_4567 = arith.constant 1 : i32
    %gather3A_4568 = arith.constant 0 : i32
    %gather3A_4569 = tpu.memref_slice %arg10[%gather3A_4567, %gather3A_4568] : memref<2x112xf32, #tpu.memory_space<vmem>> -> memref<1x112xf32, #tpu.memory_space<vmem>>
    %gather3A_4570 = tpu.memref_squeeze %gather3A_4569 : memref<1x112xf32, #tpu.memory_space<vmem>> -> memref<112xf32, #tpu.memory_space<vmem>>
    %gather3A_4571 = tpu.vector_load_idx %gather3A_4570[%min3A_4566] : memref<112xf32, #tpu.memory_space<vmem>>[vector<16xi32>], vector<16xf32>,
    %gt3A_4572 = arith.constant 0 : i32
    %gt3A_4573 = vector.broadcast %gt3A_4572 : i32 to vector<16xi32>
    %gt3A_4574 = arith.cmpi sgt, %min3A_4546, %gt3A_4573 : vector<16xi32>
    %gt3A_4575 = arith.cmpf ogt, %gather3A_4560, %get3A_4459 : vector<16xf32>
    %and3A_4576 = arith.andi %gt3A_4574, %gt3A_4575 : vector<16xi1>
    %lt3A_4577 = arith.constant 99 : i32
    %lt3A_4578 = vector.broadcast %lt3A_4577 : i32 to vector<16xi32>
    %lt3A_4579 = arith.cmpi slt, %min3A_4546, %lt3A_4578 : vector<16xi32>
    %le3A_4580 = arith.cmpf ole, %gather3A_4571, %get3A_4459 : vector<16xf32>
    %and3A_4581 = arith.andi %lt3A_4579, %le3A_4580 : vector<16xi1>
    %sub3A_4582 = arith.constant 1 : i32
    %sub3A_4583 = vector.broadcast %sub3A_4582 : i32 to vector<16xi32>
    %sub3A_4584 = arith.subi %min3A_4546, %sub3A_4583 : vector<16xi32>
    %add3A_4585 = arith.constant 1 : i32
    %add3A_4586 = vector.broadcast %add3A_4585 : i32 to vector<16xi32>
    %add3A_4587 = arith.addi %min3A_4546, %add3A_4586 : vector<16xi32>
    %select_n3A_4588 = arith.select %and3A_4581, %add3A_4587, %min3A_4546 : vector<16xi1>, vector<16xi32>
    %select_n3A_4589 = arith.select %and3A_4576, %sub3A_4584, %select_n3A_4588 : vector<16xi1>, vector<16xi32>
    %add3A_4590 = arith.constant 100 : i32
    %add3A_4591 = vector.broadcast %add3A_4590 : i32 to vector<16xi32>
    %add3A_4592 = arith.addi %select_n3A_4589, %add3A_4591 : vector<16xi32>
    %add3A_4593 = arith.constant 32 : i32
    %add3A_4594 = vector.broadcast %add3A_4593 : i32 to vector<16xi32>
    %add3A_4595 = arith.addi %add3A_4594, %mul3A_13 : vector<16xi32>
    %scatter3A_4596 = arith.constant 7 : i32
    %scatter3A_4597 = arith.constant 0 : i32
    %scatter3A_4598 = tpu.memref_slice %arg11[%scatter3A_4596, %scatter3A_4597] : memref<8x128xi32, #tpu.memory_space<vmem>> -> memref<1x128xi32, #tpu.memory_space<vmem>>
    %scatter3A_4599 = tpu.memref_squeeze %scatter3A_4598 : memref<1x128xi32, #tpu.memory_space<vmem>> -> memref<128xi32, #tpu.memory_space<vmem>>
    tpu.vector_store_idx %scatter3A_4599[%add3A_4595], %select_n3A_4524 : memref<128xi32, #tpu.memory_space<vmem>>[vector<16xi32>], vector<16xi32>,
    %add3A_4600 = arith.constant 1 : i32
    %add3A_4601 = vector.broadcast %add3A_4600 : i32 to vector<16xi32>
    %add3A_4602 = arith.addi %add3A_4595, %add3A_4601 : vector<16xi32>
    %scatter3A_4603 = arith.constant 7 : i32
    %scatter3A_4604 = arith.constant 0 : i32
    %scatter3A_4605 = tpu.memref_slice %arg11[%scatter3A_4603, %scatter3A_4604] : memref<8x128xi32, #tpu.memory_space<vmem>> -> memref<1x128xi32, #tpu.memory_space<vmem>>
    %scatter3A_4606 = tpu.memref_squeeze %scatter3A_4605 : memref<1x128xi32, #tpu.memory_space<vmem>> -> memref<128xi32, #tpu.memory_space<vmem>>
    tpu.vector_store_idx %scatter3A_4606[%add3A_4602], %add3A_4592 : memref<128xi32, #tpu.memory_space<vmem>>[vector<16xi32>], vector<16xi32>,
    %get3A_4607 = arith.constant 480 : index
    %get3A_4608 = tpu.vector_load %arg8[%get3A_4607] {strides = array<i32>} : memref<512xf32, #tpu.memory_space<vmem>>, vector<16xf32>,
    %get3A_4609 = arith.constant 480 : index
    %get3A_4610 = tpu.vector_load %arg9[%get3A_4609] {strides = array<i32>} : memref<512xf32, #tpu.memory_space<vmem>>, vector<16xf32>,
    %sub3A_4611 = arith.constant -9.000000e+01 : f32
    %sub3A_4612 = vector.broadcast %sub3A_4611 : f32 to vector<16xf32>
    %sub3A_4613 = arith.subf %get3A_4608, %sub3A_4612 : vector<16xf32>
    %mul3A_4614 = arith.constant 0.544444442 : f32
    %mul3A_4615 = vector.broadcast %mul3A_4614 : f32 to vector<16xf32>
    %mul3A_4616 = arith.mulf %sub3A_4613, %mul3A_4615 : vector<16xf32>
    %max3A_4617 = arith.constant -1.000000e+00 : f32
    %max3A_4618 = vector.broadcast %max3A_4617 : f32 to vector<16xf32>
    %max3A_4619 = arith.maximumf %mul3A_4616, %max3A_4618 : vector<16xf32>
    %min3A_4620 = arith.constant 1.010000e+02 : f32
    %min3A_4621 = vector.broadcast %min3A_4620 : f32 to vector<16xf32>
    %min3A_4622 = arith.minimumf %max3A_4619, %min3A_4621 : vector<16xf32>
    %convert_element_type3A_4623 = arith.fptosi %min3A_4622 : vector<16xf32> to vector<16xi32>
    %add3A_4624 = arith.constant 1 : i32
    %add3A_4625 = vector.broadcast %add3A_4624 : i32 to vector<16xi32>
    %add3A_4626 = arith.addi %convert_element_type3A_4623, %add3A_4625 : vector<16xi32>
    %jit3A_4627 = arith.constant 0 : i32
    %jit3A_4628 = arith.constant 99 : i32
    %max3A_4629 = vector.broadcast %jit3A_4627 : i32 to vector<16xi32>
    %max3A_4630 = arith.maxsi %max3A_4629, %add3A_4626 : vector<16xi32>
    %min3A_4631 = vector.broadcast %jit3A_4628 : i32 to vector<16xi32>
    %min3A_4632 = arith.minsi %min3A_4631, %max3A_4630 : vector<16xi32>
    %sub3A_4633 = arith.constant 1 : i32
    %sub3A_4634 = vector.broadcast %sub3A_4633 : i32 to vector<16xi32>
    %sub3A_4635 = arith.subi %min3A_4632, %sub3A_4634 : vector<16xi32>
    %jit3A_4636 = arith.constant 0 : i32
    %jit3A_4637 = arith.constant 98 : i32
    %max3A_4638 = vector.broadcast %jit3A_4636 : i32 to vector<16xi32>
    %max3A_4639 = arith.maxsi %max3A_4638, %sub3A_4635 : vector<16xi32>
    %min3A_4640 = vector.broadcast %jit3A_4637 : i32 to vector<16xi32>
    %min3A_4641 = arith.minsi %min3A_4640, %max3A_4639 : vector<16xi32>
    %gather3A_4642 = arith.constant 0 : i32
    %gather3A_4643 = arith.constant 0 : i32
    %gather3A_4644 = tpu.memref_slice %arg10[%gather3A_4642, %gather3A_4643] : memref<2x112xf32, #tpu.memory_space<vmem>> -> memref<1x112xf32, #tpu.memory_space<vmem>>
    %gather3A_4645 = tpu.memref_squeeze %gather3A_4644 : memref<1x112xf32, #tpu.memory_space<vmem>> -> memref<112xf32, #tpu.memory_space<vmem>>
    %gather3A_4646 = tpu.vector_load_idx %gather3A_4645[%min3A_4641] : memref<112xf32, #tpu.memory_space<vmem>>[vector<16xi32>], vector<16xf32>,
    %jit3A_4647 = arith.constant 0 : i32
    %jit3A_4648 = arith.constant 98 : i32
    %max3A_4649 = vector.broadcast %jit3A_4647 : i32 to vector<16xi32>
    %max3A_4650 = arith.maxsi %max3A_4649, %min3A_4632 : vector<16xi32>
    %min3A_4651 = vector.broadcast %jit3A_4648 : i32 to vector<16xi32>
    %min3A_4652 = arith.minsi %min3A_4651, %max3A_4650 : vector<16xi32>
    %gather3A_4653 = arith.constant 0 : i32
    %gather3A_4654 = arith.constant 0 : i32
    %gather3A_4655 = tpu.memref_slice %arg10[%gather3A_4653, %gather3A_4654] : memref<2x112xf32, #tpu.memory_space<vmem>> -> memref<1x112xf32, #tpu.memory_space<vmem>>
    %gather3A_4656 = tpu.memref_squeeze %gather3A_4655 : memref<1x112xf32, #tpu.memory_space<vmem>> -> memref<112xf32, #tpu.memory_space<vmem>>
    %gather3A_4657 = tpu.vector_load_idx %gather3A_4656[%min3A_4652] : memref<112xf32, #tpu.memory_space<vmem>>[vector<16xi32>], vector<16xf32>,
    %gt3A_4658 = arith.constant 0 : i32
    %gt3A_4659 = vector.broadcast %gt3A_4658 : i32 to vector<16xi32>
    %gt3A_4660 = arith.cmpi sgt, %min3A_4632, %gt3A_4659 : vector<16xi32>
    %gt3A_4661 = arith.cmpf ogt, %gather3A_4646, %get3A_4608 : vector<16xf32>
    %and3A_4662 = arith.andi %gt3A_4660, %gt3A_4661 : vector<16xi1>
    %lt3A_4663 = arith.constant 99 : i32
    %lt3A_4664 = vector.broadcast %lt3A_4663 : i32 to vector<16xi32>
    %lt3A_4665 = arith.cmpi slt, %min3A_4632, %lt3A_4664 : vector<16xi32>
    %le3A_4666 = arith.cmpf ole, %gather3A_4657, %get3A_4608 : vector<16xf32>
    %and3A_4667 = arith.andi %lt3A_4665, %le3A_4666 : vector<16xi1>
    %sub3A_4668 = arith.constant 1 : i32
    %sub3A_4669 = vector.broadcast %sub3A_4668 : i32 to vector<16xi32>
    %sub3A_4670 = arith.subi %min3A_4632, %sub3A_4669 : vector<16xi32>
    %add3A_4671 = arith.constant 1 : i32
    %add3A_4672 = vector.broadcast %add3A_4671 : i32 to vector<16xi32>
    %add3A_4673 = arith.addi %min3A_4632, %add3A_4672 : vector<16xi32>
    %select_n3A_4674 = arith.select %and3A_4667, %add3A_4673, %min3A_4632 : vector<16xi1>, vector<16xi32>
    %select_n3A_4675 = arith.select %and3A_4662, %sub3A_4670, %select_n3A_4674 : vector<16xi1>, vector<16xi32>
    %sub3A_4676 = arith.constant -1.800000e+02 : f32
    %sub3A_4677 = vector.broadcast %sub3A_4676 : f32 to vector<16xf32>
    %sub3A_4678 = arith.subf %get3A_4610, %sub3A_4677 : vector<16xf32>
    %mul3A_4679 = arith.constant 0.272222221 : f32
    %mul3A_4680 = vector.broadcast %mul3A_4679 : f32 to vector<16xf32>
    %mul3A_4681 = arith.mulf %sub3A_4678, %mul3A_4680 : vector<16xf32>
    %max3A_4682 = arith.constant -1.000000e+00 : f32
    %max3A_4683 = vector.broadcast %max3A_4682 : f32 to vector<16xf32>
    %max3A_4684 = arith.maximumf %mul3A_4681, %max3A_4683 : vector<16xf32>
    %min3A_4685 = arith.constant 1.010000e+02 : f32
    %min3A_4686 = vector.broadcast %min3A_4685 : f32 to vector<16xf32>
    %min3A_4687 = arith.minimumf %max3A_4684, %min3A_4686 : vector<16xf32>
    %convert_element_type3A_4688 = arith.fptosi %min3A_4687 : vector<16xf32> to vector<16xi32>
    %add3A_4689 = arith.constant 1 : i32
    %add3A_4690 = vector.broadcast %add3A_4689 : i32 to vector<16xi32>
    %add3A_4691 = arith.addi %convert_element_type3A_4688, %add3A_4690 : vector<16xi32>
    %jit3A_4692 = arith.constant 0 : i32
    %jit3A_4693 = arith.constant 99 : i32
    %max3A_4694 = vector.broadcast %jit3A_4692 : i32 to vector<16xi32>
    %max3A_4695 = arith.maxsi %max3A_4694, %add3A_4691 : vector<16xi32>
    %min3A_4696 = vector.broadcast %jit3A_4693 : i32 to vector<16xi32>
    %min3A_4697 = arith.minsi %min3A_4696, %max3A_4695 : vector<16xi32>
    %sub3A_4698 = arith.constant 1 : i32
    %sub3A_4699 = vector.broadcast %sub3A_4698 : i32 to vector<16xi32>
    %sub3A_4700 = arith.subi %min3A_4697, %sub3A_4699 : vector<16xi32>
    %jit3A_4701 = arith.constant 0 : i32
    %jit3A_4702 = arith.constant 98 : i32
    %max3A_4703 = vector.broadcast %jit3A_4701 : i32 to vector<16xi32>
    %max3A_4704 = arith.maxsi %max3A_4703, %sub3A_4700 : vector<16xi32>
    %min3A_4705 = vector.broadcast %jit3A_4702 : i32 to vector<16xi32>
    %min3A_4706 = arith.minsi %min3A_4705, %max3A_4704 : vector<16xi32>
    %gather3A_4707 = arith.constant 1 : i32
    %gather3A_4708 = arith.constant 0 : i32
    %gather3A_4709 = tpu.memref_slice %arg10[%gather3A_4707, %gather3A_4708] : memref<2x112xf32, #tpu.memory_space<vmem>> -> memref<1x112xf32, #tpu.memory_space<vmem>>
    %gather3A_4710 = tpu.memref_squeeze %gather3A_4709 : memref<1x112xf32, #tpu.memory_space<vmem>> -> memref<112xf32, #tpu.memory_space<vmem>>
    %gather3A_4711 = tpu.vector_load_idx %gather3A_4710[%min3A_4706] : memref<112xf32, #tpu.memory_space<vmem>>[vector<16xi32>], vector<16xf32>,
    %jit3A_4712 = arith.constant 0 : i32
    %jit3A_4713 = arith.constant 98 : i32
    %max3A_4714 = vector.broadcast %jit3A_4712 : i32 to vector<16xi32>
    %max3A_4715 = arith.maxsi %max3A_4714, %min3A_4697 : vector<16xi32>
    %min3A_4716 = vector.broadcast %jit3A_4713 : i32 to vector<16xi32>
    %min3A_4717 = arith.minsi %min3A_4716, %max3A_4715 : vector<16xi32>
    %gather3A_4718 = arith.constant 1 : i32
    %gather3A_4719 = arith.constant 0 : i32
    %gather3A_4720 = tpu.memref_slice %arg10[%gather3A_4718, %gather3A_4719] : memref<2x112xf32, #tpu.memory_space<vmem>> -> memref<1x112xf32, #tpu.memory_space<vmem>>
    %gather3A_4721 = tpu.memref_squeeze %gather3A_4720 : memref<1x112xf32, #tpu.memory_space<vmem>> -> memref<112xf32, #tpu.memory_space<vmem>>
    %gather3A_4722 = tpu.vector_load_idx %gather3A_4721[%min3A_4717] : memref<112xf32, #tpu.memory_space<vmem>>[vector<16xi32>], vector<16xf32>,
    %gt3A_4723 = arith.constant 0 : i32
    %gt3A_4724 = vector.broadcast %gt3A_4723 : i32 to vector<16xi32>
    %gt3A_4725 = arith.cmpi sgt, %min3A_4697, %gt3A_4724 : vector<16xi32>
    %gt3A_4726 = arith.cmpf ogt, %gather3A_4711, %get3A_4610 : vector<16xf32>
    %and3A_4727 = arith.andi %gt3A_4725, %gt3A_4726 : vector<16xi1>
    %lt3A_4728 = arith.constant 99 : i32
    %lt3A_4729 = vector.broadcast %lt3A_4728 : i32 to vector<16xi32>
    %lt3A_4730 = arith.cmpi slt, %min3A_4697, %lt3A_4729 : vector<16xi32>
    %le3A_4731 = arith.cmpf ole, %gather3A_4722, %get3A_4610 : vector<16xf32>
    %and3A_4732 = arith.andi %lt3A_4730, %le3A_4731 : vector<16xi1>
    %sub3A_4733 = arith.constant 1 : i32
    %sub3A_4734 = vector.broadcast %sub3A_4733 : i32 to vector<16xi32>
    %sub3A_4735 = arith.subi %min3A_4697, %sub3A_4734 : vector<16xi32>
    %add3A_4736 = arith.constant 1 : i32
    %add3A_4737 = vector.broadcast %add3A_4736 : i32 to vector<16xi32>
    %add3A_4738 = arith.addi %min3A_4697, %add3A_4737 : vector<16xi32>
    %select_n3A_4739 = arith.select %and3A_4732, %add3A_4738, %min3A_4697 : vector<16xi1>, vector<16xi32>
    %select_n3A_4740 = arith.select %and3A_4727, %sub3A_4735, %select_n3A_4739 : vector<16xi1>, vector<16xi32>
    %add3A_4741 = arith.constant 100 : i32
    %add3A_4742 = vector.broadcast %add3A_4741 : i32 to vector<16xi32>
    %add3A_4743 = arith.addi %select_n3A_4740, %add3A_4742 : vector<16xi32>
    %add3A_4744 = arith.constant 64 : i32
    %add3A_4745 = vector.broadcast %add3A_4744 : i32 to vector<16xi32>
    %add3A_4746 = arith.addi %add3A_4745, %mul3A_13 : vector<16xi32>
    %scatter3A_4747 = arith.constant 7 : i32
    %scatter3A_4748 = arith.constant 0 : i32
    %scatter3A_4749 = tpu.memref_slice %arg11[%scatter3A_4747, %scatter3A_4748] : memref<8x128xi32, #tpu.memory_space<vmem>> -> memref<1x128xi32, #tpu.memory_space<vmem>>
    %scatter3A_4750 = tpu.memref_squeeze %scatter3A_4749 : memref<1x128xi32, #tpu.memory_space<vmem>> -> memref<128xi32, #tpu.memory_space<vmem>>
    tpu.vector_store_idx %scatter3A_4750[%add3A_4746], %select_n3A_4675 : memref<128xi32, #tpu.memory_space<vmem>>[vector<16xi32>], vector<16xi32>,
    %add3A_4751 = arith.constant 1 : i32
    %add3A_4752 = vector.broadcast %add3A_4751 : i32 to vector<16xi32>
    %add3A_4753 = arith.addi %add3A_4746, %add3A_4752 : vector<16xi32>
    %scatter3A_4754 = arith.constant 7 : i32
    %scatter3A_4755 = arith.constant 0 : i32
    %scatter3A_4756 = tpu.memref_slice %arg11[%scatter3A_4754, %scatter3A_4755] : memref<8x128xi32, #tpu.memory_space<vmem>> -> memref<1x128xi32, #tpu.memory_space<vmem>>
    %scatter3A_4757 = tpu.memref_squeeze %scatter3A_4756 : memref<1x128xi32, #tpu.memory_space<vmem>> -> memref<128xi32, #tpu.memory_space<vmem>>
    tpu.vector_store_idx %scatter3A_4757[%add3A_4753], %add3A_4743 : memref<128xi32, #tpu.memory_space<vmem>>[vector<16xi32>], vector<16xi32>,
    %get3A_4758 = arith.constant 496 : index
    %get3A_4759 = tpu.vector_load %arg8[%get3A_4758] {strides = array<i32>} : memref<512xf32, #tpu.memory_space<vmem>>, vector<16xf32>,
    %get3A_4760 = arith.constant 496 : index
    %get3A_4761 = tpu.vector_load %arg9[%get3A_4760] {strides = array<i32>} : memref<512xf32, #tpu.memory_space<vmem>>, vector<16xf32>,
    %sub3A_4762 = arith.constant -9.000000e+01 : f32
    %sub3A_4763 = vector.broadcast %sub3A_4762 : f32 to vector<16xf32>
    %sub3A_4764 = arith.subf %get3A_4759, %sub3A_4763 : vector<16xf32>
    %mul3A_4765 = arith.constant 0.544444442 : f32
    %mul3A_4766 = vector.broadcast %mul3A_4765 : f32 to vector<16xf32>
    %mul3A_4767 = arith.mulf %sub3A_4764, %mul3A_4766 : vector<16xf32>
    %max3A_4768 = arith.constant -1.000000e+00 : f32
    %max3A_4769 = vector.broadcast %max3A_4768 : f32 to vector<16xf32>
    %max3A_4770 = arith.maximumf %mul3A_4767, %max3A_4769 : vector<16xf32>
    %min3A_4771 = arith.constant 1.010000e+02 : f32
    %min3A_4772 = vector.broadcast %min3A_4771 : f32 to vector<16xf32>
    %min3A_4773 = arith.minimumf %max3A_4770, %min3A_4772 : vector<16xf32>
    %convert_element_type3A_4774 = arith.fptosi %min3A_4773 : vector<16xf32> to vector<16xi32>
    %add3A_4775 = arith.constant 1 : i32
    %add3A_4776 = vector.broadcast %add3A_4775 : i32 to vector<16xi32>
    %add3A_4777 = arith.addi %convert_element_type3A_4774, %add3A_4776 : vector<16xi32>
    %jit3A_4778 = arith.constant 0 : i32
    %jit3A_4779 = arith.constant 99 : i32
    %max3A_4780 = vector.broadcast %jit3A_4778 : i32 to vector<16xi32>
    %max3A_4781 = arith.maxsi %max3A_4780, %add3A_4777 : vector<16xi32>
    %min3A_4782 = vector.broadcast %jit3A_4779 : i32 to vector<16xi32>
    %min3A_4783 = arith.minsi %min3A_4782, %max3A_4781 : vector<16xi32>
    %sub3A_4784 = arith.constant 1 : i32
    %sub3A_4785 = vector.broadcast %sub3A_4784 : i32 to vector<16xi32>
    %sub3A_4786 = arith.subi %min3A_4783, %sub3A_4785 : vector<16xi32>
    %jit3A_4787 = arith.constant 0 : i32
    %jit3A_4788 = arith.constant 98 : i32
    %max3A_4789 = vector.broadcast %jit3A_4787 : i32 to vector<16xi32>
    %max3A_4790 = arith.maxsi %max3A_4789, %sub3A_4786 : vector<16xi32>
    %min3A_4791 = vector.broadcast %jit3A_4788 : i32 to vector<16xi32>
    %min3A_4792 = arith.minsi %min3A_4791, %max3A_4790 : vector<16xi32>
    %gather3A_4793 = arith.constant 0 : i32
    %gather3A_4794 = arith.constant 0 : i32
    %gather3A_4795 = tpu.memref_slice %arg10[%gather3A_4793, %gather3A_4794] : memref<2x112xf32, #tpu.memory_space<vmem>> -> memref<1x112xf32, #tpu.memory_space<vmem>>
    %gather3A_4796 = tpu.memref_squeeze %gather3A_4795 : memref<1x112xf32, #tpu.memory_space<vmem>> -> memref<112xf32, #tpu.memory_space<vmem>>
    %gather3A_4797 = tpu.vector_load_idx %gather3A_4796[%min3A_4792] : memref<112xf32, #tpu.memory_space<vmem>>[vector<16xi32>], vector<16xf32>,
    %jit3A_4798 = arith.constant 0 : i32
    %jit3A_4799 = arith.constant 98 : i32
    %max3A_4800 = vector.broadcast %jit3A_4798 : i32 to vector<16xi32>
    %max3A_4801 = arith.maxsi %max3A_4800, %min3A_4783 : vector<16xi32>
    %min3A_4802 = vector.broadcast %jit3A_4799 : i32 to vector<16xi32>
    %min3A_4803 = arith.minsi %min3A_4802, %max3A_4801 : vector<16xi32>
    %gather3A_4804 = arith.constant 0 : i32
    %gather3A_4805 = arith.constant 0 : i32
    %gather3A_4806 = tpu.memref_slice %arg10[%gather3A_4804, %gather3A_4805] : memref<2x112xf32, #tpu.memory_space<vmem>> -> memref<1x112xf32, #tpu.memory_space<vmem>>
    %gather3A_4807 = tpu.memref_squeeze %gather3A_4806 : memref<1x112xf32, #tpu.memory_space<vmem>> -> memref<112xf32, #tpu.memory_space<vmem>>
    %gather3A_4808 = tpu.vector_load_idx %gather3A_4807[%min3A_4803] : memref<112xf32, #tpu.memory_space<vmem>>[vector<16xi32>], vector<16xf32>,
    %gt3A_4809 = arith.constant 0 : i32
    %gt3A_4810 = vector.broadcast %gt3A_4809 : i32 to vector<16xi32>
    %gt3A_4811 = arith.cmpi sgt, %min3A_4783, %gt3A_4810 : vector<16xi32>
    %gt3A_4812 = arith.cmpf ogt, %gather3A_4797, %get3A_4759 : vector<16xf32>
    %and3A_4813 = arith.andi %gt3A_4811, %gt3A_4812 : vector<16xi1>
    %lt3A_4814 = arith.constant 99 : i32
    %lt3A_4815 = vector.broadcast %lt3A_4814 : i32 to vector<16xi32>
    %lt3A_4816 = arith.cmpi slt, %min3A_4783, %lt3A_4815 : vector<16xi32>
    %le3A_4817 = arith.cmpf ole, %gather3A_4808, %get3A_4759 : vector<16xf32>
    %and3A_4818 = arith.andi %lt3A_4816, %le3A_4817 : vector<16xi1>
    %sub3A_4819 = arith.constant 1 : i32
    %sub3A_4820 = vector.broadcast %sub3A_4819 : i32 to vector<16xi32>
    %sub3A_4821 = arith.subi %min3A_4783, %sub3A_4820 : vector<16xi32>
    %add3A_4822 = arith.constant 1 : i32
    %add3A_4823 = vector.broadcast %add3A_4822 : i32 to vector<16xi32>
    %add3A_4824 = arith.addi %min3A_4783, %add3A_4823 : vector<16xi32>
    %select_n3A_4825 = arith.select %and3A_4818, %add3A_4824, %min3A_4783 : vector<16xi1>, vector<16xi32>
    %select_n3A_4826 = arith.select %and3A_4813, %sub3A_4821, %select_n3A_4825 : vector<16xi1>, vector<16xi32>
    %sub3A_4827 = arith.constant -1.800000e+02 : f32
    %sub3A_4828 = vector.broadcast %sub3A_4827 : f32 to vector<16xf32>
    %sub3A_4829 = arith.subf %get3A_4761, %sub3A_4828 : vector<16xf32>
    %mul3A_4830 = arith.constant 0.272222221 : f32
    %mul3A_4831 = vector.broadcast %mul3A_4830 : f32 to vector<16xf32>
    %mul3A_4832 = arith.mulf %sub3A_4829, %mul3A_4831 : vector<16xf32>
    %max3A_4833 = arith.constant -1.000000e+00 : f32
    %max3A_4834 = vector.broadcast %max3A_4833 : f32 to vector<16xf32>
    %max3A_4835 = arith.maximumf %mul3A_4832, %max3A_4834 : vector<16xf32>
    %min3A_4836 = arith.constant 1.010000e+02 : f32
    %min3A_4837 = vector.broadcast %min3A_4836 : f32 to vector<16xf32>
    %min3A_4838 = arith.minimumf %max3A_4835, %min3A_4837 : vector<16xf32>
    %convert_element_type3A_4839 = arith.fptosi %min3A_4838 : vector<16xf32> to vector<16xi32>
    %add3A_4840 = arith.constant 1 : i32
    %add3A_4841 = vector.broadcast %add3A_4840 : i32 to vector<16xi32>
    %add3A_4842 = arith.addi %convert_element_type3A_4839, %add3A_4841 : vector<16xi32>
    %jit3A_4843 = arith.constant 0 : i32
    %jit3A_4844 = arith.constant 99 : i32
    %max3A_4845 = vector.broadcast %jit3A_4843 : i32 to vector<16xi32>
    %max3A_4846 = arith.maxsi %max3A_4845, %add3A_4842 : vector<16xi32>
    %min3A_4847 = vector.broadcast %jit3A_4844 : i32 to vector<16xi32>
    %min3A_4848 = arith.minsi %min3A_4847, %max3A_4846 : vector<16xi32>
    %sub3A_4849 = arith.constant 1 : i32
    %sub3A_4850 = vector.broadcast %sub3A_4849 : i32 to vector<16xi32>
    %sub3A_4851 = arith.subi %min3A_4848, %sub3A_4850 : vector<16xi32>
    %jit3A_4852 = arith.constant 0 : i32
    %jit3A_4853 = arith.constant 98 : i32
    %max3A_4854 = vector.broadcast %jit3A_4852 : i32 to vector<16xi32>
    %max3A_4855 = arith.maxsi %max3A_4854, %sub3A_4851 : vector<16xi32>
    %min3A_4856 = vector.broadcast %jit3A_4853 : i32 to vector<16xi32>
    %min3A_4857 = arith.minsi %min3A_4856, %max3A_4855 : vector<16xi32>
    %gather3A_4858 = arith.constant 1 : i32
    %gather3A_4859 = arith.constant 0 : i32
    %gather3A_4860 = tpu.memref_slice %arg10[%gather3A_4858, %gather3A_4859] : memref<2x112xf32, #tpu.memory_space<vmem>> -> memref<1x112xf32, #tpu.memory_space<vmem>>
    %gather3A_4861 = tpu.memref_squeeze %gather3A_4860 : memref<1x112xf32, #tpu.memory_space<vmem>> -> memref<112xf32, #tpu.memory_space<vmem>>
    %gather3A_4862 = tpu.vector_load_idx %gather3A_4861[%min3A_4857] : memref<112xf32, #tpu.memory_space<vmem>>[vector<16xi32>], vector<16xf32>,
    %jit3A_4863 = arith.constant 0 : i32
    %jit3A_4864 = arith.constant 98 : i32
    %max3A_4865 = vector.broadcast %jit3A_4863 : i32 to vector<16xi32>
    %max3A_4866 = arith.maxsi %max3A_4865, %min3A_4848 : vector<16xi32>
    %min3A_4867 = vector.broadcast %jit3A_4864 : i32 to vector<16xi32>
    %min3A_4868 = arith.minsi %min3A_4867, %max3A_4866 : vector<16xi32>
    %gather3A_4869 = arith.constant 1 : i32
    %gather3A_4870 = arith.constant 0 : i32
    %gather3A_4871 = tpu.memref_slice %arg10[%gather3A_4869, %gather3A_4870] : memref<2x112xf32, #tpu.memory_space<vmem>> -> memref<1x112xf32, #tpu.memory_space<vmem>>
    %gather3A_4872 = tpu.memref_squeeze %gather3A_4871 : memref<1x112xf32, #tpu.memory_space<vmem>> -> memref<112xf32, #tpu.memory_space<vmem>>
    %gather3A_4873 = tpu.vector_load_idx %gather3A_4872[%min3A_4868] : memref<112xf32, #tpu.memory_space<vmem>>[vector<16xi32>], vector<16xf32>,
    %gt3A_4874 = arith.constant 0 : i32
    %gt3A_4875 = vector.broadcast %gt3A_4874 : i32 to vector<16xi32>
    %gt3A_4876 = arith.cmpi sgt, %min3A_4848, %gt3A_4875 : vector<16xi32>
    %gt3A_4877 = arith.cmpf ogt, %gather3A_4862, %get3A_4761 : vector<16xf32>
    %and3A_4878 = arith.andi %gt3A_4876, %gt3A_4877 : vector<16xi1>
    %lt3A_4879 = arith.constant 99 : i32
    %lt3A_4880 = vector.broadcast %lt3A_4879 : i32 to vector<16xi32>
    %lt3A_4881 = arith.cmpi slt, %min3A_4848, %lt3A_4880 : vector<16xi32>
    %le3A_4882 = arith.cmpf ole, %gather3A_4873, %get3A_4761 : vector<16xf32>
    %and3A_4883 = arith.andi %lt3A_4881, %le3A_4882 : vector<16xi1>
    %sub3A_4884 = arith.constant 1 : i32
    %sub3A_4885 = vector.broadcast %sub3A_4884 : i32 to vector<16xi32>
    %sub3A_4886 = arith.subi %min3A_4848, %sub3A_4885 : vector<16xi32>
    %add3A_4887 = arith.constant 1 : i32
    %add3A_4888 = vector.broadcast %add3A_4887 : i32 to vector<16xi32>
    %add3A_4889 = arith.addi %min3A_4848, %add3A_4888 : vector<16xi32>
    %select_n3A_4890 = arith.select %and3A_4883, %add3A_4889, %min3A_4848 : vector<16xi1>, vector<16xi32>
    %select_n3A_4891 = arith.select %and3A_4878, %sub3A_4886, %select_n3A_4890 : vector<16xi1>, vector<16xi32>
    %add3A_4892 = arith.constant 100 : i32
    %add3A_4893 = vector.broadcast %add3A_4892 : i32 to vector<16xi32>
    %add3A_4894 = arith.addi %select_n3A_4891, %add3A_4893 : vector<16xi32>
    %add3A_4895 = arith.constant 96 : i32
    %add3A_4896 = vector.broadcast %add3A_4895 : i32 to vector<16xi32>
    %add3A_4897 = arith.addi %add3A_4896, %mul3A_13 : vector<16xi32>
    %scatter3A_4898 = arith.constant 7 : i32
    %scatter3A_4899 = arith.constant 0 : i32
    %scatter3A_4900 = tpu.memref_slice %arg11[%scatter3A_4898, %scatter3A_4899] : memref<8x128xi32, #tpu.memory_space<vmem>> -> memref<1x128xi32, #tpu.memory_space<vmem>>
    %scatter3A_4901 = tpu.memref_squeeze %scatter3A_4900 : memref<1x128xi32, #tpu.memory_space<vmem>> -> memref<128xi32, #tpu.memory_space<vmem>>
    tpu.vector_store_idx %scatter3A_4901[%add3A_4897], %select_n3A_4826 : memref<128xi32, #tpu.memory_space<vmem>>[vector<16xi32>], vector<16xi32>,
    %add3A_4902 = arith.constant 1 : i32
    %add3A_4903 = vector.broadcast %add3A_4902 : i32 to vector<16xi32>
    %add3A_4904 = arith.addi %add3A_4897, %add3A_4903 : vector<16xi32>
    %scatter3A_4905 = arith.constant 7 : i32
    %scatter3A_4906 = arith.constant 0 : i32
    %scatter3A_4907 = tpu.memref_slice %arg11[%scatter3A_4905, %scatter3A_4906] : memref<8x128xi32, #tpu.memory_space<vmem>> -> memref<1x128xi32, #tpu.memory_space<vmem>>
    %scatter3A_4908 = tpu.memref_squeeze %scatter3A_4907 : memref<1x128xi32, #tpu.memory_space<vmem>> -> memref<128xi32, #tpu.memory_space<vmem>>
    tpu.vector_store_idx %scatter3A_4908[%add3A_4904], %add3A_4894 : memref<128xi32, #tpu.memory_space<vmem>>[vector<16xi32>], vector<16xi32>,
    %dma_start3A_4909 = arith.constant 7 : i32
    %dma_start3A_4910 = arith.constant 896 : i32
    %dma_start3A_4911 = arith.constant 0 : i32
    %dma_start3A_4912 = tpu.memref_slice %arg12[%dma_start3A_4910, %dma_start3A_4911] : memref<1024x64xf32, #tpu.memory_space<vmem>> -> memref<128x64xf32, #tpu.memory_space<vmem>>
    %dma_start3A_4913 = arith.constant 0 : i32
    %dma_start3A_4914 = tpu.memref_slice %arg11[%dma_start3A_4909, %dma_start3A_4913] : memref<8x128xi32, #tpu.memory_space<vmem>> -> memref<1x128xi32, #tpu.memory_space<vmem>>
    %dma_start3A_4915 = tpu.memref_squeeze %dma_start3A_4914 : memref<1x128xi32, #tpu.memory_space<vmem>> -> memref<128xi32, #tpu.memory_space<vmem>>
    %dma_start3A_4916 = arith.constant 0 : i32
    %dma_start3A_4917 = arith.constant 0 : i32
    %dma_start3A_4918 = tpu.memref_slice %arg13[%dma_start3A_4916, %dma_start3A_4917] : memref<200x64xf32, #tpu.memory_space<vmem_shared>> -> memref<200x64xf32, #tpu.memory_space<vmem_shared>>
    tpu.enqueue_indirect_dma source(%dma_start3A_4918 : memref<200x64xf32, #tpu.memory_space<vmem_shared>>) target(%dma_start3A_4912 : memref<128x64xf32, #tpu.memory_space<vmem>>) offsets(%dma_start3A_4915 : memref<128xi32, #tpu.memory_space<vmem>>) semaphore(%arg19 : memref<!tpu.dma_semaphore, #tpu.memory_space<semaphore_mem>>)
    %dma_wait3A_4919 = arith.constant 0 : i32
    %dma_wait3A_4920 = arith.constant 0 : i32
    %dma_wait3A_4921 = arith.constant 0 : i32
    %dma_wait3A_4922 = tpu.memref_slice %arg12[%dma_wait3A_4920, %dma_wait3A_4921] : memref<1024x64xf32, #tpu.memory_space<vmem>> -> memref<128x64xf32, #tpu.memory_space<vmem>>
    %dma_wait3A_4923 = arith.constant 0 : i32
    %dma_wait3A_4924 = tpu.memref_slice %arg11[%dma_wait3A_4919, %dma_wait3A_4923] : memref<8x128xi32, #tpu.memory_space<vmem>> -> memref<1x128xi32, #tpu.memory_space<vmem>>
    %dma_wait3A_4925 = tpu.memref_squeeze %dma_wait3A_4924 : memref<1x128xi32, #tpu.memory_space<vmem>> -> memref<128xi32, #tpu.memory_space<vmem>>
    %dma_wait3A_4926 = arith.constant 0 : i32
    %dma_wait3A_4927 = arith.constant 0 : i32
    %dma_wait3A_4928 = tpu.memref_slice %arg13[%dma_wait3A_4926, %dma_wait3A_4927] : memref<200x64xf32, #tpu.memory_space<vmem_shared>> -> memref<200x64xf32, #tpu.memory_space<vmem_shared>>
    tpu.wait_indirect_dma semaphore(%arg16 : memref<!tpu.dma_semaphore, #tpu.memory_space<semaphore_mem>>) src(%dma_wait3A_4928 : memref<200x64xf32, #tpu.memory_space<vmem_shared>>) dst(%dma_wait3A_4922 : memref<128x64xf32, #tpu.memory_space<vmem>>)
    %dma_wait3A_4929 = arith.constant 1 : i32
    %dma_wait3A_4930 = arith.constant 128 : i32
    %dma_wait3A_4931 = arith.constant 0 : i32
    %dma_wait3A_4932 = tpu.memref_slice %arg12[%dma_wait3A_4930, %dma_wait3A_4931] : memref<1024x64xf32, #tpu.memory_space<vmem>> -> memref<128x64xf32, #tpu.memory_space<vmem>>
    %dma_wait3A_4933 = arith.constant 0 : i32
    %dma_wait3A_4934 = tpu.memref_slice %arg11[%dma_wait3A_4929, %dma_wait3A_4933] : memref<8x128xi32, #tpu.memory_space<vmem>> -> memref<1x128xi32, #tpu.memory_space<vmem>>
    %dma_wait3A_4935 = tpu.memref_squeeze %dma_wait3A_4934 : memref<1x128xi32, #tpu.memory_space<vmem>> -> memref<128xi32, #tpu.memory_space<vmem>>
    %dma_wait3A_4936 = arith.constant 0 : i32
    %dma_wait3A_4937 = arith.constant 0 : i32
    %dma_wait3A_4938 = tpu.memref_slice %arg13[%dma_wait3A_4936, %dma_wait3A_4937] : memref<200x64xf32, #tpu.memory_space<vmem_shared>> -> memref<200x64xf32, #tpu.memory_space<vmem_shared>>
    tpu.wait_indirect_dma semaphore(%arg16 : memref<!tpu.dma_semaphore, #tpu.memory_space<semaphore_mem>>) src(%dma_wait3A_4938 : memref<200x64xf32, #tpu.memory_space<vmem_shared>>) dst(%dma_wait3A_4932 : memref<128x64xf32, #tpu.memory_space<vmem>>)
    %mul3A_4939 = arith.constant 2 : i32
    %mul3A_4940 = arith.muli %mul3A_4939, %mul3A_2 : i32
    %add3A_4941 = arith.constant 0 : i32
    %add3A_4942 = arith.addi %mul3A_4940, %add3A_4941 : i32
    %dma_start3A_4943 = arith.constant 0 : i32
    %dma_start3A_4944 = arith.constant 0 : i32
    %dma_start3A_4945 = tpu.memref_slice %arg12[%dma_start3A_4943, %dma_start3A_4944] : memref<1024x64xf32, #tpu.memory_space<vmem>> -> memref<256x64xf32, #tpu.memory_space<vmem>>
    %dma_start3A_4946 = arith.constant 0 : i32
    %dma_start3A_4947 = tpu.memref_slice %arg7[%add3A_4942, %dma_start3A_4946] : memref<32768x64xf32, #tpu.memory_space<hbm>> -> memref<256x64xf32, #tpu.memory_space<hbm>>
    %dma_start3A_4948 = arith.constant 0 : i32
    %dma_start3A_4949 = tpu.memref_slice %arg7[%add3A_4942, %dma_start3A_4948] : memref<32768x64xf32, #tpu.memory_space<hbm>> -> memref<256x64xf32, #tpu.memory_space<hbm>>
    %dma_start3A_4950 = arith.constant 0 : i32
    %dma_start3A_4951 = arith.constant 0 : i32
    %dma_start3A_4952 = tpu.memref_slice %arg12[%dma_start3A_4950, %dma_start3A_4951] : memref<1024x64xf32, #tpu.memory_space<vmem>> -> memref<256x64xf32, #tpu.memory_space<vmem>>
    tpu.enqueue_dma source(%dma_start3A_4952 : memref<256x64xf32, #tpu.memory_space<vmem>>) target(%dma_start3A_4949 : memref<256x64xf32, #tpu.memory_space<hbm>>) target_semaphore(%arg20 : memref<!tpu.dma_semaphore, #tpu.memory_space<semaphore_mem>>)
    %dma_wait3A_4953 = arith.constant 2 : i32
    %dma_wait3A_4954 = arith.constant 256 : i32
    %dma_wait3A_4955 = arith.constant 0 : i32
    %dma_wait3A_4956 = tpu.memref_slice %arg12[%dma_wait3A_4954, %dma_wait3A_4955] : memref<1024x64xf32, #tpu.memory_space<vmem>> -> memref<128x64xf32, #tpu.memory_space<vmem>>
    %dma_wait3A_4957 = arith.constant 0 : i32
    %dma_wait3A_4958 = tpu.memref_slice %arg11[%dma_wait3A_4953, %dma_wait3A_4957] : memref<8x128xi32, #tpu.memory_space<vmem>> -> memref<1x128xi32, #tpu.memory_space<vmem>>
    %dma_wait3A_4959 = tpu.memref_squeeze %dma_wait3A_4958 : memref<1x128xi32, #tpu.memory_space<vmem>> -> memref<128xi32, #tpu.memory_space<vmem>>
    %dma_wait3A_4960 = arith.constant 0 : i32
    %dma_wait3A_4961 = arith.constant 0 : i32
    %dma_wait3A_4962 = tpu.memref_slice %arg13[%dma_wait3A_4960, %dma_wait3A_4961] : memref<200x64xf32, #tpu.memory_space<vmem_shared>> -> memref<200x64xf32, #tpu.memory_space<vmem_shared>>
    tpu.wait_indirect_dma semaphore(%arg17 : memref<!tpu.dma_semaphore, #tpu.memory_space<semaphore_mem>>) src(%dma_wait3A_4962 : memref<200x64xf32, #tpu.memory_space<vmem_shared>>) dst(%dma_wait3A_4956 : memref<128x64xf32, #tpu.memory_space<vmem>>)
    %dma_wait3A_4963 = arith.constant 3 : i32
    %dma_wait3A_4964 = arith.constant 384 : i32
    %dma_wait3A_4965 = arith.constant 0 : i32
    %dma_wait3A_4966 = tpu.memref_slice %arg12[%dma_wait3A_4964, %dma_wait3A_4965] : memref<1024x64xf32, #tpu.memory_space<vmem>> -> memref<128x64xf32, #tpu.memory_space<vmem>>
    %dma_wait3A_4967 = arith.constant 0 : i32
    %dma_wait3A_4968 = tpu.memref_slice %arg11[%dma_wait3A_4963, %dma_wait3A_4967] : memref<8x128xi32, #tpu.memory_space<vmem>> -> memref<1x128xi32, #tpu.memory_space<vmem>>
    %dma_wait3A_4969 = tpu.memref_squeeze %dma_wait3A_4968 : memref<1x128xi32, #tpu.memory_space<vmem>> -> memref<128xi32, #tpu.memory_space<vmem>>
    %dma_wait3A_4970 = arith.constant 0 : i32
    %dma_wait3A_4971 = arith.constant 0 : i32
    %dma_wait3A_4972 = tpu.memref_slice %arg13[%dma_wait3A_4970, %dma_wait3A_4971] : memref<200x64xf32, #tpu.memory_space<vmem_shared>> -> memref<200x64xf32, #tpu.memory_space<vmem_shared>>
    tpu.wait_indirect_dma semaphore(%arg17 : memref<!tpu.dma_semaphore, #tpu.memory_space<semaphore_mem>>) src(%dma_wait3A_4972 : memref<200x64xf32, #tpu.memory_space<vmem_shared>>) dst(%dma_wait3A_4966 : memref<128x64xf32, #tpu.memory_space<vmem>>)
    %mul3A_4973 = arith.constant 2 : i32
    %mul3A_4974 = arith.muli %mul3A_4973, %mul3A_2 : i32
    %add3A_4975 = arith.constant 256 : i32
    %add3A_4976 = arith.addi %mul3A_4974, %add3A_4975 : i32
    %dma_start3A_4977 = arith.constant 256 : i32
    %dma_start3A_4978 = arith.constant 0 : i32
    %dma_start3A_4979 = tpu.memref_slice %arg12[%dma_start3A_4977, %dma_start3A_4978] : memref<1024x64xf32, #tpu.memory_space<vmem>> -> memref<256x64xf32, #tpu.memory_space<vmem>>
    %dma_start3A_4980 = arith.constant 0 : i32
    %dma_start3A_4981 = tpu.memref_slice %arg7[%add3A_4976, %dma_start3A_4980] : memref<32768x64xf32, #tpu.memory_space<hbm>> -> memref<256x64xf32, #tpu.memory_space<hbm>>
    %dma_start3A_4982 = arith.constant 0 : i32
    %dma_start3A_4983 = tpu.memref_slice %arg7[%add3A_4976, %dma_start3A_4982] : memref<32768x64xf32, #tpu.memory_space<hbm>> -> memref<256x64xf32, #tpu.memory_space<hbm>>
    %dma_start3A_4984 = arith.constant 256 : i32
    %dma_start3A_4985 = arith.constant 0 : i32
    %dma_start3A_4986 = tpu.memref_slice %arg12[%dma_start3A_4984, %dma_start3A_4985] : memref<1024x64xf32, #tpu.memory_space<vmem>> -> memref<256x64xf32, #tpu.memory_space<vmem>>
    tpu.enqueue_dma source(%dma_start3A_4986 : memref<256x64xf32, #tpu.memory_space<vmem>>) target(%dma_start3A_4983 : memref<256x64xf32, #tpu.memory_space<hbm>>) target_semaphore(%arg20 : memref<!tpu.dma_semaphore, #tpu.memory_space<semaphore_mem>>)
    %dma_wait3A_4987 = arith.constant 4 : i32
    %dma_wait3A_4988 = arith.constant 512 : i32
    %dma_wait3A_4989 = arith.constant 0 : i32
    %dma_wait3A_4990 = tpu.memref_slice %arg12[%dma_wait3A_4988, %dma_wait3A_4989] : memref<1024x64xf32, #tpu.memory_space<vmem>> -> memref<128x64xf32, #tpu.memory_space<vmem>>
    %dma_wait3A_4991 = arith.constant 0 : i32
    %dma_wait3A_4992 = tpu.memref_slice %arg11[%dma_wait3A_4987, %dma_wait3A_4991] : memref<8x128xi32, #tpu.memory_space<vmem>> -> memref<1x128xi32, #tpu.memory_space<vmem>>
    %dma_wait3A_4993 = tpu.memref_squeeze %dma_wait3A_4992 : memref<1x128xi32, #tpu.memory_space<vmem>> -> memref<128xi32, #tpu.memory_space<vmem>>
    %dma_wait3A_4994 = arith.constant 0 : i32
    %dma_wait3A_4995 = arith.constant 0 : i32
    %dma_wait3A_4996 = tpu.memref_slice %arg13[%dma_wait3A_4994, %dma_wait3A_4995] : memref<200x64xf32, #tpu.memory_space<vmem_shared>> -> memref<200x64xf32, #tpu.memory_space<vmem_shared>>
    tpu.wait_indirect_dma semaphore(%arg18 : memref<!tpu.dma_semaphore, #tpu.memory_space<semaphore_mem>>) src(%dma_wait3A_4996 : memref<200x64xf32, #tpu.memory_space<vmem_shared>>) dst(%dma_wait3A_4990 : memref<128x64xf32, #tpu.memory_space<vmem>>)
    %dma_wait3A_4997 = arith.constant 5 : i32
    %dma_wait3A_4998 = arith.constant 640 : i32
    %dma_wait3A_4999 = arith.constant 0 : i32
    %dma_wait3A_5000 = tpu.memref_slice %arg12[%dma_wait3A_4998, %dma_wait3A_4999] : memref<1024x64xf32, #tpu.memory_space<vmem>> -> memref<128x64xf32, #tpu.memory_space<vmem>>
    %dma_wait3A_5001 = arith.constant 0 : i32
    %dma_wait3A_5002 = tpu.memref_slice %arg11[%dma_wait3A_4997, %dma_wait3A_5001] : memref<8x128xi32, #tpu.memory_space<vmem>> -> memref<1x128xi32, #tpu.memory_space<vmem>>
    %dma_wait3A_5003 = tpu.memref_squeeze %dma_wait3A_5002 : memref<1x128xi32, #tpu.memory_space<vmem>> -> memref<128xi32, #tpu.memory_space<vmem>>
    %dma_wait3A_5004 = arith.constant 0 : i32
    %dma_wait3A_5005 = arith.constant 0 : i32
    %dma_wait3A_5006 = tpu.memref_slice %arg13[%dma_wait3A_5004, %dma_wait3A_5005] : memref<200x64xf32, #tpu.memory_space<vmem_shared>> -> memref<200x64xf32, #tpu.memory_space<vmem_shared>>
    tpu.wait_indirect_dma semaphore(%arg18 : memref<!tpu.dma_semaphore, #tpu.memory_space<semaphore_mem>>) src(%dma_wait3A_5006 : memref<200x64xf32, #tpu.memory_space<vmem_shared>>) dst(%dma_wait3A_5000 : memref<128x64xf32, #tpu.memory_space<vmem>>)
    %mul3A_5007 = arith.constant 2 : i32
    %mul3A_5008 = arith.muli %mul3A_5007, %mul3A_2 : i32
    %add3A_5009 = arith.constant 512 : i32
    %add3A_5010 = arith.addi %mul3A_5008, %add3A_5009 : i32
    %dma_start3A_5011 = arith.constant 512 : i32
    %dma_start3A_5012 = arith.constant 0 : i32
    %dma_start3A_5013 = tpu.memref_slice %arg12[%dma_start3A_5011, %dma_start3A_5012] : memref<1024x64xf32, #tpu.memory_space<vmem>> -> memref<256x64xf32, #tpu.memory_space<vmem>>
    %dma_start3A_5014 = arith.constant 0 : i32
    %dma_start3A_5015 = tpu.memref_slice %arg7[%add3A_5010, %dma_start3A_5014] : memref<32768x64xf32, #tpu.memory_space<hbm>> -> memref<256x64xf32, #tpu.memory_space<hbm>>
    %dma_start3A_5016 = arith.constant 0 : i32
    %dma_start3A_5017 = tpu.memref_slice %arg7[%add3A_5010, %dma_start3A_5016] : memref<32768x64xf32, #tpu.memory_space<hbm>> -> memref<256x64xf32, #tpu.memory_space<hbm>>
    %dma_start3A_5018 = arith.constant 512 : i32
    %dma_start3A_5019 = arith.constant 0 : i32
    %dma_start3A_5020 = tpu.memref_slice %arg12[%dma_start3A_5018, %dma_start3A_5019] : memref<1024x64xf32, #tpu.memory_space<vmem>> -> memref<256x64xf32, #tpu.memory_space<vmem>>
    tpu.enqueue_dma source(%dma_start3A_5020 : memref<256x64xf32, #tpu.memory_space<vmem>>) target(%dma_start3A_5017 : memref<256x64xf32, #tpu.memory_space<hbm>>) target_semaphore(%arg20 : memref<!tpu.dma_semaphore, #tpu.memory_space<semaphore_mem>>)
    %dma_wait3A_5021 = arith.constant 6 : i32
    %dma_wait3A_5022 = arith.constant 768 : i32
    %dma_wait3A_5023 = arith.constant 0 : i32
    %dma_wait3A_5024 = tpu.memref_slice %arg12[%dma_wait3A_5022, %dma_wait3A_5023] : memref<1024x64xf32, #tpu.memory_space<vmem>> -> memref<128x64xf32, #tpu.memory_space<vmem>>
    %dma_wait3A_5025 = arith.constant 0 : i32
    %dma_wait3A_5026 = tpu.memref_slice %arg11[%dma_wait3A_5021, %dma_wait3A_5025] : memref<8x128xi32, #tpu.memory_space<vmem>> -> memref<1x128xi32, #tpu.memory_space<vmem>>
    %dma_wait3A_5027 = tpu.memref_squeeze %dma_wait3A_5026 : memref<1x128xi32, #tpu.memory_space<vmem>> -> memref<128xi32, #tpu.memory_space<vmem>>
    %dma_wait3A_5028 = arith.constant 0 : i32
    %dma_wait3A_5029 = arith.constant 0 : i32
    %dma_wait3A_5030 = tpu.memref_slice %arg13[%dma_wait3A_5028, %dma_wait3A_5029] : memref<200x64xf32, #tpu.memory_space<vmem_shared>> -> memref<200x64xf32, #tpu.memory_space<vmem_shared>>
    tpu.wait_indirect_dma semaphore(%arg19 : memref<!tpu.dma_semaphore, #tpu.memory_space<semaphore_mem>>) src(%dma_wait3A_5030 : memref<200x64xf32, #tpu.memory_space<vmem_shared>>) dst(%dma_wait3A_5024 : memref<128x64xf32, #tpu.memory_space<vmem>>)
    %dma_wait3A_5031 = arith.constant 7 : i32
    %dma_wait3A_5032 = arith.constant 896 : i32
    %dma_wait3A_5033 = arith.constant 0 : i32
    %dma_wait3A_5034 = tpu.memref_slice %arg12[%dma_wait3A_5032, %dma_wait3A_5033] : memref<1024x64xf32, #tpu.memory_space<vmem>> -> memref<128x64xf32, #tpu.memory_space<vmem>>
    %dma_wait3A_5035 = arith.constant 0 : i32
    %dma_wait3A_5036 = tpu.memref_slice %arg11[%dma_wait3A_5031, %dma_wait3A_5035] : memref<8x128xi32, #tpu.memory_space<vmem>> -> memref<1x128xi32, #tpu.memory_space<vmem>>
    %dma_wait3A_5037 = tpu.memref_squeeze %dma_wait3A_5036 : memref<1x128xi32, #tpu.memory_space<vmem>> -> memref<128xi32, #tpu.memory_space<vmem>>
    %dma_wait3A_5038 = arith.constant 0 : i32
    %dma_wait3A_5039 = arith.constant 0 : i32
    %dma_wait3A_5040 = tpu.memref_slice %arg13[%dma_wait3A_5038, %dma_wait3A_5039] : memref<200x64xf32, #tpu.memory_space<vmem_shared>> -> memref<200x64xf32, #tpu.memory_space<vmem_shared>>
    tpu.wait_indirect_dma semaphore(%arg19 : memref<!tpu.dma_semaphore, #tpu.memory_space<semaphore_mem>>) src(%dma_wait3A_5040 : memref<200x64xf32, #tpu.memory_space<vmem_shared>>) dst(%dma_wait3A_5034 : memref<128x64xf32, #tpu.memory_space<vmem>>)
    %mul3A_5041 = arith.constant 2 : i32
    %mul3A_5042 = arith.muli %mul3A_5041, %mul3A_2 : i32
    %add3A_5043 = arith.constant 768 : i32
    %add3A_5044 = arith.addi %mul3A_5042, %add3A_5043 : i32
    %dma_start3A_5045 = arith.constant 768 : i32
    %dma_start3A_5046 = arith.constant 0 : i32
    %dma_start3A_5047 = tpu.memref_slice %arg12[%dma_start3A_5045, %dma_start3A_5046] : memref<1024x64xf32, #tpu.memory_space<vmem>> -> memref<256x64xf32, #tpu.memory_space<vmem>>
    %dma_start3A_5048 = arith.constant 0 : i32
    %dma_start3A_5049 = tpu.memref_slice %arg7[%add3A_5044, %dma_start3A_5048] : memref<32768x64xf32, #tpu.memory_space<hbm>> -> memref<256x64xf32, #tpu.memory_space<hbm>>
    %dma_start3A_5050 = arith.constant 0 : i32
    %dma_start3A_5051 = tpu.memref_slice %arg7[%add3A_5044, %dma_start3A_5050] : memref<32768x64xf32, #tpu.memory_space<hbm>> -> memref<256x64xf32, #tpu.memory_space<hbm>>
    %dma_start3A_5052 = arith.constant 768 : i32
    %dma_start3A_5053 = arith.constant 0 : i32
    %dma_start3A_5054 = tpu.memref_slice %arg12[%dma_start3A_5052, %dma_start3A_5053] : memref<1024x64xf32, #tpu.memory_space<vmem>> -> memref<256x64xf32, #tpu.memory_space<vmem>>
    tpu.enqueue_dma source(%dma_start3A_5054 : memref<256x64xf32, #tpu.memory_space<vmem>>) target(%dma_start3A_5051 : memref<256x64xf32, #tpu.memory_space<hbm>>) target_semaphore(%arg20 : memref<!tpu.dma_semaphore, #tpu.memory_space<semaphore_mem>>)
    %dma_wait3A_5055 = arith.constant 0 : i32
    %dma_wait3A_5056 = arith.constant 0 : i32
    %dma_wait3A_5057 = tpu.memref_slice %arg12[%dma_wait3A_5055, %dma_wait3A_5056] : memref<1024x64xf32, #tpu.memory_space<vmem>> -> memref<256x64xf32, #tpu.memory_space<vmem>>
    %dma_wait3A_5058 = arith.constant 0 : i32
    %dma_wait3A_5059 = tpu.memref_slice %arg7[%add3A_4942, %dma_wait3A_5058] : memref<32768x64xf32, #tpu.memory_space<hbm>> -> memref<256x64xf32, #tpu.memory_space<hbm>>
    %dma_wait3A_5060 = arith.constant 0 : i32
    %dma_wait3A_5061 = tpu.memref_slice %arg7[%add3A_4942, %dma_wait3A_5060] : memref<32768x64xf32, #tpu.memory_space<hbm>> -> memref<256x64xf32, #tpu.memory_space<hbm>>
    %dma_wait3A_5062 = arith.constant 0 : i32
    %dma_wait3A_5063 = arith.constant 0 : i32
    %dma_wait3A_5064 = tpu.memref_slice %arg12[%dma_wait3A_5062, %dma_wait3A_5063] : memref<1024x64xf32, #tpu.memory_space<vmem>> -> memref<256x64xf32, #tpu.memory_space<vmem>>
    tpu.wait_dma2 semaphore(%arg20 : memref<!tpu.dma_semaphore, #tpu.memory_space<semaphore_mem>>) src(%dma_wait3A_5064 : memref<256x64xf32, #tpu.memory_space<vmem>>) dst(%dma_wait3A_5061 : memref<256x64xf32, #tpu.memory_space<hbm>>)
    %dma_wait3A_5065 = arith.constant 256 : i32
    %dma_wait3A_5066 = arith.constant 0 : i32
    %dma_wait3A_5067 = tpu.memref_slice %arg12[%dma_wait3A_5065, %dma_wait3A_5066] : memref<1024x64xf32, #tpu.memory_space<vmem>> -> memref<256x64xf32, #tpu.memory_space<vmem>>
    %dma_wait3A_5068 = arith.constant 0 : i32
    %dma_wait3A_5069 = tpu.memref_slice %arg7[%add3A_4976, %dma_wait3A_5068] : memref<32768x64xf32, #tpu.memory_space<hbm>> -> memref<256x64xf32, #tpu.memory_space<hbm>>
    %dma_wait3A_5070 = arith.constant 0 : i32
    %dma_wait3A_5071 = tpu.memref_slice %arg7[%add3A_4976, %dma_wait3A_5070] : memref<32768x64xf32, #tpu.memory_space<hbm>> -> memref<256x64xf32, #tpu.memory_space<hbm>>
    %dma_wait3A_5072 = arith.constant 256 : i32
    %dma_wait3A_5073 = arith.constant 0 : i32
    %dma_wait3A_5074 = tpu.memref_slice %arg12[%dma_wait3A_5072, %dma_wait3A_5073] : memref<1024x64xf32, #tpu.memory_space<vmem>> -> memref<256x64xf32, #tpu.memory_space<vmem>>
    tpu.wait_dma2 semaphore(%arg20 : memref<!tpu.dma_semaphore, #tpu.memory_space<semaphore_mem>>) src(%dma_wait3A_5074 : memref<256x64xf32, #tpu.memory_space<vmem>>) dst(%dma_wait3A_5071 : memref<256x64xf32, #tpu.memory_space<hbm>>)
    %dma_wait3A_5075 = arith.constant 512 : i32
    %dma_wait3A_5076 = arith.constant 0 : i32
    %dma_wait3A_5077 = tpu.memref_slice %arg12[%dma_wait3A_5075, %dma_wait3A_5076] : memref<1024x64xf32, #tpu.memory_space<vmem>> -> memref<256x64xf32, #tpu.memory_space<vmem>>
    %dma_wait3A_5078 = arith.constant 0 : i32
    %dma_wait3A_5079 = tpu.memref_slice %arg7[%add3A_5010, %dma_wait3A_5078] : memref<32768x64xf32, #tpu.memory_space<hbm>> -> memref<256x64xf32, #tpu.memory_space<hbm>>
    %dma_wait3A_5080 = arith.constant 0 : i32
    %dma_wait3A_5081 = tpu.memref_slice %arg7[%add3A_5010, %dma_wait3A_5080] : memref<32768x64xf32, #tpu.memory_space<hbm>> -> memref<256x64xf32, #tpu.memory_space<hbm>>
    %dma_wait3A_5082 = arith.constant 512 : i32
    %dma_wait3A_5083 = arith.constant 0 : i32
    %dma_wait3A_5084 = tpu.memref_slice %arg12[%dma_wait3A_5082, %dma_wait3A_5083] : memref<1024x64xf32, #tpu.memory_space<vmem>> -> memref<256x64xf32, #tpu.memory_space<vmem>>
    tpu.wait_dma2 semaphore(%arg20 : memref<!tpu.dma_semaphore, #tpu.memory_space<semaphore_mem>>) src(%dma_wait3A_5084 : memref<256x64xf32, #tpu.memory_space<vmem>>) dst(%dma_wait3A_5081 : memref<256x64xf32, #tpu.memory_space<hbm>>)
    %dma_wait3A_5085 = arith.constant 768 : i32
    %dma_wait3A_5086 = arith.constant 0 : i32
    %dma_wait3A_5087 = tpu.memref_slice %arg12[%dma_wait3A_5085, %dma_wait3A_5086] : memref<1024x64xf32, #tpu.memory_space<vmem>> -> memref<256x64xf32, #tpu.memory_space<vmem>>
    %dma_wait3A_5088 = arith.constant 0 : i32
    %dma_wait3A_5089 = tpu.memref_slice %arg7[%add3A_5044, %dma_wait3A_5088] : memref<32768x64xf32, #tpu.memory_space<hbm>> -> memref<256x64xf32, #tpu.memory_space<hbm>>
    %dma_wait3A_5090 = arith.constant 0 : i32
    %dma_wait3A_5091 = tpu.memref_slice %arg7[%add3A_5044, %dma_wait3A_5090] : memref<32768x64xf32, #tpu.memory_space<hbm>> -> memref<256x64xf32, #tpu.memory_space<hbm>>
    %dma_wait3A_5092 = arith.constant 768 : i32
    %dma_wait3A_5093 = arith.constant 0 : i32
    %dma_wait3A_5094 = tpu.memref_slice %arg12[%dma_wait3A_5092, %dma_wait3A_5093] : memref<1024x64xf32, #tpu.memory_space<vmem>> -> memref<256x64xf32, #tpu.memory_space<vmem>>
    tpu.wait_dma2 semaphore(%arg20 : memref<!tpu.dma_semaphore, #tpu.memory_space<semaphore_mem>>) src(%dma_wait3A_5094 : memref<256x64xf32, #tpu.memory_space<vmem>>) dst(%dma_wait3A_5091 : memref<256x64xf32, #tpu.memory_space<hbm>>)
    return
  }
}

</mosaic_0001>

<sc_bundles>
// kernel: kernel.3.cloned.1.call-start
scs
__scs_entry_jumppad:
0x0: {  	(pc) =	sbr.rel $0x88, $3  }
0x1: {  	(tag) =	ssettag $0x0;
	lr =	simm.s32 $0x1  }
0x2: {  	[smem:$0x3F9D] =	sst lr;
	_ =	strace $0xD0000000  }
0x3: {  	_ = 	snop  }
0x4: {  	_ = 	snop  }
0x5: {  	_ = 	snop  }
0x6: {  	_ = 	snop  }
0x7: {  	_ = 	snop  }
__scs_overlays_trampoline_lowered:
0x8: {  	[smem:$0x3FAC] =	sst s0  }
0x9: {  	[smem:$0x3FAD] =	sst s1  }
0xa: {  	[smem:$0x3FAE] =	sst s2  }
0xb: {  	[smem:$0x3FAF] =	sst s3  }
0xc: {  	[smem:$0x3FB0] =	sst s4  }
0xd: {  	[smem:$0x3FB1] =	sst s5  }
0xe: {  	[smem:$0x3FB2] =	sst s6  }
0xf: {  	[smem:$0x3FB3] =	sst s7  }
0x10: {  	[smem:$0x3FB4] =	sst s8  }
0x11: {  	[smem:$0x3FB5] =	sst s9;
	s0 =	simm.s32 @!p0 $0x0  }
0x12: {  	s1 =	sld [smem:$0x3F9B];
	s0 =	simm.s32 @p0 $0x1  }
0x13: {  	[smem:$0x3FB6] =	sst s0;
	s0 =	simm.s32 @!p1 $0x0  }
0x14: {  	s2 =	sld [smem:$0x3F9A];
	s0 =	simm.s32 @p1 $0x1  }
0x15: {  	[smem:$0x3FB7] =	sst s0;
	s0 =	simm.s32 @!p2 $0x0  }
0x16: {  	s3 =	sld [smem:$0x3FDB];
	s0 =	simm.s32 @p2 $0x1  }
0x17: {  	s4 =	simm.s32 $0x1BF5;
	[smem:$0x3FB9] =	sst s0  }
0x18: {  	s0 =	sld [smem:$0x3F9C];
	_ =	swait.ge [sflag:s4], $0x0  }
0x19: {  	s7 =	sld [smem:$0x3F9D]  }
0x1a: {  	s8 =	sadd.s32 $0xFFFFE003, lr  }
0x1b: {  	s9 =	sadd.s32 $0xFFFFFEF7, lr;
	s5 =	simm.s32 $0xFFFFFFFF;
	p2 =	slt.u32 s8, $0xFFFFF086  }
0x1c: {  	p1 =	slt.u32 s9, $0xF7A;
	s5 =	simm.s32 @!p2 $0x0  }
0x1d: {  	s5 =	simm.s32 @p1 $0x1;
	p0 =	seq.s32 s7, s2  }
0x1e: {  	s7 =	smul.u32 @!p0 $0xF7A, s2;
	p2 =	seq.s32 @!p0 s5, $0x0  }
0x1f: {  	s9 =	smul.u32 $0xF7A, s1;
	s8 =	simm.s32 @!p0 $0x1BF5;
	p2 =	por !p2, p0  }
0x20: {  	[sflag:s8] =	ssyncset.s32 @!p0 $0xFFFFF086;
	s6 =	sadd.s32 @!p0 s3, s7;
	s7 =	simm.s32 @!p0 $0x108  }
0x21: {  	s3 =	sadd.s32 s3, s9;
	s6 =	sadd.s32 @!p0 $0x88, s6;
	s7 =	simm.s32 @p2 $0x1082  }
0x22: {  	[simem:s7], [sflag:s8] =	dma.local @!p0 [hbm:s6], $0xF7A  }
0x23: {  	s9 =	sor.u32 $0xD0000000, s2;
	s6 =	simm.s32 $0x108;
	_ =	swait.ge @!p0 [sflag:s8], $0x0  }
0x24: {  	s3 =	sadd.s32 $0x88, s3;
	s6 =	simm.s32 @!p1 $0x1082;
	[sflag:s4] =	ssyncset.s32 $0xFFFFF086  }
0x25: {  	[simem:s6], [sflag:s4] =	dma.local [hbm:s3], $0xF7A  }
0x26: {  	[smem:$0x3F9D] =	sst s1;
	(tag) =	ssettag s2;
	_ =	strace s9  }
0x27: {  	s1 =	sld [smem:$0x3FAD]  }
0x28: {  	s2 =	sld [smem:$0x3FAE]  }
0x29: {  	s4 =	sld [smem:$0x3FB0]  }
0x2a: {  	p0 =	seq.s32 s5, $0x0;
	s5 =	sld [smem:$0x3FB1]  }
0x2b: {  	s6 =	sld [smem:$0x3FB2]  }
0x2c: {  	s7 =	sld [smem:$0x3FB3]  }
0x2d: {  	s3 =	simm.s32 $0x108;
	s8 =	sld [smem:$0x3FB4]  }
0x2e: {  	s3 =	simm.s32 @!p0 $0x1082;
	s9 =	sld [smem:$0x3FB5]  }
0x2f: {  	lr =	sadd.s32 s0, s3;
	s0 =	sld [smem:$0x3FAC]  }
0x30: {  	s3 =	sld [smem:$0x3FAF]  }
0x31: {  	[smem:$0x3FB8] =	sst s10  }
0x32: {  	s10 =	sld [smem:$0x3FB6];
	_ =	sdelay $0x3  }
0x33: {  	p0 =	seq.s32 s10, $0x1;
	s10 =	sld [smem:$0x3FB8];
	_ =	sdelay $0x3  }
0x34: {  	[smem:$0x3FB8] =	sst s10  }
0x35: {  	s10 =	sld [smem:$0x3FB7];
	_ =	sdelay $0x3  }
0x36: {  	p1 =	seq.s32 s10, $0x1;
	s10 =	sld [smem:$0x3FB8];
	_ =	sdelay $0x3  }
0x37: {  	[smem:$0x3FB8] =	sst s10  }
0x38: {  	s10 =	sld [smem:$0x3FB9]  }
0x39: {  	_ = 	snop;
	(pc) =	sbr.ind lr, $3  }
0x3a: {  	_ = 	snop  }
0x3b: {  	_ = 	snop  }
0x3c: {  	p2 =	seq.s32 s10, $0x1;
	s10 =	sld [smem:$0x3FB8]  }
0x3d: {  	_ =	shalt  }
0x3e: {  	_ =	shalt  }
0x3f: {  	_ =	shalt  }
0x40: {  	_ =	shalt  }
0x41: {  	_ =	shalt  }
0x42: {  	_ =	shalt  }
0x43: {  	_ =	shalt  }
0x44: {  	_ =	shalt  }
0x45: {  	_ =	shalt  }
0x46: {  	_ =	shalt  }
0x47: {  	_ =	shalt  }
0x48: {  	_ =	shalt  }
0x49: {  	_ =	shalt  }
0x4a: {  	_ =	shalt  }
0x4b: {  	_ =	shalt  }
0x4c: {  	_ =	shalt  }
0x4d: {  	_ =	shalt  }
0x4e: {  	_ =	shalt  }
0x4f: {  	_ =	shalt  }
0x50: {  	_ =	shalt  }
0x51: {  	_ =	shalt  }
0x52: {  	_ =	shalt  }
0x53: {  	_ =	shalt  }
0x54: {  	_ =	shalt  }
0x55: {  	_ =	shalt  }
0x56: {  	_ =	shalt  }
0x57: {  	_ =	shalt  }
0x58: {  	_ =	shalt  }
0x59: {  	_ =	shalt  }
0x5a: {  	_ =	shalt  }
0x5b: {  	_ =	shalt  }
0x5c: {  	_ =	shalt  }
0x5d: {  	_ =	shalt  }
0x5e: {  	_ =	shalt  }
0x5f: {  	_ =	shalt  }
0x60: {  	_ =	shalt  }
0x61: {  	_ =	shalt  }
0x62: {  	_ =	shalt  }
0x63: {  	_ =	shalt  }
0x64: {  	_ =	shalt  }
0x65: {  	_ =	shalt  }
0x66: {  	_ =	shalt  }
0x67: {  	_ =	shalt  }
0x68: {  	_ =	shalt  }
0x69: {  	_ =	shalt  }
0x6a: {  	_ =	shalt  }
0x6b: {  	_ =	shalt  }
0x6c: {  	_ =	shalt  }
0x6d: {  	_ =	shalt  }
0x6e: {  	_ =	shalt  }
0x6f: {  	_ =	shalt  }
0x70: {  	_ =	shalt  }
0x71: {  	_ =	shalt  }
0x72: {  	_ =	shalt  }
0x73: {  	_ =	shalt  }
0x74: {  	_ =	shalt  }
0x75: {  	_ =	shalt  }
0x76: {  	_ =	shalt  }
0x77: {  	_ =	shalt  }
0x78: {  	_ =	shalt  }
0x79: {  	_ =	shalt  }
0x7a: {  	_ =	shalt  }
0x7b: {  	_ =	shalt  }
0x7c: {  	_ =	shalt  }
0x7d: {  	_ =	shalt  }
0x7e: {  	_ =	shalt  }
0x7f: {  	_ =	shalt  }
0x80: {  	_ =	shalt  }
0x81: {  	_ =	shalt  }
0x82: {  	_ =	shalt  }
0x83: {  	_ =	shalt  }
0x84: {  	_ =	shalt  }
0x85: {  	_ =	shalt  }
0x86: {  	_ =	shalt  }
0x87: {  	_ =	shalt  }
.Lfunc_end0:
.L_simem_size_0:
called_computation_lowered:
.L_overlay_start_0:
0x88: {  	s2 =	sld [smem:$0x3FD9]  }
0x89: {  	s3 =	sld [smem:$0x3FFE];
	_ =	sdelay $0x1  }
0x8a: {  	s1 =	srdreg.scid  }
0x8b: {  	s0 =	sand.u32 $0x1, s1  }
0x8c: {  	s17 =	sshll.u32 s0, $0xA;
	s2 =	sadd.s32 s3, s2  }
0x8d: {  	s2 =	sadd.s32 s2, s17  }
0x8e: {  	[smem:$0x3FC4] =	sst s2  }
0x8f: {  	_ = 	snop  }
0x90: {  	s2 =	sld [smem:$0x3FC9]  }
0x91: {  	s18 =	sld [smem:$0x3FC8]  }
0x92: {  	s4 =	sld [smem:$0x3FD0];
	(tm) =	ssettm $0x1  }
0x93: {  	s5 =	sld [smem:$0x3FFB];
	_ =	sdelay $0x3  }
0x94: {  	_ =	strace s5  }
0x95: {  	s5 =	sld [smem:$0x3FFC];
	_ =	sdelay $0x3  }
0x96: {  	_ =	strace s5  }
0x97: {  	s5 =	sld [smem:$0x3FFD];
	_ =	sdelay $0x3  }
0x98: {  	_ =	strace s5  }
0x99: {  	_ =	strace $0x8FFFFFFF  }
0x9a: {  	s19 =	sld [smem:$0x3FDB];
	_ =	sdelay $0x1  }
0x9b: {  	s6 =	simm.s32 $_scs_section_size  }
0x9c: {  	s7 =	simm.s32 $_size__tile_overlayer_lowered;
	s8 =	simm.s32 $_tile_overlayer_lowered  }
0x9d: {  	s22 =	simm.s32 $0x1BFF;
	s21 =	sshll.u32 s8, $0x1;
	s5 =	sadd.s32 s6, s19  }
0x9e: {  	s9 =	simm.s32 $0x0;
	s20 =	sshll.u32 s7, $0x1;
	s7 =	sadd.s32 s21, s5  }
0x9f: {  	[timem:s9], [sflag:s22] =	dma.local [hbm:s7], s20  }
0xa0: {  	_ =	swait.ge [sflag:s22], s20  }
0xa1: {  	s6 =	ssub.s32 $0x0, s20;
	[sflag:s22] =	ssyncset.done $0x0  }
0xa2: {  	[sflag:s22] =	ssyncadd.s32 s6;
	_ =	sdelay $0x1  }
0xa3: {  	s23 =	simm.s32 $0x1B8B  }
0xa4: {  	_ =	swait.ge [sflag:s23], $0x1  }
0xa5: {  	[sflag:s23] =	ssyncset.done $0x0  }
0xa6: {  	s25 =	simm.s32 $0x1B8E;
	s24 =	sld [smem:$0x3FFE];
	[sflag:s23] =	ssyncadd.s32 $0xFFFFFFFF  }
0xa7: {  	s26 =	simm.s32 $execute0_lowered;
	[smem:$0x3FD2] =	sst s25  }
0xa8: {  	s7 =	sshll.u32 s26, $0x1;
	_ =	strace $0x80000046;
	[dreg:$0x1] =	wrdreg $0xFFFFFFFF  }
0xa9: {  	s28 =	simm.s32 $_size_execute0_lowered;
	s5 =	sadd.s32 s5, s7;
	[dreg:$0x0] =	wrdreg $0x0  }
0xaa: {  	s7 =	sshll.u32 s28, $0x1;
	[dreg:$0x2] =	wrdreg s5  }
0xab: {  	[dreg:$0x3] =	wrdreg s7  }
0xac: {  	[dreg:$0x4] =	wrdreg $0xC0  }
0xad: {  	_ =	task [dreg:s9], $0x5FFFF  }
0xae: {  	[dreg:$0x1] =	wrdreg $0xFFFFFFFF  }
0xaf: {  	[dreg:$0x0] =	wrdreg $0x60  }
0xb0: {  	[dreg:$0x2] =	wrdreg s2  }
0xb1: {  	[dreg:$0x3] =	wrdreg s18  }
0xb2: {  	[dreg:$0x4] =	wrdreg s24  }
0xb3: {  	[dreg:$0x5] =	wrdreg s4  }
0xb4: {  	[dreg:$0x6] =	wrdreg $0x108E00  }
0xb5: {  	[dreg:$0x7] =	wrdreg $0x9  }
0xb6: {  	_ =	task.clear_ibuf [dreg:s9], $0x8FFFF;
	_ =	strace $0x90000046  }
0xb7: {  	s29 =	simm.s32 $0x9;
	_ =	strace $0x80000048  }
0xb8: {  	_ =	swait.ge [sflag:s29], $0x1  }
0xb9: {  	[sflag:s29] =	ssyncadd.s32 $0xFFFFFFFF  }
0xba: {  	_ =	strace $0x90000048  }
0xbb: {  	_ =	sfence  }
0xbc: {  	s30 =	sld [smem:$0x0];
	_ =	sdelay $0x2  }
0xbd: {  	s31 =	sshll.u32 s1, $0xD;
	s1 =	sshrl.u32 s1, $0x2  }
0xbe: {  	s3 =	sand.u32 $0x4000, s31;
	s1 =	sadd.s32 s1, s30  }
0xbf: {  	s0 =	sor.u32 s3, s0;
	s1 =	sshll.u32 s1, $0x11  }
0xc0: {  	s0 =	sor.u32 s1, s0  }
0xc1: {  	s0 =	sadd.s32 $0x8F2B, s0  }
0xc2: {  	[sflag:s0] =	ssyncadd.remote.s32 $0x1  }
0xc3: {  	_ =	sfence.sel $0xFFFF  }
0xc4: {  	[dreg:$0x0] =	wrdreg $0xFFFFFFFF;
	(pc) =	sbr.abs _section_cstart, $3  }
0xc5: {  	[dreg:$0x1] =	wrdreg $0xFFFFFFFF  }
0xc6: {  	_ =	task.clear_ibuf [dreg:s9], $0x2FFFF;
	_ =	strace $0x9FFFFFFF  }
0xc7: {  	(tm) =	ssettm $0x7FFFFFFF  }
tec
execute0_lowered:
.L_overlay_start_1:
0x0: {  	(tag) =	ssettag $0x1  }
0x1: {  	s3 =	rddreg [dreg:$0x0]  }
0x2: {  	s4 =	rddreg [dreg:$0x1]  }
0x3: {  	s5 =	rddreg [dreg:$0x2]  }
0x4: {  	s6 =	rddreg [dreg:$0x3]  }
0x5: {  	s1 =	rddreg [dreg:$0x4];
	s2 =	simm.s32 $0x0;
	s7 =	srdreg.scid  }
0x6: {  	s8 =	stileid.u32;
	s31 =	simm.s32 $0x200;
	s11 =	simm.s32 $0x560  }
0x7: {  	s12 =	simm.s32 $0x28E0;
	s13 =	simm.s32 $0x48E0;
	s14 =	simm.s32 $0x660  }
0x8: {  	s15 =	simm.s32 $0x68E0;
	s16 =	simm.s32 $0x6E0;
	s17 =	simm.s32 $0x88E0  }
0x9: {  	s18 =	simm.s32 $0x760;
	s19 =	simm.s32 $0xA8E0;
	s28 =	simm.s32 $0x6  }
0xa: {  	s29 =	simm.s32 $0x7;
	[smem:$0x7FF] =	sst s2;
	s9 =	sadd.s32 $0x600, s5  }
0xb: {  	s7 =	sand.u32 $0x1, s7;
	s10 =	sshll.u32 s8, $0x1;
	s20 =	sadd.s32 $0xA00, s5  }
0xc: {  	s5 =	sadd.s32 $0x400, s5;
	_ =	strace $0x80000047;
	[dreg:$0x6] =	wrdreg s9  }
0xd: {  	p0 =	sne.s32 s8, $0x0;
	s8 =	simm.s32 $0x4E0;
	[dreg:$0x7] =	wrdreg s20  }
0xe: {  	s10 =	sor.u32 s7, s10;
	[dreg:$0x8] =	wrdreg s5;
	s23 =	ssub.s32 $0x2, s7  }
0xf: {  	s7 =	sadd.s32 $0x1900, s1;
	[dreg:$0x10] =	wrdreg s31;
	s9 =	simm.s32 $0x80  }
0x10: {  	[dreg:$0x11] =	wrdreg s12;
	s12 =	simm.s32 $0x5E0;
	s20 =	simm.s32 $0x7E0  }
0x11: {  	s21 =	sshll.u32 s10, $0x6;
	s22 =	sshll.u32 s10, $0xD;
	s25 =	sshrl.u32 s23, $0x1  }
0x12: {  	s10 =	simm.s32 $0x8E0;
	s3 =	sadd.s32 s3, s21;
	s4 =	sadd.s32 s4, s21  }
0x13: {  	s5 =	ssub.s32 s23, s25;
	s21 =	simm.s32 $0xC8E0;
	s23 =	simm.s32 $0xE8E0  }
0x14: {  	s25 =	simm.s32 $0x4;
	[dreg:$0x9] =	wrdreg s3;
	s3 =	sadd.s32 s6, s22  }
0x15: {  	v0 =	vlaneseq.u32;
	[dreg:$0xa] =	wrdreg s4;
	s4 =	sshrl.u32 @!p0 s1, $0x3;
	s6 =	sshrl.u32 @!p0 s7, $0x3  }
0x16: {  	v0 =	vmul.u32 $0x2, v0;
	s7 =	simm.s32 $0x470;
	s22 =	simm.s32 $0x860;
	[dreg:$0xe] =	wrdreg s4  }
0x17: {  	s24 =	sadd.s32 $0x800, s3;
	s26 =	sadd.s32 $0x1000, s3;
	[dreg:$0xf] =	wrdreg s6  }
0x18: {  	v1 =	vimm.s32 $0x0;
	v2 =	vor.u32 $0x1, v0;
	s30 =	sadd.s32 $0x1800, s3;
	s4 =	smax.u32 s5, $0x1;
	[dreg:$0xb] =	wrdreg s24  }
0x19: {  	v3 =	vor.u32 $0x20, v0;
	v4 =	vor.u32 $0x21, v0;
	v5 =	vor.u32 $0x40, v0;
	s5 =	simm.s32 $0x400;
	s6 =	simm.s32 $0x1;
	[dreg:$0xc] =	wrdreg s26  }
0x1a: {  	v6 =	vor.u32 $0x41, v0;
	v7 =	vor.u32 $0x60, v0;
	v8 =	vor.u32 $0x61, v0;
	[dreg:$0xd] =	wrdreg s30;
	s24 =	simm.s32 $0x3;
	s26 =	simm.s32 $0x5  }
.LBB2_1:
0x1b: {  	s30 =	rddreg [dreg:$0x6]  }
0x1c: {  	s31 =	rddreg [dreg:$0xe];
	s0 =	simm.s32 @!p0 $0x1C02  }
0x1d: {  	[spmem:s31], [sflag:s0] =	dma.local @!p0 [hbm:s30], $0x320  }
0x1e: {  	s30 =	rddreg [dreg:$0x7]  }
0x1f: {  	s31 =	rddreg [dreg:$0xf]  }
0x20: {  	[spmem:s31], [sflag:s0] =	dma.local @!p0 [hbm:s30], $0x320  }
0x21: {  	s0 =	rddreg [dreg:$0x9]  }
0x22: {  	s30 =	rddreg [dreg:$0xa]  }
0x23: {  	[tilespmem:s2], [sflag:$0x1] =	stream.linear.gather [hbm4b:s0+s2], $0x200, $0x38;
	[tilespmem:$0x10C00] =	vst v63  }
0x24: {  	s31 =	rddreg [dreg:$0x10]  }
0x25: {  	[tilespmem:s31], [sflag:$0x1] =	stream.linear.gather [hbm4b:s30+s2], $0x200, $0x38;
	[tilespmem:$0x10C00] =	vst v63  }
0x26: {  	s0 =	rddreg [dreg:$0x8]  }
0x27: {  	[tilespmem:s5], [sflag:$0x1] =	stream.linear.gather [hbm4b:s0+s2], $0xE0, $0x38;
	[tilespmem:$0x10C00] =	vst v63  }
0x28: {  	_ =	swait.ge [sflag:s6], $0x200  }
0x29: {  	[sflag:s6] =	ssyncset.done $0x0  }
0x2a: {  	[sflag:s6] =	ssyncadd.s32 $0xFFFFFE00  }
0x2b: {  	_ =	swait.ge [sflag:s6], $0x200  }
0x2c: {  	[sflag:s6] =	ssyncset.done $0x0  }
0x2d: {  	[sflag:s6] =	ssyncadd.s32 $0xFFFFFE00  }
0x2e: {  	_ =	swait.ge [sflag:s6], $0xE0  }
0x2f: {  	[sflag:s6] =	ssyncset.done $0x0  }
0x30: {  	[sflag:s6] =	ssyncadd.s32 $0xFFFFFF20  }
0x31: {  	v9 =	vld [tilespmem:$0x0]  }
0x32: {  	v10 =	vld [tilespmem:$0x200];
	_ =	sdelay $0x3  }
0x33: {  	v11 =	vadd.f32 $9.000000000e+01, v9  }
0x34: {  	v12 =	vadd.f32 $1.800000000e+02, v10  }
0x35: {  	v11 =	vmul.f32 $5.444444420e-01, v11  }
0x36: {  	v12 =	vmul.f32 $2.722222210e-01, v12  }
0x37: {  	v11 =	vmax.f32 v11, $-1.000000000e+00  }
0x38: {  	v12 =	vmax.f32 v12, $-1.000000000e+00;
	v11 =	vmin.f32 v11, $1.010000000e+02  }
0x39: {  	v12 =	vmin.f32 v12, $1.010000000e+02;
	v11 =	vtrunc.f32 v11  }
0x3a: {  	v12 =	vtrunc.f32 v12;
	v11 =	vcvt.f32.s32 v11  }
0x3b: {  	v12 =	vcvt.f32.s32 v12  }
0x3c: {  	v13 =	vadd.s32 $0x1, v11  }
0x3d: {  	v17 =	vadd.s32 $0x1, v12;
	vm0 =	vgt.s32 v13, $0x0  }
0x3e: {  	vm1 =	vgt.s32 v17, $0x0;
	v14 =	vnsel vm0, $0x0, v13  }
0x3f: {  	v19 =	vnsel vm1, $0x0, v17;
	v15 =	vmin.u32 v14, $0x63  }
0x40: {  	v14 =	vmin.u32 v14, $0x62;
	v20 =	vmin.u32 v19, $0x63;
	v16 =	vadd.s32 $0xFFFFFFFF, v15  }
0x41: {  	v19 =	vmin.u32 v19, $0x62;
	v21 =	vadd.s32 $0xFFFFFFFF, v20;
	vm11 =	vgt.s32 v16, $0x0  }
0x42: {  	vm12 =	vgt.s32 v21, $0x0;
	v18 =	vnsel vm11, $0x0, v16  }
0x43: {  	v22 =	vnsel vm12, $0x0, v21;
	_ =	sdelay $0x1  }
0x44: {  	v14 =	vld.idx.msk [tilespmem:v14+s5+$0x0], $0xffff  }
0x45: {  	v19 =	vld.idx.msk [tilespmem:v19+s7+$0x0], $0xffff  }
0x46: {  	v18 =	vld.idx.msk [tilespmem:v18+s5+$0x0], $0xffff  }
0x47: {  	v22 =	vld.idx.msk [tilespmem:v22+s7+$0x0], $0xffff  }
0x48: {  	vm13 =	vlt.u32 v11, $0x7FFFFFFF  }
0x49: {  	vm8 =	vlt.u32 v12, $0x7FFFFFFF;
	vm2 =	vlt.s32 v13, $0x63;
	vm3 =	vle.f32 v14, v9  }
0x4a: {  	vm15 =	vlt.s32 v17, $0x63;
	vm4 =	vle.f32 v19, v10;
	vm2 =	vmand vm3, vm2  }
0x4b: {  	vm7 =	vmand vm4, vm15;
	vm14 =	vgt.f32 v18, v9;
	v9 =	vsel vm2, $0x1, v1  }
0x4c: {  	vm9 =	vgt.f32 v22, v10;
	v10 =	vsel vm7, $0x1, v1;
	vm0 =	vmand vm14, vm13  }
0x4d: {  	v9 =	vadd.s32 v9, v15;
	vm10 =	vmand vm9, vm8;
	v10 =	vadd.s32 v10, v20  }
0x4e: {  	v9 =	vsel vm0, v16, v9;
	v10 =	vsel vm10, v21, v10  }
0x4f: {  	v10 =	vadd.s32 $0x64, v10;
	[tilespmem:v0+s8+$0x0] =	vst.idx.msk $0xffff, v9  }
0x50: {  	[tilespmem:v2+s8+$0x0] =	vst.idx.msk $0xffff, v10  }
0x51: {  	v9 =	vld [tilespmem:$0x10]  }
0x52: {  	v10 =	vld [tilespmem:$0x210];
	_ =	sdelay $0x3  }
0x53: {  	v11 =	vadd.f32 $9.000000000e+01, v9  }
0x54: {  	v45 =	vadd.f32 $1.800000000e+02, v10  }
0x55: {  	v11 =	vmul.f32 $5.444444420e-01, v11  }
0x56: {  	v12 =	vmul.f32 $2.722222210e-01, v45  }
0x57: {  	v11 =	vmax.f32 v11, $-1.000000000e+00  }
0x58: {  	v12 =	vmax.f32 v12, $-1.000000000e+00;
	v11 =	vmin.f32 v11, $1.010000000e+02  }
0x59: {  	v12 =	vmin.f32 v12, $1.010000000e+02;
	v11 =	vtrunc.f32 v11  }
0x5a: {  	v12 =	vtrunc.f32 v12;
	v11 =	vcvt.f32.s32 v11  }
0x5b: {  	v12 =	vcvt.f32.s32 v12  }
0x5c: {  	v46 =	vadd.s32 $0x1, v11  }
0x5d: {  	v50 =	vadd.s32 $0x1, v12;
	vm11 =	vgt.s32 v46, $0x0  }
0x5e: {  	vm13 =	vgt.s32 v50, $0x0;
	v47 =	vnsel vm11, $0x0, v46  }
0x5f: {  	v52 =	vnsel vm13, $0x0, v50;
	v48 =	vmin.u32 v47, $0x63  }
0x60: {  	v14 =	vmin.u32 v47, $0x62;
	v53 =	vmin.u32 v52, $0x63;
	v49 =	vadd.s32 $0xFFFFFFFF, v48  }
0x61: {  	v19 =	vmin.u32 v52, $0x62;
	v54 =	vadd.s32 $0xFFFFFFFF, v53;
	vm12 =	vgt.s32 v49, $0x0  }
0x62: {  	vm14 =	vgt.s32 v54, $0x0;
	v51 =	vnsel vm12, $0x0, v49  }
0x63: {  	v55 =	vnsel vm14, $0x0, v54;
	_ =	sdelay $0x1  }
0x64: {  	v14 =	vld.idx.msk [tilespmem:v14+s5+$0x0], $0xffff  }
0x65: {  	v19 =	vld.idx.msk [tilespmem:v19+s7+$0x0], $0xffff  }
0x66: {  	v18 =	vld.idx.msk [tilespmem:v51+s5+$0x0], $0xffff  }
0x67: {  	v22 =	vld.idx.msk [tilespmem:v55+s7+$0x0], $0xffff  }
0x68: {  	vm15 =	vlt.u32 v11, $0x7FFFFFFF  }
0x69: {  	vm9 =	vlt.s32 v46, $0x63;
	vm11 =	vlt.s32 v50, $0x63;
	vm10 =	vle.f32 v14, v9  }
0x6a: {  	vm14 =	vlt.u32 v12, $0x7FFFFFFF;
	vm12 =	vle.f32 v19, v10;
	vm2 =	vmand vm10, vm9  }
0x6b: {  	vm13 =	vmand vm12, vm11;
	vm8 =	vgt.f32 v18, v9;
	v9 =	vsel vm2, $0x1, v1  }
0x6c: {  	vm0 =	vmand vm8, vm15;
	vm15 =	vgt.f32 v22, v10;
	v10 =	vsel vm13, $0x1, v1  }
0x6d: {  	v9 =	vadd.s32 v9, v48;
	vm5 =	vmand vm15, vm14;
	v10 =	vadd.s32 v10, v53  }
0x6e: {  	v9 =	vsel vm0, v49, v9;
	v10 =	vsel vm5, v54, v10  }
0x6f: {  	[tilespmem:v3+s8+$0x0] =	vst.idx.msk $0xffff, v9;
	v10 =	vadd.s32 $0x64, v10  }
0x70: {  	[tilespmem:v4+s8+$0x0] =	vst.idx.msk $0xffff, v10  }
0x71: {  	v9 =	vld [tilespmem:$0x20]  }
0x72: {  	v10 =	vld [tilespmem:$0x220];
	_ =	sdelay $0x3  }
0x73: {  	v11 =	vadd.f32 $9.000000000e+01, v9  }
0x74: {  	v56 =	vadd.f32 $1.800000000e+02, v10  }
0x75: {  	v11 =	vmul.f32 $5.444444420e-01, v11  }
0x76: {  	v12 =	vmul.f32 $2.722222210e-01, v56  }
0x77: {  	v11 =	vmax.f32 v11, $-1.000000000e+00  }
0x78: {  	v12 =	vmax.f32 v12, $-1.000000000e+00;
	v11 =	vmin.f32 v11, $1.010000000e+02  }
0x79: {  	v12 =	vmin.f32 v12, $1.010000000e+02;
	v11 =	vtrunc.f32 v11  }
0x7a: {  	v12 =	vtrunc.f32 v12;
	v11 =	vcvt.f32.s32 v11  }
0x7b: {  	v12 =	vcvt.f32.s32 v12  }
0x7c: {  	v57 =	vadd.s32 $0x1, v11  }
0x7d: {  	v61 =	vadd.s32 $0x1, v12;
	vm6 =	vgt.s32 v57, $0x0  }
0x7e: {  	vm8 =	vgt.s32 v61, $0x0;
	v58 =	vnsel vm6, $0x0, v57  }
0x7f: {  	v63 =	vnsel vm8, $0x0, v61;
	v59 =	vmin.u32 v58, $0x63  }
0x80: {  	v14 =	vmin.u32 v58, $0x62;
	v24 =	vmin.u32 v63, $0x63;
	v60 =	vadd.s32 $0xFFFFFFFF, v59  }
0x81: {  	v19 =	vmin.u32 v63, $0x62;
	v25 =	vadd.s32 $0xFFFFFFFF, v24;
	vm7 =	vgt.s32 v60, $0x0  }
0x82: {  	vm9 =	vgt.s32 v25, $0x0;
	v62 =	vnsel vm7, $0x0, v60  }
0x83: {  	v26 =	vnsel vm9, $0x0, v25;
	_ =	sdelay $0x1  }
0x84: {  	v14 =	vld.idx.msk [tilespmem:v14+s5+$0x0], $0xffff  }
0x85: {  	v19 =	vld.idx.msk [tilespmem:v19+s7+$0x0], $0xffff  }
0x86: {  	v18 =	vld.idx.msk [tilespmem:v62+s5+$0x0], $0xffff  }
0x87: {  	v22 =	vld.idx.msk [tilespmem:v26+s7+$0x0], $0xffff  }
0x88: {  	vm10 =	vlt.u32 v11, $0x7FFFFFFF  }
0x89: {  	vm12 =	vlt.s32 v57, $0x63;
	vm14 =	vlt.s32 v61, $0x63;
	vm13 =	vle.f32 v14, v9  }
0x8a: {  	vm8 =	vlt.u32 v12, $0x7FFFFFFF;
	vm15 =	vle.f32 v19, v10;
	vm2 =	vmand vm13, vm12  }
0x8b: {  	vm7 =	vmand vm15, vm14;
	vm11 =	vgt.f32 v18, v9;
	v9 =	vsel vm2, $0x1, v1  }
0x8c: {  	vm9 =	vgt.f32 v22, v10;
	v10 =	vsel vm7, $0x1, v1;
	vm0 =	vmand vm11, vm10  }
0x8d: {  	v9 =	vadd.s32 v9, v59;
	vm10 =	vmand vm9, vm8;
	v10 =	vadd.s32 v10, v24  }
0x8e: {  	v9 =	vsel vm0, v60, v9;
	v10 =	vsel vm10, v25, v10  }
0x8f: {  	v10 =	vadd.s32 $0x64, v10;
	[tilespmem:v5+s8+$0x0] =	vst.idx.msk $0xffff, v9  }
0x90: {  	[tilespmem:v6+s8+$0x0] =	vst.idx.msk $0xffff, v10  }
0x91: {  	v9 =	vld [tilespmem:$0x30]  }
0x92: {  	v10 =	vld [tilespmem:$0x230];
	_ =	sdelay $0x3  }
0x93: {  	v11 =	vadd.f32 $9.000000000e+01, v9  }
0x94: {  	v27 =	vadd.f32 $1.800000000e+02, v10  }
0x95: {  	v11 =	vmul.f32 $5.444444420e-01, v11  }
0x96: {  	v12 =	vmul.f32 $2.722222210e-01, v27  }
0x97: {  	v11 =	vmax.f32 v11, $-1.000000000e+00  }
0x98: {  	v12 =	vmax.f32 v12, $-1.000000000e+00;
	v11 =	vmin.f32 v11, $1.010000000e+02  }
0x99: {  	v12 =	vmin.f32 v12, $1.010000000e+02;
	v11 =	vtrunc.f32 v11  }
0x9a: {  	v12 =	vtrunc.f32 v12;
	v11 =	vcvt.f32.s32 v11  }
0x9b: {  	v12 =	vcvt.f32.s32 v12  }
0x9c: {  	v28 =	vadd.s32 $0x1, v11  }
0x9d: {  	v32 =	vadd.s32 $0x1, v12;
	vm11 =	vgt.s32 v28, $0x0  }
0x9e: {  	vm13 =	vgt.s32 v32, $0x0;
	v29 =	vnsel vm11, $0x0, v28  }
0x9f: {  	v34 =	vnsel vm13, $0x0, v32;
	v30 =	vmin.u32 v29, $0x63  }
0xa0: {  	v14 =	vmin.u32 v29, $0x62;
	v35 =	vmin.u32 v34, $0x63;
	v31 =	vadd.s32 $0xFFFFFFFF, v30  }
0xa1: {  	v19 =	vmin.u32 v34, $0x62;
	v36 =	vadd.s32 $0xFFFFFFFF, v35;
	vm12 =	vgt.s32 v31, $0x0  }
0xa2: {  	vm14 =	vgt.s32 v36, $0x0;
	v33 =	vnsel vm12, $0x0, v31  }
0xa3: {  	v37 =	vnsel vm14, $0x0, v36;
	_ =	sdelay $0x1  }
0xa4: {  	v14 =	vld.idx.msk [tilespmem:v14+s5+$0x0], $0xffff  }
0xa5: {  	v19 =	vld.idx.msk [tilespmem:v19+s7+$0x0], $0xffff  }
0xa6: {  	v18 =	vld.idx.msk [tilespmem:v33+s5+$0x0], $0xffff  }
0xa7: {  	v22 =	vld.idx.msk [tilespmem:v37+s7+$0x0], $0xffff  }
0xa8: {  	vm15 =	vlt.u32 v11, $0x7FFFFFFF  }
0xa9: {  	vm9 =	vlt.s32 v28, $0x63;
	vm11 =	vlt.s32 v32, $0x63;
	vm10 =	vle.f32 v14, v9  }
0xaa: {  	vm14 =	vlt.u32 v12, $0x7FFFFFFF;
	vm12 =	vle.f32 v19, v10;
	vm2 =	vmand vm10, vm9  }
0xab: {  	vm13 =	vmand vm12, vm11;
	vm8 =	vgt.f32 v18, v9;
	v9 =	vsel vm2, $0x1, v1  }
0xac: {  	vm0 =	vmand vm8, vm15;
	vm15 =	vgt.f32 v22, v10;
	v10 =	vsel vm13, $0x1, v1  }
0xad: {  	v9 =	vadd.s32 v9, v30;
	vm5 =	vmand vm15, vm14;
	v10 =	vadd.s32 v10, v35  }
0xae: {  	v9 =	vsel vm0, v31, v9;
	v10 =	vsel vm5, v36, v10  }
0xaf: {  	[tilespmem:v7+s8+$0x0] =	vst.idx.msk $0xffff, v9;
	v10 =	vadd.s32 $0x64, v10  }
0xb0: {  	s0 =	simm.s32 @!p0 $0x2;
	[tilespmem:v8+s8+$0x0] =	vst.idx.msk $0xffff, v10  }
0xb1: {  	_ =	swait.ge @!p0 [sflag:s0], $0x320  }
0xb2: {  	[sflag:s0] =	ssyncset.done @!p0 $0x0  }
0xb3: {  	[sflag:s0] =	ssyncadd.s32 @!p0 $0xFFFFFCE0  }
0xb4: {  	_ =	swait.ge @!p0 [sflag:s0], $0x320  }
0xb5: {  	[sflag:s0] =	ssyncset.done @!p0 $0x0  }
0xb6: {  	[sflag:s0] =	ssyncadd.s32 @!p0 $0xFFFFFCE0  }
0xb7: {  	[bflag:$0x0] =	sbarrier.arrive $0xFFFF  }
0xb8: {  	[tilespmem:s10], [sflag:$0x3] =	stream.indirect.gather [spmem:s1], $0x40, s8, s9, $0xb8;
	[tilespmem:$0x10C00] =	vst v63  }
0xb9: {  	v9 =	vld [tilespmem:$0x40]  }
0xba: {  	v10 =	vld [tilespmem:$0x240];
	_ =	sdelay $0x3  }
0xbb: {  	v11 =	vadd.f32 $9.000000000e+01, v9  }
0xbc: {  	v38 =	vadd.f32 $1.800000000e+02, v10  }
0xbd: {  	v11 =	vmul.f32 $5.444444420e-01, v11  }
0xbe: {  	v12 =	vmul.f32 $2.722222210e-01, v38  }
0xbf: {  	v11 =	vmax.f32 v11, $-1.000000000e+00  }
0xc0: {  	v12 =	vmax.f32 v12, $-1.000000000e+00;
	v11 =	vmin.f32 v11, $1.010000000e+02  }
0xc1: {  	v12 =	vmin.f32 v12, $1.010000000e+02;
	v11 =	vtrunc.f32 v11  }
0xc2: {  	v12 =	vtrunc.f32 v12;
	v11 =	vcvt.f32.s32 v11  }
0xc3: {  	v12 =	vcvt.f32.s32 v12  }
0xc4: {  	v39 =	vadd.s32 $0x1, v11  }
0xc5: {  	v43 =	vadd.s32 $0x1, v12;
	vm6 =	vgt.s32 v39, $0x0  }
0xc6: {  	vm8 =	vgt.s32 v43, $0x0;
	v40 =	vnsel vm6, $0x0, v39  }
0xc7: {  	v45 =	vnsel vm8, $0x0, v43;
	v41 =	vmin.u32 v40, $0x63  }
0xc8: {  	v14 =	vmin.u32 v40, $0x62;
	v46 =	vmin.u32 v45, $0x63;
	v42 =	vadd.s32 $0xFFFFFFFF, v41  }
0xc9: {  	v19 =	vmin.u32 v45, $0x62;
	v47 =	vadd.s32 $0xFFFFFFFF, v46;
	vm7 =	vgt.s32 v42, $0x0  }
0xca: {  	vm9 =	vgt.s32 v47, $0x0;
	v44 =	vnsel vm7, $0x0, v42  }
0xcb: {  	v48 =	vnsel vm9, $0x0, v47;
	_ =	sdelay $0x1  }
0xcc: {  	v14 =	vld.idx.msk [tilespmem:v14+s5+$0x0], $0xffff  }
0xcd: {  	v19 =	vld.idx.msk [tilespmem:v19+s7+$0x0], $0xffff  }
0xce: {  	v18 =	vld.idx.msk [tilespmem:v44+s5+$0x0], $0xffff  }
0xcf: {  	v22 =	vld.idx.msk [tilespmem:v48+s7+$0x0], $0xffff  }
0xd0: {  	vm10 =	vlt.u32 v11, $0x7FFFFFFF  }
0xd1: {  	vm12 =	vlt.s32 v39, $0x63;
	vm14 =	vlt.s32 v43, $0x63;
	vm13 =	vle.f32 v14, v9  }
0xd2: {  	vm8 =	vlt.u32 v12, $0x7FFFFFFF;
	vm15 =	vle.f32 v19, v10;
	vm2 =	vmand vm13, vm12  }
0xd3: {  	vm7 =	vmand vm15, vm14;
	vm11 =	vgt.f32 v18, v9;
	v9 =	vsel vm2, $0x1, v1  }
0xd4: {  	vm9 =	vgt.f32 v22, v10;
	v10 =	vsel vm7, $0x1, v1;
	vm0 =	vmand vm11, vm10  }
0xd5: {  	v9 =	vadd.s32 v9, v41;
	vm10 =	vmand vm9, vm8;
	v10 =	vadd.s32 v10, v46  }
0xd6: {  	v9 =	vsel vm0, v42, v9;
	v10 =	vsel vm10, v47, v10  }
0xd7: {  	v10 =	vadd.s32 $0x64, v10;
	[tilespmem:v0+s11+$0x0] =	vst.idx.msk $0xffff, v9  }
0xd8: {  	[tilespmem:v2+s11+$0x0] =	vst.idx.msk $0xffff, v10  }
0xd9: {  	v9 =	vld [tilespmem:$0x50]  }
0xda: {  	v10 =	vld [tilespmem:$0x250];
	_ =	sdelay $0x3  }
0xdb: {  	v11 =	vadd.f32 $9.000000000e+01, v9  }
0xdc: {  	v49 =	vadd.f32 $1.800000000e+02, v10  }
0xdd: {  	v11 =	vmul.f32 $5.444444420e-01, v11  }
0xde: {  	v12 =	vmul.f32 $2.722222210e-01, v49  }
0xdf: {  	v11 =	vmax.f32 v11, $-1.000000000e+00  }
0xe0: {  	v12 =	vmax.f32 v12, $-1.000000000e+00;
	v11 =	vmin.f32 v11, $1.010000000e+02  }
0xe1: {  	v12 =	vmin.f32 v12, $1.010000000e+02;
	v11 =	vtrunc.f32 v11  }
0xe2: {  	v12 =	vtrunc.f32 v12;
	v11 =	vcvt.f32.s32 v11  }
0xe3: {  	v12 =	vcvt.f32.s32 v12  }
0xe4: {  	v50 =	vadd.s32 $0x1, v11  }
0xe5: {  	v54 =	vadd.s32 $0x1, v12;
	vm11 =	vgt.s32 v50, $0x0  }
0xe6: {  	vm13 =	vgt.s32 v54, $0x0;
	v51 =	vnsel vm11, $0x0, v50  }
0xe7: {  	v56 =	vnsel vm13, $0x0, v54;
	v52 =	vmin.u32 v51, $0x63  }
0xe8: {  	v14 =	vmin.u32 v51, $0x62;
	v57 =	vmin.u32 v56, $0x63;
	v53 =	vadd.s32 $0xFFFFFFFF, v52  }
0xe9: {  	v19 =	vmin.u32 v56, $0x62;
	v58 =	vadd.s32 $0xFFFFFFFF, v57;
	vm12 =	vgt.s32 v53, $0x0  }
0xea: {  	vm14 =	vgt.s32 v58, $0x0;
	v55 =	vnsel vm12, $0x0, v53  }
0xeb: {  	v59 =	vnsel vm14, $0x0, v58;
	_ =	sdelay $0x1  }
0xec: {  	v14 =	vld.idx.msk [tilespmem:v14+s5+$0x0], $0xffff  }
0xed: {  	v19 =	vld.idx.msk [tilespmem:v19+s7+$0x0], $0xffff  }
0xee: {  	v18 =	vld.idx.msk [tilespmem:v55+s5+$0x0], $0xffff  }
0xef: {  	v22 =	vld.idx.msk [tilespmem:v59+s7+$0x0], $0xffff  }
0xf0: {  	vm15 =	vlt.u32 v11, $0x7FFFFFFF  }
0xf1: {  	vm9 =	vlt.s32 v50, $0x63;
	vm11 =	vlt.s32 v54, $0x63;
	vm10 =	vle.f32 v14, v9  }
0xf2: {  	vm14 =	vlt.u32 v12, $0x7FFFFFFF;
	vm12 =	vle.f32 v19, v10;
	vm2 =	vmand vm10, vm9  }
0xf3: {  	vm13 =	vmand vm12, vm11;
	vm8 =	vgt.f32 v18, v9;
	v9 =	vsel vm2, $0x1, v1  }
0xf4: {  	vm0 =	vmand vm8, vm15;
	vm15 =	vgt.f32 v22, v10;
	v10 =	vsel vm13, $0x1, v1  }
0xf5: {  	v9 =	vadd.s32 v9, v52;
	vm5 =	vmand vm15, vm14;
	v10 =	vadd.s32 v10, v57  }
0xf6: {  	v9 =	vsel vm0, v53, v9;
	v10 =	vsel vm5, v58, v10  }
0xf7: {  	[tilespmem:v3+s11+$0x0] =	vst.idx.msk $0xffff, v9;
	v10 =	vadd.s32 $0x64, v10  }
0xf8: {  	[tilespmem:v4+s11+$0x0] =	vst.idx.msk $0xffff, v10  }
0xf9: {  	v9 =	vld [tilespmem:$0x60]  }
0xfa: {  	v10 =	vld [tilespmem:$0x260];
	_ =	sdelay $0x3  }
0xfb: {  	v11 =	vadd.f32 $9.000000000e+01, v9  }
0xfc: {  	v60 =	vadd.f32 $1.800000000e+02, v10  }
0xfd: {  	v11 =	vmul.f32 $5.444444420e-01, v11  }
0xfe: {  	v12 =	vmul.f32 $2.722222210e-01, v60  }
0xff: {  	v11 =	vmax.f32 v11, $-1.000000000e+00  }
0x100: {  	v12 =	vmax.f32 v12, $-1.000000000e+00;
	v11 =	vmin.f32 v11, $1.010000000e+02  }
0x101: {  	v12 =	vmin.f32 v12, $1.010000000e+02;
	v11 =	vtrunc.f32 v11  }
0x102: {  	v12 =	vtrunc.f32 v12;
	v11 =	vcvt.f32.s32 v11  }
0x103: {  	v12 =	vcvt.f32.s32 v12  }
0x104: {  	v61 =	vadd.s32 $0x1, v11  }
0x105: {  	v25 =	vadd.s32 $0x1, v12;
	vm6 =	vgt.s32 v61, $0x0  }
0x106: {  	vm8 =	vgt.s32 v25, $0x0;
	v62 =	vnsel vm6, $0x0, v61  }
0x107: {  	v27 =	vnsel vm8, $0x0, v25;
	v63 =	vmin.u32 v62, $0x63  }
0x108: {  	v14 =	vmin.u32 v62, $0x62;
	v28 =	vmin.u32 v27, $0x63;
	v24 =	vadd.s32 $0xFFFFFFFF, v63  }
0x109: {  	v19 =	vmin.u32 v27, $0x62;
	v29 =	vadd.s32 $0xFFFFFFFF, v28;
	vm7 =	vgt.s32 v24, $0x0  }
0x10a: {  	vm9 =	vgt.s32 v29, $0x0;
	v26 =	vnsel vm7, $0x0, v24  }
0x10b: {  	v30 =	vnsel vm9, $0x0, v29;
	_ =	sdelay $0x1  }
0x10c: {  	v14 =	vld.idx.msk [tilespmem:v14+s5+$0x0], $0xffff  }
0x10d: {  	v19 =	vld.idx.msk [tilespmem:v19+s7+$0x0], $0xffff  }
0x10e: {  	v18 =	vld.idx.msk [tilespmem:v26+s5+$0x0], $0xffff  }
0x10f: {  	v22 =	vld.idx.msk [tilespmem:v30+s7+$0x0], $0xffff  }
0x110: {  	vm10 =	vlt.u32 v11, $0x7FFFFFFF  }
0x111: {  	vm12 =	vlt.s32 v61, $0x63;
	vm14 =	vlt.s32 v25, $0x63;
	vm13 =	vle.f32 v14, v9  }
0x112: {  	vm8 =	vlt.u32 v12, $0x7FFFFFFF;
	vm15 =	vle.f32 v19, v10;
	vm2 =	vmand vm13, vm12  }
0x113: {  	vm7 =	vmand vm15, vm14;
	vm11 =	vgt.f32 v18, v9;
	v9 =	vsel vm2, $0x1, v1  }
0x114: {  	vm9 =	vgt.f32 v22, v10;
	v10 =	vsel vm7, $0x1, v1;
	vm0 =	vmand vm11, vm10  }
0x115: {  	v9 =	vadd.s32 v9, v63;
	vm10 =	vmand vm9, vm8;
	v10 =	vadd.s32 v10, v28  }
0x116: {  	v9 =	vsel vm0, v24, v9;
	v10 =	vsel vm10, v29, v10  }
0x117: {  	v10 =	vadd.s32 $0x64, v10;
	[tilespmem:v5+s11+$0x0] =	vst.idx.msk $0xffff, v9  }
0x118: {  	[tilespmem:v6+s11+$0x0] =	vst.idx.msk $0xffff, v10  }
0x119: {  	v9 =	vld [tilespmem:$0x70]  }
0x11a: {  	v10 =	vld [tilespmem:$0x270];
	_ =	sdelay $0x3  }
0x11b: {  	v11 =	vadd.f32 $9.000000000e+01, v9  }
0x11c: {  	v31 =	vadd.f32 $1.800000000e+02, v10  }
0x11d: {  	v11 =	vmul.f32 $5.444444420e-01, v11  }
0x11e: {  	v12 =	vmul.f32 $2.722222210e-01, v31  }
0x11f: {  	v11 =	vmax.f32 v11, $-1.000000000e+00  }
0x120: {  	v12 =	vmax.f32 v12, $-1.000000000e+00;
	v11 =	vmin.f32 v11, $1.010000000e+02  }
0x121: {  	v12 =	vmin.f32 v12, $1.010000000e+02;
	v11 =	vtrunc.f32 v11  }
0x122: {  	v12 =	vtrunc.f32 v12;
	v11 =	vcvt.f32.s32 v11  }
0x123: {  	v12 =	vcvt.f32.s32 v12  }
0x124: {  	v32 =	vadd.s32 $0x1, v11  }
0x125: {  	v36 =	vadd.s32 $0x1, v12;
	vm11 =	vgt.s32 v32, $0x0  }
0x126: {  	vm13 =	vgt.s32 v36, $0x0;
	v33 =	vnsel vm11, $0x0, v32  }
0x127: {  	v38 =	vnsel vm13, $0x0, v36;
	v34 =	vmin.u32 v33, $0x63  }
0x128: {  	v14 =	vmin.u32 v33, $0x62;
	v39 =	vmin.u32 v38, $0x63;
	v35 =	vadd.s32 $0xFFFFFFFF, v34  }
0x129: {  	v19 =	vmin.u32 v38, $0x62;
	v40 =	vadd.s32 $0xFFFFFFFF, v39;
	vm12 =	vgt.s32 v35, $0x0  }
0x12a: {  	vm14 =	vgt.s32 v40, $0x0;
	v37 =	vnsel vm12, $0x0, v35  }
0x12b: {  	v41 =	vnsel vm14, $0x0, v40;
	_ =	sdelay $0x1  }
0x12c: {  	v14 =	vld.idx.msk [tilespmem:v14+s5+$0x0], $0xffff  }
0x12d: {  	v19 =	vld.idx.msk [tilespmem:v19+s7+$0x0], $0xffff  }
0x12e: {  	v18 =	vld.idx.msk [tilespmem:v37+s5+$0x0], $0xffff  }
0x12f: {  	v22 =	vld.idx.msk [tilespmem:v41+s7+$0x0], $0xffff  }
0x130: {  	vm15 =	vlt.u32 v11, $0x7FFFFFFF  }
0x131: {  	vm9 =	vlt.s32 v32, $0x63;
	vm11 =	vlt.s32 v36, $0x63;
	vm10 =	vle.f32 v14, v9  }
0x132: {  	vm14 =	vlt.u32 v12, $0x7FFFFFFF;
	vm12 =	vle.f32 v19, v10;
	vm2 =	vmand vm10, vm9  }
0x133: {  	vm13 =	vmand vm12, vm11;
	vm8 =	vgt.f32 v18, v9;
	v9 =	vsel vm2, $0x1, v1  }
0x134: {  	vm0 =	vmand vm8, vm15;
	vm15 =	vgt.f32 v22, v10;
	v10 =	vsel vm13, $0x1, v1  }
0x135: {  	v9 =	vadd.s32 v9, v34;
	vm5 =	vmand vm15, vm14;
	v10 =	vadd.s32 v10, v39  }
0x136: {  	v9 =	vsel vm0, v35, v9;
	v10 =	vsel vm5, v40, v10  }
0x137: {  	[tilespmem:v7+s11+$0x0] =	vst.idx.msk $0xffff, v9;
	v10 =	vadd.s32 $0x64, v10  }
0x138: {  	s30 =	rddreg [dreg:$0x11];
	[tilespmem:v8+s11+$0x0] =	vst.idx.msk $0xffff, v10  }
0x139: {  	[tilespmem:s30], [sflag:$0x3] =	stream.indirect.gather [spmem:s1], $0x40, s11, s9, $0xb8;
	[tilespmem:$0x10C00] =	vst v63  }
0x13a: {  	v9 =	vld [tilespmem:$0x80]  }
0x13b: {  	v10 =	vld [tilespmem:$0x280];
	_ =	sdelay $0x3  }
0x13c: {  	v11 =	vadd.f32 $9.000000000e+01, v9  }
0x13d: {  	v42 =	vadd.f32 $1.800000000e+02, v10  }
0x13e: {  	v11 =	vmul.f32 $5.444444420e-01, v11  }
0x13f: {  	v12 =	vmul.f32 $2.722222210e-01, v42  }
0x140: {  	v11 =	vmax.f32 v11, $-1.000000000e+00  }
0x141: {  	v12 =	vmax.f32 v12, $-1.000000000e+00;
	v11 =	vmin.f32 v11, $1.010000000e+02  }
0x142: {  	v12 =	vmin.f32 v12, $1.010000000e+02;
	v11 =	vtrunc.f32 v11  }
0x143: {  	v12 =	vtrunc.f32 v12;
	v11 =	vcvt.f32.s32 v11  }
0x144: {  	v12 =	vcvt.f32.s32 v12  }
0x145: {  	v43 =	vadd.s32 $0x1, v11  }
0x146: {  	v47 =	vadd.s32 $0x1, v12;
	vm6 =	vgt.s32 v43, $0x0  }
0x147: {  	vm8 =	vgt.s32 v47, $0x0;
	v44 =	vnsel vm6, $0x0, v43  }
0x148: {  	v49 =	vnsel vm8, $0x0, v47;
	v45 =	vmin.u32 v44, $0x63  }
0x149: {  	v14 =	vmin.u32 v44, $0x62;
	v50 =	vmin.u32 v49, $0x63;
	v46 =	vadd.s32 $0xFFFFFFFF, v45  }
0x14a: {  	v19 =	vmin.u32 v49, $0x62;
	v51 =	vadd.s32 $0xFFFFFFFF, v50;
	vm7 =	vgt.s32 v46, $0x0  }
0x14b: {  	vm9 =	vgt.s32 v51, $0x0;
	v48 =	vnsel vm7, $0x0, v46  }
0x14c: {  	v52 =	vnsel vm9, $0x0, v51;
	_ =	sdelay $0x1  }
0x14d: {  	v14 =	vld.idx.msk [tilespmem:v14+s5+$0x0], $0xffff  }
0x14e: {  	v19 =	vld.idx.msk [tilespmem:v19+s7+$0x0], $0xffff  }
0x14f: {  	v18 =	vld.idx.msk [tilespmem:v48+s5+$0x0], $0xffff  }
0x150: {  	v22 =	vld.idx.msk [tilespmem:v52+s7+$0x0], $0xffff  }
0x151: {  	vm10 =	vlt.u32 v11, $0x7FFFFFFF  }
0x152: {  	vm12 =	vlt.s32 v43, $0x63;
	vm14 =	vlt.s32 v47, $0x63;
	vm13 =	vle.f32 v14, v9  }
0x153: {  	vm8 =	vlt.u32 v12, $0x7FFFFFFF;
	vm15 =	vle.f32 v19, v10;
	vm2 =	vmand vm13, vm12  }
0x154: {  	vm7 =	vmand vm15, vm14;
	vm11 =	vgt.f32 v18, v9;
	v9 =	vsel vm2, $0x1, v1  }
0x155: {  	vm9 =	vgt.f32 v22, v10;
	v10 =	vsel vm7, $0x1, v1;
	vm0 =	vmand vm11, vm10  }
0x156: {  	v9 =	vadd.s32 v9, v45;
	vm10 =	vmand vm9, vm8;
	v10 =	vadd.s32 v10, v50  }
0x157: {  	v9 =	vsel vm0, v46, v9;
	v10 =	vsel vm10, v51, v10  }
0x158: {  	v10 =	vadd.s32 $0x64, v10;
	[tilespmem:v0+s12+$0x0] =	vst.idx.msk $0xffff, v9  }
0x159: {  	[tilespmem:v2+s12+$0x0] =	vst.idx.msk $0xffff, v10  }
0x15a: {  	v9 =	vld [tilespmem:$0x90]  }
0x15b: {  	v10 =	vld [tilespmem:$0x290];
	_ =	sdelay $0x3  }
0x15c: {  	v11 =	vadd.f32 $9.000000000e+01, v9  }
0x15d: {  	v53 =	vadd.f32 $1.800000000e+02, v10  }
0x15e: {  	v11 =	vmul.f32 $5.444444420e-01, v11  }
0x15f: {  	v12 =	vmul.f32 $2.722222210e-01, v53  }
0x160: {  	v11 =	vmax.f32 v11, $-1.000000000e+00  }
0x161: {  	v12 =	vmax.f32 v12, $-1.000000000e+00;
	v11 =	vmin.f32 v11, $1.010000000e+02  }
0x162: {  	v12 =	vmin.f32 v12, $1.010000000e+02;
	v11 =	vtrunc.f32 v11  }
0x163: {  	v12 =	vtrunc.f32 v12;
	v11 =	vcvt.f32.s32 v11  }
0x164: {  	v12 =	vcvt.f32.s32 v12  }
0x165: {  	v54 =	vadd.s32 $0x1, v11  }
0x166: {  	v58 =	vadd.s32 $0x1, v12;
	vm11 =	vgt.s32 v54, $0x0  }
0x167: {  	vm13 =	vgt.s32 v58, $0x0;
	v55 =	vnsel vm11, $0x0, v54  }
0x168: {  	v60 =	vnsel vm13, $0x0, v58;
	v56 =	vmin.u32 v55, $0x63  }
0x169: {  	v14 =	vmin.u32 v55, $0x62;
	v61 =	vmin.u32 v60, $0x63;
	v57 =	vadd.s32 $0xFFFFFFFF, v56  }
0x16a: {  	v19 =	vmin.u32 v60, $0x62;
	v62 =	vadd.s32 $0xFFFFFFFF, v61;
	vm12 =	vgt.s32 v57, $0x0  }
0x16b: {  	vm14 =	vgt.s32 v62, $0x0;
	v59 =	vnsel vm12, $0x0, v57  }
0x16c: {  	v63 =	vnsel vm14, $0x0, v62;
	_ =	sdelay $0x1  }
0x16d: {  	v14 =	vld.idx.msk [tilespmem:v14+s5+$0x0], $0xffff  }
0x16e: {  	v19 =	vld.idx.msk [tilespmem:v19+s7+$0x0], $0xffff  }
0x16f: {  	v18 =	vld.idx.msk [tilespmem:v59+s5+$0x0], $0xffff  }
0x170: {  	v22 =	vld.idx.msk [tilespmem:v63+s7+$0x0], $0xffff  }
0x171: {  	vm15 =	vlt.u32 v11, $0x7FFFFFFF  }
0x172: {  	vm9 =	vlt.s32 v54, $0x63;
	vm11 =	vlt.s32 v58, $0x63;
	vm10 =	vle.f32 v14, v9  }
0x173: {  	vm14 =	vlt.u32 v12, $0x7FFFFFFF;
	vm12 =	vle.f32 v19, v10;
	vm2 =	vmand vm10, vm9  }
0x174: {  	vm13 =	vmand vm12, vm11;
	vm8 =	vgt.f32 v18, v9;
	v9 =	vsel vm2, $0x1, v1  }
0x175: {  	vm0 =	vmand vm8, vm15;
	vm15 =	vgt.f32 v22, v10;
	v10 =	vsel vm13, $0x1, v1  }
0x176: {  	v9 =	vadd.s32 v9, v56;
	vm5 =	vmand vm15, vm14;
	v10 =	vadd.s32 v10, v61  }
0x177: {  	v9 =	vsel vm0, v57, v9;
	v10 =	vsel vm5, v62, v10  }
0x178: {  	[tilespmem:v3+s12+$0x0] =	vst.idx.msk $0xffff, v9;
	v10 =	vadd.s32 $0x64, v10  }
0x179: {  	[tilespmem:v4+s12+$0x0] =	vst.idx.msk $0xffff, v10  }
0x17a: {  	v9 =	vld [tilespmem:$0xA0]  }
0x17b: {  	v10 =	vld [tilespmem:$0x2A0];
	_ =	sdelay $0x3  }
0x17c: {  	v11 =	vadd.f32 $9.000000000e+01, v9  }
0x17d: {  	v23 =	vadd.f32 $1.800000000e+02, v10  }
0x17e: {  	v11 =	vmul.f32 $5.444444420e-01, v11  }
0x17f: {  	v12 =	vmul.f32 $2.722222210e-01, v23  }
0x180: {  	v11 =	vmax.f32 v11, $-1.000000000e+00  }
0x181: {  	v12 =	vmax.f32 v12, $-1.000000000e+00;
	v11 =	vmin.f32 v11, $1.010000000e+02  }
0x182: {  	v12 =	vmin.f32 v12, $1.010000000e+02;
	v11 =	vtrunc.f32 v11  }
0x183: {  	v12 =	vtrunc.f32 v12;
	v11 =	vcvt.f32.s32 v11  }
0x184: {  	v12 =	vcvt.f32.s32 v12  }
0x185: {  	v24 =	vadd.s32 $0x1, v11  }
0x186: {  	v28 =	vadd.s32 $0x1, v12;
	vm6 =	vgt.s32 v24, $0x0  }
0x187: {  	vm8 =	vgt.s32 v28, $0x0;
	v25 =	vnsel vm6, $0x0, v24  }
0x188: {  	v30 =	vnsel vm8, $0x0, v28;
	v26 =	vmin.u32 v25, $0x63  }
0x189: {  	v14 =	vmin.u32 v25, $0x62;
	v31 =	vmin.u32 v30, $0x63;
	v27 =	vadd.s32 $0xFFFFFFFF, v26  }
0x18a: {  	v19 =	vmin.u32 v30, $0x62;
	v32 =	vadd.s32 $0xFFFFFFFF, v31;
	vm7 =	vgt.s32 v27, $0x0  }
0x18b: {  	vm9 =	vgt.s32 v32, $0x0;
	v29 =	vnsel vm7, $0x0, v27  }
0x18c: {  	v33 =	vnsel vm9, $0x0, v32;
	_ =	sdelay $0x1  }
0x18d: {  	v14 =	vld.idx.msk [tilespmem:v14+s5+$0x0], $0xffff  }
0x18e: {  	v19 =	vld.idx.msk [tilespmem:v19+s7+$0x0], $0xffff  }
0x18f: {  	v18 =	vld.idx.msk [tilespmem:v29+s5+$0x0], $0xffff  }
0x190: {  	v22 =	vld.idx.msk [tilespmem:v33+s7+$0x0], $0xffff  }
0x191: {  	vm10 =	vlt.u32 v11, $0x7FFFFFFF  }
0x192: {  	vm12 =	vlt.s32 v24, $0x63;
	vm14 =	vlt.s32 v28, $0x63;
	vm13 =	vle.f32 v14, v9  }
0x193: {  	vm8 =	vlt.u32 v12, $0x7FFFFFFF;
	vm15 =	vle.f32 v19, v10;
	vm2 =	vmand vm13, vm12  }
0x194: {  	vm7 =	vmand vm15, vm14;
	vm11 =	vgt.f32 v18, v9;
	v9 =	vsel vm2, $0x1, v1  }
0x195: {  	vm9 =	vgt.f32 v22, v10;
	v10 =	vsel vm7, $0x1, v1;
	vm0 =	vmand vm11, vm10  }
0x196: {  	v9 =	vadd.s32 v9, v26;
	vm10 =	vmand vm9, vm8;
	v10 =	vadd.s32 v10, v31  }
0x197: {  	v9 =	vsel vm0, v27, v9;
	v10 =	vsel vm10, v32, v10  }
0x198: {  	v10 =	vadd.s32 $0x64, v10;
	[tilespmem:v5+s12+$0x0] =	vst.idx.msk $0xffff, v9  }
0x199: {  	[tilespmem:v6+s12+$0x0] =	vst.idx.msk $0xffff, v10  }
0x19a: {  	v9 =	vld [tilespmem:$0xB0]  }
0x19b: {  	v10 =	vld [tilespmem:$0x2B0];
	_ =	sdelay $0x3  }
0x19c: {  	v11 =	vadd.f32 $9.000000000e+01, v9  }
0x19d: {  	v34 =	vadd.f32 $1.800000000e+02, v10  }
0x19e: {  	v11 =	vmul.f32 $5.444444420e-01, v11  }
0x19f: {  	v12 =	vmul.f32 $2.722222210e-01, v34  }
0x1a0: {  	v11 =	vmax.f32 v11, $-1.000000000e+00  }
0x1a1: {  	v12 =	vmax.f32 v12, $-1.000000000e+00;
	v11 =	vmin.f32 v11, $1.010000000e+02  }
0x1a2: {  	v12 =	vmin.f32 v12, $1.010000000e+02;
	v11 =	vtrunc.f32 v11  }
0x1a3: {  	v12 =	vtrunc.f32 v12;
	v11 =	vcvt.f32.s32 v11  }
0x1a4: {  	v12 =	vcvt.f32.s32 v12  }
0x1a5: {  	v35 =	vadd.s32 $0x1, v11  }
0x1a6: {  	v39 =	vadd.s32 $0x1, v12;
	vm11 =	vgt.s32 v35, $0x0  }
0x1a7: {  	vm13 =	vgt.s32 v39, $0x0;
	v36 =	vnsel vm11, $0x0, v35  }
0x1a8: {  	v41 =	vnsel vm13, $0x0, v39;
	v37 =	vmin.u32 v36, $0x63  }
0x1a9: {  	v14 =	vmin.u32 v36, $0x62;
	v42 =	vmin.u32 v41, $0x63;
	v38 =	vadd.s32 $0xFFFFFFFF, v37  }
0x1aa: {  	v19 =	vmin.u32 v41, $0x62;
	v43 =	vadd.s32 $0xFFFFFFFF, v42;
	vm12 =	vgt.s32 v38, $0x0  }
0x1ab: {  	vm14 =	vgt.s32 v43, $0x0;
	v40 =	vnsel vm12, $0x0, v38  }
0x1ac: {  	v44 =	vnsel vm14, $0x0, v43;
	_ =	sdelay $0x1  }
0x1ad: {  	v14 =	vld.idx.msk [tilespmem:v14+s5+$0x0], $0xffff  }
0x1ae: {  	v19 =	vld.idx.msk [tilespmem:v19+s7+$0x0], $0xffff  }
0x1af: {  	v18 =	vld.idx.msk [tilespmem:v40+s5+$0x0], $0xffff  }
0x1b0: {  	v22 =	vld.idx.msk [tilespmem:v44+s7+$0x0], $0xffff  }
0x1b1: {  	vm15 =	vlt.u32 v11, $0x7FFFFFFF  }
0x1b2: {  	vm9 =	vlt.s32 v35, $0x63;
	vm11 =	vlt.s32 v39, $0x63;
	vm10 =	vle.f32 v14, v9  }
0x1b3: {  	vm14 =	vlt.u32 v12, $0x7FFFFFFF;
	vm12 =	vle.f32 v19, v10;
	vm2 =	vmand vm10, vm9  }
0x1b4: {  	vm13 =	vmand vm12, vm11;
	vm8 =	vgt.f32 v18, v9;
	v9 =	vsel vm2, $0x1, v1  }
0x1b5: {  	vm0 =	vmand vm8, vm15;
	vm15 =	vgt.f32 v22, v10;
	v10 =	vsel vm13, $0x1, v1  }
0x1b6: {  	v9 =	vadd.s32 v9, v37;
	vm5 =	vmand vm15, vm14;
	v10 =	vadd.s32 v10, v42  }
0x1b7: {  	v9 =	vsel vm0, v38, v9;
	v10 =	vsel vm5, v43, v10  }
0x1b8: {  	[tilespmem:v7+s12+$0x0] =	vst.idx.msk $0xffff, v9;
	v10 =	vadd.s32 $0x64, v10  }
0x1b9: {  	[tilespmem:v8+s12+$0x0] =	vst.idx.msk $0xffff, v10  }
0x1ba: {  	[tilespmem:s13], [sflag:$0x4] =	stream.indirect.gather [spmem:s1], $0x40, s12, s9, $0xb8;
	[tilespmem:$0x10C00] =	vst v63  }
0x1bb: {  	v9 =	vld [tilespmem:$0xC0]  }
0x1bc: {  	v10 =	vld [tilespmem:$0x2C0];
	_ =	sdelay $0x3  }
0x1bd: {  	v11 =	vadd.f32 $9.000000000e+01, v9  }
0x1be: {  	v45 =	vadd.f32 $1.800000000e+02, v10  }
0x1bf: {  	v11 =	vmul.f32 $5.444444420e-01, v11  }
0x1c0: {  	v12 =	vmul.f32 $2.722222210e-01, v45  }
0x1c1: {  	v11 =	vmax.f32 v11, $-1.000000000e+00  }
0x1c2: {  	v12 =	vmax.f32 v12, $-1.000000000e+00;
	v11 =	vmin.f32 v11, $1.010000000e+02  }
0x1c3: {  	v12 =	vmin.f32 v12, $1.010000000e+02;
	v11 =	vtrunc.f32 v11  }
0x1c4: {  	v12 =	vtrunc.f32 v12;
	v11 =	vcvt.f32.s32 v11  }
0x1c5: {  	v12 =	vcvt.f32.s32 v12  }
0x1c6: {  	v46 =	vadd.s32 $0x1, v11  }
0x1c7: {  	v50 =	vadd.s32 $0x1, v12;
	vm6 =	vgt.s32 v46, $0x0  }
0x1c8: {  	vm8 =	vgt.s32 v50, $0x0;
	v47 =	vnsel vm6, $0x0, v46  }
0x1c9: {  	v52 =	vnsel vm8, $0x0, v50;
	v48 =	vmin.u32 v47, $0x63  }
0x1ca: {  	v14 =	vmin.u32 v47, $0x62;
	v53 =	vmin.u32 v52, $0x63;
	v49 =	vadd.s32 $0xFFFFFFFF, v48  }
0x1cb: {  	v19 =	vmin.u32 v52, $0x62;
	v54 =	vadd.s32 $0xFFFFFFFF, v53;
	vm7 =	vgt.s32 v49, $0x0  }
0x1cc: {  	vm9 =	vgt.s32 v54, $0x0;
	v51 =	vnsel vm7, $0x0, v49  }
0x1cd: {  	v55 =	vnsel vm9, $0x0, v54;
	_ =	sdelay $0x1  }
0x1ce: {  	v14 =	vld.idx.msk [tilespmem:v14+s5+$0x0], $0xffff  }
0x1cf: {  	v19 =	vld.idx.msk [tilespmem:v19+s7+$0x0], $0xffff  }
0x1d0: {  	v18 =	vld.idx.msk [tilespmem:v51+s5+$0x0], $0xffff  }
0x1d1: {  	v22 =	vld.idx.msk [tilespmem:v55+s7+$0x0], $0xffff  }
0x1d2: {  	vm10 =	vlt.u32 v11, $0x7FFFFFFF  }
0x1d3: {  	vm12 =	vlt.s32 v46, $0x63;
	vm14 =	vlt.s32 v50, $0x63;
	vm13 =	vle.f32 v14, v9  }
0x1d4: {  	vm8 =	vlt.u32 v12, $0x7FFFFFFF;
	vm15 =	vle.f32 v19, v10;
	vm2 =	vmand vm13, vm12  }
0x1d5: {  	vm7 =	vmand vm15, vm14;
	vm11 =	vgt.f32 v18, v9;
	v9 =	vsel vm2, $0x1, v1  }
0x1d6: {  	vm9 =	vgt.f32 v22, v10;
	v10 =	vsel vm7, $0x1, v1;
	vm0 =	vmand vm11, vm10  }
0x1d7: {  	v9 =	vadd.s32 v9, v48;
	vm10 =	vmand vm9, vm8;
	v10 =	vadd.s32 v10, v53  }
0x1d8: {  	v9 =	vsel vm0, v49, v9;
	v10 =	vsel vm10, v54, v10  }
0x1d9: {  	v10 =	vadd.s32 $0x64, v10;
	[tilespmem:v0+s14+$0x0] =	vst.idx.msk $0xffff, v9  }
0x1da: {  	[tilespmem:v2+s14+$0x0] =	vst.idx.msk $0xffff, v10  }
0x1db: {  	v9 =	vld [tilespmem:$0xD0]  }
0x1dc: {  	v10 =	vld [tilespmem:$0x2D0];
	_ =	sdelay $0x3  }
0x1dd: {  	v11 =	vadd.f32 $9.000000000e+01, v9  }
0x1de: {  	v56 =	vadd.f32 $1.800000000e+02, v10  }
0x1df: {  	v11 =	vmul.f32 $5.444444420e-01, v11  }
0x1e0: {  	v12 =	vmul.f32 $2.722222210e-01, v56  }
0x1e1: {  	v11 =	vmax.f32 v11, $-1.000000000e+00  }
0x1e2: {  	v12 =	vmax.f32 v12, $-1.000000000e+00;
	v11 =	vmin.f32 v11, $1.010000000e+02  }
0x1e3: {  	v12 =	vmin.f32 v12, $1.010000000e+02;
	v11 =	vtrunc.f32 v11  }
0x1e4: {  	v12 =	vtrunc.f32 v12;
	v11 =	vcvt.f32.s32 v11  }
0x1e5: {  	v12 =	vcvt.f32.s32 v12  }
0x1e6: {  	v57 =	vadd.s32 $0x1, v11  }
0x1e7: {  	v61 =	vadd.s32 $0x1, v12;
	vm11 =	vgt.s32 v57, $0x0  }
0x1e8: {  	vm13 =	vgt.s32 v61, $0x0;
	v58 =	vnsel vm11, $0x0, v57  }
0x1e9: {  	v63 =	vnsel vm13, $0x0, v61;
	v59 =	vmin.u32 v58, $0x63  }
0x1ea: {  	v14 =	vmin.u32 v58, $0x62;
	v24 =	vmin.u32 v63, $0x63;
	v60 =	vadd.s32 $0xFFFFFFFF, v59  }
0x1eb: {  	v19 =	vmin.u32 v63, $0x62;
	v25 =	vadd.s32 $0xFFFFFFFF, v24;
	vm12 =	vgt.s32 v60, $0x0  }
0x1ec: {  	vm14 =	vgt.s32 v25, $0x0;
	v62 =	vnsel vm12, $0x0, v60  }
0x1ed: {  	v26 =	vnsel vm14, $0x0, v25;
	_ =	sdelay $0x1  }
0x1ee: {  	v14 =	vld.idx.msk [tilespmem:v14+s5+$0x0], $0xffff  }
0x1ef: {  	v19 =	vld.idx.msk [tilespmem:v19+s7+$0x0], $0xffff  }
0x1f0: {  	v18 =	vld.idx.msk [tilespmem:v62+s5+$0x0], $0xffff  }
0x1f1: {  	v22 =	vld.idx.msk [tilespmem:v26+s7+$0x0], $0xffff  }
0x1f2: {  	vm15 =	vlt.u32 v11, $0x7FFFFFFF  }
0x1f3: {  	vm9 =	vlt.s32 v57, $0x63;
	vm11 =	vlt.s32 v61, $0x63;
	vm10 =	vle.f32 v14, v9  }
0x1f4: {  	vm14 =	vlt.u32 v12, $0x7FFFFFFF;
	vm12 =	vle.f32 v19, v10;
	vm2 =	vmand vm10, vm9  }
0x1f5: {  	vm13 =	vmand vm12, vm11;
	vm8 =	vgt.f32 v18, v9;
	v9 =	vsel vm2, $0x1, v1  }
0x1f6: {  	vm0 =	vmand vm8, vm15;
	vm15 =	vgt.f32 v22, v10;
	v10 =	vsel vm13, $0x1, v1  }
0x1f7: {  	v9 =	vadd.s32 v9, v59;
	vm5 =	vmand vm15, vm14;
	v10 =	vadd.s32 v10, v24  }
0x1f8: {  	v9 =	vsel vm0, v60, v9;
	v10 =	vsel vm5, v25, v10  }
0x1f9: {  	[tilespmem:v3+s14+$0x0] =	vst.idx.msk $0xffff, v9;
	v10 =	vadd.s32 $0x64, v10  }
0x1fa: {  	[tilespmem:v4+s14+$0x0] =	vst.idx.msk $0xffff, v10  }
0x1fb: {  	v9 =	vld [tilespmem:$0xE0]  }
0x1fc: {  	v10 =	vld [tilespmem:$0x2E0];
	_ =	sdelay $0x3  }
0x1fd: {  	v11 =	vadd.f32 $9.000000000e+01, v9  }
0x1fe: {  	v27 =	vadd.f32 $1.800000000e+02, v10  }
0x1ff: {  	v11 =	vmul.f32 $5.444444420e-01, v11  }
0x200: {  	v12 =	vmul.f32 $2.722222210e-01, v27  }
0x201: {  	v11 =	vmax.f32 v11, $-1.000000000e+00  }
0x202: {  	v12 =	vmax.f32 v12, $-1.000000000e+00;
	v11 =	vmin.f32 v11, $1.010000000e+02  }
0x203: {  	v12 =	vmin.f32 v12, $1.010000000e+02;
	v11 =	vtrunc.f32 v11  }
0x204: {  	v12 =	vtrunc.f32 v12;
	v11 =	vcvt.f32.s32 v11  }
0x205: {  	v12 =	vcvt.f32.s32 v12  }
0x206: {  	v28 =	vadd.s32 $0x1, v11  }
0x207: {  	v32 =	vadd.s32 $0x1, v12;
	vm6 =	vgt.s32 v28, $0x0  }
0x208: {  	vm8 =	vgt.s32 v32, $0x0;
	v29 =	vnsel vm6, $0x0, v28  }
0x209: {  	v34 =	vnsel vm8, $0x0, v32;
	v30 =	vmin.u32 v29, $0x63  }
0x20a: {  	v14 =	vmin.u32 v29, $0x62;
	v35 =	vmin.u32 v34, $0x63;
	v31 =	vadd.s32 $0xFFFFFFFF, v30  }
0x20b: {  	v19 =	vmin.u32 v34, $0x62;
	v36 =	vadd.s32 $0xFFFFFFFF, v35;
	vm7 =	vgt.s32 v31, $0x0  }
0x20c: {  	vm9 =	vgt.s32 v36, $0x0;
	v33 =	vnsel vm7, $0x0, v31  }
0x20d: {  	v37 =	vnsel vm9, $0x0, v36;
	_ =	sdelay $0x1  }
0x20e: {  	v14 =	vld.idx.msk [tilespmem:v14+s5+$0x0], $0xffff  }
0x20f: {  	v19 =	vld.idx.msk [tilespmem:v19+s7+$0x0], $0xffff  }
0x210: {  	v18 =	vld.idx.msk [tilespmem:v33+s5+$0x0], $0xffff  }
0x211: {  	v22 =	vld.idx.msk [tilespmem:v37+s7+$0x0], $0xffff  }
0x212: {  	vm10 =	vlt.u32 v11, $0x7FFFFFFF  }
0x213: {  	vm12 =	vlt.s32 v28, $0x63;
	vm14 =	vlt.s32 v32, $0x63;
	vm13 =	vle.f32 v14, v9  }
0x214: {  	vm8 =	vlt.u32 v12, $0x7FFFFFFF;
	vm15 =	vle.f32 v19, v10;
	vm2 =	vmand vm13, vm12  }
0x215: {  	vm7 =	vmand vm15, vm14;
	vm11 =	vgt.f32 v18, v9;
	v9 =	vsel vm2, $0x1, v1  }
0x216: {  	vm9 =	vgt.f32 v22, v10;
	v10 =	vsel vm7, $0x1, v1;
	vm0 =	vmand vm11, vm10  }
0x217: {  	v9 =	vadd.s32 v9, v30;
	vm10 =	vmand vm9, vm8;
	v10 =	vadd.s32 v10, v35  }
0x218: {  	v9 =	vsel vm0, v31, v9;
	v10 =	vsel vm10, v36, v10  }
0x219: {  	v10 =	vadd.s32 $0x64, v10;
	[tilespmem:v5+s14+$0x0] =	vst.idx.msk $0xffff, v9  }
0x21a: {  	[tilespmem:v6+s14+$0x0] =	vst.idx.msk $0xffff, v10  }
0x21b: {  	v9 =	vld [tilespmem:$0xF0]  }
0x21c: {  	v10 =	vld [tilespmem:$0x2F0];
	_ =	sdelay $0x3  }
0x21d: {  	v11 =	vadd.f32 $9.000000000e+01, v9  }
0x21e: {  	v38 =	vadd.f32 $1.800000000e+02, v10  }
0x21f: {  	v11 =	vmul.f32 $5.444444420e-01, v11  }
0x220: {  	v12 =	vmul.f32 $2.722222210e-01, v38  }
0x221: {  	v11 =	vmax.f32 v11, $-1.000000000e+00  }
0x222: {  	v12 =	vmax.f32 v12, $-1.000000000e+00;
	v11 =	vmin.f32 v11, $1.010000000e+02  }
0x223: {  	v12 =	vmin.f32 v12, $1.010000000e+02;
	v11 =	vtrunc.f32 v11  }
0x224: {  	v12 =	vtrunc.f32 v12;
	v11 =	vcvt.f32.s32 v11  }
0x225: {  	v12 =	vcvt.f32.s32 v12  }
0x226: {  	v39 =	vadd.s32 $0x1, v11  }
0x227: {  	v43 =	vadd.s32 $0x1, v12;
	vm11 =	vgt.s32 v39, $0x0  }
0x228: {  	vm13 =	vgt.s32 v43, $0x0;
	v40 =	vnsel vm11, $0x0, v39  }
0x229: {  	v45 =	vnsel vm13, $0x0, v43;
	v41 =	vmin.u32 v40, $0x63  }
0x22a: {  	v14 =	vmin.u32 v40, $0x62;
	v46 =	vmin.u32 v45, $0x63;
	v42 =	vadd.s32 $0xFFFFFFFF, v41  }
0x22b: {  	v19 =	vmin.u32 v45, $0x62;
	v47 =	vadd.s32 $0xFFFFFFFF, v46;
	vm12 =	vgt.s32 v42, $0x0  }
0x22c: {  	vm14 =	vgt.s32 v47, $0x0;
	v44 =	vnsel vm12, $0x0, v42  }
0x22d: {  	v48 =	vnsel vm14, $0x0, v47;
	_ =	sdelay $0x1  }
0x22e: {  	v14 =	vld.idx.msk [tilespmem:v14+s5+$0x0], $0xffff  }
0x22f: {  	v19 =	vld.idx.msk [tilespmem:v19+s7+$0x0], $0xffff  }
0x230: {  	v18 =	vld.idx.msk [tilespmem:v44+s5+$0x0], $0xffff  }
0x231: {  	v22 =	vld.idx.msk [tilespmem:v48+s7+$0x0], $0xffff  }
0x232: {  	vm15 =	vlt.u32 v11, $0x7FFFFFFF  }
0x233: {  	vm9 =	vlt.s32 v39, $0x63;
	vm11 =	vlt.s32 v43, $0x63;
	vm10 =	vle.f32 v14, v9  }
0x234: {  	vm14 =	vlt.u32 v12, $0x7FFFFFFF;
	vm12 =	vle.f32 v19, v10;
	vm2 =	vmand vm10, vm9  }
0x235: {  	vm13 =	vmand vm12, vm11;
	vm8 =	vgt.f32 v18, v9;
	v9 =	vsel vm2, $0x1, v1  }
0x236: {  	vm0 =	vmand vm8, vm15;
	vm15 =	vgt.f32 v22, v10;
	v10 =	vsel vm13, $0x1, v1  }
0x237: {  	v9 =	vadd.s32 v9, v41;
	vm5 =	vmand vm15, vm14;
	v10 =	vadd.s32 v10, v46  }
0x238: {  	v9 =	vsel vm0, v42, v9;
	v10 =	vsel vm5, v47, v10  }
0x239: {  	[tilespmem:v7+s14+$0x0] =	vst.idx.msk $0xffff, v9;
	v10 =	vadd.s32 $0x64, v10  }
0x23a: {  	[tilespmem:v8+s14+$0x0] =	vst.idx.msk $0xffff, v10  }
0x23b: {  	[tilespmem:s15], [sflag:$0x4] =	stream.indirect.gather [spmem:s1], $0x40, s14, s9, $0xb8;
	[tilespmem:$0x10C00] =	vst v63  }
0x23c: {  	v9 =	vld [tilespmem:$0x100]  }
0x23d: {  	v10 =	vld [tilespmem:$0x300];
	_ =	sdelay $0x3  }
0x23e: {  	v11 =	vadd.f32 $9.000000000e+01, v9  }
0x23f: {  	v49 =	vadd.f32 $1.800000000e+02, v10  }
0x240: {  	v11 =	vmul.f32 $5.444444420e-01, v11  }
0x241: {  	v12 =	vmul.f32 $2.722222210e-01, v49  }
0x242: {  	v11 =	vmax.f32 v11, $-1.000000000e+00  }
0x243: {  	v12 =	vmax.f32 v12, $-1.000000000e+00;
	v11 =	vmin.f32 v11, $1.010000000e+02  }
0x244: {  	v12 =	vmin.f32 v12, $1.010000000e+02;
	v11 =	vtrunc.f32 v11  }
0x245: {  	v12 =	vtrunc.f32 v12;
	v11 =	vcvt.f32.s32 v11  }
0x246: {  	v12 =	vcvt.f32.s32 v12  }
0x247: {  	v50 =	vadd.s32 $0x1, v11  }
0x248: {  	v54 =	vadd.s32 $0x1, v12;
	vm6 =	vgt.s32 v50, $0x0  }
0x249: {  	vm8 =	vgt.s32 v54, $0x0;
	v51 =	vnsel vm6, $0x0, v50  }
0x24a: {  	v56 =	vnsel vm8, $0x0, v54;
	v52 =	vmin.u32 v51, $0x63  }
0x24b: {  	v14 =	vmin.u32 v51, $0x62;
	v57 =	vmin.u32 v56, $0x63;
	v53 =	vadd.s32 $0xFFFFFFFF, v52  }
0x24c: {  	v19 =	vmin.u32 v56, $0x62;
	v58 =	vadd.s32 $0xFFFFFFFF, v57;
	vm7 =	vgt.s32 v53, $0x0  }
0x24d: {  	vm9 =	vgt.s32 v58, $0x0;
	v55 =	vnsel vm7, $0x0, v53  }
0x24e: {  	v59 =	vnsel vm9, $0x0, v58;
	_ =	sdelay $0x1  }
0x24f: {  	v14 =	vld.idx.msk [tilespmem:v14+s5+$0x0], $0xffff  }
0x250: {  	v19 =	vld.idx.msk [tilespmem:v19+s7+$0x0], $0xffff  }
0x251: {  	v18 =	vld.idx.msk [tilespmem:v55+s5+$0x0], $0xffff  }
0x252: {  	v22 =	vld.idx.msk [tilespmem:v59+s7+$0x0], $0xffff  }
0x253: {  	vm10 =	vlt.u32 v11, $0x7FFFFFFF  }
0x254: {  	vm12 =	vlt.s32 v50, $0x63;
	vm14 =	vlt.s32 v54, $0x63;
	vm13 =	vle.f32 v14, v9  }
0x255: {  	vm8 =	vlt.u32 v12, $0x7FFFFFFF;
	vm15 =	vle.f32 v19, v10;
	vm2 =	vmand vm13, vm12  }
0x256: {  	vm7 =	vmand vm15, vm14;
	vm11 =	vgt.f32 v18, v9;
	v9 =	vsel vm2, $0x1, v1  }
0x257: {  	vm9 =	vgt.f32 v22, v10;
	v10 =	vsel vm7, $0x1, v1;
	vm0 =	vmand vm11, vm10  }
0x258: {  	v9 =	vadd.s32 v9, v52;
	vm10 =	vmand vm9, vm8;
	v10 =	vadd.s32 v10, v57  }
0x259: {  	v9 =	vsel vm0, v53, v9;
	v10 =	vsel vm10, v58, v10  }
0x25a: {  	v10 =	vadd.s32 $0x64, v10;
	[tilespmem:v0+s16+$0x0] =	vst.idx.msk $0xffff, v9  }
0x25b: {  	[tilespmem:v2+s16+$0x0] =	vst.idx.msk $0xffff, v10  }
0x25c: {  	v9 =	vld [tilespmem:$0x110]  }
0x25d: {  	v10 =	vld [tilespmem:$0x310];
	_ =	sdelay $0x3  }
0x25e: {  	v11 =	vadd.f32 $9.000000000e+01, v9  }
0x25f: {  	v60 =	vadd.f32 $1.800000000e+02, v10  }
0x260: {  	v11 =	vmul.f32 $5.444444420e-01, v11  }
0x261: {  	v12 =	vmul.f32 $2.722222210e-01, v60  }
0x262: {  	v11 =	vmax.f32 v11, $-1.000000000e+00  }
0x263: {  	v12 =	vmax.f32 v12, $-1.000000000e+00;
	v11 =	vmin.f32 v11, $1.010000000e+02  }
0x264: {  	v12 =	vmin.f32 v12, $1.010000000e+02;
	v11 =	vtrunc.f32 v11  }
0x265: {  	v12 =	vtrunc.f32 v12;
	v11 =	vcvt.f32.s32 v11  }
0x266: {  	v12 =	vcvt.f32.s32 v12  }
0x267: {  	v61 =	vadd.s32 $0x1, v11  }
0x268: {  	v25 =	vadd.s32 $0x1, v12;
	vm11 =	vgt.s32 v61, $0x0  }
0x269: {  	vm13 =	vgt.s32 v25, $0x0;
	v62 =	vnsel vm11, $0x0, v61  }
0x26a: {  	v27 =	vnsel vm13, $0x0, v25;
	v63 =	vmin.u32 v62, $0x63  }
0x26b: {  	v14 =	vmin.u32 v62, $0x62;
	v28 =	vmin.u32 v27, $0x63;
	v24 =	vadd.s32 $0xFFFFFFFF, v63  }
0x26c: {  	v19 =	vmin.u32 v27, $0x62;
	v29 =	vadd.s32 $0xFFFFFFFF, v28;
	vm12 =	vgt.s32 v24, $0x0  }
0x26d: {  	vm14 =	vgt.s32 v29, $0x0;
	v26 =	vnsel vm12, $0x0, v24  }
0x26e: {  	v30 =	vnsel vm14, $0x0, v29;
	_ =	sdelay $0x1  }
0x26f: {  	v14 =	vld.idx.msk [tilespmem:v14+s5+$0x0], $0xffff  }
0x270: {  	v19 =	vld.idx.msk [tilespmem:v19+s7+$0x0], $0xffff  }
0x271: {  	v18 =	vld.idx.msk [tilespmem:v26+s5+$0x0], $0xffff  }
0x272: {  	v22 =	vld.idx.msk [tilespmem:v30+s7+$0x0], $0xffff  }
0x273: {  	vm15 =	vlt.u32 v11, $0x7FFFFFFF  }
0x274: {  	vm9 =	vlt.s32 v61, $0x63;
	vm11 =	vlt.s32 v25, $0x63;
	vm10 =	vle.f32 v14, v9  }
0x275: {  	vm14 =	vlt.u32 v12, $0x7FFFFFFF;
	vm12 =	vle.f32 v19, v10;
	vm2 =	vmand vm10, vm9  }
0x276: {  	vm13 =	vmand vm12, vm11;
	vm8 =	vgt.f32 v18, v9;
	v9 =	vsel vm2, $0x1, v1  }
0x277: {  	vm0 =	vmand vm8, vm15;
	vm15 =	vgt.f32 v22, v10;
	v10 =	vsel vm13, $0x1, v1  }
0x278: {  	v9 =	vadd.s32 v9, v63;
	vm5 =	vmand vm15, vm14;
	v10 =	vadd.s32 v10, v28  }
0x279: {  	v9 =	vsel vm0, v24, v9;
	v10 =	vsel vm5, v29, v10  }
0x27a: {  	[tilespmem:v3+s16+$0x0] =	vst.idx.msk $0xffff, v9;
	v10 =	vadd.s32 $0x64, v10  }
0x27b: {  	[tilespmem:v4+s16+$0x0] =	vst.idx.msk $0xffff, v10  }
0x27c: {  	v9 =	vld [tilespmem:$0x120]  }
0x27d: {  	v10 =	vld [tilespmem:$0x320];
	_ =	sdelay $0x3  }
0x27e: {  	v11 =	vadd.f32 $9.000000000e+01, v9  }
0x27f: {  	v31 =	vadd.f32 $1.800000000e+02, v10  }
0x280: {  	v11 =	vmul.f32 $5.444444420e-01, v11  }
0x281: {  	v12 =	vmul.f32 $2.722222210e-01, v31  }
0x282: {  	v11 =	vmax.f32 v11, $-1.000000000e+00  }
0x283: {  	v12 =	vmax.f32 v12, $-1.000000000e+00;
	v11 =	vmin.f32 v11, $1.010000000e+02  }
0x284: {  	v12 =	vmin.f32 v12, $1.010000000e+02;
	v11 =	vtrunc.f32 v11  }
0x285: {  	v12 =	vtrunc.f32 v12;
	v11 =	vcvt.f32.s32 v11  }
0x286: {  	v12 =	vcvt.f32.s32 v12  }
0x287: {  	v32 =	vadd.s32 $0x1, v11  }
0x288: {  	v36 =	vadd.s32 $0x1, v12;
	vm6 =	vgt.s32 v32, $0x0  }
0x289: {  	vm8 =	vgt.s32 v36, $0x0;
	v33 =	vnsel vm6, $0x0, v32  }
0x28a: {  	v38 =	vnsel vm8, $0x0, v36;
	v34 =	vmin.u32 v33, $0x63  }
0x28b: {  	v14 =	vmin.u32 v33, $0x62;
	v39 =	vmin.u32 v38, $0x63;
	v35 =	vadd.s32 $0xFFFFFFFF, v34  }
0x28c: {  	v19 =	vmin.u32 v38, $0x62;
	v40 =	vadd.s32 $0xFFFFFFFF, v39;
	vm7 =	vgt.s32 v35, $0x0  }
0x28d: {  	vm9 =	vgt.s32 v40, $0x0;
	v37 =	vnsel vm7, $0x0, v35  }
0x28e: {  	v41 =	vnsel vm9, $0x0, v40;
	_ =	sdelay $0x1  }
0x28f: {  	v14 =	vld.idx.msk [tilespmem:v14+s5+$0x0], $0xffff  }
0x290: {  	v19 =	vld.idx.msk [tilespmem:v19+s7+$0x0], $0xffff  }
0x291: {  	v18 =	vld.idx.msk [tilespmem:v37+s5+$0x0], $0xffff  }
0x292: {  	v22 =	vld.idx.msk [tilespmem:v41+s7+$0x0], $0xffff  }
0x293: {  	vm10 =	vlt.u32 v11, $0x7FFFFFFF  }
0x294: {  	vm12 =	vlt.s32 v32, $0x63;
	vm14 =	vlt.s32 v36, $0x63;
	vm13 =	vle.f32 v14, v9  }
0x295: {  	vm8 =	vlt.u32 v12, $0x7FFFFFFF;
	vm15 =	vle.f32 v19, v10;
	vm2 =	vmand vm13, vm12  }
0x296: {  	vm7 =	vmand vm15, vm14;
	vm11 =	vgt.f32 v18, v9;
	v9 =	vsel vm2, $0x1, v1  }
0x297: {  	vm9 =	vgt.f32 v22, v10;
	v10 =	vsel vm7, $0x1, v1;
	vm0 =	vmand vm11, vm10  }
0x298: {  	v9 =	vadd.s32 v9, v34;
	vm10 =	vmand vm9, vm8;
	v10 =	vadd.s32 v10, v39  }
0x299: {  	v9 =	vsel vm0, v35, v9;
	v10 =	vsel vm10, v40, v10  }
0x29a: {  	v10 =	vadd.s32 $0x64, v10;
	[tilespmem:v5+s16+$0x0] =	vst.idx.msk $0xffff, v9  }
0x29b: {  	[tilespmem:v6+s16+$0x0] =	vst.idx.msk $0xffff, v10  }
0x29c: {  	v9 =	vld [tilespmem:$0x130]  }
0x29d: {  	v10 =	vld [tilespmem:$0x330];
	_ =	sdelay $0x3  }
0x29e: {  	v11 =	vadd.f32 $9.000000000e+01, v9  }
0x29f: {  	v42 =	vadd.f32 $1.800000000e+02, v10  }
0x2a0: {  	v11 =	vmul.f32 $5.444444420e-01, v11  }
0x2a1: {  	v12 =	vmul.f32 $2.722222210e-01, v42  }
0x2a2: {  	v11 =	vmax.f32 v11, $-1.000000000e+00  }
0x2a3: {  	v12 =	vmax.f32 v12, $-1.000000000e+00;
	v11 =	vmin.f32 v11, $1.010000000e+02  }
0x2a4: {  	v12 =	vmin.f32 v12, $1.010000000e+02;
	v11 =	vtrunc.f32 v11  }
0x2a5: {  	v12 =	vtrunc.f32 v12;
	v11 =	vcvt.f32.s32 v11  }
0x2a6: {  	v12 =	vcvt.f32.s32 v12  }
0x2a7: {  	v43 =	vadd.s32 $0x1, v11  }
0x2a8: {  	v47 =	vadd.s32 $0x1, v12;
	vm11 =	vgt.s32 v43, $0x0  }
0x2a9: {  	vm13 =	vgt.s32 v47, $0x0;
	v44 =	vnsel vm11, $0x0, v43  }
0x2aa: {  	v49 =	vnsel vm13, $0x0, v47;
	v45 =	vmin.u32 v44, $0x63  }
0x2ab: {  	v14 =	vmin.u32 v44, $0x62;
	v50 =	vmin.u32 v49, $0x63;
	v46 =	vadd.s32 $0xFFFFFFFF, v45  }
0x2ac: {  	v19 =	vmin.u32 v49, $0x62;
	v51 =	vadd.s32 $0xFFFFFFFF, v50;
	vm12 =	vgt.s32 v46, $0x0  }
0x2ad: {  	vm14 =	vgt.s32 v51, $0x0;
	v48 =	vnsel vm12, $0x0, v46  }
0x2ae: {  	v52 =	vnsel vm14, $0x0, v51;
	_ =	sdelay $0x1  }
0x2af: {  	v14 =	vld.idx.msk [tilespmem:v14+s5+$0x0], $0xffff  }
0x2b0: {  	v19 =	vld.idx.msk [tilespmem:v19+s7+$0x0], $0xffff  }
0x2b1: {  	v18 =	vld.idx.msk [tilespmem:v48+s5+$0x0], $0xffff  }
0x2b2: {  	v22 =	vld.idx.msk [tilespmem:v52+s7+$0x0], $0xffff  }
0x2b3: {  	vm15 =	vlt.u32 v11, $0x7FFFFFFF  }
0x2b4: {  	vm9 =	vlt.s32 v43, $0x63;
	vm11 =	vlt.s32 v47, $0x63;
	vm10 =	vle.f32 v14, v9  }
0x2b5: {  	vm14 =	vlt.u32 v12, $0x7FFFFFFF;
	vm12 =	vle.f32 v19, v10;
	vm2 =	vmand vm10, vm9  }
0x2b6: {  	vm13 =	vmand vm12, vm11;
	vm8 =	vgt.f32 v18, v9;
	v9 =	vsel vm2, $0x1, v1  }
0x2b7: {  	vm0 =	vmand vm8, vm15;
	vm15 =	vgt.f32 v22, v10;
	v10 =	vsel vm13, $0x1, v1  }
0x2b8: {  	v9 =	vadd.s32 v9, v45;
	vm5 =	vmand vm15, vm14;
	v10 =	vadd.s32 v10, v50  }
0x2b9: {  	v9 =	vsel vm0, v46, v9;
	v10 =	vsel vm5, v51, v10  }
0x2ba: {  	[tilespmem:v7+s16+$0x0] =	vst.idx.msk $0xffff, v9;
	v10 =	vadd.s32 $0x64, v10  }
0x2bb: {  	[tilespmem:v8+s16+$0x0] =	vst.idx.msk $0xffff, v10  }
0x2bc: {  	[tilespmem:s17], [sflag:$0x5] =	stream.indirect.gather [spmem:s1], $0x40, s16, s9, $0xb8;
	[tilespmem:$0x10C00] =	vst v63  }
0x2bd: {  	v9 =	vld [tilespmem:$0x140]  }
0x2be: {  	v10 =	vld [tilespmem:$0x340];
	_ =	sdelay $0x3  }
0x2bf: {  	v11 =	vadd.f32 $9.000000000e+01, v9  }
0x2c0: {  	v53 =	vadd.f32 $1.800000000e+02, v10  }
0x2c1: {  	v11 =	vmul.f32 $5.444444420e-01, v11  }
0x2c2: {  	v12 =	vmul.f32 $2.722222210e-01, v53  }
0x2c3: {  	v11 =	vmax.f32 v11, $-1.000000000e+00  }
0x2c4: {  	v12 =	vmax.f32 v12, $-1.000000000e+00;
	v11 =	vmin.f32 v11, $1.010000000e+02  }
0x2c5: {  	v12 =	vmin.f32 v12, $1.010000000e+02;
	v11 =	vtrunc.f32 v11  }
0x2c6: {  	v12 =	vtrunc.f32 v12;
	v11 =	vcvt.f32.s32 v11  }
0x2c7: {  	v12 =	vcvt.f32.s32 v12  }
0x2c8: {  	v54 =	vadd.s32 $0x1, v11  }
0x2c9: {  	v58 =	vadd.s32 $0x1, v12;
	vm6 =	vgt.s32 v54, $0x0  }
0x2ca: {  	vm8 =	vgt.s32 v58, $0x0;
	v55 =	vnsel vm6, $0x0, v54  }
0x2cb: {  	v60 =	vnsel vm8, $0x0, v58;
	v56 =	vmin.u32 v55, $0x63  }
0x2cc: {  	v14 =	vmin.u32 v55, $0x62;
	v61 =	vmin.u32 v60, $0x63;
	v57 =	vadd.s32 $0xFFFFFFFF, v56  }
0x2cd: {  	v19 =	vmin.u32 v60, $0x62;
	v62 =	vadd.s32 $0xFFFFFFFF, v61;
	vm7 =	vgt.s32 v57, $0x0  }
0x2ce: {  	vm9 =	vgt.s32 v62, $0x0;
	v59 =	vnsel vm7, $0x0, v57  }
0x2cf: {  	v63 =	vnsel vm9, $0x0, v62;
	_ =	sdelay $0x1  }
0x2d0: {  	v14 =	vld.idx.msk [tilespmem:v14+s5+$0x0], $0xffff  }
0x2d1: {  	v19 =	vld.idx.msk [tilespmem:v19+s7+$0x0], $0xffff  }
0x2d2: {  	v18 =	vld.idx.msk [tilespmem:v59+s5+$0x0], $0xffff  }
0x2d3: {  	v22 =	vld.idx.msk [tilespmem:v63+s7+$0x0], $0xffff  }
0x2d4: {  	vm10 =	vlt.u32 v11, $0x7FFFFFFF  }
0x2d5: {  	vm12 =	vlt.s32 v54, $0x63;
	vm14 =	vlt.s32 v58, $0x63;
	vm13 =	vle.f32 v14, v9  }
0x2d6: {  	vm8 =	vlt.u32 v12, $0x7FFFFFFF;
	vm15 =	vle.f32 v19, v10;
	vm2 =	vmand vm13, vm12  }
0x2d7: {  	vm7 =	vmand vm15, vm14;
	vm11 =	vgt.f32 v18, v9;
	v9 =	vsel vm2, $0x1, v1  }
0x2d8: {  	vm9 =	vgt.f32 v22, v10;
	v10 =	vsel vm7, $0x1, v1;
	vm0 =	vmand vm11, vm10  }
0x2d9: {  	v9 =	vadd.s32 v9, v56;
	vm10 =	vmand vm9, vm8;
	v10 =	vadd.s32 v10, v61  }
0x2da: {  	v9 =	vsel vm0, v57, v9;
	v10 =	vsel vm10, v62, v10  }
0x2db: {  	v10 =	vadd.s32 $0x64, v10;
	[tilespmem:v0+s18+$0x0] =	vst.idx.msk $0xffff, v9  }
0x2dc: {  	[tilespmem:v2+s18+$0x0] =	vst.idx.msk $0xffff, v10  }
0x2dd: {  	v9 =	vld [tilespmem:$0x150]  }
0x2de: {  	v10 =	vld [tilespmem:$0x350];
	_ =	sdelay $0x3  }
0x2df: {  	v11 =	vadd.f32 $9.000000000e+01, v9  }
0x2e0: {  	v23 =	vadd.f32 $1.800000000e+02, v10  }
0x2e1: {  	v11 =	vmul.f32 $5.444444420e-01, v11  }
0x2e2: {  	v12 =	vmul.f32 $2.722222210e-01, v23  }
0x2e3: {  	v11 =	vmax.f32 v11, $-1.000000000e+00  }
0x2e4: {  	v12 =	vmax.f32 v12, $-1.000000000e+00;
	v11 =	vmin.f32 v11, $1.010000000e+02  }
0x2e5: {  	v12 =	vmin.f32 v12, $1.010000000e+02;
	v11 =	vtrunc.f32 v11  }
0x2e6: {  	v12 =	vtrunc.f32 v12;
	v11 =	vcvt.f32.s32 v11  }
0x2e7: {  	v12 =	vcvt.f32.s32 v12  }
0x2e8: {  	v24 =	vadd.s32 $0x1, v11  }
0x2e9: {  	v28 =	vadd.s32 $0x1, v12;
	vm11 =	vgt.s32 v24, $0x0  }
0x2ea: {  	vm13 =	vgt.s32 v28, $0x0;
	v25 =	vnsel vm11, $0x0, v24  }
0x2eb: {  	v30 =	vnsel vm13, $0x0, v28;
	v26 =	vmin.u32 v25, $0x63  }
0x2ec: {  	v14 =	vmin.u32 v25, $0x62;
	v31 =	vmin.u32 v30, $0x63;
	v27 =	vadd.s32 $0xFFFFFFFF, v26  }
0x2ed: {  	v19 =	vmin.u32 v30, $0x62;
	v32 =	vadd.s32 $0xFFFFFFFF, v31;
	vm12 =	vgt.s32 v27, $0x0  }
0x2ee: {  	vm14 =	vgt.s32 v32, $0x0;
	v29 =	vnsel vm12, $0x0, v27  }
0x2ef: {  	v33 =	vnsel vm14, $0x0, v32;
	_ =	sdelay $0x1  }
0x2f0: {  	v14 =	vld.idx.msk [tilespmem:v14+s5+$0x0], $0xffff  }
0x2f1: {  	v19 =	vld.idx.msk [tilespmem:v19+s7+$0x0], $0xffff  }
0x2f2: {  	v18 =	vld.idx.msk [tilespmem:v29+s5+$0x0], $0xffff  }
0x2f3: {  	v22 =	vld.idx.msk [tilespmem:v33+s7+$0x0], $0xffff  }
0x2f4: {  	vm15 =	vlt.u32 v11, $0x7FFFFFFF  }
0x2f5: {  	vm9 =	vlt.s32 v24, $0x63;
	vm11 =	vlt.s32 v28, $0x63;
	vm10 =	vle.f32 v14, v9  }
0x2f6: {  	vm14 =	vlt.u32 v12, $0x7FFFFFFF;
	vm12 =	vle.f32 v19, v10;
	vm2 =	vmand vm10, vm9  }
0x2f7: {  	vm13 =	vmand vm12, vm11;
	vm8 =	vgt.f32 v18, v9;
	v9 =	vsel vm2, $0x1, v1  }
0x2f8: {  	vm0 =	vmand vm8, vm15;
	vm15 =	vgt.f32 v22, v10;
	v10 =	vsel vm13, $0x1, v1  }
0x2f9: {  	v9 =	vadd.s32 v9, v26;
	vm5 =	vmand vm15, vm14;
	v10 =	vadd.s32 v10, v31  }
0x2fa: {  	v9 =	vsel vm0, v27, v9;
	v10 =	vsel vm5, v32, v10  }
0x2fb: {  	[tilespmem:v3+s18+$0x0] =	vst.idx.msk $0xffff, v9;
	v10 =	vadd.s32 $0x64, v10  }
0x2fc: {  	[tilespmem:v4+s18+$0x0] =	vst.idx.msk $0xffff, v10  }
0x2fd: {  	v9 =	vld [tilespmem:$0x160]  }
0x2fe: {  	v10 =	vld [tilespmem:$0x360];
	_ =	sdelay $0x3  }
0x2ff: {  	v11 =	vadd.f32 $9.000000000e+01, v9  }
0x300: {  	v34 =	vadd.f32 $1.800000000e+02, v10  }
0x301: {  	v11 =	vmul.f32 $5.444444420e-01, v11  }
0x302: {  	v12 =	vmul.f32 $2.722222210e-01, v34  }
0x303: {  	v11 =	vmax.f32 v11, $-1.000000000e+00  }
0x304: {  	v12 =	vmax.f32 v12, $-1.000000000e+00;
	v11 =	vmin.f32 v11, $1.010000000e+02  }
0x305: {  	v12 =	vmin.f32 v12, $1.010000000e+02;
	v11 =	vtrunc.f32 v11  }
0x306: {  	v12 =	vtrunc.f32 v12;
	v11 =	vcvt.f32.s32 v11  }
0x307: {  	v12 =	vcvt.f32.s32 v12  }
0x308: {  	v35 =	vadd.s32 $0x1, v11  }
0x309: {  	v39 =	vadd.s32 $0x1, v12;
	vm6 =	vgt.s32 v35, $0x0  }
0x30a: {  	vm8 =	vgt.s32 v39, $0x0;
	v36 =	vnsel vm6, $0x0, v35  }
0x30b: {  	v41 =	vnsel vm8, $0x0, v39;
	v37 =	vmin.u32 v36, $0x63  }
0x30c: {  	v14 =	vmin.u32 v36, $0x62;
	v42 =	vmin.u32 v41, $0x63;
	v38 =	vadd.s32 $0xFFFFFFFF, v37  }
0x30d: {  	v19 =	vmin.u32 v41, $0x62;
	v43 =	vadd.s32 $0xFFFFFFFF, v42;
	vm7 =	vgt.s32 v38, $0x0  }
0x30e: {  	vm9 =	vgt.s32 v43, $0x0;
	v40 =	vnsel vm7, $0x0, v38  }
0x30f: {  	v44 =	vnsel vm9, $0x0, v43;
	_ =	sdelay $0x1  }
0x310: {  	v14 =	vld.idx.msk [tilespmem:v14+s5+$0x0], $0xffff  }
0x311: {  	v19 =	vld.idx.msk [tilespmem:v19+s7+$0x0], $0xffff  }
0x312: {  	v18 =	vld.idx.msk [tilespmem:v40+s5+$0x0], $0xffff  }
0x313: {  	v22 =	vld.idx.msk [tilespmem:v44+s7+$0x0], $0xffff  }
0x314: {  	vm10 =	vlt.u32 v11, $0x7FFFFFFF  }
0x315: {  	vm12 =	vlt.s32 v35, $0x63;
	vm14 =	vlt.s32 v39, $0x63;
	vm13 =	vle.f32 v14, v9  }
0x316: {  	vm8 =	vlt.u32 v12, $0x7FFFFFFF;
	vm15 =	vle.f32 v19, v10;
	vm2 =	vmand vm13, vm12  }
0x317: {  	vm7 =	vmand vm15, vm14;
	vm11 =	vgt.f32 v18, v9;
	v9 =	vsel vm2, $0x1, v1  }
0x318: {  	vm9 =	vgt.f32 v22, v10;
	v10 =	vsel vm7, $0x1, v1;
	vm0 =	vmand vm11, vm10  }
0x319: {  	v9 =	vadd.s32 v9, v37;
	vm10 =	vmand vm9, vm8;
	v10 =	vadd.s32 v10, v42  }
0x31a: {  	v9 =	vsel vm0, v38, v9;
	v10 =	vsel vm10, v43, v10  }
0x31b: {  	v10 =	vadd.s32 $0x64, v10;
	[tilespmem:v5+s18+$0x0] =	vst.idx.msk $0xffff, v9  }
0x31c: {  	[tilespmem:v6+s18+$0x0] =	vst.idx.msk $0xffff, v10  }
0x31d: {  	v9 =	vld [tilespmem:$0x170]  }
0x31e: {  	v10 =	vld [tilespmem:$0x370];
	_ =	sdelay $0x3  }
0x31f: {  	v11 =	vadd.f32 $9.000000000e+01, v9  }
0x320: {  	v45 =	vadd.f32 $1.800000000e+02, v10  }
0x321: {  	v11 =	vmul.f32 $5.444444420e-01, v11  }
0x322: {  	v12 =	vmul.f32 $2.722222210e-01, v45  }
0x323: {  	v11 =	vmax.f32 v11, $-1.000000000e+00  }
0x324: {  	v12 =	vmax.f32 v12, $-1.000000000e+00;
	v11 =	vmin.f32 v11, $1.010000000e+02  }
0x325: {  	v12 =	vmin.f32 v12, $1.010000000e+02;
	v11 =	vtrunc.f32 v11  }
0x326: {  	v12 =	vtrunc.f32 v12;
	v11 =	vcvt.f32.s32 v11  }
0x327: {  	v12 =	vcvt.f32.s32 v12  }
0x328: {  	v46 =	vadd.s32 $0x1, v11  }
0x329: {  	v50 =	vadd.s32 $0x1, v12;
	vm11 =	vgt.s32 v46, $0x0  }
0x32a: {  	vm13 =	vgt.s32 v50, $0x0;
	v47 =	vnsel vm11, $0x0, v46  }
0x32b: {  	v52 =	vnsel vm13, $0x0, v50;
	v48 =	vmin.u32 v47, $0x63  }
0x32c: {  	v14 =	vmin.u32 v47, $0x62;
	v53 =	vmin.u32 v52, $0x63;
	v49 =	vadd.s32 $0xFFFFFFFF, v48  }
0x32d: {  	v19 =	vmin.u32 v52, $0x62;
	v54 =	vadd.s32 $0xFFFFFFFF, v53;
	vm12 =	vgt.s32 v49, $0x0  }
0x32e: {  	vm14 =	vgt.s32 v54, $0x0;
	v51 =	vnsel vm12, $0x0, v49  }
0x32f: {  	v55 =	vnsel vm14, $0x0, v54;
	_ =	sdelay $0x1  }
0x330: {  	v14 =	vld.idx.msk [tilespmem:v14+s5+$0x0], $0xffff  }
0x331: {  	v19 =	vld.idx.msk [tilespmem:v19+s7+$0x0], $0xffff  }
0x332: {  	v18 =	vld.idx.msk [tilespmem:v51+s5+$0x0], $0xffff  }
0x333: {  	v22 =	vld.idx.msk [tilespmem:v55+s7+$0x0], $0xffff  }
0x334: {  	vm15 =	vlt.u32 v11, $0x7FFFFFFF  }
0x335: {  	vm9 =	vlt.s32 v46, $0x63;
	vm11 =	vlt.s32 v50, $0x63;
	vm10 =	vle.f32 v14, v9  }
0x336: {  	vm14 =	vlt.u32 v12, $0x7FFFFFFF;
	vm12 =	vle.f32 v19, v10;
	vm2 =	vmand vm10, vm9  }
0x337: {  	vm13 =	vmand vm12, vm11;
	vm8 =	vgt.f32 v18, v9;
	v9 =	vsel vm2, $0x1, v1  }
0x338: {  	vm0 =	vmand vm8, vm15;
	vm15 =	vgt.f32 v22, v10;
	v10 =	vsel vm13, $0x1, v1  }
0x339: {  	v9 =	vadd.s32 v9, v48;
	vm5 =	vmand vm15, vm14;
	v10 =	vadd.s32 v10, v53  }
0x33a: {  	v9 =	vsel vm0, v49, v9;
	v10 =	vsel vm5, v54, v10  }
0x33b: {  	[tilespmem:v7+s18+$0x0] =	vst.idx.msk $0xffff, v9;
	v10 =	vadd.s32 $0x64, v10  }
0x33c: {  	[tilespmem:v8+s18+$0x0] =	vst.idx.msk $0xffff, v10  }
0x33d: {  	[tilespmem:s19], [sflag:$0x5] =	stream.indirect.gather [spmem:s1], $0x40, s18, s9, $0xb8;
	[tilespmem:$0x10C00] =	vst v63  }
0x33e: {  	v9 =	vld [tilespmem:$0x180]  }
0x33f: {  	v10 =	vld [tilespmem:$0x380];
	_ =	sdelay $0x3  }
0x340: {  	v11 =	vadd.f32 $9.000000000e+01, v9  }
0x341: {  	v56 =	vadd.f32 $1.800000000e+02, v10  }
0x342: {  	v11 =	vmul.f32 $5.444444420e-01, v11  }
0x343: {  	v12 =	vmul.f32 $2.722222210e-01, v56  }
0x344: {  	v11 =	vmax.f32 v11, $-1.000000000e+00  }
0x345: {  	v12 =	vmax.f32 v12, $-1.000000000e+00;
	v11 =	vmin.f32 v11, $1.010000000e+02  }
0x346: {  	v12 =	vmin.f32 v12, $1.010000000e+02;
	v11 =	vtrunc.f32 v11  }
0x347: {  	v12 =	vtrunc.f32 v12;
	v11 =	vcvt.f32.s32 v11  }
0x348: {  	v12 =	vcvt.f32.s32 v12  }
0x349: {  	v57 =	vadd.s32 $0x1, v11  }
0x34a: {  	v61 =	vadd.s32 $0x1, v12;
	vm6 =	vgt.s32 v57, $0x0  }
0x34b: {  	vm8 =	vgt.s32 v61, $0x0;
	v58 =	vnsel vm6, $0x0, v57  }
0x34c: {  	v63 =	vnsel vm8, $0x0, v61;
	v59 =	vmin.u32 v58, $0x63  }
0x34d: {  	v14 =	vmin.u32 v58, $0x62;
	v24 =	vmin.u32 v63, $0x63;
	v60 =	vadd.s32 $0xFFFFFFFF, v59  }
0x34e: {  	v19 =	vmin.u32 v63, $0x62;
	v25 =	vadd.s32 $0xFFFFFFFF, v24;
	vm7 =	vgt.s32 v60, $0x0  }
0x34f: {  	vm9 =	vgt.s32 v25, $0x0;
	v62 =	vnsel vm7, $0x0, v60  }
0x350: {  	v26 =	vnsel vm9, $0x0, v25;
	_ =	sdelay $0x1  }
0x351: {  	v14 =	vld.idx.msk [tilespmem:v14+s5+$0x0], $0xffff  }
0x352: {  	v19 =	vld.idx.msk [tilespmem:v19+s7+$0x0], $0xffff  }
0x353: {  	v18 =	vld.idx.msk [tilespmem:v62+s5+$0x0], $0xffff  }
0x354: {  	v22 =	vld.idx.msk [tilespmem:v26+s7+$0x0], $0xffff  }
0x355: {  	vm10 =	vlt.u32 v11, $0x7FFFFFFF  }
0x356: {  	vm12 =	vlt.s32 v57, $0x63;
	vm14 =	vlt.s32 v61, $0x63;
	vm13 =	vle.f32 v14, v9  }
0x357: {  	vm8 =	vlt.u32 v12, $0x7FFFFFFF;
	vm15 =	vle.f32 v19, v10;
	vm2 =	vmand vm13, vm12  }
0x358: {  	vm7 =	vmand vm15, vm14;
	vm11 =	vgt.f32 v18, v9;
	v9 =	vsel vm2, $0x1, v1  }
0x359: {  	vm9 =	vgt.f32 v22, v10;
	v10 =	vsel vm7, $0x1, v1;
	vm0 =	vmand vm11, vm10  }
0x35a: {  	v9 =	vadd.s32 v9, v59;
	vm10 =	vmand vm9, vm8;
	v10 =	vadd.s32 v10, v24  }
0x35b: {  	v9 =	vsel vm0, v60, v9;
	v10 =	vsel vm10, v25, v10  }
0x35c: {  	v10 =	vadd.s32 $0x64, v10;
	[tilespmem:v0+s20+$0x0] =	vst.idx.msk $0xffff, v9  }
0x35d: {  	[tilespmem:v2+s20+$0x0] =	vst.idx.msk $0xffff, v10  }
0x35e: {  	v9 =	vld [tilespmem:$0x190]  }
0x35f: {  	v10 =	vld [tilespmem:$0x390];
	_ =	sdelay $0x3  }
0x360: {  	v11 =	vadd.f32 $9.000000000e+01, v9  }
0x361: {  	v27 =	vadd.f32 $1.800000000e+02, v10  }
0x362: {  	v11 =	vmul.f32 $5.444444420e-01, v11  }
0x363: {  	v12 =	vmul.f32 $2.722222210e-01, v27  }
0x364: {  	v11 =	vmax.f32 v11, $-1.000000000e+00  }
0x365: {  	v12 =	vmax.f32 v12, $-1.000000000e+00;
	v11 =	vmin.f32 v11, $1.010000000e+02  }
0x366: {  	v12 =	vmin.f32 v12, $1.010000000e+02;
	v11 =	vtrunc.f32 v11  }
0x367: {  	v12 =	vtrunc.f32 v12;
	v11 =	vcvt.f32.s32 v11  }
0x368: {  	v12 =	vcvt.f32.s32 v12  }
0x369: {  	v28 =	vadd.s32 $0x1, v11  }
0x36a: {  	v32 =	vadd.s32 $0x1, v12;
	vm11 =	vgt.s32 v28, $0x0  }
0x36b: {  	vm13 =	vgt.s32 v32, $0x0;
	v29 =	vnsel vm11, $0x0, v28  }
0x36c: {  	v34 =	vnsel vm13, $0x0, v32;
	v30 =	vmin.u32 v29, $0x63  }
0x36d: {  	v14 =	vmin.u32 v29, $0x62;
	v35 =	vmin.u32 v34, $0x63;
	v31 =	vadd.s32 $0xFFFFFFFF, v30  }
0x36e: {  	v19 =	vmin.u32 v34, $0x62;
	v36 =	vadd.s32 $0xFFFFFFFF, v35;
	vm12 =	vgt.s32 v31, $0x0  }
0x36f: {  	vm14 =	vgt.s32 v36, $0x0;
	v33 =	vnsel vm12, $0x0, v31  }
0x370: {  	v37 =	vnsel vm14, $0x0, v36;
	_ =	sdelay $0x1  }
0x371: {  	v14 =	vld.idx.msk [tilespmem:v14+s5+$0x0], $0xffff  }
0x372: {  	v19 =	vld.idx.msk [tilespmem:v19+s7+$0x0], $0xffff  }
0x373: {  	v18 =	vld.idx.msk [tilespmem:v33+s5+$0x0], $0xffff  }
0x374: {  	v22 =	vld.idx.msk [tilespmem:v37+s7+$0x0], $0xffff  }
0x375: {  	vm15 =	vlt.u32 v11, $0x7FFFFFFF  }
0x376: {  	vm9 =	vlt.s32 v28, $0x63;
	vm11 =	vlt.s32 v32, $0x63;
	vm10 =	vle.f32 v14, v9  }
0x377: {  	vm14 =	vlt.u32 v12, $0x7FFFFFFF;
	vm12 =	vle.f32 v19, v10;
	vm2 =	vmand vm10, vm9  }
0x378: {  	vm13 =	vmand vm12, vm11;
	vm8 =	vgt.f32 v18, v9;
	v9 =	vsel vm2, $0x1, v1  }
0x379: {  	vm0 =	vmand vm8, vm15;
	vm15 =	vgt.f32 v22, v10;
	v10 =	vsel vm13, $0x1, v1  }
0x37a: {  	v9 =	vadd.s32 v9, v30;
	vm5 =	vmand vm15, vm14;
	v10 =	vadd.s32 v10, v35  }
0x37b: {  	v9 =	vsel vm0, v31, v9;
	v10 =	vsel vm5, v36, v10  }
0x37c: {  	[tilespmem:v3+s20+$0x0] =	vst.idx.msk $0xffff, v9;
	v10 =	vadd.s32 $0x64, v10  }
0x37d: {  	[tilespmem:v4+s20+$0x0] =	vst.idx.msk $0xffff, v10  }
0x37e: {  	v9 =	vld [tilespmem:$0x1A0]  }
0x37f: {  	v10 =	vld [tilespmem:$0x3A0];
	_ =	sdelay $0x3  }
0x380: {  	v11 =	vadd.f32 $9.000000000e+01, v9  }
0x381: {  	v38 =	vadd.f32 $1.800000000e+02, v10  }
0x382: {  	v11 =	vmul.f32 $5.444444420e-01, v11  }
0x383: {  	v12 =	vmul.f32 $2.722222210e-01, v38  }
0x384: {  	v11 =	vmax.f32 v11, $-1.000000000e+00  }
0x385: {  	v12 =	vmax.f32 v12, $-1.000000000e+00;
	v11 =	vmin.f32 v11, $1.010000000e+02  }
0x386: {  	v12 =	vmin.f32 v12, $1.010000000e+02;
	v11 =	vtrunc.f32 v11  }
0x387: {  	v12 =	vtrunc.f32 v12;
	v11 =	vcvt.f32.s32 v11  }
0x388: {  	v12 =	vcvt.f32.s32 v12  }
0x389: {  	v39 =	vadd.s32 $0x1, v11  }
0x38a: {  	v43 =	vadd.s32 $0x1, v12;
	vm6 =	vgt.s32 v39, $0x0  }
0x38b: {  	vm8 =	vgt.s32 v43, $0x0;
	v40 =	vnsel vm6, $0x0, v39  }
0x38c: {  	v45 =	vnsel vm8, $0x0, v43;
	v41 =	vmin.u32 v40, $0x63  }
0x38d: {  	v14 =	vmin.u32 v40, $0x62;
	v46 =	vmin.u32 v45, $0x63;
	v42 =	vadd.s32 $0xFFFFFFFF, v41  }
0x38e: {  	v19 =	vmin.u32 v45, $0x62;
	v47 =	vadd.s32 $0xFFFFFFFF, v46;
	vm7 =	vgt.s32 v42, $0x0  }
0x38f: {  	vm9 =	vgt.s32 v47, $0x0;
	v44 =	vnsel vm7, $0x0, v42  }
0x390: {  	v48 =	vnsel vm9, $0x0, v47;
	_ =	sdelay $0x1  }
0x391: {  	v14 =	vld.idx.msk [tilespmem:v14+s5+$0x0], $0xffff  }
0x392: {  	v19 =	vld.idx.msk [tilespmem:v19+s7+$0x0], $0xffff  }
0x393: {  	v18 =	vld.idx.msk [tilespmem:v44+s5+$0x0], $0xffff  }
0x394: {  	v22 =	vld.idx.msk [tilespmem:v48+s7+$0x0], $0xffff  }
0x395: {  	vm10 =	vlt.u32 v11, $0x7FFFFFFF  }
0x396: {  	vm12 =	vlt.s32 v39, $0x63;
	vm14 =	vlt.s32 v43, $0x63;
	vm13 =	vle.f32 v14, v9  }
0x397: {  	vm8 =	vlt.u32 v12, $0x7FFFFFFF;
	vm15 =	vle.f32 v19, v10;
	vm2 =	vmand vm13, vm12  }
0x398: {  	vm7 =	vmand vm15, vm14;
	vm11 =	vgt.f32 v18, v9;
	v9 =	vsel vm2, $0x1, v1  }
0x399: {  	vm9 =	vgt.f32 v22, v10;
	v10 =	vsel vm7, $0x1, v1;
	vm0 =	vmand vm11, vm10  }
0x39a: {  	v9 =	vadd.s32 v9, v41;
	vm10 =	vmand vm9, vm8;
	v10 =	vadd.s32 v10, v46  }
0x39b: {  	v9 =	vsel vm0, v42, v9;
	v10 =	vsel vm10, v47, v10  }
0x39c: {  	v10 =	vadd.s32 $0x64, v10;
	[tilespmem:v5+s20+$0x0] =	vst.idx.msk $0xffff, v9  }
0x39d: {  	[tilespmem:v6+s20+$0x0] =	vst.idx.msk $0xffff, v10  }
0x39e: {  	v9 =	vld [tilespmem:$0x1B0]  }
0x39f: {  	v10 =	vld [tilespmem:$0x3B0];
	_ =	sdelay $0x3  }
0x3a0: {  	v11 =	vadd.f32 $9.000000000e+01, v9  }
0x3a1: {  	v49 =	vadd.f32 $1.800000000e+02, v10  }
0x3a2: {  	v11 =	vmul.f32 $5.444444420e-01, v11  }
0x3a3: {  	v12 =	vmul.f32 $2.722222210e-01, v49  }
0x3a4: {  	v11 =	vmax.f32 v11, $-1.000000000e+00  }
0x3a5: {  	v12 =	vmax.f32 v12, $-1.000000000e+00;
	v11 =	vmin.f32 v11, $1.010000000e+02  }
0x3a6: {  	v12 =	vmin.f32 v12, $1.010000000e+02;
	v11 =	vtrunc.f32 v11  }
0x3a7: {  	v12 =	vtrunc.f32 v12;
	v11 =	vcvt.f32.s32 v11  }
0x3a8: {  	v12 =	vcvt.f32.s32 v12  }
0x3a9: {  	v50 =	vadd.s32 $0x1, v11  }
0x3aa: {  	v54 =	vadd.s32 $0x1, v12;
	vm11 =	vgt.s32 v50, $0x0  }
0x3ab: {  	vm13 =	vgt.s32 v54, $0x0;
	v51 =	vnsel vm11, $0x0, v50  }
0x3ac: {  	v56 =	vnsel vm13, $0x0, v54;
	v52 =	vmin.u32 v51, $0x63  }
0x3ad: {  	v14 =	vmin.u32 v51, $0x62;
	v57 =	vmin.u32 v56, $0x63;
	v53 =	vadd.s32 $0xFFFFFFFF, v52  }
0x3ae: {  	v19 =	vmin.u32 v56, $0x62;
	v58 =	vadd.s32 $0xFFFFFFFF, v57;
	vm12 =	vgt.s32 v53, $0x0  }
0x3af: {  	vm14 =	vgt.s32 v58, $0x0;
	v55 =	vnsel vm12, $0x0, v53  }
0x3b0: {  	v59 =	vnsel vm14, $0x0, v58;
	_ =	sdelay $0x1  }
0x3b1: {  	v14 =	vld.idx.msk [tilespmem:v14+s5+$0x0], $0xffff  }
0x3b2: {  	v19 =	vld.idx.msk [tilespmem:v19+s7+$0x0], $0xffff  }
0x3b3: {  	v18 =	vld.idx.msk [tilespmem:v55+s5+$0x0], $0xffff  }
0x3b4: {  	v22 =	vld.idx.msk [tilespmem:v59+s7+$0x0], $0xffff  }
0x3b5: {  	vm15 =	vlt.u32 v11, $0x7FFFFFFF  }
0x3b6: {  	vm9 =	vlt.s32 v50, $0x63;
	vm11 =	vlt.s32 v54, $0x63;
	vm10 =	vle.f32 v14, v9  }
0x3b7: {  	vm14 =	vlt.u32 v12, $0x7FFFFFFF;
	vm12 =	vle.f32 v19, v10;
	vm2 =	vmand vm10, vm9  }
0x3b8: {  	vm13 =	vmand vm12, vm11;
	vm8 =	vgt.f32 v18, v9;
	v9 =	vsel vm2, $0x1, v1  }
0x3b9: {  	vm0 =	vmand vm8, vm15;
	vm15 =	vgt.f32 v22, v10;
	v10 =	vsel vm13, $0x1, v1  }
0x3ba: {  	v9 =	vadd.s32 v9, v52;
	vm5 =	vmand vm15, vm14;
	v10 =	vadd.s32 v10, v57  }
0x3bb: {  	v9 =	vsel vm0, v53, v9;
	v10 =	vsel vm5, v58, v10  }
0x3bc: {  	[tilespmem:v7+s20+$0x0] =	vst.idx.msk $0xffff, v9;
	v10 =	vadd.s32 $0x64, v10  }
0x3bd: {  	[tilespmem:v8+s20+$0x0] =	vst.idx.msk $0xffff, v10  }
0x3be: {  	[tilespmem:s21], [sflag:$0x6] =	stream.indirect.gather [spmem:s1], $0x40, s20, s9, $0xb8;
	[tilespmem:$0x10C00] =	vst v63  }
0x3bf: {  	v9 =	vld [tilespmem:$0x1C0]  }
0x3c0: {  	v10 =	vld [tilespmem:$0x3C0];
	_ =	sdelay $0x3  }
0x3c1: {  	v11 =	vadd.f32 $9.000000000e+01, v9  }
0x3c2: {  	v60 =	vadd.f32 $1.800000000e+02, v10  }
0x3c3: {  	v11 =	vmul.f32 $5.444444420e-01, v11  }
0x3c4: {  	v12 =	vmul.f32 $2.722222210e-01, v60  }
0x3c5: {  	v11 =	vmax.f32 v11, $-1.000000000e+00  }
0x3c6: {  	v12 =	vmax.f32 v12, $-1.000000000e+00;
	v11 =	vmin.f32 v11, $1.010000000e+02  }
0x3c7: {  	v12 =	vmin.f32 v12, $1.010000000e+02;
	v11 =	vtrunc.f32 v11  }
0x3c8: {  	v12 =	vtrunc.f32 v12;
	v11 =	vcvt.f32.s32 v11  }
0x3c9: {  	v12 =	vcvt.f32.s32 v12  }
0x3ca: {  	v61 =	vadd.s32 $0x1, v11  }
0x3cb: {  	v25 =	vadd.s32 $0x1, v12;
	vm6 =	vgt.s32 v61, $0x0  }
0x3cc: {  	vm8 =	vgt.s32 v25, $0x0;
	v62 =	vnsel vm6, $0x0, v61  }
0x3cd: {  	v27 =	vnsel vm8, $0x0, v25;
	v63 =	vmin.u32 v62, $0x63  }
0x3ce: {  	v14 =	vmin.u32 v62, $0x62;
	v28 =	vmin.u32 v27, $0x63;
	v24 =	vadd.s32 $0xFFFFFFFF, v63  }
0x3cf: {  	v19 =	vmin.u32 v27, $0x62;
	v29 =	vadd.s32 $0xFFFFFFFF, v28;
	vm7 =	vgt.s32 v24, $0x0  }
0x3d0: {  	vm9 =	vgt.s32 v29, $0x0;
	v26 =	vnsel vm7, $0x0, v24  }
0x3d1: {  	v30 =	vnsel vm9, $0x0, v29;
	_ =	sdelay $0x1  }
0x3d2: {  	v14 =	vld.idx.msk [tilespmem:v14+s5+$0x0], $0xffff  }
0x3d3: {  	v19 =	vld.idx.msk [tilespmem:v19+s7+$0x0], $0xffff  }
0x3d4: {  	v18 =	vld.idx.msk [tilespmem:v26+s5+$0x0], $0xffff  }
0x3d5: {  	v22 =	vld.idx.msk [tilespmem:v30+s7+$0x0], $0xffff  }
0x3d6: {  	vm10 =	vlt.u32 v11, $0x7FFFFFFF  }
0x3d7: {  	vm12 =	vlt.s32 v61, $0x63;
	vm14 =	vlt.s32 v25, $0x63;
	vm13 =	vle.f32 v14, v9  }
0x3d8: {  	vm8 =	vlt.u32 v12, $0x7FFFFFFF;
	vm15 =	vle.f32 v19, v10;
	vm2 =	vmand vm13, vm12  }
0x3d9: {  	vm7 =	vmand vm15, vm14;
	vm11 =	vgt.f32 v18, v9;
	v9 =	vsel vm2, $0x1, v1  }
0x3da: {  	vm9 =	vgt.f32 v22, v10;
	v10 =	vsel vm7, $0x1, v1;
	vm0 =	vmand vm11, vm10  }
0x3db: {  	v9 =	vadd.s32 v9, v63;
	vm10 =	vmand vm9, vm8;
	v10 =	vadd.s32 v10, v28  }
0x3dc: {  	v9 =	vsel vm0, v24, v9;
	v10 =	vsel vm10, v29, v10  }
0x3dd: {  	v10 =	vadd.s32 $0x64, v10;
	[tilespmem:v0+s22+$0x0] =	vst.idx.msk $0xffff, v9  }
0x3de: {  	[tilespmem:v2+s22+$0x0] =	vst.idx.msk $0xffff, v10  }
0x3df: {  	v9 =	vld [tilespmem:$0x1D0]  }
0x3e0: {  	v10 =	vld [tilespmem:$0x3D0];
	_ =	sdelay $0x3  }
0x3e1: {  	v11 =	vadd.f32 $9.000000000e+01, v9  }
0x3e2: {  	v31 =	vadd.f32 $1.800000000e+02, v10  }
0x3e3: {  	v11 =	vmul.f32 $5.444444420e-01, v11  }
0x3e4: {  	v12 =	vmul.f32 $2.722222210e-01, v31  }
0x3e5: {  	v11 =	vmax.f32 v11, $-1.000000000e+00  }
0x3e6: {  	v12 =	vmax.f32 v12, $-1.000000000e+00;
	v11 =	vmin.f32 v11, $1.010000000e+02  }
0x3e7: {  	v12 =	vmin.f32 v12, $1.010000000e+02;
	v11 =	vtrunc.f32 v11  }
0x3e8: {  	v12 =	vtrunc.f32 v12;
	v11 =	vcvt.f32.s32 v11  }
0x3e9: {  	v12 =	vcvt.f32.s32 v12  }
0x3ea: {  	v32 =	vadd.s32 $0x1, v11  }
0x3eb: {  	v36 =	vadd.s32 $0x1, v12;
	vm11 =	vgt.s32 v32, $0x0  }
0x3ec: {  	vm13 =	vgt.s32 v36, $0x0;
	v33 =	vnsel vm11, $0x0, v32  }
0x3ed: {  	v38 =	vnsel vm13, $0x0, v36;
	v34 =	vmin.u32 v33, $0x63  }
0x3ee: {  	v14 =	vmin.u32 v33, $0x62;
	v39 =	vmin.u32 v38, $0x63;
	v35 =	vadd.s32 $0xFFFFFFFF, v34  }
0x3ef: {  	v19 =	vmin.u32 v38, $0x62;
	v40 =	vadd.s32 $0xFFFFFFFF, v39;
	vm12 =	vgt.s32 v35, $0x0  }
0x3f0: {  	vm14 =	vgt.s32 v40, $0x0;
	v37 =	vnsel vm12, $0x0, v35  }
0x3f1: {  	v41 =	vnsel vm14, $0x0, v40;
	_ =	sdelay $0x1  }
0x3f2: {  	v14 =	vld.idx.msk [tilespmem:v14+s5+$0x0], $0xffff  }
0x3f3: {  	v19 =	vld.idx.msk [tilespmem:v19+s7+$0x0], $0xffff  }
0x3f4: {  	v18 =	vld.idx.msk [tilespmem:v37+s5+$0x0], $0xffff  }
0x3f5: {  	v22 =	vld.idx.msk [tilespmem:v41+s7+$0x0], $0xffff  }
0x3f6: {  	vm15 =	vlt.u32 v11, $0x7FFFFFFF  }
0x3f7: {  	vm9 =	vlt.s32 v32, $0x63;
	vm11 =	vlt.s32 v36, $0x63;
	vm10 =	vle.f32 v14, v9  }
0x3f8: {  	vm14 =	vlt.u32 v12, $0x7FFFFFFF;
	vm12 =	vle.f32 v19, v10;
	vm2 =	vmand vm10, vm9  }
0x3f9: {  	vm13 =	vmand vm12, vm11;
	vm8 =	vgt.f32 v18, v9;
	v9 =	vsel vm2, $0x1, v1  }
0x3fa: {  	vm0 =	vmand vm8, vm15;
	vm15 =	vgt.f32 v22, v10;
	v10 =	vsel vm13, $0x1, v1  }
0x3fb: {  	v9 =	vadd.s32 v9, v34;
	vm5 =	vmand vm15, vm14;
	v10 =	vadd.s32 v10, v39  }
0x3fc: {  	v9 =	vsel vm0, v35, v9;
	v10 =	vsel vm5, v40, v10  }
0x3fd: {  	[tilespmem:v3+s22+$0x0] =	vst.idx.msk $0xffff, v9;
	v10 =	vadd.s32 $0x64, v10  }
0x3fe: {  	[tilespmem:v4+s22+$0x0] =	vst.idx.msk $0xffff, v10  }
0x3ff: {  	v9 =	vld [tilespmem:$0x1E0]  }
0x400: {  	v10 =	vld [tilespmem:$0x3E0];
	_ =	sdelay $0x3  }
0x401: {  	v11 =	vadd.f32 $9.000000000e+01, v9  }
0x402: {  	v42 =	vadd.f32 $1.800000000e+02, v10  }
0x403: {  	v11 =	vmul.f32 $5.444444420e-01, v11  }
0x404: {  	v12 =	vmul.f32 $2.722222210e-01, v42  }
0x405: {  	v11 =	vmax.f32 v11, $-1.000000000e+00  }
0x406: {  	v12 =	vmax.f32 v12, $-1.000000000e+00;
	v11 =	vmin.f32 v11, $1.010000000e+02  }
0x407: {  	v12 =	vmin.f32 v12, $1.010000000e+02;
	v11 =	vtrunc.f32 v11  }
0x408: {  	v12 =	vtrunc.f32 v12;
	v11 =	vcvt.f32.s32 v11  }
0x409: {  	v12 =	vcvt.f32.s32 v12  }
0x40a: {  	v43 =	vadd.s32 $0x1, v11  }
0x40b: {  	v47 =	vadd.s32 $0x1, v12;
	vm6 =	vgt.s32 v43, $0x0  }
0x40c: {  	vm8 =	vgt.s32 v47, $0x0;
	v44 =	vnsel vm6, $0x0, v43  }
0x40d: {  	v49 =	vnsel vm8, $0x0, v47;
	v45 =	vmin.u32 v44, $0x63  }
0x40e: {  	v14 =	vmin.u32 v44, $0x62;
	v50 =	vmin.u32 v49, $0x63;
	v46 =	vadd.s32 $0xFFFFFFFF, v45  }
0x40f: {  	v19 =	vmin.u32 v49, $0x62;
	v51 =	vadd.s32 $0xFFFFFFFF, v50;
	vm7 =	vgt.s32 v46, $0x0  }
0x410: {  	vm9 =	vgt.s32 v51, $0x0;
	v48 =	vnsel vm7, $0x0, v46  }
0x411: {  	v52 =	vnsel vm9, $0x0, v51;
	_ =	sdelay $0x1  }
0x412: {  	v14 =	vld.idx.msk [tilespmem:v14+s5+$0x0], $0xffff  }
0x413: {  	v19 =	vld.idx.msk [tilespmem:v19+s7+$0x0], $0xffff  }
0x414: {  	v18 =	vld.idx.msk [tilespmem:v48+s5+$0x0], $0xffff  }
0x415: {  	v22 =	vld.idx.msk [tilespmem:v52+s7+$0x0], $0xffff  }
0x416: {  	vm10 =	vlt.u32 v11, $0x7FFFFFFF  }
0x417: {  	vm12 =	vlt.s32 v43, $0x63;
	vm14 =	vlt.s32 v47, $0x63;
	vm13 =	vle.f32 v14, v9  }
0x418: {  	vm8 =	vlt.u32 v12, $0x7FFFFFFF;
	vm15 =	vle.f32 v19, v10;
	vm2 =	vmand vm13, vm12  }
0x419: {  	vm7 =	vmand vm15, vm14;
	vm11 =	vgt.f32 v18, v9;
	v9 =	vsel vm2, $0x1, v1  }
0x41a: {  	vm9 =	vgt.f32 v22, v10;
	v10 =	vsel vm7, $0x1, v1;
	vm0 =	vmand vm11, vm10  }
0x41b: {  	v9 =	vadd.s32 v9, v45;
	vm10 =	vmand vm9, vm8;
	v10 =	vadd.s32 v10, v50  }
0x41c: {  	v9 =	vsel vm0, v46, v9;
	v10 =	vsel vm10, v51, v10  }
0x41d: {  	v10 =	vadd.s32 $0x64, v10;
	[tilespmem:v5+s22+$0x0] =	vst.idx.msk $0xffff, v9  }
0x41e: {  	[tilespmem:v6+s22+$0x0] =	vst.idx.msk $0xffff, v10  }
0x41f: {  	v9 =	vld [tilespmem:$0x1F0]  }
0x420: {  	v10 =	vld [tilespmem:$0x3F0];
	_ =	sdelay $0x3  }
0x421: {  	v11 =	vadd.f32 $9.000000000e+01, v9  }
0x422: {  	v53 =	vadd.f32 $1.800000000e+02, v10  }
0x423: {  	v11 =	vmul.f32 $5.444444420e-01, v11  }
0x424: {  	v12 =	vmul.f32 $2.722222210e-01, v53  }
0x425: {  	v11 =	vmax.f32 v11, $-1.000000000e+00  }
0x426: {  	v12 =	vmax.f32 v12, $-1.000000000e+00;
	v11 =	vmin.f32 v11, $1.010000000e+02  }
0x427: {  	v12 =	vmin.f32 v12, $1.010000000e+02;
	v11 =	vtrunc.f32 v11  }
0x428: {  	v12 =	vtrunc.f32 v12;
	v11 =	vcvt.f32.s32 v11  }
0x429: {  	v12 =	vcvt.f32.s32 v12  }
0x42a: {  	v54 =	vadd.s32 $0x1, v11  }
0x42b: {  	v58 =	vadd.s32 $0x1, v12;
	vm11 =	vgt.s32 v54, $0x0  }
0x42c: {  	vm13 =	vgt.s32 v58, $0x0;
	v55 =	vnsel vm11, $0x0, v54  }
0x42d: {  	v60 =	vnsel vm13, $0x0, v58;
	v56 =	vmin.u32 v55, $0x63  }
0x42e: {  	v14 =	vmin.u32 v55, $0x62;
	v61 =	vmin.u32 v60, $0x63;
	v57 =	vadd.s32 $0xFFFFFFFF, v56  }
0x42f: {  	v19 =	vmin.u32 v60, $0x62;
	v62 =	vadd.s32 $0xFFFFFFFF, v61;
	vm12 =	vgt.s32 v57, $0x0  }
0x430: {  	vm14 =	vgt.s32 v62, $0x0;
	v59 =	vnsel vm12, $0x0, v57  }
0x431: {  	v63 =	vnsel vm14, $0x0, v62;
	_ =	sdelay $0x1  }
0x432: {  	v14 =	vld.idx.msk [tilespmem:v14+s5+$0x0], $0xffff  }
0x433: {  	v19 =	vld.idx.msk [tilespmem:v19+s7+$0x0], $0xffff  }
0x434: {  	v18 =	vld.idx.msk [tilespmem:v59+s5+$0x0], $0xffff  }
0x435: {  	v22 =	vld.idx.msk [tilespmem:v63+s7+$0x0], $0xffff;
	_ =	sdelay $0x1  }
0x436: {  	vm10 =	vlt.s32 v54, $0x63  }
0x437: {  	vm11 =	vlt.s32 v58, $0x63;
	vm8 =	vle.f32 v14, v9;
	vm12 =	vle.f32 v19, v10  }
0x438: {  	vm9 =	vlt.u32 v11, $0x7FFFFFFF;
	vm1 =	vmand vm8, vm10;
	vm13 =	vmand vm12, vm11  }
0x439: {  	vm15 =	vgt.f32 v18, v9;
	v9 =	vsel vm1, $0x1, v1;
	vm14 =	vgt.f32 v22, v10  }
0x43a: {  	v10 =	vsel vm13, $0x1, v1;
	vm0 =	vmand vm15, vm9;
	vm15 =	vlt.u32 v12, $0x7FFFFFFF  }
0x43b: {  	v9 =	vadd.s32 v9, v56;
	v10 =	vadd.s32 v10, v61;
	vm1 =	vmand vm14, vm15  }
0x43c: {  	v9 =	vsel vm0, v57, v9;
	v10 =	vsel vm1, v62, v10  }
0x43d: {  	[tilespmem:v7+s22+$0x0] =	vst.idx.msk $0xffff, v9;
	v10 =	vadd.s32 $0x64, v10  }
0x43e: {  	[tilespmem:v8+s22+$0x0] =	vst.idx.msk $0xffff, v10  }
0x43f: {  	[tilespmem:s23], [sflag:$0x6] =	stream.indirect.gather [spmem:s1], $0x40, s22, s9, $0xb8;
	[tilespmem:$0x10C00] =	vst v63  }
0x440: {  	_ =	swait.ge [sflag:s24], $0x2000  }
0x441: {  	[sflag:s24] =	ssyncset.done $0x0  }
0x442: {  	[sflag:s24] =	ssyncadd.s32 $0xFFFFE000  }
0x443: {  	_ =	swait.ge [sflag:s24], $0x2000  }
0x444: {  	[sflag:s24] =	ssyncset.done $0x0  }
0x445: {  	[sflag:s24] =	ssyncadd.s32 $0xFFFFE000  }
0x446: {  	[hbm4b:s3+s2] =	stream.linear.scatter [tilespmem:s10], [sflag:$0x7], $0x4000, $0x38;
	[tilespmem:$0x10C00] =	vst v63  }
0x447: {  	_ =	swait.ge [sflag:s25], $0x2000  }
0x448: {  	[sflag:s25] =	ssyncset.done $0x0  }
0x449: {  	[sflag:s25] =	ssyncadd.s32 $0xFFFFE000  }
0x44a: {  	_ =	swait.ge [sflag:s25], $0x2000  }
0x44b: {  	[sflag:s25] =	ssyncset.done $0x0  }
0x44c: {  	s31 =	rddreg [dreg:$0xb];
	[sflag:s25] =	ssyncadd.s32 $0xFFFFE000  }
0x44d: {  	[hbm4b:s31+s2] =	stream.linear.scatter [tilespmem:s13], [sflag:$0x7], $0x4000, $0x38;
	[tilespmem:$0x10C00] =	vst v63  }
0x44e: {  	_ =	swait.ge [sflag:s26], $0x2000  }
0x44f: {  	[sflag:s26] =	ssyncset.done $0x0  }
0x450: {  	[sflag:s26] =	ssyncadd.s32 $0xFFFFE000  }
0x451: {  	_ =	swait.ge [sflag:s26], $0x2000  }
0x452: {  	[sflag:s26] =	ssyncset.done $0x0  }
0x453: {  	s30 =	rddreg [dreg:$0xc];
	[sflag:s26] =	ssyncadd.s32 $0xFFFFE000  }
0x454: {  	[hbm4b:s30+s2] =	stream.linear.scatter [tilespmem:s17], [sflag:$0x7], $0x4000, $0x38;
	[tilespmem:$0x10C00] =	vst v63  }
0x455: {  	_ =	swait.ge [sflag:s28], $0x2000  }
0x456: {  	[sflag:s28] =	ssyncset.done $0x0  }
0x457: {  	[sflag:s28] =	ssyncadd.s32 $0xFFFFE000  }
0x458: {  	_ =	swait.ge [sflag:s28], $0x2000  }
0x459: {  	[sflag:s28] =	ssyncset.done $0x0  }
0x45a: {  	s31 =	rddreg [dreg:$0xd];
	[sflag:s28] =	ssyncadd.s32 $0xFFFFE000  }
0x45b: {  	[hbm4b:s31+s2] =	stream.linear.scatter [tilespmem:s21], [sflag:$0x7], $0x4000, $0x38;
	[tilespmem:$0x10C00] =	vst v63  }
0x45c: {  	_ =	swait.ge [sflag:s29], $0x4000  }
0x45d: {  	[sflag:s29] =	ssyncset.done $0x0  }
0x45e: {  	[sflag:s29] =	ssyncadd.s32 $0xFFFFC000  }
0x45f: {  	_ =	swait.ge [sflag:s29], $0x4000  }
0x460: {  	[sflag:s29] =	ssyncset.done $0x0  }
0x461: {  	s4 =	sadd.s32 $0xFFFFFFFF, s4;
	[sflag:s29] =	ssyncadd.s32 $0xFFFFC000  }
0x462: {  	p1 =	sne.s32 s4, $0x0;
	_ =	swait.ge [sflag:s29], $0x4000  }
.Ltmp0:
0x463: {  	[sflag:s29] =	ssyncset.done $0x0;
	(pc) =	sbr.rel @p1 .LBB2_1-.Ltmp0, $4  }
0x464: {  	[sflag:s29] =	ssyncadd.s32 $0xFFFFC000  }
0x465: {  	_ =	swait.ge [sflag:s29], $0x4000  }
0x466: {  	[sflag:s29] =	ssyncset.done $0x0  }
0x467: {  	[sflag:s29] =	ssyncadd.s32 $0xFFFFC000  }
0x468: {  	_ =	sfence.sel $0x180000  }
0x469: {  	[bflag:$0x0] =	sbarrier.arrive $0xFFFF  }
0x46a: {  	_ =	strace $0x90000047  }
0x46b: {  	[bflag:$0x2] =	sbarrier.arrive $0xFFFF  }
0x46c: {  	s0 =	rddreg [dreg:$0x5]  }
0x46d: {  	s0 =	sadd.s32 @!p0 $0x100000, s0  }
0x46e: {  	[sflag:s0] =	ssyncadd.tile.s32 @!p0 $0x1;
	_ =	shalt  }
.Lfunc_end2:
_tile_overlayer_lowered:
.L_overlay_start_2:
0x46f: {  	(tag) =	ssettag $0x2  }
0x470: {  	s0 =	rddreg [dreg:$0x0];
	s2 =	stileid.u32  }
0x471: {  	s1 =	rddreg [dreg:$0x1];
	p0 =	sne.s32 s2, $0x0  }
0x472: {  	s3 =	rddreg [dreg:$0x2];
	[bflag:$0x3] =	sbarrier.arrive $0xFFFF;
	s2 =	simm.s32 @!p0 $0x1C08  }
0x473: {  	[timem:s3], [sflag:s2] =	dma.local @!p0 [hbm:s0], s1  }
0x474: {  	s0 =	simm.s32 @!p0 $0x8  }
0x475: {  	_ =	swait.ge @!p0 [sflag:s0], s1  }
0x476: {  	s1 =	ssub.s32 @!p0 $0x0, s1;
	[sflag:s0] =	ssyncset.done @!p0 $0x0  }
0x477: {  	[sflag:s0] =	ssyncadd.s32 @!p0 s1  }
0x478: {  	[bflag:$0x3] =	sbarrier.arrive $0xFFFF  }
0x479: {  	_ =	shalt  }

</sc_bundles>
